<compile_context>
chip_gen: v7x
topology: tpu7x:2x2x1
jax: 0.10.2.dev20260603
libtpu: 0.0.44.dev20260713+nightly
codegen_flags: <defaults>
</compile_context>

<pallas_src>
import functools

import jax
import jax.numpy as jnp
from jax import lax
from jax.experimental import pallas as pl
from jax.experimental.pallas import tpu as pltpu
from jax.experimental.pallas import tpu_sc as plsc

_N = 8388608
_N_SPECIES = 100
_NC = 2
_NS = 16
_NW = _NC * _NS
_PER_W = _N // _NW
_CHUNK = 16384
_NCHUNK = _PER_W // _CHUNK
_L = 16
_XB = 3
_ZB = 2
_CW = _CHUNK // 4

_mesh = plsc.VectorSubcoreMesh(core_axis_name="c", subcore_axis_name="s")


@functools.partial(
    pl.kernel,
    out_type=jax.ShapeDtypeStruct((_N,), jnp.float32),
    mesh=_mesh,
    scratch_types=[
        pltpu.VMEM((_N_SPECIES,), jnp.float32),
        pltpu.VMEM((_CHUNK,), jnp.float32),
        pltpu.VMEM((_CHUNK,), jnp.float32),
        pltpu.VMEM((_CHUNK,), jnp.float32),
        pltpu.VMEM((_CW,), jnp.int32),
        pltpu.VMEM((_CW,), jnp.int32),
        pltpu.SemaphoreType.DMA,
        pltpu.SemaphoreType.DMA,
        pltpu.SemaphoreType.DMA,
        pltpu.SemaphoreType.DMA,
        pltpu.SemaphoreType.DMA,
        pltpu.SemaphoreType.DMA,
        pltpu.SemaphoreType.DMA,
        pltpu.SemaphoreType.DMA,
    ],
    compiler_params=pltpu.CompilerParams(needs_layout_passes=False),
)
def _offset_kernel(x_hbm, zp_hbm, off_hbm, out_hbm, tab, xv0, xv1, xv2,
                   zv0, zv1, xi0, xi1, xi2, zi0, zi1, xo0, xo1, xo2):
    wid = lax.axis_index("s") * _NC + lax.axis_index("c")
    base = wid * _PER_W
    wbase = wid * (_PER_W // 4)

    tab_desc = pltpu.async_copy(off_hbm, tab, xo0)

    xvs = (xv0, xv1, xv2)
    zvs = (zv0, zv1)
    x_in_sems = (xi0, xi1, xi2)
    z_in_sems = (zi0, zi1)
    out_sems = (xo0, xo1, xo2)
    x_in_descs = [None] * _XB
    z_in_descs = [None] * _ZB
    out_descs = [None] * _XB

    def start_in(g):
        sx = g % _XB
        sz = g % _ZB
        x_in_descs[sx] = pltpu.async_copy(
            x_hbm.at[pl.ds(base + g * _CHUNK, _CHUNK)], xvs[sx],
            x_in_sems[sx])
        z_in_descs[sz] = pltpu.async_copy(
            zp_hbm.at[pl.ds(wbase + g * _CW, _CW)], zvs[sz], z_in_sems[sz])

    start_in(0)
    tab_desc.wait()
    for g in range(_NCHUNK):
        sx = g % _XB
        sz = g % _ZB
        if g + 1 < _NCHUNK:
            nx = (g + 1) % _XB
            if out_descs[nx] is not None:
                out_descs[nx].wait()
            start_in(g + 1)
        x_in_descs[sx].wait()
        z_in_descs[sz].wait()

        @plsc.parallel_loop(0, _CW, step=_L, unroll=4)
        def body(i, sx=sx, sz=sz):
            w = zvs[sz][pl.ds(i, _L)]
            for k in range(4):
                idx = (w >> (8 * k)) & 0xFF
                vals = plsc.load_gather(tab, [idx])
                plsc.addupdate(xvs[sx].at[pl.ds(i * 4 + k * _L, _L)], vals)

        out_descs[sx] = pltpu.async_copy(
            xvs[sx], out_hbm.at[pl.ds(base + g * _CHUNK, _CHUNK)],
            out_sems[sx])

    for d in out_descs:
        if d is not None:
            d.wait()


def kernel(x, Z, offsets):
    z8 = Z.astype(jnp.int8).reshape(-1, 4, _L).transpose(0, 2, 1)
    zp = jax.lax.bitcast_convert_type(z8, jnp.int32).reshape(_N // 4)
    return _offset_kernel(x, zp, offsets)

# --- scband reference (transcript-rebuilt; emitter-appended) ---
"""Pipeline reference for scband-per-species-offset-34144990003402 (READ-ONLY COPY).

The authoritative reference and input builder live on the scoring server;
editing this copy changes nothing except your own understanding.
"""

import jax, jax.numpy as jnp
import numpy as np

N_ATOMS = 8388608
N_SPECIES = 100

def setup_inputs(seed: int = 0) -> dict:
    key = jax.random.key(seed)
    k1, k2, k3 = jax.random.split(key, 3)
    x = jax.random.normal(k1, (N_ATOMS,), dtype=jnp.float32)
    Z = jax.random.randint(k2, (N_ATOMS,), 0, N_SPECIES, dtype=jnp.int64)
    offsets = jax.random.normal(k3, (N_SPECIES,), dtype=jnp.float32)
    return {"x": x, "Z": Z, "offsets": offsets}

def reference(x, Z, offsets):
    # PerSpeciesOffset.forward for a local (per-atom) property:
    # y_i = x_i + offsets[Z_i]  (op = torch.add)
    per_atom_offsets = jnp.take(offsets, Z, axis=0)
    return x + per_atom_offsets

if __name__ == "__main__":
    import jax
    _d = setup_inputs()
    print(jax.jit(kernel)(*tuple(_d.values())))

</pallas_src>

<mosaic_0001>
#map = affine_map<(d0, d1) -> (0)>
module attributes {stable_mosaic.version = 14 : i64} {
  func.func @_offset_kernel(%arg0: i32, %arg1: i32, %arg2: memref<8388608xf32, #tpu.memory_space<hbm>>, %arg3: memref<2097152xi32, #tpu.memory_space<hbm>>, %arg4: memref<100xf32, #tpu.memory_space<hbm>>, %arg5: memref<8388608xf32, #tpu.memory_space<hbm>>, %arg6: memref<100xf32, #tpu.memory_space<vmem>>, %arg7: memref<16384xf32, #tpu.memory_space<vmem>>, %arg8: memref<16384xf32, #tpu.memory_space<vmem>>, %arg9: memref<16384xf32, #tpu.memory_space<vmem>>, %arg10: memref<4096xi32, #tpu.memory_space<vmem>>, %arg11: memref<4096xi32, #tpu.memory_space<vmem>>, %arg12: memref<!tpu.dma_semaphore, #tpu.memory_space<semaphore_mem>>, %arg13: memref<!tpu.dma_semaphore, #tpu.memory_space<semaphore_mem>>, %arg14: memref<!tpu.dma_semaphore, #tpu.memory_space<semaphore_mem>>, %arg15: memref<!tpu.dma_semaphore, #tpu.memory_space<semaphore_mem>>, %arg16: memref<!tpu.dma_semaphore, #tpu.memory_space<semaphore_mem>>, %arg17: memref<!tpu.dma_semaphore, #tpu.memory_space<semaphore_mem>>, %arg18: memref<!tpu.dma_semaphore, #tpu.memory_space<semaphore_mem>>, %arg19: memref<!tpu.dma_semaphore, #tpu.memory_space<semaphore_mem>>) attributes {dimension_semantics = [#tpu.dimension_semantics<core_parallel>, #tpu.dimension_semantics<subcore_parallel>], iteration_bounds = array<i64: 2, 16>, scalar_prefetch = 0 : i64, scratch_operands = 14 : i64, tpu.core_type = #tpu.core_type<sc_vector_subcore>, window_params = [{transform_indices = #map}, {transform_indices = #map}, {transform_indices = #map}, {transform_indices = #map}]} {
    %mul3A = arith.constant 2 : i32
    %mul3A_0 = arith.muli %arg1, %mul3A : i32
    %add3A = arith.addi %mul3A_0, %arg0 : i32
    %mul3A_1 = arith.constant 262144 : i32
    %mul3A_2 = arith.muli %add3A, %mul3A_1 : i32
    %mul3A_3 = arith.constant 65536 : i32
    %mul3A_4 = arith.muli %add3A, %mul3A_3 : i32
    tpu.enqueue_dma source(%arg4 : memref<100xf32, #tpu.memory_space<hbm>>) target(%arg6 : memref<100xf32, #tpu.memory_space<vmem>>) target_semaphore(%arg17 : memref<!tpu.dma_semaphore, #tpu.memory_space<semaphore_mem>>)
    %add3A_5 = arith.constant 0 : i32
    %add3A_6 = arith.addi %mul3A_2, %add3A_5 : i32
    %dma_start3A = tpu.memref_slice %arg2[%add3A_6] : memref<8388608xf32, #tpu.memory_space<hbm>> -> memref<16384xf32, #tpu.memory_space<hbm>>
    %dma_start3A_7 = tpu.memref_slice %arg2[%add3A_6] : memref<8388608xf32, #tpu.memory_space<hbm>> -> memref<16384xf32, #tpu.memory_space<hbm>>
    tpu.enqueue_dma source(%dma_start3A_7 : memref<16384xf32, #tpu.memory_space<hbm>>) target(%arg7 : memref<16384xf32, #tpu.memory_space<vmem>>) target_semaphore(%arg12 : memref<!tpu.dma_semaphore, #tpu.memory_space<semaphore_mem>>)
    %add3A_8 = arith.constant 0 : i32
    %add3A_9 = arith.addi %mul3A_4, %add3A_8 : i32
    %dma_start3A_10 = tpu.memref_slice %arg3[%add3A_9] : memref<2097152xi32, #tpu.memory_space<hbm>> -> memref<4096xi32, #tpu.memory_space<hbm>>
    %dma_start3A_11 = tpu.memref_slice %arg3[%add3A_9] : memref<2097152xi32, #tpu.memory_space<hbm>> -> memref<4096xi32, #tpu.memory_space<hbm>>
    tpu.enqueue_dma source(%dma_start3A_11 : memref<4096xi32, #tpu.memory_space<hbm>>) target(%arg10 : memref<4096xi32, #tpu.memory_space<vmem>>) target_semaphore(%arg15 : memref<!tpu.dma_semaphore, #tpu.memory_space<semaphore_mem>>)
    tpu.wait_dma2 semaphore(%arg17 : memref<!tpu.dma_semaphore, #tpu.memory_space<semaphore_mem>>) src(%arg4 : memref<100xf32, #tpu.memory_space<hbm>>) dst(%arg6 : memref<100xf32, #tpu.memory_space<vmem>>)
    %add3A_12 = arith.constant 16384 : i32
    %add3A_13 = arith.addi %mul3A_2, %add3A_12 : i32
    %dma_start3A_14 = tpu.memref_slice %arg2[%add3A_13] : memref<8388608xf32, #tpu.memory_space<hbm>> -> memref<16384xf32, #tpu.memory_space<hbm>>
    %dma_start3A_15 = tpu.memref_slice %arg2[%add3A_13] : memref<8388608xf32, #tpu.memory_space<hbm>> -> memref<16384xf32, #tpu.memory_space<hbm>>
    tpu.enqueue_dma source(%dma_start3A_15 : memref<16384xf32, #tpu.memory_space<hbm>>) target(%arg8 : memref<16384xf32, #tpu.memory_space<vmem>>) target_semaphore(%arg13 : memref<!tpu.dma_semaphore, #tpu.memory_space<semaphore_mem>>)
    %add3A_16 = arith.constant 4096 : i32
    %add3A_17 = arith.addi %mul3A_4, %add3A_16 : i32
    %dma_start3A_18 = tpu.memref_slice %arg3[%add3A_17] : memref<2097152xi32, #tpu.memory_space<hbm>> -> memref<4096xi32, #tpu.memory_space<hbm>>
    %dma_start3A_19 = tpu.memref_slice %arg3[%add3A_17] : memref<2097152xi32, #tpu.memory_space<hbm>> -> memref<4096xi32, #tpu.memory_space<hbm>>
    tpu.enqueue_dma source(%dma_start3A_19 : memref<4096xi32, #tpu.memory_space<hbm>>) target(%arg11 : memref<4096xi32, #tpu.memory_space<vmem>>) target_semaphore(%arg16 : memref<!tpu.dma_semaphore, #tpu.memory_space<semaphore_mem>>)
    %dma_wait3A = tpu.memref_slice %arg2[%add3A_6] : memref<8388608xf32, #tpu.memory_space<hbm>> -> memref<16384xf32, #tpu.memory_space<hbm>>
    %dma_wait3A_20 = tpu.memref_slice %arg2[%add3A_6] : memref<8388608xf32, #tpu.memory_space<hbm>> -> memref<16384xf32, #tpu.memory_space<hbm>>
    tpu.wait_dma2 semaphore(%arg12 : memref<!tpu.dma_semaphore, #tpu.memory_space<semaphore_mem>>) src(%dma_wait3A_20 : memref<16384xf32, #tpu.memory_space<hbm>>) dst(%arg7 : memref<16384xf32, #tpu.memory_space<vmem>>)
    %dma_wait3A_21 = tpu.memref_slice %arg3[%add3A_9] : memref<2097152xi32, #tpu.memory_space<hbm>> -> memref<4096xi32, #tpu.memory_space<hbm>>
    %dma_wait3A_22 = tpu.memref_slice %arg3[%add3A_9] : memref<2097152xi32, #tpu.memory_space<hbm>> -> memref<4096xi32, #tpu.memory_space<hbm>>
    tpu.wait_dma2 semaphore(%arg15 : memref<!tpu.dma_semaphore, #tpu.memory_space<semaphore_mem>>) src(%dma_wait3A_22 : memref<4096xi32, #tpu.memory_space<hbm>>) dst(%arg10 : memref<4096xi32, #tpu.memory_space<vmem>>)
    %parallel_loop3A = arith.constant 0 : i32
    %parallel_loop3A_23 = arith.constant 4096 : i32
    %parallel_loop3A_24 = arith.constant 16 : i32
    scf.for %parallel_loop3A_338 = %parallel_loop3A to %parallel_loop3A_23 step %parallel_loop3A_24  : i32 {
      %parallel_loop3A_339 = arith.index_cast %parallel_loop3A_338 : i32 to index
      %parallel_loop3A_340 = tpu.vector_load %arg10[%parallel_loop3A_339] {strides = array<i32>} : memref<4096xi32, #tpu.memory_space<vmem>>, vector<16xi32>,
      %parallel_loop3A_341 = arith.constant 0 : i32
      %parallel_loop3A_342 = vector.broadcast %parallel_loop3A_341 : i32 to vector<16xi32>
      %parallel_loop3A_343 = arith.shrsi %parallel_loop3A_340, %parallel_loop3A_342 : vector<16xi32>
      %parallel_loop3A_344 = arith.constant 255 : i32
      %parallel_loop3A_345 = vector.broadcast %parallel_loop3A_344 : i32 to vector<16xi32>
      %parallel_loop3A_346 = arith.andi %parallel_loop3A_343, %parallel_loop3A_345 : vector<16xi32>
      %parallel_loop3A_347 = tpu.vector_load_idx %arg6[%parallel_loop3A_346] : memref<100xf32, #tpu.memory_space<vmem>>[vector<16xi32>], vector<16xf32>,
      %parallel_loop3A_348 = arith.constant 4 : i32
      %parallel_loop3A_349 = arith.muli %parallel_loop3A_338, %parallel_loop3A_348 : i32
      %parallel_loop3A_350 = arith.constant 0 : i32
      %parallel_loop3A_351 = arith.addi %parallel_loop3A_349, %parallel_loop3A_350 : i32
      %parallel_loop3A_352 = arith.index_cast %parallel_loop3A_351 : i32 to index
      %parallel_loop3A_353 = tpu.vector_load %arg7[%parallel_loop3A_352] {strides = array<i32>} : memref<16384xf32, #tpu.memory_space<vmem>>, vector<16xf32>,
      tpu.vector_store %arg7[%parallel_loop3A_352], %parallel_loop3A_347 {add = true, strides = array<i32>} : memref<16384xf32, #tpu.memory_space<vmem>>, vector<16xf32>,
      %parallel_loop3A_354 = arith.constant 8 : i32
      %parallel_loop3A_355 = vector.broadcast %parallel_loop3A_354 : i32 to vector<16xi32>
      %parallel_loop3A_356 = arith.shrsi %parallel_loop3A_340, %parallel_loop3A_355 : vector<16xi32>
      %parallel_loop3A_357 = arith.constant 255 : i32
      %parallel_loop3A_358 = vector.broadcast %parallel_loop3A_357 : i32 to vector<16xi32>
      %parallel_loop3A_359 = arith.andi %parallel_loop3A_356, %parallel_loop3A_358 : vector<16xi32>
      %parallel_loop3A_360 = tpu.vector_load_idx %arg6[%parallel_loop3A_359] : memref<100xf32, #tpu.memory_space<vmem>>[vector<16xi32>], vector<16xf32>,
      %parallel_loop3A_361 = arith.constant 4 : i32
      %parallel_loop3A_362 = arith.muli %parallel_loop3A_338, %parallel_loop3A_361 : i32
      %parallel_loop3A_363 = arith.constant 16 : i32
      %parallel_loop3A_364 = arith.addi %parallel_loop3A_362, %parallel_loop3A_363 : i32
      %parallel_loop3A_365 = arith.index_cast %parallel_loop3A_364 : i32 to index
      %parallel_loop3A_366 = tpu.vector_load %arg7[%parallel_loop3A_365] {strides = array<i32>} : memref<16384xf32, #tpu.memory_space<vmem>>, vector<16xf32>,
      tpu.vector_store %arg7[%parallel_loop3A_365], %parallel_loop3A_360 {add = true, strides = array<i32>} : memref<16384xf32, #tpu.memory_space<vmem>>, vector<16xf32>,
      %parallel_loop3A_367 = arith.constant 16 : i32
      %parallel_loop3A_368 = vector.broadcast %parallel_loop3A_367 : i32 to vector<16xi32>
      %parallel_loop3A_369 = arith.shrsi %parallel_loop3A_340, %parallel_loop3A_368 : vector<16xi32>
      %parallel_loop3A_370 = arith.constant 255 : i32
      %parallel_loop3A_371 = vector.broadcast %parallel_loop3A_370 : i32 to vector<16xi32>
      %parallel_loop3A_372 = arith.andi %parallel_loop3A_369, %parallel_loop3A_371 : vector<16xi32>
      %parallel_loop3A_373 = tpu.vector_load_idx %arg6[%parallel_loop3A_372] : memref<100xf32, #tpu.memory_space<vmem>>[vector<16xi32>], vector<16xf32>,
      %parallel_loop3A_374 = arith.constant 4 : i32
      %parallel_loop3A_375 = arith.muli %parallel_loop3A_338, %parallel_loop3A_374 : i32
      %parallel_loop3A_376 = arith.constant 32 : i32
      %parallel_loop3A_377 = arith.addi %parallel_loop3A_375, %parallel_loop3A_376 : i32
      %parallel_loop3A_378 = arith.index_cast %parallel_loop3A_377 : i32 to index
      %parallel_loop3A_379 = tpu.vector_load %arg7[%parallel_loop3A_378] {strides = array<i32>} : memref<16384xf32, #tpu.memory_space<vmem>>, vector<16xf32>,
      tpu.vector_store %arg7[%parallel_loop3A_378], %parallel_loop3A_373 {add = true, strides = array<i32>} : memref<16384xf32, #tpu.memory_space<vmem>>, vector<16xf32>,
      %parallel_loop3A_380 = arith.constant 24 : i32
      %parallel_loop3A_381 = vector.broadcast %parallel_loop3A_380 : i32 to vector<16xi32>
      %parallel_loop3A_382 = arith.shrsi %parallel_loop3A_340, %parallel_loop3A_381 : vector<16xi32>
      %parallel_loop3A_383 = arith.constant 255 : i32
      %parallel_loop3A_384 = vector.broadcast %parallel_loop3A_383 : i32 to vector<16xi32>
      %parallel_loop3A_385 = arith.andi %parallel_loop3A_382, %parallel_loop3A_384 : vector<16xi32>
      %parallel_loop3A_386 = tpu.vector_load_idx %arg6[%parallel_loop3A_385] : memref<100xf32, #tpu.memory_space<vmem>>[vector<16xi32>], vector<16xf32>,
      %parallel_loop3A_387 = arith.constant 4 : i32
      %parallel_loop3A_388 = arith.muli %parallel_loop3A_338, %parallel_loop3A_387 : i32
      %parallel_loop3A_389 = arith.constant 48 : i32
      %parallel_loop3A_390 = arith.addi %parallel_loop3A_388, %parallel_loop3A_389 : i32
      %parallel_loop3A_391 = arith.index_cast %parallel_loop3A_390 : i32 to index
      %parallel_loop3A_392 = tpu.vector_load %arg7[%parallel_loop3A_391] {strides = array<i32>} : memref<16384xf32, #tpu.memory_space<vmem>>, vector<16xf32>,
      tpu.vector_store %arg7[%parallel_loop3A_391], %parallel_loop3A_386 {add = true, strides = array<i32>} : memref<16384xf32, #tpu.memory_space<vmem>>, vector<16xf32>,
    } {sc.loop_unroll_factor = 4 : i64, sc.parallel_access}
    %add3A_25 = arith.constant 0 : i32
    %add3A_26 = arith.addi %mul3A_2, %add3A_25 : i32
    %dma_start3A_27 = tpu.memref_slice %arg5[%add3A_26] : memref<8388608xf32, #tpu.memory_space<hbm>> -> memref<16384xf32, #tpu.memory_space<hbm>>
    %dma_start3A_28 = tpu.memref_slice %arg5[%add3A_26] : memref<8388608xf32, #tpu.memory_space<hbm>> -> memref<16384xf32, #tpu.memory_space<hbm>>
    tpu.enqueue_dma source(%arg7 : memref<16384xf32, #tpu.memory_space<vmem>>) target(%dma_start3A_28 : memref<16384xf32, #tpu.memory_space<hbm>>) target_semaphore(%arg17 : memref<!tpu.dma_semaphore, #tpu.memory_space<semaphore_mem>>)
    %add3A_29 = arith.constant 32768 : i32
    %add3A_30 = arith.addi %mul3A_2, %add3A_29 : i32
    %dma_start3A_31 = tpu.memref_slice %arg2[%add3A_30] : memref<8388608xf32, #tpu.memory_space<hbm>> -> memref<16384xf32, #tpu.memory_space<hbm>>
    %dma_start3A_32 = tpu.memref_slice %arg2[%add3A_30] : memref<8388608xf32, #tpu.memory_space<hbm>> -> memref<16384xf32, #tpu.memory_space<hbm>>
    tpu.enqueue_dma source(%dma_start3A_32 : memref<16384xf32, #tpu.memory_space<hbm>>) target(%arg9 : memref<16384xf32, #tpu.memory_space<vmem>>) target_semaphore(%arg14 : memref<!tpu.dma_semaphore, #tpu.memory_space<semaphore_mem>>)
    %add3A_33 = arith.constant 8192 : i32
    %add3A_34 = arith.addi %mul3A_4, %add3A_33 : i32
    %dma_start3A_35 = tpu.memref_slice %arg3[%add3A_34] : memref<2097152xi32, #tpu.memory_space<hbm>> -> memref<4096xi32, #tpu.memory_space<hbm>>
    %dma_start3A_36 = tpu.memref_slice %arg3[%add3A_34] : memref<2097152xi32, #tpu.memory_space<hbm>> -> memref<4096xi32, #tpu.memory_space<hbm>>
    tpu.enqueue_dma source(%dma_start3A_36 : memref<4096xi32, #tpu.memory_space<hbm>>) target(%arg10 : memref<4096xi32, #tpu.memory_space<vmem>>) target_semaphore(%arg15 : memref<!tpu.dma_semaphore, #tpu.memory_space<semaphore_mem>>)
    %dma_wait3A_37 = tpu.memref_slice %arg2[%add3A_13] : memref<8388608xf32, #tpu.memory_space<hbm>> -> memref<16384xf32, #tpu.memory_space<hbm>>
    %dma_wait3A_38 = tpu.memref_slice %arg2[%add3A_13] : memref<8388608xf32, #tpu.memory_space<hbm>> -> memref<16384xf32, #tpu.memory_space<hbm>>
    tpu.wait_dma2 semaphore(%arg13 : memref<!tpu.dma_semaphore, #tpu.memory_space<semaphore_mem>>) src(%dma_wait3A_38 : memref<16384xf32, #tpu.memory_space<hbm>>) dst(%arg8 : memref<16384xf32, #tpu.memory_space<vmem>>)
    %dma_wait3A_39 = tpu.memref_slice %arg3[%add3A_17] : memref<2097152xi32, #tpu.memory_space<hbm>> -> memref<4096xi32, #tpu.memory_space<hbm>>
    %dma_wait3A_40 = tpu.memref_slice %arg3[%add3A_17] : memref<2097152xi32, #tpu.memory_space<hbm>> -> memref<4096xi32, #tpu.memory_space<hbm>>
    tpu.wait_dma2 semaphore(%arg16 : memref<!tpu.dma_semaphore, #tpu.memory_space<semaphore_mem>>) src(%dma_wait3A_40 : memref<4096xi32, #tpu.memory_space<hbm>>) dst(%arg11 : memref<4096xi32, #tpu.memory_space<vmem>>)
    %parallel_loop3A_41 = arith.constant 0 : i32
    %parallel_loop3A_42 = arith.constant 4096 : i32
    %parallel_loop3A_43 = arith.constant 16 : i32
    scf.for %parallel_loop3A_338 = %parallel_loop3A_41 to %parallel_loop3A_42 step %parallel_loop3A_43  : i32 {
      %parallel_loop3A_339 = arith.index_cast %parallel_loop3A_338 : i32 to index
      %parallel_loop3A_340 = tpu.vector_load %arg11[%parallel_loop3A_339] {strides = array<i32>} : memref<4096xi32, #tpu.memory_space<vmem>>, vector<16xi32>,
      %parallel_loop3A_341 = arith.constant 0 : i32
      %parallel_loop3A_342 = vector.broadcast %parallel_loop3A_341 : i32 to vector<16xi32>
      %parallel_loop3A_343 = arith.shrsi %parallel_loop3A_340, %parallel_loop3A_342 : vector<16xi32>
      %parallel_loop3A_344 = arith.constant 255 : i32
      %parallel_loop3A_345 = vector.broadcast %parallel_loop3A_344 : i32 to vector<16xi32>
      %parallel_loop3A_346 = arith.andi %parallel_loop3A_343, %parallel_loop3A_345 : vector<16xi32>
      %parallel_loop3A_347 = tpu.vector_load_idx %arg6[%parallel_loop3A_346] : memref<100xf32, #tpu.memory_space<vmem>>[vector<16xi32>], vector<16xf32>,
      %parallel_loop3A_348 = arith.constant 4 : i32
      %parallel_loop3A_349 = arith.muli %parallel_loop3A_338, %parallel_loop3A_348 : i32
      %parallel_loop3A_350 = arith.constant 0 : i32
      %parallel_loop3A_351 = arith.addi %parallel_loop3A_349, %parallel_loop3A_350 : i32
      %parallel_loop3A_352 = arith.index_cast %parallel_loop3A_351 : i32 to index
      %parallel_loop3A_353 = tpu.vector_load %arg8[%parallel_loop3A_352] {strides = array<i32>} : memref<16384xf32, #tpu.memory_space<vmem>>, vector<16xf32>,
      tpu.vector_store %arg8[%parallel_loop3A_352], %parallel_loop3A_347 {add = true, strides = array<i32>} : memref<16384xf32, #tpu.memory_space<vmem>>, vector<16xf32>,
      %parallel_loop3A_354 = arith.constant 8 : i32
      %parallel_loop3A_355 = vector.broadcast %parallel_loop3A_354 : i32 to vector<16xi32>
      %parallel_loop3A_356 = arith.shrsi %parallel_loop3A_340, %parallel_loop3A_355 : vector<16xi32>
      %parallel_loop3A_357 = arith.constant 255 : i32
      %parallel_loop3A_358 = vector.broadcast %parallel_loop3A_357 : i32 to vector<16xi32>
      %parallel_loop3A_359 = arith.andi %parallel_loop3A_356, %parallel_loop3A_358 : vector<16xi32>
      %parallel_loop3A_360 = tpu.vector_load_idx %arg6[%parallel_loop3A_359] : memref<100xf32, #tpu.memory_space<vmem>>[vector<16xi32>], vector<16xf32>,
      %parallel_loop3A_361 = arith.constant 4 : i32
      %parallel_loop3A_362 = arith.muli %parallel_loop3A_338, %parallel_loop3A_361 : i32
      %parallel_loop3A_363 = arith.constant 16 : i32
      %parallel_loop3A_364 = arith.addi %parallel_loop3A_362, %parallel_loop3A_363 : i32
      %parallel_loop3A_365 = arith.index_cast %parallel_loop3A_364 : i32 to index
      %parallel_loop3A_366 = tpu.vector_load %arg8[%parallel_loop3A_365] {strides = array<i32>} : memref<16384xf32, #tpu.memory_space<vmem>>, vector<16xf32>,
      tpu.vector_store %arg8[%parallel_loop3A_365], %parallel_loop3A_360 {add = true, strides = array<i32>} : memref<16384xf32, #tpu.memory_space<vmem>>, vector<16xf32>,
      %parallel_loop3A_367 = arith.constant 16 : i32
      %parallel_loop3A_368 = vector.broadcast %parallel_loop3A_367 : i32 to vector<16xi32>
      %parallel_loop3A_369 = arith.shrsi %parallel_loop3A_340, %parallel_loop3A_368 : vector<16xi32>
      %parallel_loop3A_370 = arith.constant 255 : i32
      %parallel_loop3A_371 = vector.broadcast %parallel_loop3A_370 : i32 to vector<16xi32>
      %parallel_loop3A_372 = arith.andi %parallel_loop3A_369, %parallel_loop3A_371 : vector<16xi32>
      %parallel_loop3A_373 = tpu.vector_load_idx %arg6[%parallel_loop3A_372] : memref<100xf32, #tpu.memory_space<vmem>>[vector<16xi32>], vector<16xf32>,
      %parallel_loop3A_374 = arith.constant 4 : i32
      %parallel_loop3A_375 = arith.muli %parallel_loop3A_338, %parallel_loop3A_374 : i32
      %parallel_loop3A_376 = arith.constant 32 : i32
      %parallel_loop3A_377 = arith.addi %parallel_loop3A_375, %parallel_loop3A_376 : i32
      %parallel_loop3A_378 = arith.index_cast %parallel_loop3A_377 : i32 to index
      %parallel_loop3A_379 = tpu.vector_load %arg8[%parallel_loop3A_378] {strides = array<i32>} : memref<16384xf32, #tpu.memory_space<vmem>>, vector<16xf32>,
      tpu.vector_store %arg8[%parallel_loop3A_378], %parallel_loop3A_373 {add = true, strides = array<i32>} : memref<16384xf32, #tpu.memory_space<vmem>>, vector<16xf32>,
      %parallel_loop3A_380 = arith.constant 24 : i32
      %parallel_loop3A_381 = vector.broadcast %parallel_loop3A_380 : i32 to vector<16xi32>
      %parallel_loop3A_382 = arith.shrsi %parallel_loop3A_340, %parallel_loop3A_381 : vector<16xi32>
      %parallel_loop3A_383 = arith.constant 255 : i32
      %parallel_loop3A_384 = vector.broadcast %parallel_loop3A_383 : i32 to vector<16xi32>
      %parallel_loop3A_385 = arith.andi %parallel_loop3A_382, %parallel_loop3A_384 : vector<16xi32>
      %parallel_loop3A_386 = tpu.vector_load_idx %arg6[%parallel_loop3A_385] : memref<100xf32, #tpu.memory_space<vmem>>[vector<16xi32>], vector<16xf32>,
      %parallel_loop3A_387 = arith.constant 4 : i32
      %parallel_loop3A_388 = arith.muli %parallel_loop3A_338, %parallel_loop3A_387 : i32
      %parallel_loop3A_389 = arith.constant 48 : i32
      %parallel_loop3A_390 = arith.addi %parallel_loop3A_388, %parallel_loop3A_389 : i32
      %parallel_loop3A_391 = arith.index_cast %parallel_loop3A_390 : i32 to index
      %parallel_loop3A_392 = tpu.vector_load %arg8[%parallel_loop3A_391] {strides = array<i32>} : memref<16384xf32, #tpu.memory_space<vmem>>, vector<16xf32>,
      tpu.vector_store %arg8[%parallel_loop3A_391], %parallel_loop3A_386 {add = true, strides = array<i32>} : memref<16384xf32, #tpu.memory_space<vmem>>, vector<16xf32>,
    } {sc.loop_unroll_factor = 4 : i64, sc.parallel_access}
    %add3A_44 = arith.constant 16384 : i32
    %add3A_45 = arith.addi %mul3A_2, %add3A_44 : i32
    %dma_start3A_46 = tpu.memref_slice %arg5[%add3A_45] : memref<8388608xf32, #tpu.memory_space<hbm>> -> memref<16384xf32, #tpu.memory_space<hbm>>
    %dma_start3A_47 = tpu.memref_slice %arg5[%add3A_45] : memref<8388608xf32, #tpu.memory_space<hbm>> -> memref<16384xf32, #tpu.memory_space<hbm>>
    tpu.enqueue_dma source(%arg8 : memref<16384xf32, #tpu.memory_space<vmem>>) target(%dma_start3A_47 : memref<16384xf32, #tpu.memory_space<hbm>>) target_semaphore(%arg18 : memref<!tpu.dma_semaphore, #tpu.memory_space<semaphore_mem>>)
    %dma_wait3A_48 = tpu.memref_slice %arg5[%add3A_26] : memref<8388608xf32, #tpu.memory_space<hbm>> -> memref<16384xf32, #tpu.memory_space<hbm>>
    %dma_wait3A_49 = tpu.memref_slice %arg5[%add3A_26] : memref<8388608xf32, #tpu.memory_space<hbm>> -> memref<16384xf32, #tpu.memory_space<hbm>>
    tpu.wait_dma2 semaphore(%arg17 : memref<!tpu.dma_semaphore, #tpu.memory_space<semaphore_mem>>) src(%arg7 : memref<16384xf32, #tpu.memory_space<vmem>>) dst(%dma_wait3A_49 : memref<16384xf32, #tpu.memory_space<hbm>>)
    %add3A_50 = arith.constant 49152 : i32
    %add3A_51 = arith.addi %mul3A_2, %add3A_50 : i32
    %dma_start3A_52 = tpu.memref_slice %arg2[%add3A_51] : memref<8388608xf32, #tpu.memory_space<hbm>> -> memref<16384xf32, #tpu.memory_space<hbm>>
    %dma_start3A_53 = tpu.memref_slice %arg2[%add3A_51] : memref<8388608xf32, #tpu.memory_space<hbm>> -> memref<16384xf32, #tpu.memory_space<hbm>>
    tpu.enqueue_dma source(%dma_start3A_53 : memref<16384xf32, #tpu.memory_space<hbm>>) target(%arg7 : memref<16384xf32, #tpu.memory_space<vmem>>) target_semaphore(%arg12 : memref<!tpu.dma_semaphore, #tpu.memory_space<semaphore_mem>>)
    %add3A_54 = arith.constant 12288 : i32
    %add3A_55 = arith.addi %mul3A_4, %add3A_54 : i32
    %dma_start3A_56 = tpu.memref_slice %arg3[%add3A_55] : memref<2097152xi32, #tpu.memory_space<hbm>> -> memref<4096xi32, #tpu.memory_space<hbm>>
    %dma_start3A_57 = tpu.memref_slice %arg3[%add3A_55] : memref<2097152xi32, #tpu.memory_space<hbm>> -> memref<4096xi32, #tpu.memory_space<hbm>>
    tpu.enqueue_dma source(%dma_start3A_57 : memref<4096xi32, #tpu.memory_space<hbm>>) target(%arg11 : memref<4096xi32, #tpu.memory_space<vmem>>) target_semaphore(%arg16 : memref<!tpu.dma_semaphore, #tpu.memory_space<semaphore_mem>>)
    %dma_wait3A_58 = tpu.memref_slice %arg2[%add3A_30] : memref<8388608xf32, #tpu.memory_space<hbm>> -> memref<16384xf32, #tpu.memory_space<hbm>>
    %dma_wait3A_59 = tpu.memref_slice %arg2[%add3A_30] : memref<8388608xf32, #tpu.memory_space<hbm>> -> memref<16384xf32, #tpu.memory_space<hbm>>
    tpu.wait_dma2 semaphore(%arg14 : memref<!tpu.dma_semaphore, #tpu.memory_space<semaphore_mem>>) src(%dma_wait3A_59 : memref<16384xf32, #tpu.memory_space<hbm>>) dst(%arg9 : memref<16384xf32, #tpu.memory_space<vmem>>)
    %dma_wait3A_60 = tpu.memref_slice %arg3[%add3A_34] : memref<2097152xi32, #tpu.memory_space<hbm>> -> memref<4096xi32, #tpu.memory_space<hbm>>
    %dma_wait3A_61 = tpu.memref_slice %arg3[%add3A_34] : memref<2097152xi32, #tpu.memory_space<hbm>> -> memref<4096xi32, #tpu.memory_space<hbm>>
    tpu.wait_dma2 semaphore(%arg15 : memref<!tpu.dma_semaphore, #tpu.memory_space<semaphore_mem>>) src(%dma_wait3A_61 : memref<4096xi32, #tpu.memory_space<hbm>>) dst(%arg10 : memref<4096xi32, #tpu.memory_space<vmem>>)
    %parallel_loop3A_62 = arith.constant 0 : i32
    %parallel_loop3A_63 = arith.constant 4096 : i32
    %parallel_loop3A_64 = arith.constant 16 : i32
    scf.for %parallel_loop3A_338 = %parallel_loop3A_62 to %parallel_loop3A_63 step %parallel_loop3A_64  : i32 {
      %parallel_loop3A_339 = arith.index_cast %parallel_loop3A_338 : i32 to index
      %parallel_loop3A_340 = tpu.vector_load %arg10[%parallel_loop3A_339] {strides = array<i32>} : memref<4096xi32, #tpu.memory_space<vmem>>, vector<16xi32>,
      %parallel_loop3A_341 = arith.constant 0 : i32
      %parallel_loop3A_342 = vector.broadcast %parallel_loop3A_341 : i32 to vector<16xi32>
      %parallel_loop3A_343 = arith.shrsi %parallel_loop3A_340, %parallel_loop3A_342 : vector<16xi32>
      %parallel_loop3A_344 = arith.constant 255 : i32
      %parallel_loop3A_345 = vector.broadcast %parallel_loop3A_344 : i32 to vector<16xi32>
      %parallel_loop3A_346 = arith.andi %parallel_loop3A_343, %parallel_loop3A_345 : vector<16xi32>
      %parallel_loop3A_347 = tpu.vector_load_idx %arg6[%parallel_loop3A_346] : memref<100xf32, #tpu.memory_space<vmem>>[vector<16xi32>], vector<16xf32>,
      %parallel_loop3A_348 = arith.constant 4 : i32
      %parallel_loop3A_349 = arith.muli %parallel_loop3A_338, %parallel_loop3A_348 : i32
      %parallel_loop3A_350 = arith.constant 0 : i32
      %parallel_loop3A_351 = arith.addi %parallel_loop3A_349, %parallel_loop3A_350 : i32
      %parallel_loop3A_352 = arith.index_cast %parallel_loop3A_351 : i32 to index
      %parallel_loop3A_353 = tpu.vector_load %arg9[%parallel_loop3A_352] {strides = array<i32>} : memref<16384xf32, #tpu.memory_space<vmem>>, vector<16xf32>,
      tpu.vector_store %arg9[%parallel_loop3A_352], %parallel_loop3A_347 {add = true, strides = array<i32>} : memref<16384xf32, #tpu.memory_space<vmem>>, vector<16xf32>,
      %parallel_loop3A_354 = arith.constant 8 : i32
      %parallel_loop3A_355 = vector.broadcast %parallel_loop3A_354 : i32 to vector<16xi32>
      %parallel_loop3A_356 = arith.shrsi %parallel_loop3A_340, %parallel_loop3A_355 : vector<16xi32>
      %parallel_loop3A_357 = arith.constant 255 : i32
      %parallel_loop3A_358 = vector.broadcast %parallel_loop3A_357 : i32 to vector<16xi32>
      %parallel_loop3A_359 = arith.andi %parallel_loop3A_356, %parallel_loop3A_358 : vector<16xi32>
      %parallel_loop3A_360 = tpu.vector_load_idx %arg6[%parallel_loop3A_359] : memref<100xf32, #tpu.memory_space<vmem>>[vector<16xi32>], vector<16xf32>,
      %parallel_loop3A_361 = arith.constant 4 : i32
      %parallel_loop3A_362 = arith.muli %parallel_loop3A_338, %parallel_loop3A_361 : i32
      %parallel_loop3A_363 = arith.constant 16 : i32
      %parallel_loop3A_364 = arith.addi %parallel_loop3A_362, %parallel_loop3A_363 : i32
      %parallel_loop3A_365 = arith.index_cast %parallel_loop3A_364 : i32 to index
      %parallel_loop3A_366 = tpu.vector_load %arg9[%parallel_loop3A_365] {strides = array<i32>} : memref<16384xf32, #tpu.memory_space<vmem>>, vector<16xf32>,
      tpu.vector_store %arg9[%parallel_loop3A_365], %parallel_loop3A_360 {add = true, strides = array<i32>} : memref<16384xf32, #tpu.memory_space<vmem>>, vector<16xf32>,
      %parallel_loop3A_367 = arith.constant 16 : i32
      %parallel_loop3A_368 = vector.broadcast %parallel_loop3A_367 : i32 to vector<16xi32>
      %parallel_loop3A_369 = arith.shrsi %parallel_loop3A_340, %parallel_loop3A_368 : vector<16xi32>
      %parallel_loop3A_370 = arith.constant 255 : i32
      %parallel_loop3A_371 = vector.broadcast %parallel_loop3A_370 : i32 to vector<16xi32>
      %parallel_loop3A_372 = arith.andi %parallel_loop3A_369, %parallel_loop3A_371 : vector<16xi32>
      %parallel_loop3A_373 = tpu.vector_load_idx %arg6[%parallel_loop3A_372] : memref<100xf32, #tpu.memory_space<vmem>>[vector<16xi32>], vector<16xf32>,
      %parallel_loop3A_374 = arith.constant 4 : i32
      %parallel_loop3A_375 = arith.muli %parallel_loop3A_338, %parallel_loop3A_374 : i32
      %parallel_loop3A_376 = arith.constant 32 : i32
      %parallel_loop3A_377 = arith.addi %parallel_loop3A_375, %parallel_loop3A_376 : i32
      %parallel_loop3A_378 = arith.index_cast %parallel_loop3A_377 : i32 to index
      %parallel_loop3A_379 = tpu.vector_load %arg9[%parallel_loop3A_378] {strides = array<i32>} : memref<16384xf32, #tpu.memory_space<vmem>>, vector<16xf32>,
      tpu.vector_store %arg9[%parallel_loop3A_378], %parallel_loop3A_373 {add = true, strides = array<i32>} : memref<16384xf32, #tpu.memory_space<vmem>>, vector<16xf32>,
      %parallel_loop3A_380 = arith.constant 24 : i32
      %parallel_loop3A_381 = vector.broadcast %parallel_loop3A_380 : i32 to vector<16xi32>
      %parallel_loop3A_382 = arith.shrsi %parallel_loop3A_340, %parallel_loop3A_381 : vector<16xi32>
      %parallel_loop3A_383 = arith.constant 255 : i32
      %parallel_loop3A_384 = vector.broadcast %parallel_loop3A_383 : i32 to vector<16xi32>
      %parallel_loop3A_385 = arith.andi %parallel_loop3A_382, %parallel_loop3A_384 : vector<16xi32>
      %parallel_loop3A_386 = tpu.vector_load_idx %arg6[%parallel_loop3A_385] : memref<100xf32, #tpu.memory_space<vmem>>[vector<16xi32>], vector<16xf32>,
      %parallel_loop3A_387 = arith.constant 4 : i32
      %parallel_loop3A_388 = arith.muli %parallel_loop3A_338, %parallel_loop3A_387 : i32
      %parallel_loop3A_389 = arith.constant 48 : i32
      %parallel_loop3A_390 = arith.addi %parallel_loop3A_388, %parallel_loop3A_389 : i32
      %parallel_loop3A_391 = arith.index_cast %parallel_loop3A_390 : i32 to index
      %parallel_loop3A_392 = tpu.vector_load %arg9[%parallel_loop3A_391] {strides = array<i32>} : memref<16384xf32, #tpu.memory_space<vmem>>, vector<16xf32>,
      tpu.vector_store %arg9[%parallel_loop3A_391], %parallel_loop3A_386 {add = true, strides = array<i32>} : memref<16384xf32, #tpu.memory_space<vmem>>, vector<16xf32>,
    } {sc.loop_unroll_factor = 4 : i64, sc.parallel_access}
    %add3A_65 = arith.constant 32768 : i32
    %add3A_66 = arith.addi %mul3A_2, %add3A_65 : i32
    %dma_start3A_67 = tpu.memref_slice %arg5[%add3A_66] : memref<8388608xf32, #tpu.memory_space<hbm>> -> memref<16384xf32, #tpu.memory_space<hbm>>
    %dma_start3A_68 = tpu.memref_slice %arg5[%add3A_66] : memref<8388608xf32, #tpu.memory_space<hbm>> -> memref<16384xf32, #tpu.memory_space<hbm>>
    tpu.enqueue_dma source(%arg9 : memref<16384xf32, #tpu.memory_space<vmem>>) target(%dma_start3A_68 : memref<16384xf32, #tpu.memory_space<hbm>>) target_semaphore(%arg19 : memref<!tpu.dma_semaphore, #tpu.memory_space<semaphore_mem>>)
    %dma_wait3A_69 = tpu.memref_slice %arg5[%add3A_45] : memref<8388608xf32, #tpu.memory_space<hbm>> -> memref<16384xf32, #tpu.memory_space<hbm>>
    %dma_wait3A_70 = tpu.memref_slice %arg5[%add3A_45] : memref<8388608xf32, #tpu.memory_space<hbm>> -> memref<16384xf32, #tpu.memory_space<hbm>>
    tpu.wait_dma2 semaphore(%arg18 : memref<!tpu.dma_semaphore, #tpu.memory_space<semaphore_mem>>) src(%arg8 : memref<16384xf32, #tpu.memory_space<vmem>>) dst(%dma_wait3A_70 : memref<16384xf32, #tpu.memory_space<hbm>>)
    %add3A_71 = arith.constant 65536 : i32
    %add3A_72 = arith.addi %mul3A_2, %add3A_71 : i32
    %dma_start3A_73 = tpu.memref_slice %arg2[%add3A_72] : memref<8388608xf32, #tpu.memory_space<hbm>> -> memref<16384xf32, #tpu.memory_space<hbm>>
    %dma_start3A_74 = tpu.memref_slice %arg2[%add3A_72] : memref<8388608xf32, #tpu.memory_space<hbm>> -> memref<16384xf32, #tpu.memory_space<hbm>>
    tpu.enqueue_dma source(%dma_start3A_74 : memref<16384xf32, #tpu.memory_space<hbm>>) target(%arg8 : memref<16384xf32, #tpu.memory_space<vmem>>) target_semaphore(%arg13 : memref<!tpu.dma_semaphore, #tpu.memory_space<semaphore_mem>>)
    %add3A_75 = arith.constant 16384 : i32
    %add3A_76 = arith.addi %mul3A_4, %add3A_75 : i32
    %dma_start3A_77 = tpu.memref_slice %arg3[%add3A_76] : memref<2097152xi32, #tpu.memory_space<hbm>> -> memref<4096xi32, #tpu.memory_space<hbm>>
    %dma_start3A_78 = tpu.memref_slice %arg3[%add3A_76] : memref<2097152xi32, #tpu.memory_space<hbm>> -> memref<4096xi32, #tpu.memory_space<hbm>>
    tpu.enqueue_dma source(%dma_start3A_78 : memref<4096xi32, #tpu.memory_space<hbm>>) target(%arg10 : memref<4096xi32, #tpu.memory_space<vmem>>) target_semaphore(%arg15 : memref<!tpu.dma_semaphore, #tpu.memory_space<semaphore_mem>>)
    %dma_wait3A_79 = tpu.memref_slice %arg2[%add3A_51] : memref<8388608xf32, #tpu.memory_space<hbm>> -> memref<16384xf32, #tpu.memory_space<hbm>>
    %dma_wait3A_80 = tpu.memref_slice %arg2[%add3A_51] : memref<8388608xf32, #tpu.memory_space<hbm>> -> memref<16384xf32, #tpu.memory_space<hbm>>
    tpu.wait_dma2 semaphore(%arg12 : memref<!tpu.dma_semaphore, #tpu.memory_space<semaphore_mem>>) src(%dma_wait3A_80 : memref<16384xf32, #tpu.memory_space<hbm>>) dst(%arg7 : memref<16384xf32, #tpu.memory_space<vmem>>)
    %dma_wait3A_81 = tpu.memref_slice %arg3[%add3A_55] : memref<2097152xi32, #tpu.memory_space<hbm>> -> memref<4096xi32, #tpu.memory_space<hbm>>
    %dma_wait3A_82 = tpu.memref_slice %arg3[%add3A_55] : memref<2097152xi32, #tpu.memory_space<hbm>> -> memref<4096xi32, #tpu.memory_space<hbm>>
    tpu.wait_dma2 semaphore(%arg16 : memref<!tpu.dma_semaphore, #tpu.memory_space<semaphore_mem>>) src(%dma_wait3A_82 : memref<4096xi32, #tpu.memory_space<hbm>>) dst(%arg11 : memref<4096xi32, #tpu.memory_space<vmem>>)
    %parallel_loop3A_83 = arith.constant 0 : i32
    %parallel_loop3A_84 = arith.constant 4096 : i32
    %parallel_loop3A_85 = arith.constant 16 : i32
    scf.for %parallel_loop3A_338 = %parallel_loop3A_83 to %parallel_loop3A_84 step %parallel_loop3A_85  : i32 {
      %parallel_loop3A_339 = arith.index_cast %parallel_loop3A_338 : i32 to index
      %parallel_loop3A_340 = tpu.vector_load %arg11[%parallel_loop3A_339] {strides = array<i32>} : memref<4096xi32, #tpu.memory_space<vmem>>, vector<16xi32>,
      %parallel_loop3A_341 = arith.constant 0 : i32
      %parallel_loop3A_342 = vector.broadcast %parallel_loop3A_341 : i32 to vector<16xi32>
      %parallel_loop3A_343 = arith.shrsi %parallel_loop3A_340, %parallel_loop3A_342 : vector<16xi32>
      %parallel_loop3A_344 = arith.constant 255 : i32
      %parallel_loop3A_345 = vector.broadcast %parallel_loop3A_344 : i32 to vector<16xi32>
      %parallel_loop3A_346 = arith.andi %parallel_loop3A_343, %parallel_loop3A_345 : vector<16xi32>
      %parallel_loop3A_347 = tpu.vector_load_idx %arg6[%parallel_loop3A_346] : memref<100xf32, #tpu.memory_space<vmem>>[vector<16xi32>], vector<16xf32>,
      %parallel_loop3A_348 = arith.constant 4 : i32
      %parallel_loop3A_349 = arith.muli %parallel_loop3A_338, %parallel_loop3A_348 : i32
      %parallel_loop3A_350 = arith.constant 0 : i32
      %parallel_loop3A_351 = arith.addi %parallel_loop3A_349, %parallel_loop3A_350 : i32
      %parallel_loop3A_352 = arith.index_cast %parallel_loop3A_351 : i32 to index
      %parallel_loop3A_353 = tpu.vector_load %arg7[%parallel_loop3A_352] {strides = array<i32>} : memref<16384xf32, #tpu.memory_space<vmem>>, vector<16xf32>,
      tpu.vector_store %arg7[%parallel_loop3A_352], %parallel_loop3A_347 {add = true, strides = array<i32>} : memref<16384xf32, #tpu.memory_space<vmem>>, vector<16xf32>,
      %parallel_loop3A_354 = arith.constant 8 : i32
      %parallel_loop3A_355 = vector.broadcast %parallel_loop3A_354 : i32 to vector<16xi32>
      %parallel_loop3A_356 = arith.shrsi %parallel_loop3A_340, %parallel_loop3A_355 : vector<16xi32>
      %parallel_loop3A_357 = arith.constant 255 : i32
      %parallel_loop3A_358 = vector.broadcast %parallel_loop3A_357 : i32 to vector<16xi32>
      %parallel_loop3A_359 = arith.andi %parallel_loop3A_356, %parallel_loop3A_358 : vector<16xi32>
      %parallel_loop3A_360 = tpu.vector_load_idx %arg6[%parallel_loop3A_359] : memref<100xf32, #tpu.memory_space<vmem>>[vector<16xi32>], vector<16xf32>,
      %parallel_loop3A_361 = arith.constant 4 : i32
      %parallel_loop3A_362 = arith.muli %parallel_loop3A_338, %parallel_loop3A_361 : i32
      %parallel_loop3A_363 = arith.constant 16 : i32
      %parallel_loop3A_364 = arith.addi %parallel_loop3A_362, %parallel_loop3A_363 : i32
      %parallel_loop3A_365 = arith.index_cast %parallel_loop3A_364 : i32 to index
      %parallel_loop3A_366 = tpu.vector_load %arg7[%parallel_loop3A_365] {strides = array<i32>} : memref<16384xf32, #tpu.memory_space<vmem>>, vector<16xf32>,
      tpu.vector_store %arg7[%parallel_loop3A_365], %parallel_loop3A_360 {add = true, strides = array<i32>} : memref<16384xf32, #tpu.memory_space<vmem>>, vector<16xf32>,
      %parallel_loop3A_367 = arith.constant 16 : i32
      %parallel_loop3A_368 = vector.broadcast %parallel_loop3A_367 : i32 to vector<16xi32>
      %parallel_loop3A_369 = arith.shrsi %parallel_loop3A_340, %parallel_loop3A_368 : vector<16xi32>
      %parallel_loop3A_370 = arith.constant 255 : i32
      %parallel_loop3A_371 = vector.broadcast %parallel_loop3A_370 : i32 to vector<16xi32>
      %parallel_loop3A_372 = arith.andi %parallel_loop3A_369, %parallel_loop3A_371 : vector<16xi32>
      %parallel_loop3A_373 = tpu.vector_load_idx %arg6[%parallel_loop3A_372] : memref<100xf32, #tpu.memory_space<vmem>>[vector<16xi32>], vector<16xf32>,
      %parallel_loop3A_374 = arith.constant 4 : i32
      %parallel_loop3A_375 = arith.muli %parallel_loop3A_338, %parallel_loop3A_374 : i32
      %parallel_loop3A_376 = arith.constant 32 : i32
      %parallel_loop3A_377 = arith.addi %parallel_loop3A_375, %parallel_loop3A_376 : i32
      %parallel_loop3A_378 = arith.index_cast %parallel_loop3A_377 : i32 to index
      %parallel_loop3A_379 = tpu.vector_load %arg7[%parallel_loop3A_378] {strides = array<i32>} : memref<16384xf32, #tpu.memory_space<vmem>>, vector<16xf32>,
      tpu.vector_store %arg7[%parallel_loop3A_378], %parallel_loop3A_373 {add = true, strides = array<i32>} : memref<16384xf32, #tpu.memory_space<vmem>>, vector<16xf32>,
      %parallel_loop3A_380 = arith.constant 24 : i32
      %parallel_loop3A_381 = vector.broadcast %parallel_loop3A_380 : i32 to vector<16xi32>
      %parallel_loop3A_382 = arith.shrsi %parallel_loop3A_340, %parallel_loop3A_381 : vector<16xi32>
      %parallel_loop3A_383 = arith.constant 255 : i32
      %parallel_loop3A_384 = vector.broadcast %parallel_loop3A_383 : i32 to vector<16xi32>
      %parallel_loop3A_385 = arith.andi %parallel_loop3A_382, %parallel_loop3A_384 : vector<16xi32>
      %parallel_loop3A_386 = tpu.vector_load_idx %arg6[%parallel_loop3A_385] : memref<100xf32, #tpu.memory_space<vmem>>[vector<16xi32>], vector<16xf32>,
      %parallel_loop3A_387 = arith.constant 4 : i32
      %parallel_loop3A_388 = arith.muli %parallel_loop3A_338, %parallel_loop3A_387 : i32
      %parallel_loop3A_389 = arith.constant 48 : i32
      %parallel_loop3A_390 = arith.addi %parallel_loop3A_388, %parallel_loop3A_389 : i32
      %parallel_loop3A_391 = arith.index_cast %parallel_loop3A_390 : i32 to index
      %parallel_loop3A_392 = tpu.vector_load %arg7[%parallel_loop3A_391] {strides = array<i32>} : memref<16384xf32, #tpu.memory_space<vmem>>, vector<16xf32>,
      tpu.vector_store %arg7[%parallel_loop3A_391], %parallel_loop3A_386 {add = true, strides = array<i32>} : memref<16384xf32, #tpu.memory_space<vmem>>, vector<16xf32>,
    } {sc.loop_unroll_factor = 4 : i64, sc.parallel_access}
    %add3A_86 = arith.constant 49152 : i32
    %add3A_87 = arith.addi %mul3A_2, %add3A_86 : i32
    %dma_start3A_88 = tpu.memref_slice %arg5[%add3A_87] : memref<8388608xf32, #tpu.memory_space<hbm>> -> memref<16384xf32, #tpu.memory_space<hbm>>
    %dma_start3A_89 = tpu.memref_slice %arg5[%add3A_87] : memref<8388608xf32, #tpu.memory_space<hbm>> -> memref<16384xf32, #tpu.memory_space<hbm>>
    tpu.enqueue_dma source(%arg7 : memref<16384xf32, #tpu.memory_space<vmem>>) target(%dma_start3A_89 : memref<16384xf32, #tpu.memory_space<hbm>>) target_semaphore(%arg17 : memref<!tpu.dma_semaphore, #tpu.memory_space<semaphore_mem>>)
    %dma_wait3A_90 = tpu.memref_slice %arg5[%add3A_66] : memref<8388608xf32, #tpu.memory_space<hbm>> -> memref<16384xf32, #tpu.memory_space<hbm>>
    %dma_wait3A_91 = tpu.memref_slice %arg5[%add3A_66] : memref<8388608xf32, #tpu.memory_space<hbm>> -> memref<16384xf32, #tpu.memory_space<hbm>>
    tpu.wait_dma2 semaphore(%arg19 : memref<!tpu.dma_semaphore, #tpu.memory_space<semaphore_mem>>) src(%arg9 : memref<16384xf32, #tpu.memory_space<vmem>>) dst(%dma_wait3A_91 : memref<16384xf32, #tpu.memory_space<hbm>>)
    %add3A_92 = arith.constant 81920 : i32
    %add3A_93 = arith.addi %mul3A_2, %add3A_92 : i32
    %dma_start3A_94 = tpu.memref_slice %arg2[%add3A_93] : memref<8388608xf32, #tpu.memory_space<hbm>> -> memref<16384xf32, #tpu.memory_space<hbm>>
    %dma_start3A_95 = tpu.memref_slice %arg2[%add3A_93] : memref<8388608xf32, #tpu.memory_space<hbm>> -> memref<16384xf32, #tpu.memory_space<hbm>>
    tpu.enqueue_dma source(%dma_start3A_95 : memref<16384xf32, #tpu.memory_space<hbm>>) target(%arg9 : memref<16384xf32, #tpu.memory_space<vmem>>) target_semaphore(%arg14 : memref<!tpu.dma_semaphore, #tpu.memory_space<semaphore_mem>>)
    %add3A_96 = arith.constant 20480 : i32
    %add3A_97 = arith.addi %mul3A_4, %add3A_96 : i32
    %dma_start3A_98 = tpu.memref_slice %arg3[%add3A_97] : memref<2097152xi32, #tpu.memory_space<hbm>> -> memref<4096xi32, #tpu.memory_space<hbm>>
    %dma_start3A_99 = tpu.memref_slice %arg3[%add3A_97] : memref<2097152xi32, #tpu.memory_space<hbm>> -> memref<4096xi32, #tpu.memory_space<hbm>>
    tpu.enqueue_dma source(%dma_start3A_99 : memref<4096xi32, #tpu.memory_space<hbm>>) target(%arg11 : memref<4096xi32, #tpu.memory_space<vmem>>) target_semaphore(%arg16 : memref<!tpu.dma_semaphore, #tpu.memory_space<semaphore_mem>>)
    %dma_wait3A_100 = tpu.memref_slice %arg2[%add3A_72] : memref<8388608xf32, #tpu.memory_space<hbm>> -> memref<16384xf32, #tpu.memory_space<hbm>>
    %dma_wait3A_101 = tpu.memref_slice %arg2[%add3A_72] : memref<8388608xf32, #tpu.memory_space<hbm>> -> memref<16384xf32, #tpu.memory_space<hbm>>
    tpu.wait_dma2 semaphore(%arg13 : memref<!tpu.dma_semaphore, #tpu.memory_space<semaphore_mem>>) src(%dma_wait3A_101 : memref<16384xf32, #tpu.memory_space<hbm>>) dst(%arg8 : memref<16384xf32, #tpu.memory_space<vmem>>)
    %dma_wait3A_102 = tpu.memref_slice %arg3[%add3A_76] : memref<2097152xi32, #tpu.memory_space<hbm>> -> memref<4096xi32, #tpu.memory_space<hbm>>
    %dma_wait3A_103 = tpu.memref_slice %arg3[%add3A_76] : memref<2097152xi32, #tpu.memory_space<hbm>> -> memref<4096xi32, #tpu.memory_space<hbm>>
    tpu.wait_dma2 semaphore(%arg15 : memref<!tpu.dma_semaphore, #tpu.memory_space<semaphore_mem>>) src(%dma_wait3A_103 : memref<4096xi32, #tpu.memory_space<hbm>>) dst(%arg10 : memref<4096xi32, #tpu.memory_space<vmem>>)
    %parallel_loop3A_104 = arith.constant 0 : i32
    %parallel_loop3A_105 = arith.constant 4096 : i32
    %parallel_loop3A_106 = arith.constant 16 : i32
    scf.for %parallel_loop3A_338 = %parallel_loop3A_104 to %parallel_loop3A_105 step %parallel_loop3A_106  : i32 {
      %parallel_loop3A_339 = arith.index_cast %parallel_loop3A_338 : i32 to index
      %parallel_loop3A_340 = tpu.vector_load %arg10[%parallel_loop3A_339] {strides = array<i32>} : memref<4096xi32, #tpu.memory_space<vmem>>, vector<16xi32>,
      %parallel_loop3A_341 = arith.constant 0 : i32
      %parallel_loop3A_342 = vector.broadcast %parallel_loop3A_341 : i32 to vector<16xi32>
      %parallel_loop3A_343 = arith.shrsi %parallel_loop3A_340, %parallel_loop3A_342 : vector<16xi32>
      %parallel_loop3A_344 = arith.constant 255 : i32
      %parallel_loop3A_345 = vector.broadcast %parallel_loop3A_344 : i32 to vector<16xi32>
      %parallel_loop3A_346 = arith.andi %parallel_loop3A_343, %parallel_loop3A_345 : vector<16xi32>
      %parallel_loop3A_347 = tpu.vector_load_idx %arg6[%parallel_loop3A_346] : memref<100xf32, #tpu.memory_space<vmem>>[vector<16xi32>], vector<16xf32>,
      %parallel_loop3A_348 = arith.constant 4 : i32
      %parallel_loop3A_349 = arith.muli %parallel_loop3A_338, %parallel_loop3A_348 : i32
      %parallel_loop3A_350 = arith.constant 0 : i32
      %parallel_loop3A_351 = arith.addi %parallel_loop3A_349, %parallel_loop3A_350 : i32
      %parallel_loop3A_352 = arith.index_cast %parallel_loop3A_351 : i32 to index
      %parallel_loop3A_353 = tpu.vector_load %arg8[%parallel_loop3A_352] {strides = array<i32>} : memref<16384xf32, #tpu.memory_space<vmem>>, vector<16xf32>,
      tpu.vector_store %arg8[%parallel_loop3A_352], %parallel_loop3A_347 {add = true, strides = array<i32>} : memref<16384xf32, #tpu.memory_space<vmem>>, vector<16xf32>,
      %parallel_loop3A_354 = arith.constant 8 : i32
      %parallel_loop3A_355 = vector.broadcast %parallel_loop3A_354 : i32 to vector<16xi32>
      %parallel_loop3A_356 = arith.shrsi %parallel_loop3A_340, %parallel_loop3A_355 : vector<16xi32>
      %parallel_loop3A_357 = arith.constant 255 : i32
      %parallel_loop3A_358 = vector.broadcast %parallel_loop3A_357 : i32 to vector<16xi32>
      %parallel_loop3A_359 = arith.andi %parallel_loop3A_356, %parallel_loop3A_358 : vector<16xi32>
      %parallel_loop3A_360 = tpu.vector_load_idx %arg6[%parallel_loop3A_359] : memref<100xf32, #tpu.memory_space<vmem>>[vector<16xi32>], vector<16xf32>,
      %parallel_loop3A_361 = arith.constant 4 : i32
      %parallel_loop3A_362 = arith.muli %parallel_loop3A_338, %parallel_loop3A_361 : i32
      %parallel_loop3A_363 = arith.constant 16 : i32
      %parallel_loop3A_364 = arith.addi %parallel_loop3A_362, %parallel_loop3A_363 : i32
      %parallel_loop3A_365 = arith.index_cast %parallel_loop3A_364 : i32 to index
      %parallel_loop3A_366 = tpu.vector_load %arg8[%parallel_loop3A_365] {strides = array<i32>} : memref<16384xf32, #tpu.memory_space<vmem>>, vector<16xf32>,
      tpu.vector_store %arg8[%parallel_loop3A_365], %parallel_loop3A_360 {add = true, strides = array<i32>} : memref<16384xf32, #tpu.memory_space<vmem>>, vector<16xf32>,
      %parallel_loop3A_367 = arith.constant 16 : i32
      %parallel_loop3A_368 = vector.broadcast %parallel_loop3A_367 : i32 to vector<16xi32>
      %parallel_loop3A_369 = arith.shrsi %parallel_loop3A_340, %parallel_loop3A_368 : vector<16xi32>
      %parallel_loop3A_370 = arith.constant 255 : i32
      %parallel_loop3A_371 = vector.broadcast %parallel_loop3A_370 : i32 to vector<16xi32>
      %parallel_loop3A_372 = arith.andi %parallel_loop3A_369, %parallel_loop3A_371 : vector<16xi32>
      %parallel_loop3A_373 = tpu.vector_load_idx %arg6[%parallel_loop3A_372] : memref<100xf32, #tpu.memory_space<vmem>>[vector<16xi32>], vector<16xf32>,
      %parallel_loop3A_374 = arith.constant 4 : i32
      %parallel_loop3A_375 = arith.muli %parallel_loop3A_338, %parallel_loop3A_374 : i32
      %parallel_loop3A_376 = arith.constant 32 : i32
      %parallel_loop3A_377 = arith.addi %parallel_loop3A_375, %parallel_loop3A_376 : i32
      %parallel_loop3A_378 = arith.index_cast %parallel_loop3A_377 : i32 to index
      %parallel_loop3A_379 = tpu.vector_load %arg8[%parallel_loop3A_378] {strides = array<i32>} : memref<16384xf32, #tpu.memory_space<vmem>>, vector<16xf32>,
      tpu.vector_store %arg8[%parallel_loop3A_378], %parallel_loop3A_373 {add = true, strides = array<i32>} : memref<16384xf32, #tpu.memory_space<vmem>>, vector<16xf32>,
      %parallel_loop3A_380 = arith.constant 24 : i32
      %parallel_loop3A_381 = vector.broadcast %parallel_loop3A_380 : i32 to vector<16xi32>
      %parallel_loop3A_382 = arith.shrsi %parallel_loop3A_340, %parallel_loop3A_381 : vector<16xi32>
      %parallel_loop3A_383 = arith.constant 255 : i32
      %parallel_loop3A_384 = vector.broadcast %parallel_loop3A_383 : i32 to vector<16xi32>
      %parallel_loop3A_385 = arith.andi %parallel_loop3A_382, %parallel_loop3A_384 : vector<16xi32>
      %parallel_loop3A_386 = tpu.vector_load_idx %arg6[%parallel_loop3A_385] : memref<100xf32, #tpu.memory_space<vmem>>[vector<16xi32>], vector<16xf32>,
      %parallel_loop3A_387 = arith.constant 4 : i32
      %parallel_loop3A_388 = arith.muli %parallel_loop3A_338, %parallel_loop3A_387 : i32
      %parallel_loop3A_389 = arith.constant 48 : i32
      %parallel_loop3A_390 = arith.addi %parallel_loop3A_388, %parallel_loop3A_389 : i32
      %parallel_loop3A_391 = arith.index_cast %parallel_loop3A_390 : i32 to index
      %parallel_loop3A_392 = tpu.vector_load %arg8[%parallel_loop3A_391] {strides = array<i32>} : memref<16384xf32, #tpu.memory_space<vmem>>, vector<16xf32>,
      tpu.vector_store %arg8[%parallel_loop3A_391], %parallel_loop3A_386 {add = true, strides = array<i32>} : memref<16384xf32, #tpu.memory_space<vmem>>, vector<16xf32>,
    } {sc.loop_unroll_factor = 4 : i64, sc.parallel_access}
    %add3A_107 = arith.constant 65536 : i32
    %add3A_108 = arith.addi %mul3A_2, %add3A_107 : i32
    %dma_start3A_109 = tpu.memref_slice %arg5[%add3A_108] : memref<8388608xf32, #tpu.memory_space<hbm>> -> memref<16384xf32, #tpu.memory_space<hbm>>
    %dma_start3A_110 = tpu.memref_slice %arg5[%add3A_108] : memref<8388608xf32, #tpu.memory_space<hbm>> -> memref<16384xf32, #tpu.memory_space<hbm>>
    tpu.enqueue_dma source(%arg8 : memref<16384xf32, #tpu.memory_space<vmem>>) target(%dma_start3A_110 : memref<16384xf32, #tpu.memory_space<hbm>>) target_semaphore(%arg18 : memref<!tpu.dma_semaphore, #tpu.memory_space<semaphore_mem>>)
    %dma_wait3A_111 = tpu.memref_slice %arg5[%add3A_87] : memref<8388608xf32, #tpu.memory_space<hbm>> -> memref<16384xf32, #tpu.memory_space<hbm>>
    %dma_wait3A_112 = tpu.memref_slice %arg5[%add3A_87] : memref<8388608xf32, #tpu.memory_space<hbm>> -> memref<16384xf32, #tpu.memory_space<hbm>>
    tpu.wait_dma2 semaphore(%arg17 : memref<!tpu.dma_semaphore, #tpu.memory_space<semaphore_mem>>) src(%arg7 : memref<16384xf32, #tpu.memory_space<vmem>>) dst(%dma_wait3A_112 : memref<16384xf32, #tpu.memory_space<hbm>>)
    %add3A_113 = arith.constant 98304 : i32
    %add3A_114 = arith.addi %mul3A_2, %add3A_113 : i32
    %dma_start3A_115 = tpu.memref_slice %arg2[%add3A_114] : memref<8388608xf32, #tpu.memory_space<hbm>> -> memref<16384xf32, #tpu.memory_space<hbm>>
    %dma_start3A_116 = tpu.memref_slice %arg2[%add3A_114] : memref<8388608xf32, #tpu.memory_space<hbm>> -> memref<16384xf32, #tpu.memory_space<hbm>>
    tpu.enqueue_dma source(%dma_start3A_116 : memref<16384xf32, #tpu.memory_space<hbm>>) target(%arg7 : memref<16384xf32, #tpu.memory_space<vmem>>) target_semaphore(%arg12 : memref<!tpu.dma_semaphore, #tpu.memory_space<semaphore_mem>>)
    %add3A_117 = arith.constant 24576 : i32
    %add3A_118 = arith.addi %mul3A_4, %add3A_117 : i32
    %dma_start3A_119 = tpu.memref_slice %arg3[%add3A_118] : memref<2097152xi32, #tpu.memory_space<hbm>> -> memref<4096xi32, #tpu.memory_space<hbm>>
    %dma_start3A_120 = tpu.memref_slice %arg3[%add3A_118] : memref<2097152xi32, #tpu.memory_space<hbm>> -> memref<4096xi32, #tpu.memory_space<hbm>>
    tpu.enqueue_dma source(%dma_start3A_120 : memref<4096xi32, #tpu.memory_space<hbm>>) target(%arg10 : memref<4096xi32, #tpu.memory_space<vmem>>) target_semaphore(%arg15 : memref<!tpu.dma_semaphore, #tpu.memory_space<semaphore_mem>>)
    %dma_wait3A_121 = tpu.memref_slice %arg2[%add3A_93] : memref<8388608xf32, #tpu.memory_space<hbm>> -> memref<16384xf32, #tpu.memory_space<hbm>>
    %dma_wait3A_122 = tpu.memref_slice %arg2[%add3A_93] : memref<8388608xf32, #tpu.memory_space<hbm>> -> memref<16384xf32, #tpu.memory_space<hbm>>
    tpu.wait_dma2 semaphore(%arg14 : memref<!tpu.dma_semaphore, #tpu.memory_space<semaphore_mem>>) src(%dma_wait3A_122 : memref<16384xf32, #tpu.memory_space<hbm>>) dst(%arg9 : memref<16384xf32, #tpu.memory_space<vmem>>)
    %dma_wait3A_123 = tpu.memref_slice %arg3[%add3A_97] : memref<2097152xi32, #tpu.memory_space<hbm>> -> memref<4096xi32, #tpu.memory_space<hbm>>
    %dma_wait3A_124 = tpu.memref_slice %arg3[%add3A_97] : memref<2097152xi32, #tpu.memory_space<hbm>> -> memref<4096xi32, #tpu.memory_space<hbm>>
    tpu.wait_dma2 semaphore(%arg16 : memref<!tpu.dma_semaphore, #tpu.memory_space<semaphore_mem>>) src(%dma_wait3A_124 : memref<4096xi32, #tpu.memory_space<hbm>>) dst(%arg11 : memref<4096xi32, #tpu.memory_space<vmem>>)
    %parallel_loop3A_125 = arith.constant 0 : i32
    %parallel_loop3A_126 = arith.constant 4096 : i32
    %parallel_loop3A_127 = arith.constant 16 : i32
    scf.for %parallel_loop3A_338 = %parallel_loop3A_125 to %parallel_loop3A_126 step %parallel_loop3A_127  : i32 {
      %parallel_loop3A_339 = arith.index_cast %parallel_loop3A_338 : i32 to index
      %parallel_loop3A_340 = tpu.vector_load %arg11[%parallel_loop3A_339] {strides = array<i32>} : memref<4096xi32, #tpu.memory_space<vmem>>, vector<16xi32>,
      %parallel_loop3A_341 = arith.constant 0 : i32
      %parallel_loop3A_342 = vector.broadcast %parallel_loop3A_341 : i32 to vector<16xi32>
      %parallel_loop3A_343 = arith.shrsi %parallel_loop3A_340, %parallel_loop3A_342 : vector<16xi32>
      %parallel_loop3A_344 = arith.constant 255 : i32
      %parallel_loop3A_345 = vector.broadcast %parallel_loop3A_344 : i32 to vector<16xi32>
      %parallel_loop3A_346 = arith.andi %parallel_loop3A_343, %parallel_loop3A_345 : vector<16xi32>
      %parallel_loop3A_347 = tpu.vector_load_idx %arg6[%parallel_loop3A_346] : memref<100xf32, #tpu.memory_space<vmem>>[vector<16xi32>], vector<16xf32>,
      %parallel_loop3A_348 = arith.constant 4 : i32
      %parallel_loop3A_349 = arith.muli %parallel_loop3A_338, %parallel_loop3A_348 : i32
      %parallel_loop3A_350 = arith.constant 0 : i32
      %parallel_loop3A_351 = arith.addi %parallel_loop3A_349, %parallel_loop3A_350 : i32
      %parallel_loop3A_352 = arith.index_cast %parallel_loop3A_351 : i32 to index
      %parallel_loop3A_353 = tpu.vector_load %arg9[%parallel_loop3A_352] {strides = array<i32>} : memref<16384xf32, #tpu.memory_space<vmem>>, vector<16xf32>,
      tpu.vector_store %arg9[%parallel_loop3A_352], %parallel_loop3A_347 {add = true, strides = array<i32>} : memref<16384xf32, #tpu.memory_space<vmem>>, vector<16xf32>,
      %parallel_loop3A_354 = arith.constant 8 : i32
      %parallel_loop3A_355 = vector.broadcast %parallel_loop3A_354 : i32 to vector<16xi32>
      %parallel_loop3A_356 = arith.shrsi %parallel_loop3A_340, %parallel_loop3A_355 : vector<16xi32>
      %parallel_loop3A_357 = arith.constant 255 : i32
      %parallel_loop3A_358 = vector.broadcast %parallel_loop3A_357 : i32 to vector<16xi32>
      %parallel_loop3A_359 = arith.andi %parallel_loop3A_356, %parallel_loop3A_358 : vector<16xi32>
      %parallel_loop3A_360 = tpu.vector_load_idx %arg6[%parallel_loop3A_359] : memref<100xf32, #tpu.memory_space<vmem>>[vector<16xi32>], vector<16xf32>,
      %parallel_loop3A_361 = arith.constant 4 : i32
      %parallel_loop3A_362 = arith.muli %parallel_loop3A_338, %parallel_loop3A_361 : i32
      %parallel_loop3A_363 = arith.constant 16 : i32
      %parallel_loop3A_364 = arith.addi %parallel_loop3A_362, %parallel_loop3A_363 : i32
      %parallel_loop3A_365 = arith.index_cast %parallel_loop3A_364 : i32 to index
      %parallel_loop3A_366 = tpu.vector_load %arg9[%parallel_loop3A_365] {strides = array<i32>} : memref<16384xf32, #tpu.memory_space<vmem>>, vector<16xf32>,
      tpu.vector_store %arg9[%parallel_loop3A_365], %parallel_loop3A_360 {add = true, strides = array<i32>} : memref<16384xf32, #tpu.memory_space<vmem>>, vector<16xf32>,
      %parallel_loop3A_367 = arith.constant 16 : i32
      %parallel_loop3A_368 = vector.broadcast %parallel_loop3A_367 : i32 to vector<16xi32>
      %parallel_loop3A_369 = arith.shrsi %parallel_loop3A_340, %parallel_loop3A_368 : vector<16xi32>
      %parallel_loop3A_370 = arith.constant 255 : i32
      %parallel_loop3A_371 = vector.broadcast %parallel_loop3A_370 : i32 to vector<16xi32>
      %parallel_loop3A_372 = arith.andi %parallel_loop3A_369, %parallel_loop3A_371 : vector<16xi32>
      %parallel_loop3A_373 = tpu.vector_load_idx %arg6[%parallel_loop3A_372] : memref<100xf32, #tpu.memory_space<vmem>>[vector<16xi32>], vector<16xf32>,
      %parallel_loop3A_374 = arith.constant 4 : i32
      %parallel_loop3A_375 = arith.muli %parallel_loop3A_338, %parallel_loop3A_374 : i32
      %parallel_loop3A_376 = arith.constant 32 : i32
      %parallel_loop3A_377 = arith.addi %parallel_loop3A_375, %parallel_loop3A_376 : i32
      %parallel_loop3A_378 = arith.index_cast %parallel_loop3A_377 : i32 to index
      %parallel_loop3A_379 = tpu.vector_load %arg9[%parallel_loop3A_378] {strides = array<i32>} : memref<16384xf32, #tpu.memory_space<vmem>>, vector<16xf32>,
      tpu.vector_store %arg9[%parallel_loop3A_378], %parallel_loop3A_373 {add = true, strides = array<i32>} : memref<16384xf32, #tpu.memory_space<vmem>>, vector<16xf32>,
      %parallel_loop3A_380 = arith.constant 24 : i32
      %parallel_loop3A_381 = vector.broadcast %parallel_loop3A_380 : i32 to vector<16xi32>
      %parallel_loop3A_382 = arith.shrsi %parallel_loop3A_340, %parallel_loop3A_381 : vector<16xi32>
      %parallel_loop3A_383 = arith.constant 255 : i32
      %parallel_loop3A_384 = vector.broadcast %parallel_loop3A_383 : i32 to vector<16xi32>
      %parallel_loop3A_385 = arith.andi %parallel_loop3A_382, %parallel_loop3A_384 : vector<16xi32>
      %parallel_loop3A_386 = tpu.vector_load_idx %arg6[%parallel_loop3A_385] : memref<100xf32, #tpu.memory_space<vmem>>[vector<16xi32>], vector<16xf32>,
      %parallel_loop3A_387 = arith.constant 4 : i32
      %parallel_loop3A_388 = arith.muli %parallel_loop3A_338, %parallel_loop3A_387 : i32
      %parallel_loop3A_389 = arith.constant 48 : i32
      %parallel_loop3A_390 = arith.addi %parallel_loop3A_388, %parallel_loop3A_389 : i32
      %parallel_loop3A_391 = arith.index_cast %parallel_loop3A_390 : i32 to index
      %parallel_loop3A_392 = tpu.vector_load %arg9[%parallel_loop3A_391] {strides = array<i32>} : memref<16384xf32, #tpu.memory_space<vmem>>, vector<16xf32>,
      tpu.vector_store %arg9[%parallel_loop3A_391], %parallel_loop3A_386 {add = true, strides = array<i32>} : memref<16384xf32, #tpu.memory_space<vmem>>, vector<16xf32>,
    } {sc.loop_unroll_factor = 4 : i64, sc.parallel_access}
    %add3A_128 = arith.constant 81920 : i32
    %add3A_129 = arith.addi %mul3A_2, %add3A_128 : i32
    %dma_start3A_130 = tpu.memref_slice %arg5[%add3A_129] : memref<8388608xf32, #tpu.memory_space<hbm>> -> memref<16384xf32, #tpu.memory_space<hbm>>
    %dma_start3A_131 = tpu.memref_slice %arg5[%add3A_129] : memref<8388608xf32, #tpu.memory_space<hbm>> -> memref<16384xf32, #tpu.memory_space<hbm>>
    tpu.enqueue_dma source(%arg9 : memref<16384xf32, #tpu.memory_space<vmem>>) target(%dma_start3A_131 : memref<16384xf32, #tpu.memory_space<hbm>>) target_semaphore(%arg19 : memref<!tpu.dma_semaphore, #tpu.memory_space<semaphore_mem>>)
    %dma_wait3A_132 = tpu.memref_slice %arg5[%add3A_108] : memref<8388608xf32, #tpu.memory_space<hbm>> -> memref<16384xf32, #tpu.memory_space<hbm>>
    %dma_wait3A_133 = tpu.memref_slice %arg5[%add3A_108] : memref<8388608xf32, #tpu.memory_space<hbm>> -> memref<16384xf32, #tpu.memory_space<hbm>>
    tpu.wait_dma2 semaphore(%arg18 : memref<!tpu.dma_semaphore, #tpu.memory_space<semaphore_mem>>) src(%arg8 : memref<16384xf32, #tpu.memory_space<vmem>>) dst(%dma_wait3A_133 : memref<16384xf32, #tpu.memory_space<hbm>>)
    %add3A_134 = arith.constant 114688 : i32
    %add3A_135 = arith.addi %mul3A_2, %add3A_134 : i32
    %dma_start3A_136 = tpu.memref_slice %arg2[%add3A_135] : memref<8388608xf32, #tpu.memory_space<hbm>> -> memref<16384xf32, #tpu.memory_space<hbm>>
    %dma_start3A_137 = tpu.memref_slice %arg2[%add3A_135] : memref<8388608xf32, #tpu.memory_space<hbm>> -> memref<16384xf32, #tpu.memory_space<hbm>>
    tpu.enqueue_dma source(%dma_start3A_137 : memref<16384xf32, #tpu.memory_space<hbm>>) target(%arg8 : memref<16384xf32, #tpu.memory_space<vmem>>) target_semaphore(%arg13 : memref<!tpu.dma_semaphore, #tpu.memory_space<semaphore_mem>>)
    %add3A_138 = arith.constant 28672 : i32
    %add3A_139 = arith.addi %mul3A_4, %add3A_138 : i32
    %dma_start3A_140 = tpu.memref_slice %arg3[%add3A_139] : memref<2097152xi32, #tpu.memory_space<hbm>> -> memref<4096xi32, #tpu.memory_space<hbm>>
    %dma_start3A_141 = tpu.memref_slice %arg3[%add3A_139] : memref<2097152xi32, #tpu.memory_space<hbm>> -> memref<4096xi32, #tpu.memory_space<hbm>>
    tpu.enqueue_dma source(%dma_start3A_141 : memref<4096xi32, #tpu.memory_space<hbm>>) target(%arg11 : memref<4096xi32, #tpu.memory_space<vmem>>) target_semaphore(%arg16 : memref<!tpu.dma_semaphore, #tpu.memory_space<semaphore_mem>>)
    %dma_wait3A_142 = tpu.memref_slice %arg2[%add3A_114] : memref<8388608xf32, #tpu.memory_space<hbm>> -> memref<16384xf32, #tpu.memory_space<hbm>>
    %dma_wait3A_143 = tpu.memref_slice %arg2[%add3A_114] : memref<8388608xf32, #tpu.memory_space<hbm>> -> memref<16384xf32, #tpu.memory_space<hbm>>
    tpu.wait_dma2 semaphore(%arg12 : memref<!tpu.dma_semaphore, #tpu.memory_space<semaphore_mem>>) src(%dma_wait3A_143 : memref<16384xf32, #tpu.memory_space<hbm>>) dst(%arg7 : memref<16384xf32, #tpu.memory_space<vmem>>)
    %dma_wait3A_144 = tpu.memref_slice %arg3[%add3A_118] : memref<2097152xi32, #tpu.memory_space<hbm>> -> memref<4096xi32, #tpu.memory_space<hbm>>
    %dma_wait3A_145 = tpu.memref_slice %arg3[%add3A_118] : memref<2097152xi32, #tpu.memory_space<hbm>> -> memref<4096xi32, #tpu.memory_space<hbm>>
    tpu.wait_dma2 semaphore(%arg15 : memref<!tpu.dma_semaphore, #tpu.memory_space<semaphore_mem>>) src(%dma_wait3A_145 : memref<4096xi32, #tpu.memory_space<hbm>>) dst(%arg10 : memref<4096xi32, #tpu.memory_space<vmem>>)
    %parallel_loop3A_146 = arith.constant 0 : i32
    %parallel_loop3A_147 = arith.constant 4096 : i32
    %parallel_loop3A_148 = arith.constant 16 : i32
    scf.for %parallel_loop3A_338 = %parallel_loop3A_146 to %parallel_loop3A_147 step %parallel_loop3A_148  : i32 {
      %parallel_loop3A_339 = arith.index_cast %parallel_loop3A_338 : i32 to index
      %parallel_loop3A_340 = tpu.vector_load %arg10[%parallel_loop3A_339] {strides = array<i32>} : memref<4096xi32, #tpu.memory_space<vmem>>, vector<16xi32>,
      %parallel_loop3A_341 = arith.constant 0 : i32
      %parallel_loop3A_342 = vector.broadcast %parallel_loop3A_341 : i32 to vector<16xi32>
      %parallel_loop3A_343 = arith.shrsi %parallel_loop3A_340, %parallel_loop3A_342 : vector<16xi32>
      %parallel_loop3A_344 = arith.constant 255 : i32
      %parallel_loop3A_345 = vector.broadcast %parallel_loop3A_344 : i32 to vector<16xi32>
      %parallel_loop3A_346 = arith.andi %parallel_loop3A_343, %parallel_loop3A_345 : vector<16xi32>
      %parallel_loop3A_347 = tpu.vector_load_idx %arg6[%parallel_loop3A_346] : memref<100xf32, #tpu.memory_space<vmem>>[vector<16xi32>], vector<16xf32>,
      %parallel_loop3A_348 = arith.constant 4 : i32
      %parallel_loop3A_349 = arith.muli %parallel_loop3A_338, %parallel_loop3A_348 : i32
      %parallel_loop3A_350 = arith.constant 0 : i32
      %parallel_loop3A_351 = arith.addi %parallel_loop3A_349, %parallel_loop3A_350 : i32
      %parallel_loop3A_352 = arith.index_cast %parallel_loop3A_351 : i32 to index
      %parallel_loop3A_353 = tpu.vector_load %arg7[%parallel_loop3A_352] {strides = array<i32>} : memref<16384xf32, #tpu.memory_space<vmem>>, vector<16xf32>,
      tpu.vector_store %arg7[%parallel_loop3A_352], %parallel_loop3A_347 {add = true, strides = array<i32>} : memref<16384xf32, #tpu.memory_space<vmem>>, vector<16xf32>,
      %parallel_loop3A_354 = arith.constant 8 : i32
      %parallel_loop3A_355 = vector.broadcast %parallel_loop3A_354 : i32 to vector<16xi32>
      %parallel_loop3A_356 = arith.shrsi %parallel_loop3A_340, %parallel_loop3A_355 : vector<16xi32>
      %parallel_loop3A_357 = arith.constant 255 : i32
      %parallel_loop3A_358 = vector.broadcast %parallel_loop3A_357 : i32 to vector<16xi32>
      %parallel_loop3A_359 = arith.andi %parallel_loop3A_356, %parallel_loop3A_358 : vector<16xi32>
      %parallel_loop3A_360 = tpu.vector_load_idx %arg6[%parallel_loop3A_359] : memref<100xf32, #tpu.memory_space<vmem>>[vector<16xi32>], vector<16xf32>,
      %parallel_loop3A_361 = arith.constant 4 : i32
      %parallel_loop3A_362 = arith.muli %parallel_loop3A_338, %parallel_loop3A_361 : i32
      %parallel_loop3A_363 = arith.constant 16 : i32
      %parallel_loop3A_364 = arith.addi %parallel_loop3A_362, %parallel_loop3A_363 : i32
      %parallel_loop3A_365 = arith.index_cast %parallel_loop3A_364 : i32 to index
      %parallel_loop3A_366 = tpu.vector_load %arg7[%parallel_loop3A_365] {strides = array<i32>} : memref<16384xf32, #tpu.memory_space<vmem>>, vector<16xf32>,
      tpu.vector_store %arg7[%parallel_loop3A_365], %parallel_loop3A_360 {add = true, strides = array<i32>} : memref<16384xf32, #tpu.memory_space<vmem>>, vector<16xf32>,
      %parallel_loop3A_367 = arith.constant 16 : i32
      %parallel_loop3A_368 = vector.broadcast %parallel_loop3A_367 : i32 to vector<16xi32>
      %parallel_loop3A_369 = arith.shrsi %parallel_loop3A_340, %parallel_loop3A_368 : vector<16xi32>
      %parallel_loop3A_370 = arith.constant 255 : i32
      %parallel_loop3A_371 = vector.broadcast %parallel_loop3A_370 : i32 to vector<16xi32>
      %parallel_loop3A_372 = arith.andi %parallel_loop3A_369, %parallel_loop3A_371 : vector<16xi32>
      %parallel_loop3A_373 = tpu.vector_load_idx %arg6[%parallel_loop3A_372] : memref<100xf32, #tpu.memory_space<vmem>>[vector<16xi32>], vector<16xf32>,
      %parallel_loop3A_374 = arith.constant 4 : i32
      %parallel_loop3A_375 = arith.muli %parallel_loop3A_338, %parallel_loop3A_374 : i32
      %parallel_loop3A_376 = arith.constant 32 : i32
      %parallel_loop3A_377 = arith.addi %parallel_loop3A_375, %parallel_loop3A_376 : i32
      %parallel_loop3A_378 = arith.index_cast %parallel_loop3A_377 : i32 to index
      %parallel_loop3A_379 = tpu.vector_load %arg7[%parallel_loop3A_378] {strides = array<i32>} : memref<16384xf32, #tpu.memory_space<vmem>>, vector<16xf32>,
      tpu.vector_store %arg7[%parallel_loop3A_378], %parallel_loop3A_373 {add = true, strides = array<i32>} : memref<16384xf32, #tpu.memory_space<vmem>>, vector<16xf32>,
      %parallel_loop3A_380 = arith.constant 24 : i32
      %parallel_loop3A_381 = vector.broadcast %parallel_loop3A_380 : i32 to vector<16xi32>
      %parallel_loop3A_382 = arith.shrsi %parallel_loop3A_340, %parallel_loop3A_381 : vector<16xi32>
      %parallel_loop3A_383 = arith.constant 255 : i32
      %parallel_loop3A_384 = vector.broadcast %parallel_loop3A_383 : i32 to vector<16xi32>
      %parallel_loop3A_385 = arith.andi %parallel_loop3A_382, %parallel_loop3A_384 : vector<16xi32>
      %parallel_loop3A_386 = tpu.vector_load_idx %arg6[%parallel_loop3A_385] : memref<100xf32, #tpu.memory_space<vmem>>[vector<16xi32>], vector<16xf32>,
      %parallel_loop3A_387 = arith.constant 4 : i32
      %parallel_loop3A_388 = arith.muli %parallel_loop3A_338, %parallel_loop3A_387 : i32
      %parallel_loop3A_389 = arith.constant 48 : i32
      %parallel_loop3A_390 = arith.addi %parallel_loop3A_388, %parallel_loop3A_389 : i32
      %parallel_loop3A_391 = arith.index_cast %parallel_loop3A_390 : i32 to index
      %parallel_loop3A_392 = tpu.vector_load %arg7[%parallel_loop3A_391] {strides = array<i32>} : memref<16384xf32, #tpu.memory_space<vmem>>, vector<16xf32>,
      tpu.vector_store %arg7[%parallel_loop3A_391], %parallel_loop3A_386 {add = true, strides = array<i32>} : memref<16384xf32, #tpu.memory_space<vmem>>, vector<16xf32>,
    } {sc.loop_unroll_factor = 4 : i64, sc.parallel_access}
    %add3A_149 = arith.constant 98304 : i32
    %add3A_150 = arith.addi %mul3A_2, %add3A_149 : i32
    %dma_start3A_151 = tpu.memref_slice %arg5[%add3A_150] : memref<8388608xf32, #tpu.memory_space<hbm>> -> memref<16384xf32, #tpu.memory_space<hbm>>
    %dma_start3A_152 = tpu.memref_slice %arg5[%add3A_150] : memref<8388608xf32, #tpu.memory_space<hbm>> -> memref<16384xf32, #tpu.memory_space<hbm>>
    tpu.enqueue_dma source(%arg7 : memref<16384xf32, #tpu.memory_space<vmem>>) target(%dma_start3A_152 : memref<16384xf32, #tpu.memory_space<hbm>>) target_semaphore(%arg17 : memref<!tpu.dma_semaphore, #tpu.memory_space<semaphore_mem>>)
    %dma_wait3A_153 = tpu.memref_slice %arg5[%add3A_129] : memref<8388608xf32, #tpu.memory_space<hbm>> -> memref<16384xf32, #tpu.memory_space<hbm>>
    %dma_wait3A_154 = tpu.memref_slice %arg5[%add3A_129] : memref<8388608xf32, #tpu.memory_space<hbm>> -> memref<16384xf32, #tpu.memory_space<hbm>>
    tpu.wait_dma2 semaphore(%arg19 : memref<!tpu.dma_semaphore, #tpu.memory_space<semaphore_mem>>) src(%arg9 : memref<16384xf32, #tpu.memory_space<vmem>>) dst(%dma_wait3A_154 : memref<16384xf32, #tpu.memory_space<hbm>>)
    %add3A_155 = arith.constant 131072 : i32
    %add3A_156 = arith.addi %mul3A_2, %add3A_155 : i32
    %dma_start3A_157 = tpu.memref_slice %arg2[%add3A_156] : memref<8388608xf32, #tpu.memory_space<hbm>> -> memref<16384xf32, #tpu.memory_space<hbm>>
    %dma_start3A_158 = tpu.memref_slice %arg2[%add3A_156] : memref<8388608xf32, #tpu.memory_space<hbm>> -> memref<16384xf32, #tpu.memory_space<hbm>>
    tpu.enqueue_dma source(%dma_start3A_158 : memref<16384xf32, #tpu.memory_space<hbm>>) target(%arg9 : memref<16384xf32, #tpu.memory_space<vmem>>) target_semaphore(%arg14 : memref<!tpu.dma_semaphore, #tpu.memory_space<semaphore_mem>>)
    %add3A_159 = arith.constant 32768 : i32
    %add3A_160 = arith.addi %mul3A_4, %add3A_159 : i32
    %dma_start3A_161 = tpu.memref_slice %arg3[%add3A_160] : memref<2097152xi32, #tpu.memory_space<hbm>> -> memref<4096xi32, #tpu.memory_space<hbm>>
    %dma_start3A_162 = tpu.memref_slice %arg3[%add3A_160] : memref<2097152xi32, #tpu.memory_space<hbm>> -> memref<4096xi32, #tpu.memory_space<hbm>>
    tpu.enqueue_dma source(%dma_start3A_162 : memref<4096xi32, #tpu.memory_space<hbm>>) target(%arg10 : memref<4096xi32, #tpu.memory_space<vmem>>) target_semaphore(%arg15 : memref<!tpu.dma_semaphore, #tpu.memory_space<semaphore_mem>>)
    %dma_wait3A_163 = tpu.memref_slice %arg2[%add3A_135] : memref<8388608xf32, #tpu.memory_space<hbm>> -> memref<16384xf32, #tpu.memory_space<hbm>>
    %dma_wait3A_164 = tpu.memref_slice %arg2[%add3A_135] : memref<8388608xf32, #tpu.memory_space<hbm>> -> memref<16384xf32, #tpu.memory_space<hbm>>
    tpu.wait_dma2 semaphore(%arg13 : memref<!tpu.dma_semaphore, #tpu.memory_space<semaphore_mem>>) src(%dma_wait3A_164 : memref<16384xf32, #tpu.memory_space<hbm>>) dst(%arg8 : memref<16384xf32, #tpu.memory_space<vmem>>)
    %dma_wait3A_165 = tpu.memref_slice %arg3[%add3A_139] : memref<2097152xi32, #tpu.memory_space<hbm>> -> memref<4096xi32, #tpu.memory_space<hbm>>
    %dma_wait3A_166 = tpu.memref_slice %arg3[%add3A_139] : memref<2097152xi32, #tpu.memory_space<hbm>> -> memref<4096xi32, #tpu.memory_space<hbm>>
    tpu.wait_dma2 semaphore(%arg16 : memref<!tpu.dma_semaphore, #tpu.memory_space<semaphore_mem>>) src(%dma_wait3A_166 : memref<4096xi32, #tpu.memory_space<hbm>>) dst(%arg11 : memref<4096xi32, #tpu.memory_space<vmem>>)
    %parallel_loop3A_167 = arith.constant 0 : i32
    %parallel_loop3A_168 = arith.constant 4096 : i32
    %parallel_loop3A_169 = arith.constant 16 : i32
    scf.for %parallel_loop3A_338 = %parallel_loop3A_167 to %parallel_loop3A_168 step %parallel_loop3A_169  : i32 {
      %parallel_loop3A_339 = arith.index_cast %parallel_loop3A_338 : i32 to index
      %parallel_loop3A_340 = tpu.vector_load %arg11[%parallel_loop3A_339] {strides = array<i32>} : memref<4096xi32, #tpu.memory_space<vmem>>, vector<16xi32>,
      %parallel_loop3A_341 = arith.constant 0 : i32
      %parallel_loop3A_342 = vector.broadcast %parallel_loop3A_341 : i32 to vector<16xi32>
      %parallel_loop3A_343 = arith.shrsi %parallel_loop3A_340, %parallel_loop3A_342 : vector<16xi32>
      %parallel_loop3A_344 = arith.constant 255 : i32
      %parallel_loop3A_345 = vector.broadcast %parallel_loop3A_344 : i32 to vector<16xi32>
      %parallel_loop3A_346 = arith.andi %parallel_loop3A_343, %parallel_loop3A_345 : vector<16xi32>
      %parallel_loop3A_347 = tpu.vector_load_idx %arg6[%parallel_loop3A_346] : memref<100xf32, #tpu.memory_space<vmem>>[vector<16xi32>], vector<16xf32>,
      %parallel_loop3A_348 = arith.constant 4 : i32
      %parallel_loop3A_349 = arith.muli %parallel_loop3A_338, %parallel_loop3A_348 : i32
      %parallel_loop3A_350 = arith.constant 0 : i32
      %parallel_loop3A_351 = arith.addi %parallel_loop3A_349, %parallel_loop3A_350 : i32
      %parallel_loop3A_352 = arith.index_cast %parallel_loop3A_351 : i32 to index
      %parallel_loop3A_353 = tpu.vector_load %arg8[%parallel_loop3A_352] {strides = array<i32>} : memref<16384xf32, #tpu.memory_space<vmem>>, vector<16xf32>,
      tpu.vector_store %arg8[%parallel_loop3A_352], %parallel_loop3A_347 {add = true, strides = array<i32>} : memref<16384xf32, #tpu.memory_space<vmem>>, vector<16xf32>,
      %parallel_loop3A_354 = arith.constant 8 : i32
      %parallel_loop3A_355 = vector.broadcast %parallel_loop3A_354 : i32 to vector<16xi32>
      %parallel_loop3A_356 = arith.shrsi %parallel_loop3A_340, %parallel_loop3A_355 : vector<16xi32>
      %parallel_loop3A_357 = arith.constant 255 : i32
      %parallel_loop3A_358 = vector.broadcast %parallel_loop3A_357 : i32 to vector<16xi32>
      %parallel_loop3A_359 = arith.andi %parallel_loop3A_356, %parallel_loop3A_358 : vector<16xi32>
      %parallel_loop3A_360 = tpu.vector_load_idx %arg6[%parallel_loop3A_359] : memref<100xf32, #tpu.memory_space<vmem>>[vector<16xi32>], vector<16xf32>,
      %parallel_loop3A_361 = arith.constant 4 : i32
      %parallel_loop3A_362 = arith.muli %parallel_loop3A_338, %parallel_loop3A_361 : i32
      %parallel_loop3A_363 = arith.constant 16 : i32
      %parallel_loop3A_364 = arith.addi %parallel_loop3A_362, %parallel_loop3A_363 : i32
      %parallel_loop3A_365 = arith.index_cast %parallel_loop3A_364 : i32 to index
      %parallel_loop3A_366 = tpu.vector_load %arg8[%parallel_loop3A_365] {strides = array<i32>} : memref<16384xf32, #tpu.memory_space<vmem>>, vector<16xf32>,
      tpu.vector_store %arg8[%parallel_loop3A_365], %parallel_loop3A_360 {add = true, strides = array<i32>} : memref<16384xf32, #tpu.memory_space<vmem>>, vector<16xf32>,
      %parallel_loop3A_367 = arith.constant 16 : i32
      %parallel_loop3A_368 = vector.broadcast %parallel_loop3A_367 : i32 to vector<16xi32>
      %parallel_loop3A_369 = arith.shrsi %parallel_loop3A_340, %parallel_loop3A_368 : vector<16xi32>
      %parallel_loop3A_370 = arith.constant 255 : i32
      %parallel_loop3A_371 = vector.broadcast %parallel_loop3A_370 : i32 to vector<16xi32>
      %parallel_loop3A_372 = arith.andi %parallel_loop3A_369, %parallel_loop3A_371 : vector<16xi32>
      %parallel_loop3A_373 = tpu.vector_load_idx %arg6[%parallel_loop3A_372] : memref<100xf32, #tpu.memory_space<vmem>>[vector<16xi32>], vector<16xf32>,
      %parallel_loop3A_374 = arith.constant 4 : i32
      %parallel_loop3A_375 = arith.muli %parallel_loop3A_338, %parallel_loop3A_374 : i32
      %parallel_loop3A_376 = arith.constant 32 : i32
      %parallel_loop3A_377 = arith.addi %parallel_loop3A_375, %parallel_loop3A_376 : i32
      %parallel_loop3A_378 = arith.index_cast %parallel_loop3A_377 : i32 to index
      %parallel_loop3A_379 = tpu.vector_load %arg8[%parallel_loop3A_378] {strides = array<i32>} : memref<16384xf32, #tpu.memory_space<vmem>>, vector<16xf32>,
      tpu.vector_store %arg8[%parallel_loop3A_378], %parallel_loop3A_373 {add = true, strides = array<i32>} : memref<16384xf32, #tpu.memory_space<vmem>>, vector<16xf32>,
      %parallel_loop3A_380 = arith.constant 24 : i32
      %parallel_loop3A_381 = vector.broadcast %parallel_loop3A_380 : i32 to vector<16xi32>
      %parallel_loop3A_382 = arith.shrsi %parallel_loop3A_340, %parallel_loop3A_381 : vector<16xi32>
      %parallel_loop3A_383 = arith.constant 255 : i32
      %parallel_loop3A_384 = vector.broadcast %parallel_loop3A_383 : i32 to vector<16xi32>
      %parallel_loop3A_385 = arith.andi %parallel_loop3A_382, %parallel_loop3A_384 : vector<16xi32>
      %parallel_loop3A_386 = tpu.vector_load_idx %arg6[%parallel_loop3A_385] : memref<100xf32, #tpu.memory_space<vmem>>[vector<16xi32>], vector<16xf32>,
      %parallel_loop3A_387 = arith.constant 4 : i32
      %parallel_loop3A_388 = arith.muli %parallel_loop3A_338, %parallel_loop3A_387 : i32
      %parallel_loop3A_389 = arith.constant 48 : i32
      %parallel_loop3A_390 = arith.addi %parallel_loop3A_388, %parallel_loop3A_389 : i32
      %parallel_loop3A_391 = arith.index_cast %parallel_loop3A_390 : i32 to index
      %parallel_loop3A_392 = tpu.vector_load %arg8[%parallel_loop3A_391] {strides = array<i32>} : memref<16384xf32, #tpu.memory_space<vmem>>, vector<16xf32>,
      tpu.vector_store %arg8[%parallel_loop3A_391], %parallel_loop3A_386 {add = true, strides = array<i32>} : memref<16384xf32, #tpu.memory_space<vmem>>, vector<16xf32>,
    } {sc.loop_unroll_factor = 4 : i64, sc.parallel_access}
    %add3A_170 = arith.constant 114688 : i32
    %add3A_171 = arith.addi %mul3A_2, %add3A_170 : i32
    %dma_start3A_172 = tpu.memref_slice %arg5[%add3A_171] : memref<8388608xf32, #tpu.memory_space<hbm>> -> memref<16384xf32, #tpu.memory_space<hbm>>
    %dma_start3A_173 = tpu.memref_slice %arg5[%add3A_171] : memref<8388608xf32, #tpu.memory_space<hbm>> -> memref<16384xf32, #tpu.memory_space<hbm>>
    tpu.enqueue_dma source(%arg8 : memref<16384xf32, #tpu.memory_space<vmem>>) target(%dma_start3A_173 : memref<16384xf32, #tpu.memory_space<hbm>>) target_semaphore(%arg18 : memref<!tpu.dma_semaphore, #tpu.memory_space<semaphore_mem>>)
    %dma_wait3A_174 = tpu.memref_slice %arg5[%add3A_150] : memref<8388608xf32, #tpu.memory_space<hbm>> -> memref<16384xf32, #tpu.memory_space<hbm>>
    %dma_wait3A_175 = tpu.memref_slice %arg5[%add3A_150] : memref<8388608xf32, #tpu.memory_space<hbm>> -> memref<16384xf32, #tpu.memory_space<hbm>>
    tpu.wait_dma2 semaphore(%arg17 : memref<!tpu.dma_semaphore, #tpu.memory_space<semaphore_mem>>) src(%arg7 : memref<16384xf32, #tpu.memory_space<vmem>>) dst(%dma_wait3A_175 : memref<16384xf32, #tpu.memory_space<hbm>>)
    %add3A_176 = arith.constant 147456 : i32
    %add3A_177 = arith.addi %mul3A_2, %add3A_176 : i32
    %dma_start3A_178 = tpu.memref_slice %arg2[%add3A_177] : memref<8388608xf32, #tpu.memory_space<hbm>> -> memref<16384xf32, #tpu.memory_space<hbm>>
    %dma_start3A_179 = tpu.memref_slice %arg2[%add3A_177] : memref<8388608xf32, #tpu.memory_space<hbm>> -> memref<16384xf32, #tpu.memory_space<hbm>>
    tpu.enqueue_dma source(%dma_start3A_179 : memref<16384xf32, #tpu.memory_space<hbm>>) target(%arg7 : memref<16384xf32, #tpu.memory_space<vmem>>) target_semaphore(%arg12 : memref<!tpu.dma_semaphore, #tpu.memory_space<semaphore_mem>>)
    %add3A_180 = arith.constant 36864 : i32
    %add3A_181 = arith.addi %mul3A_4, %add3A_180 : i32
    %dma_start3A_182 = tpu.memref_slice %arg3[%add3A_181] : memref<2097152xi32, #tpu.memory_space<hbm>> -> memref<4096xi32, #tpu.memory_space<hbm>>
    %dma_start3A_183 = tpu.memref_slice %arg3[%add3A_181] : memref<2097152xi32, #tpu.memory_space<hbm>> -> memref<4096xi32, #tpu.memory_space<hbm>>
    tpu.enqueue_dma source(%dma_start3A_183 : memref<4096xi32, #tpu.memory_space<hbm>>) target(%arg11 : memref<4096xi32, #tpu.memory_space<vmem>>) target_semaphore(%arg16 : memref<!tpu.dma_semaphore, #tpu.memory_space<semaphore_mem>>)
    %dma_wait3A_184 = tpu.memref_slice %arg2[%add3A_156] : memref<8388608xf32, #tpu.memory_space<hbm>> -> memref<16384xf32, #tpu.memory_space<hbm>>
    %dma_wait3A_185 = tpu.memref_slice %arg2[%add3A_156] : memref<8388608xf32, #tpu.memory_space<hbm>> -> memref<16384xf32, #tpu.memory_space<hbm>>
    tpu.wait_dma2 semaphore(%arg14 : memref<!tpu.dma_semaphore, #tpu.memory_space<semaphore_mem>>) src(%dma_wait3A_185 : memref<16384xf32, #tpu.memory_space<hbm>>) dst(%arg9 : memref<16384xf32, #tpu.memory_space<vmem>>)
    %dma_wait3A_186 = tpu.memref_slice %arg3[%add3A_160] : memref<2097152xi32, #tpu.memory_space<hbm>> -> memref<4096xi32, #tpu.memory_space<hbm>>
    %dma_wait3A_187 = tpu.memref_slice %arg3[%add3A_160] : memref<2097152xi32, #tpu.memory_space<hbm>> -> memref<4096xi32, #tpu.memory_space<hbm>>
    tpu.wait_dma2 semaphore(%arg15 : memref<!tpu.dma_semaphore, #tpu.memory_space<semaphore_mem>>) src(%dma_wait3A_187 : memref<4096xi32, #tpu.memory_space<hbm>>) dst(%arg10 : memref<4096xi32, #tpu.memory_space<vmem>>)
    %parallel_loop3A_188 = arith.constant 0 : i32
    %parallel_loop3A_189 = arith.constant 4096 : i32
    %parallel_loop3A_190 = arith.constant 16 : i32
    scf.for %parallel_loop3A_338 = %parallel_loop3A_188 to %parallel_loop3A_189 step %parallel_loop3A_190  : i32 {
      %parallel_loop3A_339 = arith.index_cast %parallel_loop3A_338 : i32 to index
      %parallel_loop3A_340 = tpu.vector_load %arg10[%parallel_loop3A_339] {strides = array<i32>} : memref<4096xi32, #tpu.memory_space<vmem>>, vector<16xi32>,
      %parallel_loop3A_341 = arith.constant 0 : i32
      %parallel_loop3A_342 = vector.broadcast %parallel_loop3A_341 : i32 to vector<16xi32>
      %parallel_loop3A_343 = arith.shrsi %parallel_loop3A_340, %parallel_loop3A_342 : vector<16xi32>
      %parallel_loop3A_344 = arith.constant 255 : i32
      %parallel_loop3A_345 = vector.broadcast %parallel_loop3A_344 : i32 to vector<16xi32>
      %parallel_loop3A_346 = arith.andi %parallel_loop3A_343, %parallel_loop3A_345 : vector<16xi32>
      %parallel_loop3A_347 = tpu.vector_load_idx %arg6[%parallel_loop3A_346] : memref<100xf32, #tpu.memory_space<vmem>>[vector<16xi32>], vector<16xf32>,
      %parallel_loop3A_348 = arith.constant 4 : i32
      %parallel_loop3A_349 = arith.muli %parallel_loop3A_338, %parallel_loop3A_348 : i32
      %parallel_loop3A_350 = arith.constant 0 : i32
      %parallel_loop3A_351 = arith.addi %parallel_loop3A_349, %parallel_loop3A_350 : i32
      %parallel_loop3A_352 = arith.index_cast %parallel_loop3A_351 : i32 to index
      %parallel_loop3A_353 = tpu.vector_load %arg9[%parallel_loop3A_352] {strides = array<i32>} : memref<16384xf32, #tpu.memory_space<vmem>>, vector<16xf32>,
      tpu.vector_store %arg9[%parallel_loop3A_352], %parallel_loop3A_347 {add = true, strides = array<i32>} : memref<16384xf32, #tpu.memory_space<vmem>>, vector<16xf32>,
      %parallel_loop3A_354 = arith.constant 8 : i32
      %parallel_loop3A_355 = vector.broadcast %parallel_loop3A_354 : i32 to vector<16xi32>
      %parallel_loop3A_356 = arith.shrsi %parallel_loop3A_340, %parallel_loop3A_355 : vector<16xi32>
      %parallel_loop3A_357 = arith.constant 255 : i32
      %parallel_loop3A_358 = vector.broadcast %parallel_loop3A_357 : i32 to vector<16xi32>
      %parallel_loop3A_359 = arith.andi %parallel_loop3A_356, %parallel_loop3A_358 : vector<16xi32>
      %parallel_loop3A_360 = tpu.vector_load_idx %arg6[%parallel_loop3A_359] : memref<100xf32, #tpu.memory_space<vmem>>[vector<16xi32>], vector<16xf32>,
      %parallel_loop3A_361 = arith.constant 4 : i32
      %parallel_loop3A_362 = arith.muli %parallel_loop3A_338, %parallel_loop3A_361 : i32
      %parallel_loop3A_363 = arith.constant 16 : i32
      %parallel_loop3A_364 = arith.addi %parallel_loop3A_362, %parallel_loop3A_363 : i32
      %parallel_loop3A_365 = arith.index_cast %parallel_loop3A_364 : i32 to index
      %parallel_loop3A_366 = tpu.vector_load %arg9[%parallel_loop3A_365] {strides = array<i32>} : memref<16384xf32, #tpu.memory_space<vmem>>, vector<16xf32>,
      tpu.vector_store %arg9[%parallel_loop3A_365], %parallel_loop3A_360 {add = true, strides = array<i32>} : memref<16384xf32, #tpu.memory_space<vmem>>, vector<16xf32>,
      %parallel_loop3A_367 = arith.constant 16 : i32
      %parallel_loop3A_368 = vector.broadcast %parallel_loop3A_367 : i32 to vector<16xi32>
      %parallel_loop3A_369 = arith.shrsi %parallel_loop3A_340, %parallel_loop3A_368 : vector<16xi32>
      %parallel_loop3A_370 = arith.constant 255 : i32
      %parallel_loop3A_371 = vector.broadcast %parallel_loop3A_370 : i32 to vector<16xi32>
      %parallel_loop3A_372 = arith.andi %parallel_loop3A_369, %parallel_loop3A_371 : vector<16xi32>
      %parallel_loop3A_373 = tpu.vector_load_idx %arg6[%parallel_loop3A_372] : memref<100xf32, #tpu.memory_space<vmem>>[vector<16xi32>], vector<16xf32>,
      %parallel_loop3A_374 = arith.constant 4 : i32
      %parallel_loop3A_375 = arith.muli %parallel_loop3A_338, %parallel_loop3A_374 : i32
      %parallel_loop3A_376 = arith.constant 32 : i32
      %parallel_loop3A_377 = arith.addi %parallel_loop3A_375, %parallel_loop3A_376 : i32
      %parallel_loop3A_378 = arith.index_cast %parallel_loop3A_377 : i32 to index
      %parallel_loop3A_379 = tpu.vector_load %arg9[%parallel_loop3A_378] {strides = array<i32>} : memref<16384xf32, #tpu.memory_space<vmem>>, vector<16xf32>,
      tpu.vector_store %arg9[%parallel_loop3A_378], %parallel_loop3A_373 {add = true, strides = array<i32>} : memref<16384xf32, #tpu.memory_space<vmem>>, vector<16xf32>,
      %parallel_loop3A_380 = arith.constant 24 : i32
      %parallel_loop3A_381 = vector.broadcast %parallel_loop3A_380 : i32 to vector<16xi32>
      %parallel_loop3A_382 = arith.shrsi %parallel_loop3A_340, %parallel_loop3A_381 : vector<16xi32>
      %parallel_loop3A_383 = arith.constant 255 : i32
      %parallel_loop3A_384 = vector.broadcast %parallel_loop3A_383 : i32 to vector<16xi32>
      %parallel_loop3A_385 = arith.andi %parallel_loop3A_382, %parallel_loop3A_384 : vector<16xi32>
      %parallel_loop3A_386 = tpu.vector_load_idx %arg6[%parallel_loop3A_385] : memref<100xf32, #tpu.memory_space<vmem>>[vector<16xi32>], vector<16xf32>,
      %parallel_loop3A_387 = arith.constant 4 : i32
      %parallel_loop3A_388 = arith.muli %parallel_loop3A_338, %parallel_loop3A_387 : i32
      %parallel_loop3A_389 = arith.constant 48 : i32
      %parallel_loop3A_390 = arith.addi %parallel_loop3A_388, %parallel_loop3A_389 : i32
      %parallel_loop3A_391 = arith.index_cast %parallel_loop3A_390 : i32 to index
      %parallel_loop3A_392 = tpu.vector_load %arg9[%parallel_loop3A_391] {strides = array<i32>} : memref<16384xf32, #tpu.memory_space<vmem>>, vector<16xf32>,
      tpu.vector_store %arg9[%parallel_loop3A_391], %parallel_loop3A_386 {add = true, strides = array<i32>} : memref<16384xf32, #tpu.memory_space<vmem>>, vector<16xf32>,
    } {sc.loop_unroll_factor = 4 : i64, sc.parallel_access}
    %add3A_191 = arith.constant 131072 : i32
    %add3A_192 = arith.addi %mul3A_2, %add3A_191 : i32
    %dma_start3A_193 = tpu.memref_slice %arg5[%add3A_192] : memref<8388608xf32, #tpu.memory_space<hbm>> -> memref<16384xf32, #tpu.memory_space<hbm>>
    %dma_start3A_194 = tpu.memref_slice %arg5[%add3A_192] : memref<8388608xf32, #tpu.memory_space<hbm>> -> memref<16384xf32, #tpu.memory_space<hbm>>
    tpu.enqueue_dma source(%arg9 : memref<16384xf32, #tpu.memory_space<vmem>>) target(%dma_start3A_194 : memref<16384xf32, #tpu.memory_space<hbm>>) target_semaphore(%arg19 : memref<!tpu.dma_semaphore, #tpu.memory_space<semaphore_mem>>)
    %dma_wait3A_195 = tpu.memref_slice %arg5[%add3A_171] : memref<8388608xf32, #tpu.memory_space<hbm>> -> memref<16384xf32, #tpu.memory_space<hbm>>
    %dma_wait3A_196 = tpu.memref_slice %arg5[%add3A_171] : memref<8388608xf32, #tpu.memory_space<hbm>> -> memref<16384xf32, #tpu.memory_space<hbm>>
    tpu.wait_dma2 semaphore(%arg18 : memref<!tpu.dma_semaphore, #tpu.memory_space<semaphore_mem>>) src(%arg8 : memref<16384xf32, #tpu.memory_space<vmem>>) dst(%dma_wait3A_196 : memref<16384xf32, #tpu.memory_space<hbm>>)
    %add3A_197 = arith.constant 163840 : i32
    %add3A_198 = arith.addi %mul3A_2, %add3A_197 : i32
    %dma_start3A_199 = tpu.memref_slice %arg2[%add3A_198] : memref<8388608xf32, #tpu.memory_space<hbm>> -> memref<16384xf32, #tpu.memory_space<hbm>>
    %dma_start3A_200 = tpu.memref_slice %arg2[%add3A_198] : memref<8388608xf32, #tpu.memory_space<hbm>> -> memref<16384xf32, #tpu.memory_space<hbm>>
    tpu.enqueue_dma source(%dma_start3A_200 : memref<16384xf32, #tpu.memory_space<hbm>>) target(%arg8 : memref<16384xf32, #tpu.memory_space<vmem>>) target_semaphore(%arg13 : memref<!tpu.dma_semaphore, #tpu.memory_space<semaphore_mem>>)
    %add3A_201 = arith.constant 40960 : i32
    %add3A_202 = arith.addi %mul3A_4, %add3A_201 : i32
    %dma_start3A_203 = tpu.memref_slice %arg3[%add3A_202] : memref<2097152xi32, #tpu.memory_space<hbm>> -> memref<4096xi32, #tpu.memory_space<hbm>>
    %dma_start3A_204 = tpu.memref_slice %arg3[%add3A_202] : memref<2097152xi32, #tpu.memory_space<hbm>> -> memref<4096xi32, #tpu.memory_space<hbm>>
    tpu.enqueue_dma source(%dma_start3A_204 : memref<4096xi32, #tpu.memory_space<hbm>>) target(%arg10 : memref<4096xi32, #tpu.memory_space<vmem>>) target_semaphore(%arg15 : memref<!tpu.dma_semaphore, #tpu.memory_space<semaphore_mem>>)
    %dma_wait3A_205 = tpu.memref_slice %arg2[%add3A_177] : memref<8388608xf32, #tpu.memory_space<hbm>> -> memref<16384xf32, #tpu.memory_space<hbm>>
    %dma_wait3A_206 = tpu.memref_slice %arg2[%add3A_177] : memref<8388608xf32, #tpu.memory_space<hbm>> -> memref<16384xf32, #tpu.memory_space<hbm>>
    tpu.wait_dma2 semaphore(%arg12 : memref<!tpu.dma_semaphore, #tpu.memory_space<semaphore_mem>>) src(%dma_wait3A_206 : memref<16384xf32, #tpu.memory_space<hbm>>) dst(%arg7 : memref<16384xf32, #tpu.memory_space<vmem>>)
    %dma_wait3A_207 = tpu.memref_slice %arg3[%add3A_181] : memref<2097152xi32, #tpu.memory_space<hbm>> -> memref<4096xi32, #tpu.memory_space<hbm>>
    %dma_wait3A_208 = tpu.memref_slice %arg3[%add3A_181] : memref<2097152xi32, #tpu.memory_space<hbm>> -> memref<4096xi32, #tpu.memory_space<hbm>>
    tpu.wait_dma2 semaphore(%arg16 : memref<!tpu.dma_semaphore, #tpu.memory_space<semaphore_mem>>) src(%dma_wait3A_208 : memref<4096xi32, #tpu.memory_space<hbm>>) dst(%arg11 : memref<4096xi32, #tpu.memory_space<vmem>>)
    %parallel_loop3A_209 = arith.constant 0 : i32
    %parallel_loop3A_210 = arith.constant 4096 : i32
    %parallel_loop3A_211 = arith.constant 16 : i32
    scf.for %parallel_loop3A_338 = %parallel_loop3A_209 to %parallel_loop3A_210 step %parallel_loop3A_211  : i32 {
      %parallel_loop3A_339 = arith.index_cast %parallel_loop3A_338 : i32 to index
      %parallel_loop3A_340 = tpu.vector_load %arg11[%parallel_loop3A_339] {strides = array<i32>} : memref<4096xi32, #tpu.memory_space<vmem>>, vector<16xi32>,
      %parallel_loop3A_341 = arith.constant 0 : i32
      %parallel_loop3A_342 = vector.broadcast %parallel_loop3A_341 : i32 to vector<16xi32>
      %parallel_loop3A_343 = arith.shrsi %parallel_loop3A_340, %parallel_loop3A_342 : vector<16xi32>
      %parallel_loop3A_344 = arith.constant 255 : i32
      %parallel_loop3A_345 = vector.broadcast %parallel_loop3A_344 : i32 to vector<16xi32>
      %parallel_loop3A_346 = arith.andi %parallel_loop3A_343, %parallel_loop3A_345 : vector<16xi32>
      %parallel_loop3A_347 = tpu.vector_load_idx %arg6[%parallel_loop3A_346] : memref<100xf32, #tpu.memory_space<vmem>>[vector<16xi32>], vector<16xf32>,
      %parallel_loop3A_348 = arith.constant 4 : i32
      %parallel_loop3A_349 = arith.muli %parallel_loop3A_338, %parallel_loop3A_348 : i32
      %parallel_loop3A_350 = arith.constant 0 : i32
      %parallel_loop3A_351 = arith.addi %parallel_loop3A_349, %parallel_loop3A_350 : i32
      %parallel_loop3A_352 = arith.index_cast %parallel_loop3A_351 : i32 to index
      %parallel_loop3A_353 = tpu.vector_load %arg7[%parallel_loop3A_352] {strides = array<i32>} : memref<16384xf32, #tpu.memory_space<vmem>>, vector<16xf32>,
      tpu.vector_store %arg7[%parallel_loop3A_352], %parallel_loop3A_347 {add = true, strides = array<i32>} : memref<16384xf32, #tpu.memory_space<vmem>>, vector<16xf32>,
      %parallel_loop3A_354 = arith.constant 8 : i32
      %parallel_loop3A_355 = vector.broadcast %parallel_loop3A_354 : i32 to vector<16xi32>
      %parallel_loop3A_356 = arith.shrsi %parallel_loop3A_340, %parallel_loop3A_355 : vector<16xi32>
      %parallel_loop3A_357 = arith.constant 255 : i32
      %parallel_loop3A_358 = vector.broadcast %parallel_loop3A_357 : i32 to vector<16xi32>
      %parallel_loop3A_359 = arith.andi %parallel_loop3A_356, %parallel_loop3A_358 : vector<16xi32>
      %parallel_loop3A_360 = tpu.vector_load_idx %arg6[%parallel_loop3A_359] : memref<100xf32, #tpu.memory_space<vmem>>[vector<16xi32>], vector<16xf32>,
      %parallel_loop3A_361 = arith.constant 4 : i32
      %parallel_loop3A_362 = arith.muli %parallel_loop3A_338, %parallel_loop3A_361 : i32
      %parallel_loop3A_363 = arith.constant 16 : i32
      %parallel_loop3A_364 = arith.addi %parallel_loop3A_362, %parallel_loop3A_363 : i32
      %parallel_loop3A_365 = arith.index_cast %parallel_loop3A_364 : i32 to index
      %parallel_loop3A_366 = tpu.vector_load %arg7[%parallel_loop3A_365] {strides = array<i32>} : memref<16384xf32, #tpu.memory_space<vmem>>, vector<16xf32>,
      tpu.vector_store %arg7[%parallel_loop3A_365], %parallel_loop3A_360 {add = true, strides = array<i32>} : memref<16384xf32, #tpu.memory_space<vmem>>, vector<16xf32>,
      %parallel_loop3A_367 = arith.constant 16 : i32
      %parallel_loop3A_368 = vector.broadcast %parallel_loop3A_367 : i32 to vector<16xi32>
      %parallel_loop3A_369 = arith.shrsi %parallel_loop3A_340, %parallel_loop3A_368 : vector<16xi32>
      %parallel_loop3A_370 = arith.constant 255 : i32
      %parallel_loop3A_371 = vector.broadcast %parallel_loop3A_370 : i32 to vector<16xi32>
      %parallel_loop3A_372 = arith.andi %parallel_loop3A_369, %parallel_loop3A_371 : vector<16xi32>
      %parallel_loop3A_373 = tpu.vector_load_idx %arg6[%parallel_loop3A_372] : memref<100xf32, #tpu.memory_space<vmem>>[vector<16xi32>], vector<16xf32>,
      %parallel_loop3A_374 = arith.constant 4 : i32
      %parallel_loop3A_375 = arith.muli %parallel_loop3A_338, %parallel_loop3A_374 : i32
      %parallel_loop3A_376 = arith.constant 32 : i32
      %parallel_loop3A_377 = arith.addi %parallel_loop3A_375, %parallel_loop3A_376 : i32
      %parallel_loop3A_378 = arith.index_cast %parallel_loop3A_377 : i32 to index
      %parallel_loop3A_379 = tpu.vector_load %arg7[%parallel_loop3A_378] {strides = array<i32>} : memref<16384xf32, #tpu.memory_space<vmem>>, vector<16xf32>,
      tpu.vector_store %arg7[%parallel_loop3A_378], %parallel_loop3A_373 {add = true, strides = array<i32>} : memref<16384xf32, #tpu.memory_space<vmem>>, vector<16xf32>,
      %parallel_loop3A_380 = arith.constant 24 : i32
      %parallel_loop3A_381 = vector.broadcast %parallel_loop3A_380 : i32 to vector<16xi32>
      %parallel_loop3A_382 = arith.shrsi %parallel_loop3A_340, %parallel_loop3A_381 : vector<16xi32>
      %parallel_loop3A_383 = arith.constant 255 : i32
      %parallel_loop3A_384 = vector.broadcast %parallel_loop3A_383 : i32 to vector<16xi32>
      %parallel_loop3A_385 = arith.andi %parallel_loop3A_382, %parallel_loop3A_384 : vector<16xi32>
      %parallel_loop3A_386 = tpu.vector_load_idx %arg6[%parallel_loop3A_385] : memref<100xf32, #tpu.memory_space<vmem>>[vector<16xi32>], vector<16xf32>,
      %parallel_loop3A_387 = arith.constant 4 : i32
      %parallel_loop3A_388 = arith.muli %parallel_loop3A_338, %parallel_loop3A_387 : i32
      %parallel_loop3A_389 = arith.constant 48 : i32
      %parallel_loop3A_390 = arith.addi %parallel_loop3A_388, %parallel_loop3A_389 : i32
      %parallel_loop3A_391 = arith.index_cast %parallel_loop3A_390 : i32 to index
      %parallel_loop3A_392 = tpu.vector_load %arg7[%parallel_loop3A_391] {strides = array<i32>} : memref<16384xf32, #tpu.memory_space<vmem>>, vector<16xf32>,
      tpu.vector_store %arg7[%parallel_loop3A_391], %parallel_loop3A_386 {add = true, strides = array<i32>} : memref<16384xf32, #tpu.memory_space<vmem>>, vector<16xf32>,
    } {sc.loop_unroll_factor = 4 : i64, sc.parallel_access}
    %add3A_212 = arith.constant 147456 : i32
    %add3A_213 = arith.addi %mul3A_2, %add3A_212 : i32
    %dma_start3A_214 = tpu.memref_slice %arg5[%add3A_213] : memref<8388608xf32, #tpu.memory_space<hbm>> -> memref<16384xf32, #tpu.memory_space<hbm>>
    %dma_start3A_215 = tpu.memref_slice %arg5[%add3A_213] : memref<8388608xf32, #tpu.memory_space<hbm>> -> memref<16384xf32, #tpu.memory_space<hbm>>
    tpu.enqueue_dma source(%arg7 : memref<16384xf32, #tpu.memory_space<vmem>>) target(%dma_start3A_215 : memref<16384xf32, #tpu.memory_space<hbm>>) target_semaphore(%arg17 : memref<!tpu.dma_semaphore, #tpu.memory_space<semaphore_mem>>)
    %dma_wait3A_216 = tpu.memref_slice %arg5[%add3A_192] : memref<8388608xf32, #tpu.memory_space<hbm>> -> memref<16384xf32, #tpu.memory_space<hbm>>
    %dma_wait3A_217 = tpu.memref_slice %arg5[%add3A_192] : memref<8388608xf32, #tpu.memory_space<hbm>> -> memref<16384xf32, #tpu.memory_space<hbm>>
    tpu.wait_dma2 semaphore(%arg19 : memref<!tpu.dma_semaphore, #tpu.memory_space<semaphore_mem>>) src(%arg9 : memref<16384xf32, #tpu.memory_space<vmem>>) dst(%dma_wait3A_217 : memref<16384xf32, #tpu.memory_space<hbm>>)
    %add3A_218 = arith.constant 180224 : i32
    %add3A_219 = arith.addi %mul3A_2, %add3A_218 : i32
    %dma_start3A_220 = tpu.memref_slice %arg2[%add3A_219] : memref<8388608xf32, #tpu.memory_space<hbm>> -> memref<16384xf32, #tpu.memory_space<hbm>>
    %dma_start3A_221 = tpu.memref_slice %arg2[%add3A_219] : memref<8388608xf32, #tpu.memory_space<hbm>> -> memref<16384xf32, #tpu.memory_space<hbm>>
    tpu.enqueue_dma source(%dma_start3A_221 : memref<16384xf32, #tpu.memory_space<hbm>>) target(%arg9 : memref<16384xf32, #tpu.memory_space<vmem>>) target_semaphore(%arg14 : memref<!tpu.dma_semaphore, #tpu.memory_space<semaphore_mem>>)
    %add3A_222 = arith.constant 45056 : i32
    %add3A_223 = arith.addi %mul3A_4, %add3A_222 : i32
    %dma_start3A_224 = tpu.memref_slice %arg3[%add3A_223] : memref<2097152xi32, #tpu.memory_space<hbm>> -> memref<4096xi32, #tpu.memory_space<hbm>>
    %dma_start3A_225 = tpu.memref_slice %arg3[%add3A_223] : memref<2097152xi32, #tpu.memory_space<hbm>> -> memref<4096xi32, #tpu.memory_space<hbm>>
    tpu.enqueue_dma source(%dma_start3A_225 : memref<4096xi32, #tpu.memory_space<hbm>>) target(%arg11 : memref<4096xi32, #tpu.memory_space<vmem>>) target_semaphore(%arg16 : memref<!tpu.dma_semaphore, #tpu.memory_space<semaphore_mem>>)
    %dma_wait3A_226 = tpu.memref_slice %arg2[%add3A_198] : memref<8388608xf32, #tpu.memory_space<hbm>> -> memref<16384xf32, #tpu.memory_space<hbm>>
    %dma_wait3A_227 = tpu.memref_slice %arg2[%add3A_198] : memref<8388608xf32, #tpu.memory_space<hbm>> -> memref<16384xf32, #tpu.memory_space<hbm>>
    tpu.wait_dma2 semaphore(%arg13 : memref<!tpu.dma_semaphore, #tpu.memory_space<semaphore_mem>>) src(%dma_wait3A_227 : memref<16384xf32, #tpu.memory_space<hbm>>) dst(%arg8 : memref<16384xf32, #tpu.memory_space<vmem>>)
    %dma_wait3A_228 = tpu.memref_slice %arg3[%add3A_202] : memref<2097152xi32, #tpu.memory_space<hbm>> -> memref<4096xi32, #tpu.memory_space<hbm>>
    %dma_wait3A_229 = tpu.memref_slice %arg3[%add3A_202] : memref<2097152xi32, #tpu.memory_space<hbm>> -> memref<4096xi32, #tpu.memory_space<hbm>>
    tpu.wait_dma2 semaphore(%arg15 : memref<!tpu.dma_semaphore, #tpu.memory_space<semaphore_mem>>) src(%dma_wait3A_229 : memref<4096xi32, #tpu.memory_space<hbm>>) dst(%arg10 : memref<4096xi32, #tpu.memory_space<vmem>>)
    %parallel_loop3A_230 = arith.constant 0 : i32
    %parallel_loop3A_231 = arith.constant 4096 : i32
    %parallel_loop3A_232 = arith.constant 16 : i32
    scf.for %parallel_loop3A_338 = %parallel_loop3A_230 to %parallel_loop3A_231 step %parallel_loop3A_232  : i32 {
      %parallel_loop3A_339 = arith.index_cast %parallel_loop3A_338 : i32 to index
      %parallel_loop3A_340 = tpu.vector_load %arg10[%parallel_loop3A_339] {strides = array<i32>} : memref<4096xi32, #tpu.memory_space<vmem>>, vector<16xi32>,
      %parallel_loop3A_341 = arith.constant 0 : i32
      %parallel_loop3A_342 = vector.broadcast %parallel_loop3A_341 : i32 to vector<16xi32>
      %parallel_loop3A_343 = arith.shrsi %parallel_loop3A_340, %parallel_loop3A_342 : vector<16xi32>
      %parallel_loop3A_344 = arith.constant 255 : i32
      %parallel_loop3A_345 = vector.broadcast %parallel_loop3A_344 : i32 to vector<16xi32>
      %parallel_loop3A_346 = arith.andi %parallel_loop3A_343, %parallel_loop3A_345 : vector<16xi32>
      %parallel_loop3A_347 = tpu.vector_load_idx %arg6[%parallel_loop3A_346] : memref<100xf32, #tpu.memory_space<vmem>>[vector<16xi32>], vector<16xf32>,
      %parallel_loop3A_348 = arith.constant 4 : i32
      %parallel_loop3A_349 = arith.muli %parallel_loop3A_338, %parallel_loop3A_348 : i32
      %parallel_loop3A_350 = arith.constant 0 : i32
      %parallel_loop3A_351 = arith.addi %parallel_loop3A_349, %parallel_loop3A_350 : i32
      %parallel_loop3A_352 = arith.index_cast %parallel_loop3A_351 : i32 to index
      %parallel_loop3A_353 = tpu.vector_load %arg8[%parallel_loop3A_352] {strides = array<i32>} : memref<16384xf32, #tpu.memory_space<vmem>>, vector<16xf32>,
      tpu.vector_store %arg8[%parallel_loop3A_352], %parallel_loop3A_347 {add = true, strides = array<i32>} : memref<16384xf32, #tpu.memory_space<vmem>>, vector<16xf32>,
      %parallel_loop3A_354 = arith.constant 8 : i32
      %parallel_loop3A_355 = vector.broadcast %parallel_loop3A_354 : i32 to vector<16xi32>
      %parallel_loop3A_356 = arith.shrsi %parallel_loop3A_340, %parallel_loop3A_355 : vector<16xi32>
      %parallel_loop3A_357 = arith.constant 255 : i32
      %parallel_loop3A_358 = vector.broadcast %parallel_loop3A_357 : i32 to vector<16xi32>
      %parallel_loop3A_359 = arith.andi %parallel_loop3A_356, %parallel_loop3A_358 : vector<16xi32>
      %parallel_loop3A_360 = tpu.vector_load_idx %arg6[%parallel_loop3A_359] : memref<100xf32, #tpu.memory_space<vmem>>[vector<16xi32>], vector<16xf32>,
      %parallel_loop3A_361 = arith.constant 4 : i32
      %parallel_loop3A_362 = arith.muli %parallel_loop3A_338, %parallel_loop3A_361 : i32
      %parallel_loop3A_363 = arith.constant 16 : i32
      %parallel_loop3A_364 = arith.addi %parallel_loop3A_362, %parallel_loop3A_363 : i32
      %parallel_loop3A_365 = arith.index_cast %parallel_loop3A_364 : i32 to index
      %parallel_loop3A_366 = tpu.vector_load %arg8[%parallel_loop3A_365] {strides = array<i32>} : memref<16384xf32, #tpu.memory_space<vmem>>, vector<16xf32>,
      tpu.vector_store %arg8[%parallel_loop3A_365], %parallel_loop3A_360 {add = true, strides = array<i32>} : memref<16384xf32, #tpu.memory_space<vmem>>, vector<16xf32>,
      %parallel_loop3A_367 = arith.constant 16 : i32
      %parallel_loop3A_368 = vector.broadcast %parallel_loop3A_367 : i32 to vector<16xi32>
      %parallel_loop3A_369 = arith.shrsi %parallel_loop3A_340, %parallel_loop3A_368 : vector<16xi32>
      %parallel_loop3A_370 = arith.constant 255 : i32
      %parallel_loop3A_371 = vector.broadcast %parallel_loop3A_370 : i32 to vector<16xi32>
      %parallel_loop3A_372 = arith.andi %parallel_loop3A_369, %parallel_loop3A_371 : vector<16xi32>
      %parallel_loop3A_373 = tpu.vector_load_idx %arg6[%parallel_loop3A_372] : memref<100xf32, #tpu.memory_space<vmem>>[vector<16xi32>], vector<16xf32>,
      %parallel_loop3A_374 = arith.constant 4 : i32
      %parallel_loop3A_375 = arith.muli %parallel_loop3A_338, %parallel_loop3A_374 : i32
      %parallel_loop3A_376 = arith.constant 32 : i32
      %parallel_loop3A_377 = arith.addi %parallel_loop3A_375, %parallel_loop3A_376 : i32
      %parallel_loop3A_378 = arith.index_cast %parallel_loop3A_377 : i32 to index
      %parallel_loop3A_379 = tpu.vector_load %arg8[%parallel_loop3A_378] {strides = array<i32>} : memref<16384xf32, #tpu.memory_space<vmem>>, vector<16xf32>,
      tpu.vector_store %arg8[%parallel_loop3A_378], %parallel_loop3A_373 {add = true, strides = array<i32>} : memref<16384xf32, #tpu.memory_space<vmem>>, vector<16xf32>,
      %parallel_loop3A_380 = arith.constant 24 : i32
      %parallel_loop3A_381 = vector.broadcast %parallel_loop3A_380 : i32 to vector<16xi32>
      %parallel_loop3A_382 = arith.shrsi %parallel_loop3A_340, %parallel_loop3A_381 : vector<16xi32>
      %parallel_loop3A_383 = arith.constant 255 : i32
      %parallel_loop3A_384 = vector.broadcast %parallel_loop3A_383 : i32 to vector<16xi32>
      %parallel_loop3A_385 = arith.andi %parallel_loop3A_382, %parallel_loop3A_384 : vector<16xi32>
      %parallel_loop3A_386 = tpu.vector_load_idx %arg6[%parallel_loop3A_385] : memref<100xf32, #tpu.memory_space<vmem>>[vector<16xi32>], vector<16xf32>,
      %parallel_loop3A_387 = arith.constant 4 : i32
      %parallel_loop3A_388 = arith.muli %parallel_loop3A_338, %parallel_loop3A_387 : i32
      %parallel_loop3A_389 = arith.constant 48 : i32
      %parallel_loop3A_390 = arith.addi %parallel_loop3A_388, %parallel_loop3A_389 : i32
      %parallel_loop3A_391 = arith.index_cast %parallel_loop3A_390 : i32 to index
      %parallel_loop3A_392 = tpu.vector_load %arg8[%parallel_loop3A_391] {strides = array<i32>} : memref<16384xf32, #tpu.memory_space<vmem>>, vector<16xf32>,
      tpu.vector_store %arg8[%parallel_loop3A_391], %parallel_loop3A_386 {add = true, strides = array<i32>} : memref<16384xf32, #tpu.memory_space<vmem>>, vector<16xf32>,
    } {sc.loop_unroll_factor = 4 : i64, sc.parallel_access}
    %add3A_233 = arith.constant 163840 : i32
    %add3A_234 = arith.addi %mul3A_2, %add3A_233 : i32
    %dma_start3A_235 = tpu.memref_slice %arg5[%add3A_234] : memref<8388608xf32, #tpu.memory_space<hbm>> -> memref<16384xf32, #tpu.memory_space<hbm>>
    %dma_start3A_236 = tpu.memref_slice %arg5[%add3A_234] : memref<8388608xf32, #tpu.memory_space<hbm>> -> memref<16384xf32, #tpu.memory_space<hbm>>
    tpu.enqueue_dma source(%arg8 : memref<16384xf32, #tpu.memory_space<vmem>>) target(%dma_start3A_236 : memref<16384xf32, #tpu.memory_space<hbm>>) target_semaphore(%arg18 : memref<!tpu.dma_semaphore, #tpu.memory_space<semaphore_mem>>)
    %dma_wait3A_237 = tpu.memref_slice %arg5[%add3A_213] : memref<8388608xf32, #tpu.memory_space<hbm>> -> memref<16384xf32, #tpu.memory_space<hbm>>
    %dma_wait3A_238 = tpu.memref_slice %arg5[%add3A_213] : memref<8388608xf32, #tpu.memory_space<hbm>> -> memref<16384xf32, #tpu.memory_space<hbm>>
    tpu.wait_dma2 semaphore(%arg17 : memref<!tpu.dma_semaphore, #tpu.memory_space<semaphore_mem>>) src(%arg7 : memref<16384xf32, #tpu.memory_space<vmem>>) dst(%dma_wait3A_238 : memref<16384xf32, #tpu.memory_space<hbm>>)
    %add3A_239 = arith.constant 196608 : i32
    %add3A_240 = arith.addi %mul3A_2, %add3A_239 : i32
    %dma_start3A_241 = tpu.memref_slice %arg2[%add3A_240] : memref<8388608xf32, #tpu.memory_space<hbm>> -> memref<16384xf32, #tpu.memory_space<hbm>>
    %dma_start3A_242 = tpu.memref_slice %arg2[%add3A_240] : memref<8388608xf32, #tpu.memory_space<hbm>> -> memref<16384xf32, #tpu.memory_space<hbm>>
    tpu.enqueue_dma source(%dma_start3A_242 : memref<16384xf32, #tpu.memory_space<hbm>>) target(%arg7 : memref<16384xf32, #tpu.memory_space<vmem>>) target_semaphore(%arg12 : memref<!tpu.dma_semaphore, #tpu.memory_space<semaphore_mem>>)
    %add3A_243 = arith.constant 49152 : i32
    %add3A_244 = arith.addi %mul3A_4, %add3A_243 : i32
    %dma_start3A_245 = tpu.memref_slice %arg3[%add3A_244] : memref<2097152xi32, #tpu.memory_space<hbm>> -> memref<4096xi32, #tpu.memory_space<hbm>>
    %dma_start3A_246 = tpu.memref_slice %arg3[%add3A_244] : memref<2097152xi32, #tpu.memory_space<hbm>> -> memref<4096xi32, #tpu.memory_space<hbm>>
    tpu.enqueue_dma source(%dma_start3A_246 : memref<4096xi32, #tpu.memory_space<hbm>>) target(%arg10 : memref<4096xi32, #tpu.memory_space<vmem>>) target_semaphore(%arg15 : memref<!tpu.dma_semaphore, #tpu.memory_space<semaphore_mem>>)
    %dma_wait3A_247 = tpu.memref_slice %arg2[%add3A_219] : memref<8388608xf32, #tpu.memory_space<hbm>> -> memref<16384xf32, #tpu.memory_space<hbm>>
    %dma_wait3A_248 = tpu.memref_slice %arg2[%add3A_219] : memref<8388608xf32, #tpu.memory_space<hbm>> -> memref<16384xf32, #tpu.memory_space<hbm>>
    tpu.wait_dma2 semaphore(%arg14 : memref<!tpu.dma_semaphore, #tpu.memory_space<semaphore_mem>>) src(%dma_wait3A_248 : memref<16384xf32, #tpu.memory_space<hbm>>) dst(%arg9 : memref<16384xf32, #tpu.memory_space<vmem>>)
    %dma_wait3A_249 = tpu.memref_slice %arg3[%add3A_223] : memref<2097152xi32, #tpu.memory_space<hbm>> -> memref<4096xi32, #tpu.memory_space<hbm>>
    %dma_wait3A_250 = tpu.memref_slice %arg3[%add3A_223] : memref<2097152xi32, #tpu.memory_space<hbm>> -> memref<4096xi32, #tpu.memory_space<hbm>>
    tpu.wait_dma2 semaphore(%arg16 : memref<!tpu.dma_semaphore, #tpu.memory_space<semaphore_mem>>) src(%dma_wait3A_250 : memref<4096xi32, #tpu.memory_space<hbm>>) dst(%arg11 : memref<4096xi32, #tpu.memory_space<vmem>>)
    %parallel_loop3A_251 = arith.constant 0 : i32
    %parallel_loop3A_252 = arith.constant 4096 : i32
    %parallel_loop3A_253 = arith.constant 16 : i32
    scf.for %parallel_loop3A_338 = %parallel_loop3A_251 to %parallel_loop3A_252 step %parallel_loop3A_253  : i32 {
      %parallel_loop3A_339 = arith.index_cast %parallel_loop3A_338 : i32 to index
      %parallel_loop3A_340 = tpu.vector_load %arg11[%parallel_loop3A_339] {strides = array<i32>} : memref<4096xi32, #tpu.memory_space<vmem>>, vector<16xi32>,
      %parallel_loop3A_341 = arith.constant 0 : i32
      %parallel_loop3A_342 = vector.broadcast %parallel_loop3A_341 : i32 to vector<16xi32>
      %parallel_loop3A_343 = arith.shrsi %parallel_loop3A_340, %parallel_loop3A_342 : vector<16xi32>
      %parallel_loop3A_344 = arith.constant 255 : i32
      %parallel_loop3A_345 = vector.broadcast %parallel_loop3A_344 : i32 to vector<16xi32>
      %parallel_loop3A_346 = arith.andi %parallel_loop3A_343, %parallel_loop3A_345 : vector<16xi32>
      %parallel_loop3A_347 = tpu.vector_load_idx %arg6[%parallel_loop3A_346] : memref<100xf32, #tpu.memory_space<vmem>>[vector<16xi32>], vector<16xf32>,
      %parallel_loop3A_348 = arith.constant 4 : i32
      %parallel_loop3A_349 = arith.muli %parallel_loop3A_338, %parallel_loop3A_348 : i32
      %parallel_loop3A_350 = arith.constant 0 : i32
      %parallel_loop3A_351 = arith.addi %parallel_loop3A_349, %parallel_loop3A_350 : i32
      %parallel_loop3A_352 = arith.index_cast %parallel_loop3A_351 : i32 to index
      %parallel_loop3A_353 = tpu.vector_load %arg9[%parallel_loop3A_352] {strides = array<i32>} : memref<16384xf32, #tpu.memory_space<vmem>>, vector<16xf32>,
      tpu.vector_store %arg9[%parallel_loop3A_352], %parallel_loop3A_347 {add = true, strides = array<i32>} : memref<16384xf32, #tpu.memory_space<vmem>>, vector<16xf32>,
      %parallel_loop3A_354 = arith.constant 8 : i32
      %parallel_loop3A_355 = vector.broadcast %parallel_loop3A_354 : i32 to vector<16xi32>
      %parallel_loop3A_356 = arith.shrsi %parallel_loop3A_340, %parallel_loop3A_355 : vector<16xi32>
      %parallel_loop3A_357 = arith.constant 255 : i32
      %parallel_loop3A_358 = vector.broadcast %parallel_loop3A_357 : i32 to vector<16xi32>
      %parallel_loop3A_359 = arith.andi %parallel_loop3A_356, %parallel_loop3A_358 : vector<16xi32>
      %parallel_loop3A_360 = tpu.vector_load_idx %arg6[%parallel_loop3A_359] : memref<100xf32, #tpu.memory_space<vmem>>[vector<16xi32>], vector<16xf32>,
      %parallel_loop3A_361 = arith.constant 4 : i32
      %parallel_loop3A_362 = arith.muli %parallel_loop3A_338, %parallel_loop3A_361 : i32
      %parallel_loop3A_363 = arith.constant 16 : i32
      %parallel_loop3A_364 = arith.addi %parallel_loop3A_362, %parallel_loop3A_363 : i32
      %parallel_loop3A_365 = arith.index_cast %parallel_loop3A_364 : i32 to index
      %parallel_loop3A_366 = tpu.vector_load %arg9[%parallel_loop3A_365] {strides = array<i32>} : memref<16384xf32, #tpu.memory_space<vmem>>, vector<16xf32>,
      tpu.vector_store %arg9[%parallel_loop3A_365], %parallel_loop3A_360 {add = true, strides = array<i32>} : memref<16384xf32, #tpu.memory_space<vmem>>, vector<16xf32>,
      %parallel_loop3A_367 = arith.constant 16 : i32
      %parallel_loop3A_368 = vector.broadcast %parallel_loop3A_367 : i32 to vector<16xi32>
      %parallel_loop3A_369 = arith.shrsi %parallel_loop3A_340, %parallel_loop3A_368 : vector<16xi32>
      %parallel_loop3A_370 = arith.constant 255 : i32
      %parallel_loop3A_371 = vector.broadcast %parallel_loop3A_370 : i32 to vector<16xi32>
      %parallel_loop3A_372 = arith.andi %parallel_loop3A_369, %parallel_loop3A_371 : vector<16xi32>
      %parallel_loop3A_373 = tpu.vector_load_idx %arg6[%parallel_loop3A_372] : memref<100xf32, #tpu.memory_space<vmem>>[vector<16xi32>], vector<16xf32>,
      %parallel_loop3A_374 = arith.constant 4 : i32
      %parallel_loop3A_375 = arith.muli %parallel_loop3A_338, %parallel_loop3A_374 : i32
      %parallel_loop3A_376 = arith.constant 32 : i32
      %parallel_loop3A_377 = arith.addi %parallel_loop3A_375, %parallel_loop3A_376 : i32
      %parallel_loop3A_378 = arith.index_cast %parallel_loop3A_377 : i32 to index
      %parallel_loop3A_379 = tpu.vector_load %arg9[%parallel_loop3A_378] {strides = array<i32>} : memref<16384xf32, #tpu.memory_space<vmem>>, vector<16xf32>,
      tpu.vector_store %arg9[%parallel_loop3A_378], %parallel_loop3A_373 {add = true, strides = array<i32>} : memref<16384xf32, #tpu.memory_space<vmem>>, vector<16xf32>,
      %parallel_loop3A_380 = arith.constant 24 : i32
      %parallel_loop3A_381 = vector.broadcast %parallel_loop3A_380 : i32 to vector<16xi32>
      %parallel_loop3A_382 = arith.shrsi %parallel_loop3A_340, %parallel_loop3A_381 : vector<16xi32>
      %parallel_loop3A_383 = arith.constant 255 : i32
      %parallel_loop3A_384 = vector.broadcast %parallel_loop3A_383 : i32 to vector<16xi32>
      %parallel_loop3A_385 = arith.andi %parallel_loop3A_382, %parallel_loop3A_384 : vector<16xi32>
      %parallel_loop3A_386 = tpu.vector_load_idx %arg6[%parallel_loop3A_385] : memref<100xf32, #tpu.memory_space<vmem>>[vector<16xi32>], vector<16xf32>,
      %parallel_loop3A_387 = arith.constant 4 : i32
      %parallel_loop3A_388 = arith.muli %parallel_loop3A_338, %parallel_loop3A_387 : i32
      %parallel_loop3A_389 = arith.constant 48 : i32
      %parallel_loop3A_390 = arith.addi %parallel_loop3A_388, %parallel_loop3A_389 : i32
      %parallel_loop3A_391 = arith.index_cast %parallel_loop3A_390 : i32 to index
      %parallel_loop3A_392 = tpu.vector_load %arg9[%parallel_loop3A_391] {strides = array<i32>} : memref<16384xf32, #tpu.memory_space<vmem>>, vector<16xf32>,
      tpu.vector_store %arg9[%parallel_loop3A_391], %parallel_loop3A_386 {add = true, strides = array<i32>} : memref<16384xf32, #tpu.memory_space<vmem>>, vector<16xf32>,
    } {sc.loop_unroll_factor = 4 : i64, sc.parallel_access}
    %add3A_254 = arith.constant 180224 : i32
    %add3A_255 = arith.addi %mul3A_2, %add3A_254 : i32
    %dma_start3A_256 = tpu.memref_slice %arg5[%add3A_255] : memref<8388608xf32, #tpu.memory_space<hbm>> -> memref<16384xf32, #tpu.memory_space<hbm>>
    %dma_start3A_257 = tpu.memref_slice %arg5[%add3A_255] : memref<8388608xf32, #tpu.memory_space<hbm>> -> memref<16384xf32, #tpu.memory_space<hbm>>
    tpu.enqueue_dma source(%arg9 : memref<16384xf32, #tpu.memory_space<vmem>>) target(%dma_start3A_257 : memref<16384xf32, #tpu.memory_space<hbm>>) target_semaphore(%arg19 : memref<!tpu.dma_semaphore, #tpu.memory_space<semaphore_mem>>)
    %dma_wait3A_258 = tpu.memref_slice %arg5[%add3A_234] : memref<8388608xf32, #tpu.memory_space<hbm>> -> memref<16384xf32, #tpu.memory_space<hbm>>
    %dma_wait3A_259 = tpu.memref_slice %arg5[%add3A_234] : memref<8388608xf32, #tpu.memory_space<hbm>> -> memref<16384xf32, #tpu.memory_space<hbm>>
    tpu.wait_dma2 semaphore(%arg18 : memref<!tpu.dma_semaphore, #tpu.memory_space<semaphore_mem>>) src(%arg8 : memref<16384xf32, #tpu.memory_space<vmem>>) dst(%dma_wait3A_259 : memref<16384xf32, #tpu.memory_space<hbm>>)
    %add3A_260 = arith.constant 212992 : i32
    %add3A_261 = arith.addi %mul3A_2, %add3A_260 : i32
    %dma_start3A_262 = tpu.memref_slice %arg2[%add3A_261] : memref<8388608xf32, #tpu.memory_space<hbm>> -> memref<16384xf32, #tpu.memory_space<hbm>>
    %dma_start3A_263 = tpu.memref_slice %arg2[%add3A_261] : memref<8388608xf32, #tpu.memory_space<hbm>> -> memref<16384xf32, #tpu.memory_space<hbm>>
    tpu.enqueue_dma source(%dma_start3A_263 : memref<16384xf32, #tpu.memory_space<hbm>>) target(%arg8 : memref<16384xf32, #tpu.memory_space<vmem>>) target_semaphore(%arg13 : memref<!tpu.dma_semaphore, #tpu.memory_space<semaphore_mem>>)
    %add3A_264 = arith.constant 53248 : i32
    %add3A_265 = arith.addi %mul3A_4, %add3A_264 : i32
    %dma_start3A_266 = tpu.memref_slice %arg3[%add3A_265] : memref<2097152xi32, #tpu.memory_space<hbm>> -> memref<4096xi32, #tpu.memory_space<hbm>>
    %dma_start3A_267 = tpu.memref_slice %arg3[%add3A_265] : memref<2097152xi32, #tpu.memory_space<hbm>> -> memref<4096xi32, #tpu.memory_space<hbm>>
    tpu.enqueue_dma source(%dma_start3A_267 : memref<4096xi32, #tpu.memory_space<hbm>>) target(%arg11 : memref<4096xi32, #tpu.memory_space<vmem>>) target_semaphore(%arg16 : memref<!tpu.dma_semaphore, #tpu.memory_space<semaphore_mem>>)
    %dma_wait3A_268 = tpu.memref_slice %arg2[%add3A_240] : memref<8388608xf32, #tpu.memory_space<hbm>> -> memref<16384xf32, #tpu.memory_space<hbm>>
    %dma_wait3A_269 = tpu.memref_slice %arg2[%add3A_240] : memref<8388608xf32, #tpu.memory_space<hbm>> -> memref<16384xf32, #tpu.memory_space<hbm>>
    tpu.wait_dma2 semaphore(%arg12 : memref<!tpu.dma_semaphore, #tpu.memory_space<semaphore_mem>>) src(%dma_wait3A_269 : memref<16384xf32, #tpu.memory_space<hbm>>) dst(%arg7 : memref<16384xf32, #tpu.memory_space<vmem>>)
    %dma_wait3A_270 = tpu.memref_slice %arg3[%add3A_244] : memref<2097152xi32, #tpu.memory_space<hbm>> -> memref<4096xi32, #tpu.memory_space<hbm>>
    %dma_wait3A_271 = tpu.memref_slice %arg3[%add3A_244] : memref<2097152xi32, #tpu.memory_space<hbm>> -> memref<4096xi32, #tpu.memory_space<hbm>>
    tpu.wait_dma2 semaphore(%arg15 : memref<!tpu.dma_semaphore, #tpu.memory_space<semaphore_mem>>) src(%dma_wait3A_271 : memref<4096xi32, #tpu.memory_space<hbm>>) dst(%arg10 : memref<4096xi32, #tpu.memory_space<vmem>>)
    %parallel_loop3A_272 = arith.constant 0 : i32
    %parallel_loop3A_273 = arith.constant 4096 : i32
    %parallel_loop3A_274 = arith.constant 16 : i32
    scf.for %parallel_loop3A_338 = %parallel_loop3A_272 to %parallel_loop3A_273 step %parallel_loop3A_274  : i32 {
      %parallel_loop3A_339 = arith.index_cast %parallel_loop3A_338 : i32 to index
      %parallel_loop3A_340 = tpu.vector_load %arg10[%parallel_loop3A_339] {strides = array<i32>} : memref<4096xi32, #tpu.memory_space<vmem>>, vector<16xi32>,
      %parallel_loop3A_341 = arith.constant 0 : i32
      %parallel_loop3A_342 = vector.broadcast %parallel_loop3A_341 : i32 to vector<16xi32>
      %parallel_loop3A_343 = arith.shrsi %parallel_loop3A_340, %parallel_loop3A_342 : vector<16xi32>
      %parallel_loop3A_344 = arith.constant 255 : i32
      %parallel_loop3A_345 = vector.broadcast %parallel_loop3A_344 : i32 to vector<16xi32>
      %parallel_loop3A_346 = arith.andi %parallel_loop3A_343, %parallel_loop3A_345 : vector<16xi32>
      %parallel_loop3A_347 = tpu.vector_load_idx %arg6[%parallel_loop3A_346] : memref<100xf32, #tpu.memory_space<vmem>>[vector<16xi32>], vector<16xf32>,
      %parallel_loop3A_348 = arith.constant 4 : i32
      %parallel_loop3A_349 = arith.muli %parallel_loop3A_338, %parallel_loop3A_348 : i32
      %parallel_loop3A_350 = arith.constant 0 : i32
      %parallel_loop3A_351 = arith.addi %parallel_loop3A_349, %parallel_loop3A_350 : i32
      %parallel_loop3A_352 = arith.index_cast %parallel_loop3A_351 : i32 to index
      %parallel_loop3A_353 = tpu.vector_load %arg7[%parallel_loop3A_352] {strides = array<i32>} : memref<16384xf32, #tpu.memory_space<vmem>>, vector<16xf32>,
      tpu.vector_store %arg7[%parallel_loop3A_352], %parallel_loop3A_347 {add = true, strides = array<i32>} : memref<16384xf32, #tpu.memory_space<vmem>>, vector<16xf32>,
      %parallel_loop3A_354 = arith.constant 8 : i32
      %parallel_loop3A_355 = vector.broadcast %parallel_loop3A_354 : i32 to vector<16xi32>
      %parallel_loop3A_356 = arith.shrsi %parallel_loop3A_340, %parallel_loop3A_355 : vector<16xi32>
      %parallel_loop3A_357 = arith.constant 255 : i32
      %parallel_loop3A_358 = vector.broadcast %parallel_loop3A_357 : i32 to vector<16xi32>
      %parallel_loop3A_359 = arith.andi %parallel_loop3A_356, %parallel_loop3A_358 : vector<16xi32>
      %parallel_loop3A_360 = tpu.vector_load_idx %arg6[%parallel_loop3A_359] : memref<100xf32, #tpu.memory_space<vmem>>[vector<16xi32>], vector<16xf32>,
      %parallel_loop3A_361 = arith.constant 4 : i32
      %parallel_loop3A_362 = arith.muli %parallel_loop3A_338, %parallel_loop3A_361 : i32
      %parallel_loop3A_363 = arith.constant 16 : i32
      %parallel_loop3A_364 = arith.addi %parallel_loop3A_362, %parallel_loop3A_363 : i32
      %parallel_loop3A_365 = arith.index_cast %parallel_loop3A_364 : i32 to index
      %parallel_loop3A_366 = tpu.vector_load %arg7[%parallel_loop3A_365] {strides = array<i32>} : memref<16384xf32, #tpu.memory_space<vmem>>, vector<16xf32>,
      tpu.vector_store %arg7[%parallel_loop3A_365], %parallel_loop3A_360 {add = true, strides = array<i32>} : memref<16384xf32, #tpu.memory_space<vmem>>, vector<16xf32>,
      %parallel_loop3A_367 = arith.constant 16 : i32
      %parallel_loop3A_368 = vector.broadcast %parallel_loop3A_367 : i32 to vector<16xi32>
      %parallel_loop3A_369 = arith.shrsi %parallel_loop3A_340, %parallel_loop3A_368 : vector<16xi32>
      %parallel_loop3A_370 = arith.constant 255 : i32
      %parallel_loop3A_371 = vector.broadcast %parallel_loop3A_370 : i32 to vector<16xi32>
      %parallel_loop3A_372 = arith.andi %parallel_loop3A_369, %parallel_loop3A_371 : vector<16xi32>
      %parallel_loop3A_373 = tpu.vector_load_idx %arg6[%parallel_loop3A_372] : memref<100xf32, #tpu.memory_space<vmem>>[vector<16xi32>], vector<16xf32>,
      %parallel_loop3A_374 = arith.constant 4 : i32
      %parallel_loop3A_375 = arith.muli %parallel_loop3A_338, %parallel_loop3A_374 : i32
      %parallel_loop3A_376 = arith.constant 32 : i32
      %parallel_loop3A_377 = arith.addi %parallel_loop3A_375, %parallel_loop3A_376 : i32
      %parallel_loop3A_378 = arith.index_cast %parallel_loop3A_377 : i32 to index
      %parallel_loop3A_379 = tpu.vector_load %arg7[%parallel_loop3A_378] {strides = array<i32>} : memref<16384xf32, #tpu.memory_space<vmem>>, vector<16xf32>,
      tpu.vector_store %arg7[%parallel_loop3A_378], %parallel_loop3A_373 {add = true, strides = array<i32>} : memref<16384xf32, #tpu.memory_space<vmem>>, vector<16xf32>,
      %parallel_loop3A_380 = arith.constant 24 : i32
      %parallel_loop3A_381 = vector.broadcast %parallel_loop3A_380 : i32 to vector<16xi32>
      %parallel_loop3A_382 = arith.shrsi %parallel_loop3A_340, %parallel_loop3A_381 : vector<16xi32>
      %parallel_loop3A_383 = arith.constant 255 : i32
      %parallel_loop3A_384 = vector.broadcast %parallel_loop3A_383 : i32 to vector<16xi32>
      %parallel_loop3A_385 = arith.andi %parallel_loop3A_382, %parallel_loop3A_384 : vector<16xi32>
      %parallel_loop3A_386 = tpu.vector_load_idx %arg6[%parallel_loop3A_385] : memref<100xf32, #tpu.memory_space<vmem>>[vector<16xi32>], vector<16xf32>,
      %parallel_loop3A_387 = arith.constant 4 : i32
      %parallel_loop3A_388 = arith.muli %parallel_loop3A_338, %parallel_loop3A_387 : i32
      %parallel_loop3A_389 = arith.constant 48 : i32
      %parallel_loop3A_390 = arith.addi %parallel_loop3A_388, %parallel_loop3A_389 : i32
      %parallel_loop3A_391 = arith.index_cast %parallel_loop3A_390 : i32 to index
      %parallel_loop3A_392 = tpu.vector_load %arg7[%parallel_loop3A_391] {strides = array<i32>} : memref<16384xf32, #tpu.memory_space<vmem>>, vector<16xf32>,
      tpu.vector_store %arg7[%parallel_loop3A_391], %parallel_loop3A_386 {add = true, strides = array<i32>} : memref<16384xf32, #tpu.memory_space<vmem>>, vector<16xf32>,
    } {sc.loop_unroll_factor = 4 : i64, sc.parallel_access}
    %add3A_275 = arith.constant 196608 : i32
    %add3A_276 = arith.addi %mul3A_2, %add3A_275 : i32
    %dma_start3A_277 = tpu.memref_slice %arg5[%add3A_276] : memref<8388608xf32, #tpu.memory_space<hbm>> -> memref<16384xf32, #tpu.memory_space<hbm>>
    %dma_start3A_278 = tpu.memref_slice %arg5[%add3A_276] : memref<8388608xf32, #tpu.memory_space<hbm>> -> memref<16384xf32, #tpu.memory_space<hbm>>
    tpu.enqueue_dma source(%arg7 : memref<16384xf32, #tpu.memory_space<vmem>>) target(%dma_start3A_278 : memref<16384xf32, #tpu.memory_space<hbm>>) target_semaphore(%arg17 : memref<!tpu.dma_semaphore, #tpu.memory_space<semaphore_mem>>)
    %dma_wait3A_279 = tpu.memref_slice %arg5[%add3A_255] : memref<8388608xf32, #tpu.memory_space<hbm>> -> memref<16384xf32, #tpu.memory_space<hbm>>
    %dma_wait3A_280 = tpu.memref_slice %arg5[%add3A_255] : memref<8388608xf32, #tpu.memory_space<hbm>> -> memref<16384xf32, #tpu.memory_space<hbm>>
    tpu.wait_dma2 semaphore(%arg19 : memref<!tpu.dma_semaphore, #tpu.memory_space<semaphore_mem>>) src(%arg9 : memref<16384xf32, #tpu.memory_space<vmem>>) dst(%dma_wait3A_280 : memref<16384xf32, #tpu.memory_space<hbm>>)
    %add3A_281 = arith.constant 229376 : i32
    %add3A_282 = arith.addi %mul3A_2, %add3A_281 : i32
    %dma_start3A_283 = tpu.memref_slice %arg2[%add3A_282] : memref<8388608xf32, #tpu.memory_space<hbm>> -> memref<16384xf32, #tpu.memory_space<hbm>>
    %dma_start3A_284 = tpu.memref_slice %arg2[%add3A_282] : memref<8388608xf32, #tpu.memory_space<hbm>> -> memref<16384xf32, #tpu.memory_space<hbm>>
    tpu.enqueue_dma source(%dma_start3A_284 : memref<16384xf32, #tpu.memory_space<hbm>>) target(%arg9 : memref<16384xf32, #tpu.memory_space<vmem>>) target_semaphore(%arg14 : memref<!tpu.dma_semaphore, #tpu.memory_space<semaphore_mem>>)
    %add3A_285 = arith.constant 57344 : i32
    %add3A_286 = arith.addi %mul3A_4, %add3A_285 : i32
    %dma_start3A_287 = tpu.memref_slice %arg3[%add3A_286] : memref<2097152xi32, #tpu.memory_space<hbm>> -> memref<4096xi32, #tpu.memory_space<hbm>>
    %dma_start3A_288 = tpu.memref_slice %arg3[%add3A_286] : memref<2097152xi32, #tpu.memory_space<hbm>> -> memref<4096xi32, #tpu.memory_space<hbm>>
    tpu.enqueue_dma source(%dma_start3A_288 : memref<4096xi32, #tpu.memory_space<hbm>>) target(%arg10 : memref<4096xi32, #tpu.memory_space<vmem>>) target_semaphore(%arg15 : memref<!tpu.dma_semaphore, #tpu.memory_space<semaphore_mem>>)
    %dma_wait3A_289 = tpu.memref_slice %arg2[%add3A_261] : memref<8388608xf32, #tpu.memory_space<hbm>> -> memref<16384xf32, #tpu.memory_space<hbm>>
    %dma_wait3A_290 = tpu.memref_slice %arg2[%add3A_261] : memref<8388608xf32, #tpu.memory_space<hbm>> -> memref<16384xf32, #tpu.memory_space<hbm>>
    tpu.wait_dma2 semaphore(%arg13 : memref<!tpu.dma_semaphore, #tpu.memory_space<semaphore_mem>>) src(%dma_wait3A_290 : memref<16384xf32, #tpu.memory_space<hbm>>) dst(%arg8 : memref<16384xf32, #tpu.memory_space<vmem>>)
    %dma_wait3A_291 = tpu.memref_slice %arg3[%add3A_265] : memref<2097152xi32, #tpu.memory_space<hbm>> -> memref<4096xi32, #tpu.memory_space<hbm>>
    %dma_wait3A_292 = tpu.memref_slice %arg3[%add3A_265] : memref<2097152xi32, #tpu.memory_space<hbm>> -> memref<4096xi32, #tpu.memory_space<hbm>>
    tpu.wait_dma2 semaphore(%arg16 : memref<!tpu.dma_semaphore, #tpu.memory_space<semaphore_mem>>) src(%dma_wait3A_292 : memref<4096xi32, #tpu.memory_space<hbm>>) dst(%arg11 : memref<4096xi32, #tpu.memory_space<vmem>>)
    %parallel_loop3A_293 = arith.constant 0 : i32
    %parallel_loop3A_294 = arith.constant 4096 : i32
    %parallel_loop3A_295 = arith.constant 16 : i32
    scf.for %parallel_loop3A_338 = %parallel_loop3A_293 to %parallel_loop3A_294 step %parallel_loop3A_295  : i32 {
      %parallel_loop3A_339 = arith.index_cast %parallel_loop3A_338 : i32 to index
      %parallel_loop3A_340 = tpu.vector_load %arg11[%parallel_loop3A_339] {strides = array<i32>} : memref<4096xi32, #tpu.memory_space<vmem>>, vector<16xi32>,
      %parallel_loop3A_341 = arith.constant 0 : i32
      %parallel_loop3A_342 = vector.broadcast %parallel_loop3A_341 : i32 to vector<16xi32>
      %parallel_loop3A_343 = arith.shrsi %parallel_loop3A_340, %parallel_loop3A_342 : vector<16xi32>
      %parallel_loop3A_344 = arith.constant 255 : i32
      %parallel_loop3A_345 = vector.broadcast %parallel_loop3A_344 : i32 to vector<16xi32>
      %parallel_loop3A_346 = arith.andi %parallel_loop3A_343, %parallel_loop3A_345 : vector<16xi32>
      %parallel_loop3A_347 = tpu.vector_load_idx %arg6[%parallel_loop3A_346] : memref<100xf32, #tpu.memory_space<vmem>>[vector<16xi32>], vector<16xf32>,
      %parallel_loop3A_348 = arith.constant 4 : i32
      %parallel_loop3A_349 = arith.muli %parallel_loop3A_338, %parallel_loop3A_348 : i32
      %parallel_loop3A_350 = arith.constant 0 : i32
      %parallel_loop3A_351 = arith.addi %parallel_loop3A_349, %parallel_loop3A_350 : i32
      %parallel_loop3A_352 = arith.index_cast %parallel_loop3A_351 : i32 to index
      %parallel_loop3A_353 = tpu.vector_load %arg8[%parallel_loop3A_352] {strides = array<i32>} : memref<16384xf32, #tpu.memory_space<vmem>>, vector<16xf32>,
      tpu.vector_store %arg8[%parallel_loop3A_352], %parallel_loop3A_347 {add = true, strides = array<i32>} : memref<16384xf32, #tpu.memory_space<vmem>>, vector<16xf32>,
      %parallel_loop3A_354 = arith.constant 8 : i32
      %parallel_loop3A_355 = vector.broadcast %parallel_loop3A_354 : i32 to vector<16xi32>
      %parallel_loop3A_356 = arith.shrsi %parallel_loop3A_340, %parallel_loop3A_355 : vector<16xi32>
      %parallel_loop3A_357 = arith.constant 255 : i32
      %parallel_loop3A_358 = vector.broadcast %parallel_loop3A_357 : i32 to vector<16xi32>
      %parallel_loop3A_359 = arith.andi %parallel_loop3A_356, %parallel_loop3A_358 : vector<16xi32>
      %parallel_loop3A_360 = tpu.vector_load_idx %arg6[%parallel_loop3A_359] : memref<100xf32, #tpu.memory_space<vmem>>[vector<16xi32>], vector<16xf32>,
      %parallel_loop3A_361 = arith.constant 4 : i32
      %parallel_loop3A_362 = arith.muli %parallel_loop3A_338, %parallel_loop3A_361 : i32
      %parallel_loop3A_363 = arith.constant 16 : i32
      %parallel_loop3A_364 = arith.addi %parallel_loop3A_362, %parallel_loop3A_363 : i32
      %parallel_loop3A_365 = arith.index_cast %parallel_loop3A_364 : i32 to index
      %parallel_loop3A_366 = tpu.vector_load %arg8[%parallel_loop3A_365] {strides = array<i32>} : memref<16384xf32, #tpu.memory_space<vmem>>, vector<16xf32>,
      tpu.vector_store %arg8[%parallel_loop3A_365], %parallel_loop3A_360 {add = true, strides = array<i32>} : memref<16384xf32, #tpu.memory_space<vmem>>, vector<16xf32>,
      %parallel_loop3A_367 = arith.constant 16 : i32
      %parallel_loop3A_368 = vector.broadcast %parallel_loop3A_367 : i32 to vector<16xi32>
      %parallel_loop3A_369 = arith.shrsi %parallel_loop3A_340, %parallel_loop3A_368 : vector<16xi32>
      %parallel_loop3A_370 = arith.constant 255 : i32
      %parallel_loop3A_371 = vector.broadcast %parallel_loop3A_370 : i32 to vector<16xi32>
      %parallel_loop3A_372 = arith.andi %parallel_loop3A_369, %parallel_loop3A_371 : vector<16xi32>
      %parallel_loop3A_373 = tpu.vector_load_idx %arg6[%parallel_loop3A_372] : memref<100xf32, #tpu.memory_space<vmem>>[vector<16xi32>], vector<16xf32>,
      %parallel_loop3A_374 = arith.constant 4 : i32
      %parallel_loop3A_375 = arith.muli %parallel_loop3A_338, %parallel_loop3A_374 : i32
      %parallel_loop3A_376 = arith.constant 32 : i32
      %parallel_loop3A_377 = arith.addi %parallel_loop3A_375, %parallel_loop3A_376 : i32
      %parallel_loop3A_378 = arith.index_cast %parallel_loop3A_377 : i32 to index
      %parallel_loop3A_379 = tpu.vector_load %arg8[%parallel_loop3A_378] {strides = array<i32>} : memref<16384xf32, #tpu.memory_space<vmem>>, vector<16xf32>,
      tpu.vector_store %arg8[%parallel_loop3A_378], %parallel_loop3A_373 {add = true, strides = array<i32>} : memref<16384xf32, #tpu.memory_space<vmem>>, vector<16xf32>,
      %parallel_loop3A_380 = arith.constant 24 : i32
      %parallel_loop3A_381 = vector.broadcast %parallel_loop3A_380 : i32 to vector<16xi32>
      %parallel_loop3A_382 = arith.shrsi %parallel_loop3A_340, %parallel_loop3A_381 : vector<16xi32>
      %parallel_loop3A_383 = arith.constant 255 : i32
      %parallel_loop3A_384 = vector.broadcast %parallel_loop3A_383 : i32 to vector<16xi32>
      %parallel_loop3A_385 = arith.andi %parallel_loop3A_382, %parallel_loop3A_384 : vector<16xi32>
      %parallel_loop3A_386 = tpu.vector_load_idx %arg6[%parallel_loop3A_385] : memref<100xf32, #tpu.memory_space<vmem>>[vector<16xi32>], vector<16xf32>,
      %parallel_loop3A_387 = arith.constant 4 : i32
      %parallel_loop3A_388 = arith.muli %parallel_loop3A_338, %parallel_loop3A_387 : i32
      %parallel_loop3A_389 = arith.constant 48 : i32
      %parallel_loop3A_390 = arith.addi %parallel_loop3A_388, %parallel_loop3A_389 : i32
      %parallel_loop3A_391 = arith.index_cast %parallel_loop3A_390 : i32 to index
      %parallel_loop3A_392 = tpu.vector_load %arg8[%parallel_loop3A_391] {strides = array<i32>} : memref<16384xf32, #tpu.memory_space<vmem>>, vector<16xf32>,
      tpu.vector_store %arg8[%parallel_loop3A_391], %parallel_loop3A_386 {add = true, strides = array<i32>} : memref<16384xf32, #tpu.memory_space<vmem>>, vector<16xf32>,
    } {sc.loop_unroll_factor = 4 : i64, sc.parallel_access}
    %add3A_296 = arith.constant 212992 : i32
    %add3A_297 = arith.addi %mul3A_2, %add3A_296 : i32
    %dma_start3A_298 = tpu.memref_slice %arg5[%add3A_297] : memref<8388608xf32, #tpu.memory_space<hbm>> -> memref<16384xf32, #tpu.memory_space<hbm>>
    %dma_start3A_299 = tpu.memref_slice %arg5[%add3A_297] : memref<8388608xf32, #tpu.memory_space<hbm>> -> memref<16384xf32, #tpu.memory_space<hbm>>
    tpu.enqueue_dma source(%arg8 : memref<16384xf32, #tpu.memory_space<vmem>>) target(%dma_start3A_299 : memref<16384xf32, #tpu.memory_space<hbm>>) target_semaphore(%arg18 : memref<!tpu.dma_semaphore, #tpu.memory_space<semaphore_mem>>)
    %dma_wait3A_300 = tpu.memref_slice %arg5[%add3A_276] : memref<8388608xf32, #tpu.memory_space<hbm>> -> memref<16384xf32, #tpu.memory_space<hbm>>
    %dma_wait3A_301 = tpu.memref_slice %arg5[%add3A_276] : memref<8388608xf32, #tpu.memory_space<hbm>> -> memref<16384xf32, #tpu.memory_space<hbm>>
    tpu.wait_dma2 semaphore(%arg17 : memref<!tpu.dma_semaphore, #tpu.memory_space<semaphore_mem>>) src(%arg7 : memref<16384xf32, #tpu.memory_space<vmem>>) dst(%dma_wait3A_301 : memref<16384xf32, #tpu.memory_space<hbm>>)
    %add3A_302 = arith.constant 245760 : i32
    %add3A_303 = arith.addi %mul3A_2, %add3A_302 : i32
    %dma_start3A_304 = tpu.memref_slice %arg2[%add3A_303] : memref<8388608xf32, #tpu.memory_space<hbm>> -> memref<16384xf32, #tpu.memory_space<hbm>>
    %dma_start3A_305 = tpu.memref_slice %arg2[%add3A_303] : memref<8388608xf32, #tpu.memory_space<hbm>> -> memref<16384xf32, #tpu.memory_space<hbm>>
    tpu.enqueue_dma source(%dma_start3A_305 : memref<16384xf32, #tpu.memory_space<hbm>>) target(%arg7 : memref<16384xf32, #tpu.memory_space<vmem>>) target_semaphore(%arg12 : memref<!tpu.dma_semaphore, #tpu.memory_space<semaphore_mem>>)
    %add3A_306 = arith.constant 61440 : i32
    %add3A_307 = arith.addi %mul3A_4, %add3A_306 : i32
    %dma_start3A_308 = tpu.memref_slice %arg3[%add3A_307] : memref<2097152xi32, #tpu.memory_space<hbm>> -> memref<4096xi32, #tpu.memory_space<hbm>>
    %dma_start3A_309 = tpu.memref_slice %arg3[%add3A_307] : memref<2097152xi32, #tpu.memory_space<hbm>> -> memref<4096xi32, #tpu.memory_space<hbm>>
    tpu.enqueue_dma source(%dma_start3A_309 : memref<4096xi32, #tpu.memory_space<hbm>>) target(%arg11 : memref<4096xi32, #tpu.memory_space<vmem>>) target_semaphore(%arg16 : memref<!tpu.dma_semaphore, #tpu.memory_space<semaphore_mem>>)
    %dma_wait3A_310 = tpu.memref_slice %arg2[%add3A_282] : memref<8388608xf32, #tpu.memory_space<hbm>> -> memref<16384xf32, #tpu.memory_space<hbm>>
    %dma_wait3A_311 = tpu.memref_slice %arg2[%add3A_282] : memref<8388608xf32, #tpu.memory_space<hbm>> -> memref<16384xf32, #tpu.memory_space<hbm>>
    tpu.wait_dma2 semaphore(%arg14 : memref<!tpu.dma_semaphore, #tpu.memory_space<semaphore_mem>>) src(%dma_wait3A_311 : memref<16384xf32, #tpu.memory_space<hbm>>) dst(%arg9 : memref<16384xf32, #tpu.memory_space<vmem>>)
    %dma_wait3A_312 = tpu.memref_slice %arg3[%add3A_286] : memref<2097152xi32, #tpu.memory_space<hbm>> -> memref<4096xi32, #tpu.memory_space<hbm>>
    %dma_wait3A_313 = tpu.memref_slice %arg3[%add3A_286] : memref<2097152xi32, #tpu.memory_space<hbm>> -> memref<4096xi32, #tpu.memory_space<hbm>>
    tpu.wait_dma2 semaphore(%arg15 : memref<!tpu.dma_semaphore, #tpu.memory_space<semaphore_mem>>) src(%dma_wait3A_313 : memref<4096xi32, #tpu.memory_space<hbm>>) dst(%arg10 : memref<4096xi32, #tpu.memory_space<vmem>>)
    %parallel_loop3A_314 = arith.constant 0 : i32
    %parallel_loop3A_315 = arith.constant 4096 : i32
    %parallel_loop3A_316 = arith.constant 16 : i32
    scf.for %parallel_loop3A_338 = %parallel_loop3A_314 to %parallel_loop3A_315 step %parallel_loop3A_316  : i32 {
      %parallel_loop3A_339 = arith.index_cast %parallel_loop3A_338 : i32 to index
      %parallel_loop3A_340 = tpu.vector_load %arg10[%parallel_loop3A_339] {strides = array<i32>} : memref<4096xi32, #tpu.memory_space<vmem>>, vector<16xi32>,
      %parallel_loop3A_341 = arith.constant 0 : i32
      %parallel_loop3A_342 = vector.broadcast %parallel_loop3A_341 : i32 to vector<16xi32>
      %parallel_loop3A_343 = arith.shrsi %parallel_loop3A_340, %parallel_loop3A_342 : vector<16xi32>
      %parallel_loop3A_344 = arith.constant 255 : i32
      %parallel_loop3A_345 = vector.broadcast %parallel_loop3A_344 : i32 to vector<16xi32>
      %parallel_loop3A_346 = arith.andi %parallel_loop3A_343, %parallel_loop3A_345 : vector<16xi32>
      %parallel_loop3A_347 = tpu.vector_load_idx %arg6[%parallel_loop3A_346] : memref<100xf32, #tpu.memory_space<vmem>>[vector<16xi32>], vector<16xf32>,
      %parallel_loop3A_348 = arith.constant 4 : i32
      %parallel_loop3A_349 = arith.muli %parallel_loop3A_338, %parallel_loop3A_348 : i32
      %parallel_loop3A_350 = arith.constant 0 : i32
      %parallel_loop3A_351 = arith.addi %parallel_loop3A_349, %parallel_loop3A_350 : i32
      %parallel_loop3A_352 = arith.index_cast %parallel_loop3A_351 : i32 to index
      %parallel_loop3A_353 = tpu.vector_load %arg9[%parallel_loop3A_352] {strides = array<i32>} : memref<16384xf32, #tpu.memory_space<vmem>>, vector<16xf32>,
      tpu.vector_store %arg9[%parallel_loop3A_352], %parallel_loop3A_347 {add = true, strides = array<i32>} : memref<16384xf32, #tpu.memory_space<vmem>>, vector<16xf32>,
      %parallel_loop3A_354 = arith.constant 8 : i32
      %parallel_loop3A_355 = vector.broadcast %parallel_loop3A_354 : i32 to vector<16xi32>
      %parallel_loop3A_356 = arith.shrsi %parallel_loop3A_340, %parallel_loop3A_355 : vector<16xi32>
      %parallel_loop3A_357 = arith.constant 255 : i32
      %parallel_loop3A_358 = vector.broadcast %parallel_loop3A_357 : i32 to vector<16xi32>
      %parallel_loop3A_359 = arith.andi %parallel_loop3A_356, %parallel_loop3A_358 : vector<16xi32>
      %parallel_loop3A_360 = tpu.vector_load_idx %arg6[%parallel_loop3A_359] : memref<100xf32, #tpu.memory_space<vmem>>[vector<16xi32>], vector<16xf32>,
      %parallel_loop3A_361 = arith.constant 4 : i32
      %parallel_loop3A_362 = arith.muli %parallel_loop3A_338, %parallel_loop3A_361 : i32
      %parallel_loop3A_363 = arith.constant 16 : i32
      %parallel_loop3A_364 = arith.addi %parallel_loop3A_362, %parallel_loop3A_363 : i32
      %parallel_loop3A_365 = arith.index_cast %parallel_loop3A_364 : i32 to index
      %parallel_loop3A_366 = tpu.vector_load %arg9[%parallel_loop3A_365] {strides = array<i32>} : memref<16384xf32, #tpu.memory_space<vmem>>, vector<16xf32>,
      tpu.vector_store %arg9[%parallel_loop3A_365], %parallel_loop3A_360 {add = true, strides = array<i32>} : memref<16384xf32, #tpu.memory_space<vmem>>, vector<16xf32>,
      %parallel_loop3A_367 = arith.constant 16 : i32
      %parallel_loop3A_368 = vector.broadcast %parallel_loop3A_367 : i32 to vector<16xi32>
      %parallel_loop3A_369 = arith.shrsi %parallel_loop3A_340, %parallel_loop3A_368 : vector<16xi32>
      %parallel_loop3A_370 = arith.constant 255 : i32
      %parallel_loop3A_371 = vector.broadcast %parallel_loop3A_370 : i32 to vector<16xi32>
      %parallel_loop3A_372 = arith.andi %parallel_loop3A_369, %parallel_loop3A_371 : vector<16xi32>
      %parallel_loop3A_373 = tpu.vector_load_idx %arg6[%parallel_loop3A_372] : memref<100xf32, #tpu.memory_space<vmem>>[vector<16xi32>], vector<16xf32>,
      %parallel_loop3A_374 = arith.constant 4 : i32
      %parallel_loop3A_375 = arith.muli %parallel_loop3A_338, %parallel_loop3A_374 : i32
      %parallel_loop3A_376 = arith.constant 32 : i32
      %parallel_loop3A_377 = arith.addi %parallel_loop3A_375, %parallel_loop3A_376 : i32
      %parallel_loop3A_378 = arith.index_cast %parallel_loop3A_377 : i32 to index
      %parallel_loop3A_379 = tpu.vector_load %arg9[%parallel_loop3A_378] {strides = array<i32>} : memref<16384xf32, #tpu.memory_space<vmem>>, vector<16xf32>,
      tpu.vector_store %arg9[%parallel_loop3A_378], %parallel_loop3A_373 {add = true, strides = array<i32>} : memref<16384xf32, #tpu.memory_space<vmem>>, vector<16xf32>,
      %parallel_loop3A_380 = arith.constant 24 : i32
      %parallel_loop3A_381 = vector.broadcast %parallel_loop3A_380 : i32 to vector<16xi32>
      %parallel_loop3A_382 = arith.shrsi %parallel_loop3A_340, %parallel_loop3A_381 : vector<16xi32>
      %parallel_loop3A_383 = arith.constant 255 : i32
      %parallel_loop3A_384 = vector.broadcast %parallel_loop3A_383 : i32 to vector<16xi32>
      %parallel_loop3A_385 = arith.andi %parallel_loop3A_382, %parallel_loop3A_384 : vector<16xi32>
      %parallel_loop3A_386 = tpu.vector_load_idx %arg6[%parallel_loop3A_385] : memref<100xf32, #tpu.memory_space<vmem>>[vector<16xi32>], vector<16xf32>,
      %parallel_loop3A_387 = arith.constant 4 : i32
      %parallel_loop3A_388 = arith.muli %parallel_loop3A_338, %parallel_loop3A_387 : i32
      %parallel_loop3A_389 = arith.constant 48 : i32
      %parallel_loop3A_390 = arith.addi %parallel_loop3A_388, %parallel_loop3A_389 : i32
      %parallel_loop3A_391 = arith.index_cast %parallel_loop3A_390 : i32 to index
      %parallel_loop3A_392 = tpu.vector_load %arg9[%parallel_loop3A_391] {strides = array<i32>} : memref<16384xf32, #tpu.memory_space<vmem>>, vector<16xf32>,
      tpu.vector_store %arg9[%parallel_loop3A_391], %parallel_loop3A_386 {add = true, strides = array<i32>} : memref<16384xf32, #tpu.memory_space<vmem>>, vector<16xf32>,
    } {sc.loop_unroll_factor = 4 : i64, sc.parallel_access}
    %add3A_317 = arith.constant 229376 : i32
    %add3A_318 = arith.addi %mul3A_2, %add3A_317 : i32
    %dma_start3A_319 = tpu.memref_slice %arg5[%add3A_318] : memref<8388608xf32, #tpu.memory_space<hbm>> -> memref<16384xf32, #tpu.memory_space<hbm>>
    %dma_start3A_320 = tpu.memref_slice %arg5[%add3A_318] : memref<8388608xf32, #tpu.memory_space<hbm>> -> memref<16384xf32, #tpu.memory_space<hbm>>
    tpu.enqueue_dma source(%arg9 : memref<16384xf32, #tpu.memory_space<vmem>>) target(%dma_start3A_320 : memref<16384xf32, #tpu.memory_space<hbm>>) target_semaphore(%arg19 : memref<!tpu.dma_semaphore, #tpu.memory_space<semaphore_mem>>)
    %dma_wait3A_321 = tpu.memref_slice %arg2[%add3A_303] : memref<8388608xf32, #tpu.memory_space<hbm>> -> memref<16384xf32, #tpu.memory_space<hbm>>
    %dma_wait3A_322 = tpu.memref_slice %arg2[%add3A_303] : memref<8388608xf32, #tpu.memory_space<hbm>> -> memref<16384xf32, #tpu.memory_space<hbm>>
    tpu.wait_dma2 semaphore(%arg12 : memref<!tpu.dma_semaphore, #tpu.memory_space<semaphore_mem>>) src(%dma_wait3A_322 : memref<16384xf32, #tpu.memory_space<hbm>>) dst(%arg7 : memref<16384xf32, #tpu.memory_space<vmem>>)
    %dma_wait3A_323 = tpu.memref_slice %arg3[%add3A_307] : memref<2097152xi32, #tpu.memory_space<hbm>> -> memref<4096xi32, #tpu.memory_space<hbm>>
    %dma_wait3A_324 = tpu.memref_slice %arg3[%add3A_307] : memref<2097152xi32, #tpu.memory_space<hbm>> -> memref<4096xi32, #tpu.memory_space<hbm>>
    tpu.wait_dma2 semaphore(%arg16 : memref<!tpu.dma_semaphore, #tpu.memory_space<semaphore_mem>>) src(%dma_wait3A_324 : memref<4096xi32, #tpu.memory_space<hbm>>) dst(%arg11 : memref<4096xi32, #tpu.memory_space<vmem>>)
    %parallel_loop3A_325 = arith.constant 0 : i32
    %parallel_loop3A_326 = arith.constant 4096 : i32
    %parallel_loop3A_327 = arith.constant 16 : i32
    scf.for %parallel_loop3A_338 = %parallel_loop3A_325 to %parallel_loop3A_326 step %parallel_loop3A_327  : i32 {
      %parallel_loop3A_339 = arith.index_cast %parallel_loop3A_338 : i32 to index
      %parallel_loop3A_340 = tpu.vector_load %arg11[%parallel_loop3A_339] {strides = array<i32>} : memref<4096xi32, #tpu.memory_space<vmem>>, vector<16xi32>,
      %parallel_loop3A_341 = arith.constant 0 : i32
      %parallel_loop3A_342 = vector.broadcast %parallel_loop3A_341 : i32 to vector<16xi32>
      %parallel_loop3A_343 = arith.shrsi %parallel_loop3A_340, %parallel_loop3A_342 : vector<16xi32>
      %parallel_loop3A_344 = arith.constant 255 : i32
      %parallel_loop3A_345 = vector.broadcast %parallel_loop3A_344 : i32 to vector<16xi32>
      %parallel_loop3A_346 = arith.andi %parallel_loop3A_343, %parallel_loop3A_345 : vector<16xi32>
      %parallel_loop3A_347 = tpu.vector_load_idx %arg6[%parallel_loop3A_346] : memref<100xf32, #tpu.memory_space<vmem>>[vector<16xi32>], vector<16xf32>,
      %parallel_loop3A_348 = arith.constant 4 : i32
      %parallel_loop3A_349 = arith.muli %parallel_loop3A_338, %parallel_loop3A_348 : i32
      %parallel_loop3A_350 = arith.constant 0 : i32
      %parallel_loop3A_351 = arith.addi %parallel_loop3A_349, %parallel_loop3A_350 : i32
      %parallel_loop3A_352 = arith.index_cast %parallel_loop3A_351 : i32 to index
      %parallel_loop3A_353 = tpu.vector_load %arg7[%parallel_loop3A_352] {strides = array<i32>} : memref<16384xf32, #tpu.memory_space<vmem>>, vector<16xf32>,
      tpu.vector_store %arg7[%parallel_loop3A_352], %parallel_loop3A_347 {add = true, strides = array<i32>} : memref<16384xf32, #tpu.memory_space<vmem>>, vector<16xf32>,
      %parallel_loop3A_354 = arith.constant 8 : i32
      %parallel_loop3A_355 = vector.broadcast %parallel_loop3A_354 : i32 to vector<16xi32>
      %parallel_loop3A_356 = arith.shrsi %parallel_loop3A_340, %parallel_loop3A_355 : vector<16xi32>
      %parallel_loop3A_357 = arith.constant 255 : i32
      %parallel_loop3A_358 = vector.broadcast %parallel_loop3A_357 : i32 to vector<16xi32>
      %parallel_loop3A_359 = arith.andi %parallel_loop3A_356, %parallel_loop3A_358 : vector<16xi32>
      %parallel_loop3A_360 = tpu.vector_load_idx %arg6[%parallel_loop3A_359] : memref<100xf32, #tpu.memory_space<vmem>>[vector<16xi32>], vector<16xf32>,
      %parallel_loop3A_361 = arith.constant 4 : i32
      %parallel_loop3A_362 = arith.muli %parallel_loop3A_338, %parallel_loop3A_361 : i32
      %parallel_loop3A_363 = arith.constant 16 : i32
      %parallel_loop3A_364 = arith.addi %parallel_loop3A_362, %parallel_loop3A_363 : i32
      %parallel_loop3A_365 = arith.index_cast %parallel_loop3A_364 : i32 to index
      %parallel_loop3A_366 = tpu.vector_load %arg7[%parallel_loop3A_365] {strides = array<i32>} : memref<16384xf32, #tpu.memory_space<vmem>>, vector<16xf32>,
      tpu.vector_store %arg7[%parallel_loop3A_365], %parallel_loop3A_360 {add = true, strides = array<i32>} : memref<16384xf32, #tpu.memory_space<vmem>>, vector<16xf32>,
      %parallel_loop3A_367 = arith.constant 16 : i32
      %parallel_loop3A_368 = vector.broadcast %parallel_loop3A_367 : i32 to vector<16xi32>
      %parallel_loop3A_369 = arith.shrsi %parallel_loop3A_340, %parallel_loop3A_368 : vector<16xi32>
      %parallel_loop3A_370 = arith.constant 255 : i32
      %parallel_loop3A_371 = vector.broadcast %parallel_loop3A_370 : i32 to vector<16xi32>
      %parallel_loop3A_372 = arith.andi %parallel_loop3A_369, %parallel_loop3A_371 : vector<16xi32>
      %parallel_loop3A_373 = tpu.vector_load_idx %arg6[%parallel_loop3A_372] : memref<100xf32, #tpu.memory_space<vmem>>[vector<16xi32>], vector<16xf32>,
      %parallel_loop3A_374 = arith.constant 4 : i32
      %parallel_loop3A_375 = arith.muli %parallel_loop3A_338, %parallel_loop3A_374 : i32
      %parallel_loop3A_376 = arith.constant 32 : i32
      %parallel_loop3A_377 = arith.addi %parallel_loop3A_375, %parallel_loop3A_376 : i32
      %parallel_loop3A_378 = arith.index_cast %parallel_loop3A_377 : i32 to index
      %parallel_loop3A_379 = tpu.vector_load %arg7[%parallel_loop3A_378] {strides = array<i32>} : memref<16384xf32, #tpu.memory_space<vmem>>, vector<16xf32>,
      tpu.vector_store %arg7[%parallel_loop3A_378], %parallel_loop3A_373 {add = true, strides = array<i32>} : memref<16384xf32, #tpu.memory_space<vmem>>, vector<16xf32>,
      %parallel_loop3A_380 = arith.constant 24 : i32
      %parallel_loop3A_381 = vector.broadcast %parallel_loop3A_380 : i32 to vector<16xi32>
      %parallel_loop3A_382 = arith.shrsi %parallel_loop3A_340, %parallel_loop3A_381 : vector<16xi32>
      %parallel_loop3A_383 = arith.constant 255 : i32
      %parallel_loop3A_384 = vector.broadcast %parallel_loop3A_383 : i32 to vector<16xi32>
      %parallel_loop3A_385 = arith.andi %parallel_loop3A_382, %parallel_loop3A_384 : vector<16xi32>
      %parallel_loop3A_386 = tpu.vector_load_idx %arg6[%parallel_loop3A_385] : memref<100xf32, #tpu.memory_space<vmem>>[vector<16xi32>], vector<16xf32>,
      %parallel_loop3A_387 = arith.constant 4 : i32
      %parallel_loop3A_388 = arith.muli %parallel_loop3A_338, %parallel_loop3A_387 : i32
      %parallel_loop3A_389 = arith.constant 48 : i32
      %parallel_loop3A_390 = arith.addi %parallel_loop3A_388, %parallel_loop3A_389 : i32
      %parallel_loop3A_391 = arith.index_cast %parallel_loop3A_390 : i32 to index
      %parallel_loop3A_392 = tpu.vector_load %arg7[%parallel_loop3A_391] {strides = array<i32>} : memref<16384xf32, #tpu.memory_space<vmem>>, vector<16xf32>,
      tpu.vector_store %arg7[%parallel_loop3A_391], %parallel_loop3A_386 {add = true, strides = array<i32>} : memref<16384xf32, #tpu.memory_space<vmem>>, vector<16xf32>,
    } {sc.loop_unroll_factor = 4 : i64, sc.parallel_access}
    %add3A_328 = arith.constant 245760 : i32
    %add3A_329 = arith.addi %mul3A_2, %add3A_328 : i32
    %dma_start3A_330 = tpu.memref_slice %arg5[%add3A_329] : memref<8388608xf32, #tpu.memory_space<hbm>> -> memref<16384xf32, #tpu.memory_space<hbm>>
    %dma_start3A_331 = tpu.memref_slice %arg5[%add3A_329] : memref<8388608xf32, #tpu.memory_space<hbm>> -> memref<16384xf32, #tpu.memory_space<hbm>>
    tpu.enqueue_dma source(%arg7 : memref<16384xf32, #tpu.memory_space<vmem>>) target(%dma_start3A_331 : memref<16384xf32, #tpu.memory_space<hbm>>) target_semaphore(%arg17 : memref<!tpu.dma_semaphore, #tpu.memory_space<semaphore_mem>>)
    %dma_wait3A_332 = tpu.memref_slice %arg5[%add3A_329] : memref<8388608xf32, #tpu.memory_space<hbm>> -> memref<16384xf32, #tpu.memory_space<hbm>>
    %dma_wait3A_333 = tpu.memref_slice %arg5[%add3A_329] : memref<8388608xf32, #tpu.memory_space<hbm>> -> memref<16384xf32, #tpu.memory_space<hbm>>
    tpu.wait_dma2 semaphore(%arg17 : memref<!tpu.dma_semaphore, #tpu.memory_space<semaphore_mem>>) src(%arg7 : memref<16384xf32, #tpu.memory_space<vmem>>) dst(%dma_wait3A_333 : memref<16384xf32, #tpu.memory_space<hbm>>)
    %dma_wait3A_334 = tpu.memref_slice %arg5[%add3A_297] : memref<8388608xf32, #tpu.memory_space<hbm>> -> memref<16384xf32, #tpu.memory_space<hbm>>
    %dma_wait3A_335 = tpu.memref_slice %arg5[%add3A_297] : memref<8388608xf32, #tpu.memory_space<hbm>> -> memref<16384xf32, #tpu.memory_space<hbm>>
    tpu.wait_dma2 semaphore(%arg18 : memref<!tpu.dma_semaphore, #tpu.memory_space<semaphore_mem>>) src(%arg8 : memref<16384xf32, #tpu.memory_space<vmem>>) dst(%dma_wait3A_335 : memref<16384xf32, #tpu.memory_space<hbm>>)
    %dma_wait3A_336 = tpu.memref_slice %arg5[%add3A_318] : memref<8388608xf32, #tpu.memory_space<hbm>> -> memref<16384xf32, #tpu.memory_space<hbm>>
    %dma_wait3A_337 = tpu.memref_slice %arg5[%add3A_318] : memref<8388608xf32, #tpu.memory_space<hbm>> -> memref<16384xf32, #tpu.memory_space<hbm>>
    tpu.wait_dma2 semaphore(%arg19 : memref<!tpu.dma_semaphore, #tpu.memory_space<semaphore_mem>>) src(%arg9 : memref<16384xf32, #tpu.memory_space<vmem>>) dst(%dma_wait3A_337 : memref<16384xf32, #tpu.memory_space<hbm>>)
    return
  }
}

</mosaic_0001>

<sc_bundles>
// kernel: kernel.3.cloned.1.call-start
scs
__scs_entry_jumppad:
0x0: {  	(pc) =	sbr.rel $0x88, $3  }
0x1: {  	(tag) =	ssettag $0x0;
	lr =	simm.s32 $0x1  }
0x2: {  	[smem:$0x3F9E] =	sst lr;
	_ =	strace $0xD0000000  }
0x3: {  	_ = 	snop  }
0x4: {  	_ = 	snop  }
0x5: {  	_ = 	snop  }
0x6: {  	_ = 	snop  }
0x7: {  	_ = 	snop  }
__scs_overlays_trampoline_lowered:
0x8: {  	[smem:$0x3FAD] =	sst s0  }
0x9: {  	[smem:$0x3FAE] =	sst s1  }
0xa: {  	[smem:$0x3FAF] =	sst s2  }
0xb: {  	[smem:$0x3FB0] =	sst s3  }
0xc: {  	[smem:$0x3FB1] =	sst s4  }
0xd: {  	[smem:$0x3FB2] =	sst s5  }
0xe: {  	[smem:$0x3FB3] =	sst s6  }
0xf: {  	[smem:$0x3FB4] =	sst s7  }
0x10: {  	[smem:$0x3FB5] =	sst s8  }
0x11: {  	[smem:$0x3FB6] =	sst s9;
	s0 =	simm.s32 @!p0 $0x0  }
0x12: {  	s1 =	sld [smem:$0x3F9C];
	s0 =	simm.s32 @p0 $0x1  }
0x13: {  	[smem:$0x3FB7] =	sst s0;
	s0 =	simm.s32 @!p1 $0x0  }
0x14: {  	s2 =	sld [smem:$0x3F9B];
	s0 =	simm.s32 @p1 $0x1  }
0x15: {  	[smem:$0x3FB8] =	sst s0;
	s0 =	simm.s32 @!p2 $0x0  }
0x16: {  	s3 =	sld [smem:$0x3FDB];
	s0 =	simm.s32 @p2 $0x1  }
0x17: {  	s4 =	simm.s32 $0x1BF5;
	[smem:$0x3FBA] =	sst s0  }
0x18: {  	s0 =	sld [smem:$0x3F9D];
	_ =	swait.ge [sflag:s4], $0x0  }
0x19: {  	s7 =	sld [smem:$0x3F9E]  }
0x1a: {  	s8 =	sadd.s32 $0xFFFFE003, lr  }
0x1b: {  	s9 =	sadd.s32 $0xFFFFFEF7, lr;
	s5 =	simm.s32 $0xFFFFFFFF;
	p2 =	slt.u32 s8, $0xFFFFF086  }
0x1c: {  	p1 =	slt.u32 s9, $0xF7A;
	s5 =	simm.s32 @!p2 $0x0  }
0x1d: {  	s5 =	simm.s32 @p1 $0x1;
	p0 =	seq.s32 s7, s2  }
0x1e: {  	s7 =	smul.u32 @!p0 $0xF7A, s2;
	p2 =	seq.s32 @!p0 s5, $0x0  }
0x1f: {  	s9 =	smul.u32 $0xF7A, s1;
	s8 =	simm.s32 @!p0 $0x1BF5;
	p2 =	por !p2, p0  }
0x20: {  	[sflag:s8] =	ssyncset.s32 @!p0 $0xFFFFF086;
	s6 =	sadd.s32 @!p0 s3, s7;
	s7 =	simm.s32 @!p0 $0x108  }
0x21: {  	s3 =	sadd.s32 s3, s9;
	s6 =	sadd.s32 @!p0 $0x88, s6;
	s7 =	simm.s32 @p2 $0x1082  }
0x22: {  	[simem:s7], [sflag:s8] =	dma.local @!p0 [hbm:s6], $0xF7A  }
0x23: {  	s9 =	sor.u32 $0xD0000000, s2;
	s6 =	simm.s32 $0x108;
	_ =	swait.ge @!p0 [sflag:s8], $0x0  }
0x24: {  	s3 =	sadd.s32 $0x88, s3;
	s6 =	simm.s32 @!p1 $0x1082;
	[sflag:s4] =	ssyncset.s32 $0xFFFFF086  }
0x25: {  	[simem:s6], [sflag:s4] =	dma.local [hbm:s3], $0xF7A  }
0x26: {  	[smem:$0x3F9E] =	sst s1;
	(tag) =	ssettag s2;
	_ =	strace s9  }
0x27: {  	s1 =	sld [smem:$0x3FAE]  }
0x28: {  	s2 =	sld [smem:$0x3FAF]  }
0x29: {  	s4 =	sld [smem:$0x3FB1]  }
0x2a: {  	p0 =	seq.s32 s5, $0x0;
	s5 =	sld [smem:$0x3FB2]  }
0x2b: {  	s6 =	sld [smem:$0x3FB3]  }
0x2c: {  	s7 =	sld [smem:$0x3FB4]  }
0x2d: {  	s3 =	simm.s32 $0x108;
	s8 =	sld [smem:$0x3FB5]  }
0x2e: {  	s3 =	simm.s32 @!p0 $0x1082;
	s9 =	sld [smem:$0x3FB6]  }
0x2f: {  	lr =	sadd.s32 s0, s3;
	s0 =	sld [smem:$0x3FAD]  }
0x30: {  	s3 =	sld [smem:$0x3FB0]  }
0x31: {  	[smem:$0x3FB9] =	sst s10  }
0x32: {  	s10 =	sld [smem:$0x3FB7];
	_ =	sdelay $0x3  }
0x33: {  	p0 =	seq.s32 s10, $0x1;
	s10 =	sld [smem:$0x3FB9];
	_ =	sdelay $0x3  }
0x34: {  	[smem:$0x3FB9] =	sst s10  }
0x35: {  	s10 =	sld [smem:$0x3FB8];
	_ =	sdelay $0x3  }
0x36: {  	p1 =	seq.s32 s10, $0x1;
	s10 =	sld [smem:$0x3FB9];
	_ =	sdelay $0x3  }
0x37: {  	[smem:$0x3FB9] =	sst s10  }
0x38: {  	s10 =	sld [smem:$0x3FBA]  }
0x39: {  	_ = 	snop;
	(pc) =	sbr.ind lr, $3  }
0x3a: {  	_ = 	snop  }
0x3b: {  	_ = 	snop  }
0x3c: {  	p2 =	seq.s32 s10, $0x1;
	s10 =	sld [smem:$0x3FB9]  }
0x3d: {  	_ =	shalt  }
0x3e: {  	_ =	shalt  }
0x3f: {  	_ =	shalt  }
0x40: {  	_ =	shalt  }
0x41: {  	_ =	shalt  }
0x42: {  	_ =	shalt  }
0x43: {  	_ =	shalt  }
0x44: {  	_ =	shalt  }
0x45: {  	_ =	shalt  }
0x46: {  	_ =	shalt  }
0x47: {  	_ =	shalt  }
0x48: {  	_ =	shalt  }
0x49: {  	_ =	shalt  }
0x4a: {  	_ =	shalt  }
0x4b: {  	_ =	shalt  }
0x4c: {  	_ =	shalt  }
0x4d: {  	_ =	shalt  }
0x4e: {  	_ =	shalt  }
0x4f: {  	_ =	shalt  }
0x50: {  	_ =	shalt  }
0x51: {  	_ =	shalt  }
0x52: {  	_ =	shalt  }
0x53: {  	_ =	shalt  }
0x54: {  	_ =	shalt  }
0x55: {  	_ =	shalt  }
0x56: {  	_ =	shalt  }
0x57: {  	_ =	shalt  }
0x58: {  	_ =	shalt  }
0x59: {  	_ =	shalt  }
0x5a: {  	_ =	shalt  }
0x5b: {  	_ =	shalt  }
0x5c: {  	_ =	shalt  }
0x5d: {  	_ =	shalt  }
0x5e: {  	_ =	shalt  }
0x5f: {  	_ =	shalt  }
0x60: {  	_ =	shalt  }
0x61: {  	_ =	shalt  }
0x62: {  	_ =	shalt  }
0x63: {  	_ =	shalt  }
0x64: {  	_ =	shalt  }
0x65: {  	_ =	shalt  }
0x66: {  	_ =	shalt  }
0x67: {  	_ =	shalt  }
0x68: {  	_ =	shalt  }
0x69: {  	_ =	shalt  }
0x6a: {  	_ =	shalt  }
0x6b: {  	_ =	shalt  }
0x6c: {  	_ =	shalt  }
0x6d: {  	_ =	shalt  }
0x6e: {  	_ =	shalt  }
0x6f: {  	_ =	shalt  }
0x70: {  	_ =	shalt  }
0x71: {  	_ =	shalt  }
0x72: {  	_ =	shalt  }
0x73: {  	_ =	shalt  }
0x74: {  	_ =	shalt  }
0x75: {  	_ =	shalt  }
0x76: {  	_ =	shalt  }
0x77: {  	_ =	shalt  }
0x78: {  	_ =	shalt  }
0x79: {  	_ =	shalt  }
0x7a: {  	_ =	shalt  }
0x7b: {  	_ =	shalt  }
0x7c: {  	_ =	shalt  }
0x7d: {  	_ =	shalt  }
0x7e: {  	_ =	shalt  }
0x7f: {  	_ =	shalt  }
0x80: {  	_ =	shalt  }
0x81: {  	_ =	shalt  }
0x82: {  	_ =	shalt  }
0x83: {  	_ =	shalt  }
0x84: {  	_ =	shalt  }
0x85: {  	_ =	shalt  }
0x86: {  	_ =	shalt  }
0x87: {  	_ =	shalt  }
.Lfunc_end0:
.L_simem_size_0:
called_computation_lowered:
.L_overlay_start_0:
0x88: {  	s2 =	sld [smem:$0x3FD9]  }
0x89: {  	s3 =	sld [smem:$0x3FFE];
	_ =	sdelay $0x1  }
0x8a: {  	s1 =	srdreg.scid  }
0x8b: {  	s0 =	sand.u32 $0x1, s1  }
0x8c: {  	s17 =	sshll.u32 s0, $0xA;
	s2 =	sadd.s32 s3, s2  }
0x8d: {  	s2 =	sadd.s32 s2, s17  }
0x8e: {  	[smem:$0x3FC5] =	sst s2  }
0x8f: {  	_ = 	snop  }
0x90: {  	s2 =	sld [smem:$0x3FC9]  }
0x91: {  	s18 =	sld [smem:$0x3FC7]  }
0x92: {  	s4 =	sld [smem:$0x3FD0];
	(tm) =	ssettm $0x1  }
0x93: {  	s5 =	sld [smem:$0x3FFB];
	_ =	sdelay $0x3  }
0x94: {  	_ =	strace s5  }
0x95: {  	s5 =	sld [smem:$0x3FFC];
	_ =	sdelay $0x3  }
0x96: {  	_ =	strace s5  }
0x97: {  	s5 =	sld [smem:$0x3FFD];
	_ =	sdelay $0x3  }
0x98: {  	_ =	strace s5  }
0x99: {  	_ =	strace $0x8FFFFFFF  }
0x9a: {  	s19 =	sld [smem:$0x3FDB];
	_ =	sdelay $0x1  }
0x9b: {  	s6 =	simm.s32 $_scs_section_size  }
0x9c: {  	s7 =	simm.s32 $_size__tile_overlayer_lowered;
	s8 =	simm.s32 $_tile_overlayer_lowered  }
0x9d: {  	s22 =	simm.s32 $0x1BFF;
	s21 =	sshll.u32 s8, $0x1;
	s5 =	sadd.s32 s6, s19  }
0x9e: {  	s9 =	simm.s32 $0x0;
	s20 =	sshll.u32 s7, $0x1;
	s7 =	sadd.s32 s21, s5  }
0x9f: {  	[timem:s9], [sflag:s22] =	dma.local [hbm:s7], s20  }
0xa0: {  	_ =	swait.ge [sflag:s22], s20  }
0xa1: {  	s6 =	ssub.s32 $0x0, s20;
	[sflag:s22] =	ssyncset.done $0x0  }
0xa2: {  	[sflag:s22] =	ssyncadd.s32 s6;
	_ =	sdelay $0x1  }
0xa3: {  	s23 =	simm.s32 $0x1B8B  }
0xa4: {  	_ =	swait.ge [sflag:s23], $0x1  }
0xa5: {  	[sflag:s23] =	ssyncset.done $0x0  }
0xa6: {  	s25 =	simm.s32 $0x1B8E;
	s24 =	sld [smem:$0x3FFE];
	[sflag:s23] =	ssyncadd.s32 $0xFFFFFFFF  }
0xa7: {  	s26 =	simm.s32 $execute0_lowered;
	[smem:$0x3FD2] =	sst s25  }
0xa8: {  	s7 =	sshll.u32 s26, $0x1;
	_ =	strace $0x80000046;
	[dreg:$0x1] =	wrdreg $0xFFFFFFFF  }
0xa9: {  	s28 =	simm.s32 $_size_execute0_lowered;
	s5 =	sadd.s32 s5, s7;
	[dreg:$0x0] =	wrdreg $0x0  }
0xaa: {  	s7 =	sshll.u32 s28, $0x1;
	[dreg:$0x2] =	wrdreg s5  }
0xab: {  	[dreg:$0x3] =	wrdreg s7  }
0xac: {  	[dreg:$0x4] =	wrdreg $0xC0  }
0xad: {  	_ =	task [dreg:s9], $0x5FFFF  }
0xae: {  	[dreg:$0x1] =	wrdreg $0xFFFFFFFF  }
0xaf: {  	[dreg:$0x0] =	wrdreg $0x60  }
0xb0: {  	[dreg:$0x2] =	wrdreg s2  }
0xb1: {  	[dreg:$0x3] =	wrdreg s24  }
0xb2: {  	[dreg:$0x4] =	wrdreg s18  }
0xb3: {  	[dreg:$0x5] =	wrdreg s4  }
0xb4: {  	[dreg:$0x6] =	wrdreg $0x9  }
0xb5: {  	_ =	task.clear_ibuf [dreg:s9], $0x7FFFF;
	_ =	strace $0x90000046  }
0xb6: {  	s29 =	simm.s32 $0x9;
	_ =	strace $0x80000048  }
0xb7: {  	_ =	swait.ge [sflag:s29], $0x1  }
0xb8: {  	[sflag:s29] =	ssyncadd.s32 $0xFFFFFFFF  }
0xb9: {  	_ =	strace $0x90000048  }
0xba: {  	_ =	sfence  }
0xbb: {  	s30 =	sld [smem:$0x0];
	_ =	sdelay $0x2  }
0xbc: {  	s31 =	sshll.u32 s1, $0xD;
	s1 =	sshrl.u32 s1, $0x2  }
0xbd: {  	s3 =	sand.u32 $0x4000, s31;
	s1 =	sadd.s32 s1, s30  }
0xbe: {  	s0 =	sor.u32 s3, s0;
	s1 =	sshll.u32 s1, $0x11  }
0xbf: {  	s0 =	sor.u32 s1, s0  }
0xc0: {  	s0 =	sadd.s32 $0x8F2B, s0  }
0xc1: {  	[sflag:s0] =	ssyncadd.remote.s32 $0x1  }
0xc2: {  	_ =	sfence.sel $0xFFFF  }
0xc3: {  	[dreg:$0x0] =	wrdreg $0xFFFFFFFF;
	(pc) =	sbr.abs _section_cstart, $3  }
0xc4: {  	[dreg:$0x1] =	wrdreg $0xFFFFFFFF  }
0xc5: {  	_ =	task.clear_ibuf [dreg:s9], $0x2FFFF;
	_ =	strace $0x9FFFFFFF  }
0xc6: {  	(tm) =	ssettm $0x7FFFFFFF  }
0xc7: {  	_ =	shalt  }
tec
execute0_lowered:
.L_overlay_start_1:
0x0: {  	(tag) =	ssettag $0x1  }
0x1: {  	s4 =	srdreg.scid;
	s5 =	stileid.u32  }
0x2: {  	s1 =	rddreg [dreg:$0x0];
	s4 =	sand.u32 $0x1, s4;
	s5 =	sshll.u32 s5, $0x1  }
0x3: {  	s2 =	rddreg [dreg:$0x1];
	s3 =	simm.s32 $0x0;
	s5 =	sor.u32 s4, s5  }
0x4: {  	[smem:$0x7FF] =	sst s3;
	s6 =	sshll.u32 s5, $0xD;
	s5 =	sshll.u32 s5, $0xF  }
0x5: {  	s0 =	rddreg [dreg:$0x3];
	_ =	strace $0x80000047;
	s7 =	sor.u32 $0x800, s5  }
0x6: {  	s4 =	ssub.s32 $0x2, s4;
	s20 =	sor.u32 $0x1000, s5;
	s19 =	sadd.s32 s1, s7  }
0x7: {  	s18 =	sshrl.u32 s4, $0x1;
	s8 =	sadd.s32 s1, s20;
	[dreg:$0x5] =	wrdreg s19  }
0x8: {  	s21 =	sor.u32 $0x1800, s5;
	s7 =	sadd.s32 s0, s7;
	[dreg:$0x6] =	wrdreg s8  }
0x9: {  	s2 =	sadd.s32 s6, s2;
	s22 =	sadd.s32 s1, s21;
	[dreg:$0x7] =	wrdreg s7  }
0xa: {  	s23 =	sor.u32 $0x2000, s5;
	s6 =	sadd.s32 s0, s20;
	[dreg:$0x8] =	wrdreg s22  }
0xb: {  	s25 =	sor.u32 $0x2800, s5;
	s24 =	sadd.s32 s1, s23;
	[dreg:$0x9] =	wrdreg s6  }
0xc: {  	s9 =	sor.u32 $0x3000, s5;
	s26 =	sadd.s32 s1, s25;
	[dreg:$0xa] =	wrdreg s24  }
0xd: {  	s11 =	sor.u32 $0x3800, s5;
	s10 =	sadd.s32 s1, s9;
	[dreg:$0xc] =	wrdreg s26  }
0xe: {  	s13 =	sor.u32 $0x4000, s5;
	s12 =	sadd.s32 s1, s11;
	[dreg:$0xe] =	wrdreg s10  }
0xf: {  	s15 =	sor.u32 $0x4800, s5;
	s14 =	sadd.s32 s1, s13;
	[dreg:$0x10] =	wrdreg s12  }
0x10: {  	s17 =	sor.u32 $0x5000, s5;
	s16 =	sadd.s32 s1, s15;
	[dreg:$0x12] =	wrdreg s14  }
0x11: {  	s4 =	ssub.s32 s4, s18;
	s18 =	sadd.s32 s1, s17;
	[dreg:$0x15] =	wrdreg s16  }
0x12: {  	s7 =	sadd.s32 s0, s21;
	[dreg:$0x17] =	wrdreg s18  }
0x13: {  	s6 =	sadd.s32 s0, s23;
	[dreg:$0xb] =	wrdreg s7  }
0x14: {  	s22 =	sadd.s32 s1, s5;
	[dreg:$0xd] =	wrdreg s6  }
0x15: {  	s23 =	sadd.s32 s0, s5;
	[dreg:$0x1b] =	wrdreg s22  }
0x16: {  	s10 =	sadd.s32 $0x200200, s2;
	[dreg:$0x1c] =	wrdreg s23  }
0x17: {  	s12 =	sadd.s32 $0x200400, s2;
	[dreg:$0x1e] =	wrdreg s10  }
0x18: {  	s14 =	sadd.s32 $0x200800, s2;
	[smem:$0x7EE] =	sst s12  }
0x19: {  	s18 =	sadd.s32 $0x200C00, s2;
	[smem:$0x7F0] =	sst s14  }
0x1a: {  	s7 =	sadd.s32 s0, s25;
	[smem:$0x7F4] =	sst s18  }
0x1b: {  	s19 =	sor.u32 $0x5800, s5;
	s6 =	sadd.s32 s0, s9;
	[dreg:$0xf] =	wrdreg s7  }
0x1c: {  	s20 =	sadd.s32 s1, s19;
	[dreg:$0x11] =	wrdreg s6  }
0x1d: {  	s28 =	simm.s32 $0xD080;
	s21 =	sadd.s32 s0, s19;
	[dreg:$0x19] =	wrdreg s20  }
0x1e: {  	s29 =	simm.s32 $0x1;
	s9 =	sadd.s32 $0x200000, s2;
	[dreg:$0x1a] =	wrdreg s21  }
0x1f: {  	s26 =	sor.u32 $0x7000, s5;
	s19 =	sadd.s32 $0x200E00, s2;
	[dreg:$0x1d] =	wrdreg s9  }
0x20: {  	s30 =	simm.s32 $0x4;
	s22 =	sadd.s32 s1, s26;
	[smem:$0x7F5] =	sst s19  }
0x21: {  	s31 =	simm.s32 $0x8080;
	s23 =	sadd.s32 $0x201400, s2;
	[smem:$0x7F8] =	sst s22  }
0x22: {  	s24 =	sor.u32 $0x6000, s5;
	s7 =	sadd.s32 s0, s11;
	[smem:$0x7FA] =	sst s23  }
0x23: {  	s25 =	sor.u32 $0x6800, s5;
	s6 =	sadd.s32 s0, s13;
	[dreg:$0x13] =	wrdreg s7  }
0x24: {  	s5 =	sor.u32 $0x7800, s5;
	s11 =	sadd.s32 s1, s24;
	[dreg:$0x14] =	wrdreg s6  }
0x25: {  	s18 =	sadd.s32 $0x201A00, s2;
	s13 =	sadd.s32 $0x200600, s2;
	[dreg:$0x1f] =	wrdreg s11  }
0x26: {  	s16 =	sadd.s32 s1, s25;
	s20 =	sadd.s32 $0x201000, s2;
	[smem:$0x7EF] =	sst s13  }
0x27: {  	s21 =	sadd.s32 $0x201200, s2;
	s1 =	sadd.s32 s1, s5;
	[smem:$0x7F2] =	sst s16  }
0x28: {  	s19 =	sadd.s32 s0, s5;
	s22 =	smax.u32 s4, $0x1;
	[smem:$0x7F6] =	sst s20  }
0x29: {  	s23 =	simm.s32 $0x80;
	s4 =	simm.s32 $0x7;
	[smem:$0x7F7] =	sst s21  }
0x2a: {  	s7 =	sadd.s32 s0, s15;
	s6 =	sadd.s32 s0, s17;
	[smem:$0x7F9] =	sst s1  }
0x2b: {  	s15 =	sadd.s32 $0x200A00, s2;
	s17 =	sadd.s32 s0, s25;
	[dreg:$0x16] =	wrdreg s7  }
0x2c: {  	s25 =	sadd.s32 s0, s26;
	s26 =	sadd.s32 $0x201800, s2;
	[dreg:$0x18] =	wrdreg s6  }
0x2d: {  	s5 =	simm.s32 $0x8;
	s20 =	sadd.s32 $0x201C00, s2;
	[smem:$0x7F1] =	sst s15  }
0x2e: {  	s21 =	sadd.s32 $0x201E00, s2;
	s1 =	simm.s32 $0x3;
	[smem:$0x7F3] =	sst s17  }
0x2f: {  	s6 =	sadd.s32 s0, s24;
	s24 =	sadd.s32 $0x201600, s2;
	[smem:$0x7FC] =	sst s25  }
0x30: {  	[smem:$0x7FD] =	sst s26;
	s25 =	simm.s32 $0x6;
	s26 =	simm.s32 $0x4080  }
0x31: {  	s0 =	simm.s32 $0x2;
	s2 =	simm.s32 $0x5;
	[smem:$0x7ED] =	sst s6  }
0x32: {  	[smem:$0x7FB] =	sst s24;
	s24 =	simm.s32 $0xC080;
	s6 =	simm.s32 $0x0  }
.LBB2_1:
0x33: {  	s7 =	rddreg [dreg:$0x2]  }
0x34: {  	[tilespmem:s3], [sflag:$0x6] =	stream.linear.gather [hbm4b:s7+s3], $0x80, $0x38;
	[tilespmem:$0xE080] =	vst v63  }
0x35: {  	s17 =	rddreg [dreg:$0x1b]  }
0x36: {  	[tilespmem:s23], [sflag:$0x1] =	stream.linear.gather [hbm4b:s17+s3], $0x4000, $0x38;
	[tilespmem:$0xE080] =	vst v63  }
0x37: {  	s8 =	rddreg [dreg:$0x1d]  }
0x38: {  	[tilespmem:s24], [sflag:$0x4] =	stream.linear.gather [hbm4b:s8+s3], $0x1000, $0x38;
	[tilespmem:$0xE080] =	vst v63  }
0x39: {  	_ =	swait.ge [sflag:s25], $0x80  }
0x3a: {  	[sflag:s25] =	ssyncset.done $0x0  }
0x3b: {  	s9 =	rddreg [dreg:$0x5];
	[sflag:s25] =	ssyncadd.s32 $0xFFFFFF80  }
0x3c: {  	[tilespmem:s26], [sflag:$0x2] =	stream.linear.gather [hbm4b:s9+s3], $0x4000, $0x38;
	[tilespmem:$0xE080] =	vst v63  }
0x3d: {  	s10 =	rddreg [dreg:$0x1e]  }
0x3e: {  	[tilespmem:s28], [sflag:$0x5] =	stream.linear.gather [hbm4b:s10+s3], $0x1000, $0x38;
	[tilespmem:$0xE080] =	vst v63  }
0x3f: {  	_ =	swait.ge [sflag:s29], $0x4000  }
0x40: {  	[sflag:s29] =	ssyncset.done $0x0  }
0x41: {  	[sflag:s29] =	ssyncadd.s32 $0xFFFFC000  }
0x42: {  	_ =	swait.ge [sflag:s30], $0x1000  }
0x43: {  	[sflag:s30] =	ssyncset.done $0x0  }
0x44: {  	s11 =	simm.s32 $0x30;
	[sflag:s30] =	ssyncadd.s32 $0xFFFFF000  }
0x45: {  	v0 =	vld [tilespmem:s11+$0xC080]  }
0x46: {  	v1 =	vld [tilespmem:s11+$0xC050]  }
0x47: {  	v2 =	vld [tilespmem:s11+$0xC060]  }
0x48: {  	v3 =	vld [tilespmem:s11+$0xC070];
	_ =	sdelay $0x1  }
0x49: {  	v4 =	vand.u32 $0xFF, v0  }
0x4a: {  	v5 =	vand.u32 $0xFF, v1  }
0x4b: {  	v6 =	vand.u32 $0xFF, v2  }
0x4c: {  	s14 =	simm.s32 $0x70;
	v7 =	vand.u32 $0xFF, v3  }
0x4d: {  	v59 =	vld [tilespmem:s14+$0xC070]  }
0x4e: {  	v4 =	vld.idx.msk [tilespmem:v4+s3+$0x0], $0xffff  }
0x4f: {  	v5 =	vld.idx.msk [tilespmem:v5+s3+$0x0], $0xffff  }
0x50: {  	v6 =	vld.idx.msk [tilespmem:v6+s3+$0x0], $0xffff  }
0x51: {  	v8 =	vshrl.u32 v0, $0x8;
	v7 =	vld.idx.msk [tilespmem:v7+s3+$0x0], $0xffff  }
0x52: {  	s7 =	simm.s32 $0x140;
	v58 =	vld [tilespmem:s14+$0xC060];
	v9 =	vshrl.u32 v1, $0x8;
	v8 =	vand.u32 $0xFF, v8  }
0x53: {  	v9 =	vand.u32 $0xFF, v9;
	[tilespmem:s7+$0x0] =	vst.add.f32.msk $0xffff, v4  }
0x54: {  	v10 =	vshrl.u32 v2, $0x8;
	v11 =	vand.u32 $0xFF, v59;
	[tilespmem:s7+$0xFFFFFF40] =	vst.add.f32.msk $0xffff, v5  }
0x55: {  	v56 =	vshrl.u32 v3, $0x8;
	v4 =	vand.u32 $0xFF, v10;
	[tilespmem:s7+$0xFFFFFF80] =	vst.add.f32.msk $0xffff, v6  }
0x56: {  	v6 =	vand.u32 $0xFF, v56;
	[tilespmem:s7+$0xFFFFFFC0] =	vst.add.f32.msk $0xffff, v7  }
0x57: {  	v8 =	vld.idx.msk [tilespmem:v8+s3+$0x0], $0xffff  }
0x58: {  	v5 =	vshrl.u32 v0, $0x10;
	v7 =	vld.idx.msk [tilespmem:v9+s3+$0x0], $0xffff  }
0x59: {  	v11 =	vld.idx.msk [tilespmem:v11+s3+$0x0], $0xffff;
	v5 =	vand.u32 $0xFF, v5  }
0x5a: {  	s8 =	simm.s32 $0xC0;
	v57 =	vshrl.u32 v1, $0x10;
	v4 =	vld.idx.msk [tilespmem:v4+s3+$0x0], $0xffff  }
0x5b: {  	s9 =	sor.u32 $0x50, s8;
	v9 =	vand.u32 $0xFF, v57;
	v6 =	vld.idx.msk [tilespmem:v6+s3+$0x0], $0xffff  }
0x5c: {  	[tilespmem:s9+$0x80] =	vst.add.f32.msk $0xffff, v8  }
0x5d: {  	s10 =	simm.s32 $0x40;
	[tilespmem:s7+$0xFFFFFF50] =	vst.add.f32.msk $0xffff, v7  }
0x5e: {  	s12 =	sor.u32 $0x50, s10;
	v8 =	vshrl.u32 v2, $0x10;
	v5 =	vld.idx.msk [tilespmem:v5+s3+$0x0], $0xffff  }
0x5f: {  	v7 =	vshrl.u32 v3, $0x10;
	v8 =	vand.u32 $0xFF, v8;
	[tilespmem:s12+$0x80] =	vst.add.f32.msk $0xffff, v4  }
0x60: {  	v4 =	vand.u32 $0xFF, v7;
	v7 =	vld.idx.msk [tilespmem:v9+s3+$0x0], $0xffff  }
0x61: {  	v0 =	vshrl.u32 v0, $0x18;
	[tilespmem:s7+$0xFFFFFFD0] =	vst.add.f32.msk $0xffff, v6  }
0x62: {  	s13 =	sor.u32 $0x60, s8;
	v6 =	vld [tilespmem:s14+$0xC080]  }
0x63: {  	[tilespmem:s13+$0x80] =	vst.add.f32.msk $0xffff, v5  }
0x64: {  	v1 =	vshrl.u32 v1, $0x18;
	v5 =	vld.idx.msk [tilespmem:v8+s3+$0x0], $0xffff  }
0x65: {  	v8 =	vld [tilespmem:s14+$0xC050]  }
0x66: {  	v0 =	vld.idx.msk [tilespmem:v0+s3+$0x0], $0xffff  }
0x67: {  	v2 =	vshrl.u32 v2, $0x18;
	v4 =	vld.idx.msk [tilespmem:v4+s3+$0x0], $0xffff  }
0x68: {  	[tilespmem:s7+$0xFFFFFF60] =	vst.add.f32.msk $0xffff, v7  }
0x69: {  	s15 =	sor.u32 $0x60, s10;
	v3 =	vshrl.u32 v3, $0x18;
	v1 =	vld.idx.msk [tilespmem:v1+s3+$0x0], $0xffff  }
0x6a: {  	s8 =	sor.u32 $0x70, s8;
	v7 =	vand.u32 $0xFF, v6;
	[tilespmem:s15+$0x80] =	vst.add.f32.msk $0xffff, v5  }
0x6b: {  	[tilespmem:s8+$0x80] =	vst.add.f32.msk $0xffff, v0  }
0x6c: {  	v5 =	vand.u32 $0xFF, v58;
	v2 =	vld.idx.msk [tilespmem:v2+s3+$0x0], $0xffff  }
0x6d: {  	[tilespmem:s7+$0xFFFFFFE0] =	vst.add.f32.msk $0xffff, v4;
	v4 =	vand.u32 $0xFF, v8  }
0x6e: {  	v0 =	vld.idx.msk [tilespmem:v3+s3+$0x0], $0xffff  }
0x6f: {  	s8 =	simm.s32 $0x240;
	v3 =	vld.idx.msk [tilespmem:v7+s3+$0x0], $0xffff;
	v7 =	vshrl.u32 v6, $0x8  }
0x70: {  	[tilespmem:s8+$0xFFFFFFC0] =	vst.add.f32.msk $0xffff, v11;
	v7 =	vand.u32 $0xFF, v7  }
0x71: {  	v5 =	vld.idx.msk [tilespmem:v5+s3+$0x0], $0xffff  }
0x72: {  	v4 =	vld.idx.msk [tilespmem:v4+s3+$0x0], $0xffff  }
0x73: {  	v12 =	vshrl.u32 v8, $0x8;
	[tilespmem:s7+$0xFFFFFF70] =	vst.add.f32.msk $0xffff, v1  }
0x74: {  	v60 =	vshrl.u32 v58, $0x8;
	v1 =	vand.u32 $0xFF, v12;
	[tilespmem:s8+$0x0] =	vst.add.f32.msk $0xffff, v3  }
0x75: {  	v3 =	vand.u32 $0xFF, v60;
	v7 =	vld.idx.msk [tilespmem:v7+s3+$0x0], $0xffff  }
0x76: {  	v61 =	vshrl.u32 v59, $0x8;
	[tilespmem:s8+$0xFFFFFF80] =	vst.add.f32.msk $0xffff, v5  }
0x77: {  	s10 =	sor.u32 $0x70, s10;
	v5 =	vand.u32 $0xFF, v61;
	[tilespmem:s8+$0xFFFFFF40] =	vst.add.f32.msk $0xffff, v4;
	v4 =	vshrl.u32 v6, $0x10  }
0x78: {  	[tilespmem:s10+$0x80] =	vst.add.f32.msk $0xffff, v2;
	v4 =	vand.u32 $0xFF, v4  }
0x79: {  	s9 =	simm.s32 $0x1C0;
	v1 =	vld.idx.msk [tilespmem:v1+s3+$0x0], $0xffff  }
0x7a: {  	s11 =	sor.u32 $0x50, s9;
	v62 =	vshrl.u32 v8, $0x10;
	v3 =	vld.idx.msk [tilespmem:v3+s3+$0x0], $0xffff  }
0x7b: {  	[tilespmem:s11+$0x80] =	vst.add.f32.msk $0xffff, v7;
	v7 =	vand.u32 $0xFF, v62  }
0x7c: {  	v5 =	vld.idx.msk [tilespmem:v5+s3+$0x0], $0xffff  }
0x7d: {  	s13 =	simm.s32 $0x140;
	v4 =	vld.idx.msk [tilespmem:v4+s3+$0x0], $0xffff  }
0x7e: {  	s16 =	sor.u32 $0x50, s13;
	v2 =	vshrl.u32 v58, $0x10;
	v6 =	vshrl.u32 v6, $0x18;
	[tilespmem:s8+$0xFFFFFF50] =	vst.add.f32.msk $0xffff, v1  }
0x7f: {  	v2 =	vand.u32 $0xFF, v2;
	v1 =	vshrl.u32 v59, $0x10;
	[tilespmem:s16+$0x80] =	vst.add.f32.msk $0xffff, v3  }
0x80: {  	v63 =	vand.u32 $0xFF, v1;
	v7 =	vld.idx.msk [tilespmem:v7+s3+$0x0], $0xffff  }
0x81: {  	s17 =	sor.u32 $0x60, s9;
	[tilespmem:s8+$0xFFFFFFD0] =	vst.add.f32.msk $0xffff, v5  }
0x82: {  	[tilespmem:s17+$0x80] =	vst.add.f32.msk $0xffff, v4  }
0x83: {  	v4 =	vld.idx.msk [tilespmem:v6+s3+$0x0], $0xffff  }
0x84: {  	s12 =	sor.u32 $0x60, s13;
	v5 =	vld.idx.msk [tilespmem:v2+s3+$0x0], $0xffff  }
0x85: {  	s10 =	sor.u32 $0x70, s13;
	s13 =	simm.s32 $0x2C0;
	s11 =	simm.s32 $0x40;
	v3 =	vshrl.u32 v58, $0x18;
	v2 =	vshrl.u32 v8, $0x18;
	v1 =	vshrl.u32 v59, $0x18;
	v6 =	vld.idx.msk [tilespmem:v63+s3+$0x0], $0xffff  }
.LBB2_2:
0x86: {  	s16 =	sshra.s32 s13, $0x2;
	s15 =	sadd.s32 $0xFFFFFF80, s13;
	s11 =	sadd.s32 $0x40, s11;
	[tilespmem:s8+$0xFFFFFF60] =	vst.add.f32.msk $0xffff, v7  }
0x87: {  	s9 =	sor.u32 $0x70, s9;
	s14 =	sor.u32 $0x50, s15;
	v7 =	vld [tilespmem:s16+$0xC080];
	p0 =	slt.u32 s11, $0xFC0  }
0x88: {  	s17 =	sor.u32 $0x60, s15;
	s15 =	sor.u32 $0x70, s15;
	[tilespmem:s9+$0x80] =	vst.add.f32.msk $0xffff, v4;
	s9 =	smov.u32 s13  }
0x89: {  	v4 =	vld [tilespmem:s16+$0xC050]  }
0x8a: {  	v8 =	vld [tilespmem:s16+$0xC060]  }
0x8b: {  	v9 =	vld [tilespmem:s16+$0xC070]  }
0x8c: {  	v10 =	vand.u32 $0xFF, v7;
	[tilespmem:s12+$0x80] =	vst.add.f32.msk $0xffff, v5;
	s12 =	smov.u32 s17  }
0x8d: {  	[tilespmem:s8+$0xFFFFFFE0] =	vst.add.f32.msk $0xffff, v6  }
0x8e: {  	v5 =	vand.u32 $0xFF, v4;
	v6 =	vshrl.u32 v4, $0x8;
	v11 =	vshrl.u32 v4, $0x10;
	v12 =	vld.idx.msk [tilespmem:v2+s3+$0x0], $0xffff  }
0x8f: {  	v6 =	vand.u32 $0xFF, v6;
	v13 =	vand.u32 $0xFF, v8;
	v2 =	vshrl.u32 v8, $0x8;
	v14 =	vld.idx.msk [tilespmem:v3+s3+$0x0], $0xffff  }
0x90: {  	v15 =	vand.u32 $0xFF, v2;
	v16 =	vand.u32 $0xFF, v9;
	v2 =	vshrl.u32 v9, $0x8;
	v17 =	vld.idx.msk [tilespmem:v1+s3+$0x0], $0xffff  }
0x91: {  	v1 =	vshrl.u32 v8, $0x10;
	v3 =	vshrl.u32 v9, $0x10;
	v18 =	vand.u32 $0xFF, v2;
	v10 =	vld.idx.msk [tilespmem:v10+s3+$0x0], $0xffff  }
0x92: {  	v11 =	vand.u32 $0xFF, v11;
	v19 =	vand.u32 $0xFF, v1;
	v1 =	vshrl.u32 v7, $0x8;
	[tilespmem:s7+$0xFFFFFFF0] =	vst.add.f32.msk $0xffff, v0;
	s7 =	smov.u32 s8  }
0x93: {  	v2 =	vshrl.u32 v4, $0x18;
	v20 =	vand.u32 $0xFF, v3;
	v4 =	vand.u32 $0xFF, v1;
	v5 =	vld.idx.msk [tilespmem:v5+s3+$0x0], $0xffff  }
0x94: {  	v3 =	vshrl.u32 v8, $0x18;
	v1 =	vshrl.u32 v9, $0x18;
	v13 =	vld.idx.msk [tilespmem:v13+s3+$0x0], $0xffff  }
0x95: {  	v8 =	vld.idx.msk [tilespmem:v16+s3+$0x0], $0xffff  }
0x96: {  	s8 =	sadd.s32 $0x100, s8;
	v0 =	vmov v17;
	[tilespmem:s7+$0xFFFFFF70] =	vst.add.f32.msk $0xffff, v12  }
0x97: {  	[tilespmem:s8+$0x0] =	vst.add.f32.msk $0xffff, v10  }
0x98: {  	v4 =	vld.idx.msk [tilespmem:v4+s3+$0x0], $0xffff  }
0x99: {  	[tilespmem:s8+$0xFFFFFF40] =	vst.add.f32.msk $0xffff, v5;
	v5 =	vshrl.u32 v7, $0x10  }
0x9a: {  	[tilespmem:s8+$0xFFFFFF80] =	vst.add.f32.msk $0xffff, v13;
	v5 =	vand.u32 $0xFF, v5  }
0x9b: {  	[tilespmem:s8+$0xFFFFFFC0] =	vst.add.f32.msk $0xffff, v8  }
0x9c: {  	v6 =	vld.idx.msk [tilespmem:v6+s3+$0x0], $0xffff  }
0x9d: {  	s16 =	sor.u32 $0x50, s13;
	v8 =	vld.idx.msk [tilespmem:v15+s3+$0x0], $0xffff  }
0x9e: {  	[tilespmem:s16+$0x80] =	vst.add.f32.msk $0xffff, v4  }
0x9f: {  	v4 =	vld.idx.msk [tilespmem:v5+s3+$0x0], $0xffff  }
0xa0: {  	v5 =	vld.idx.msk [tilespmem:v18+s3+$0x0], $0xffff  }
0xa1: {  	v9 =	vshrl.u32 v7, $0x18;
	[tilespmem:s10+$0x80] =	vst.add.f32.msk $0xffff, v14;
	s10 =	smov.u32 s15  }
0xa2: {  	[tilespmem:s8+$0xFFFFFF50] =	vst.add.f32.msk $0xffff, v6  }
0xa3: {  	[tilespmem:s14+$0x80] =	vst.add.f32.msk $0xffff, v8  }
0xa4: {  	s14 =	sor.u32 $0x60, s13;
	v7 =	vld.idx.msk [tilespmem:v11+s3+$0x0], $0xffff  }
.Ltmp0:
0xa5: {  	[tilespmem:s14+$0x80] =	vst.add.f32.msk $0xffff, v4;
	(pc) =	sbr.rel @p0 .LBB2_2-.Ltmp0, $4  }
0xa6: {  	v4 =	vld.idx.msk [tilespmem:v9+s3+$0x0], $0xffff  }
0xa7: {  	[tilespmem:s8+$0xFFFFFFD0] =	vst.add.f32.msk $0xffff, v5  }
0xa8: {  	v5 =	vld.idx.msk [tilespmem:v19+s3+$0x0], $0xffff  }
0xa9: {  	s13 =	sadd.s32 $0x100, s13;
	v6 =	vld.idx.msk [tilespmem:v20+s3+$0x0], $0xffff  }
0xaa: {  	_ =	sdelay $0x2  }
0xab: {  	[tilespmem:s8+$0xFFFFFF60] =	vst.add.f32.msk $0xffff, v7  }
0xac: {  	v2 =	vld.idx.msk [tilespmem:v2+s3+$0x0], $0xffff  }
0xad: {  	[tilespmem:s12+$0x80] =	vst.add.f32.msk $0xffff, v5  }
0xae: {  	[tilespmem:s8+$0xFFFFFFE0] =	vst.add.f32.msk $0xffff, v6  }
0xaf: {  	v3 =	vld.idx.msk [tilespmem:v3+s3+$0x0], $0xffff  }
0xb0: {  	v1 =	vld.idx.msk [tilespmem:v1+s3+$0x0], $0xffff  }
0xb1: {  	s9 =	sor.u32 $0x70, s9;
	[tilespmem:s7+$0xFFFFFFF0] =	vst.add.f32.msk $0xffff, v0  }
0xb2: {  	[tilespmem:s9+$0x80] =	vst.add.f32.msk $0xffff, v4  }
0xb3: {  	[tilespmem:s8+$0xFFFFFF70] =	vst.add.f32.msk $0xffff, v2  }
0xb4: {  	[tilespmem:s10+$0x80] =	vst.add.f32.msk $0xffff, v3  }
0xb5: {  	[tilespmem:s8+$0xFFFFFFF0] =	vst.add.f32.msk $0xffff, v1  }
0xb6: {  	s7 =	rddreg [dreg:$0x1c]  }
0xb7: {  	s12 =	rddreg [dreg:$0x6]  }
0xb8: {  	[hbm4b:s7+s3] =	stream.linear.scatter [tilespmem:s23], [sflag:$0x6], $0x4000, $0x38;
	[tilespmem:$0xE080] =	vst v63  }
0xb9: {  	s13 =	sld [smem:$0x7EE]  }
0xba: {  	[tilespmem:s31], [sflag:$0x3] =	stream.linear.gather [hbm4b:s12+s3], $0x4000, $0x38;
	[tilespmem:$0xE080] =	vst v63  }
0xbb: {  	_ = 	snop  }
0xbc: {  	[tilespmem:s24], [sflag:$0x4] =	stream.linear.gather [hbm4b:s13+s3], $0x1000, $0x38;
	[tilespmem:$0xE080] =	vst v63  }
0xbd: {  	_ =	swait.ge [sflag:s0], $0x4000  }
0xbe: {  	[sflag:s0] =	ssyncset.done $0x0  }
0xbf: {  	[sflag:s0] =	ssyncadd.s32 $0xFFFFC000  }
0xc0: {  	_ =	swait.ge [sflag:s2], $0x1000  }
0xc1: {  	[sflag:s2] =	ssyncset.done $0x0  }
0xc2: {  	s14 =	simm.s32 $0x30;
	[sflag:s2] =	ssyncadd.s32 $0xFFFFF000  }
0xc3: {  	v0 =	vld [tilespmem:s14+$0xD080]  }
0xc4: {  	v1 =	vld [tilespmem:s14+$0xD050]  }
0xc5: {  	v2 =	vld [tilespmem:s14+$0xD060]  }
0xc6: {  	v3 =	vld [tilespmem:s14+$0xD070];
	_ =	sdelay $0x1  }
0xc7: {  	v4 =	vand.u32 $0xFF, v0  }
0xc8: {  	v5 =	vand.u32 $0xFF, v1  }
0xc9: {  	v6 =	vand.u32 $0xFF, v2  }
0xca: {  	s14 =	simm.s32 $0x70;
	v7 =	vand.u32 $0xFF, v3  }
0xcb: {  	v59 =	vld [tilespmem:s14+$0xD070]  }
0xcc: {  	v4 =	vld.idx.msk [tilespmem:v4+s3+$0x0], $0xffff  }
0xcd: {  	v5 =	vld.idx.msk [tilespmem:v5+s3+$0x0], $0xffff  }
0xce: {  	v6 =	vld.idx.msk [tilespmem:v6+s3+$0x0], $0xffff  }
0xcf: {  	v8 =	vshrl.u32 v0, $0x8;
	v7 =	vld.idx.msk [tilespmem:v7+s3+$0x0], $0xffff  }
0xd0: {  	s7 =	simm.s32 $0x4140;
	v58 =	vld [tilespmem:s14+$0xD060];
	v9 =	vshrl.u32 v1, $0x8;
	v8 =	vand.u32 $0xFF, v8  }
0xd1: {  	v9 =	vand.u32 $0xFF, v9;
	[tilespmem:s7+$0x0] =	vst.add.f32.msk $0xffff, v4  }
0xd2: {  	v10 =	vshrl.u32 v2, $0x8;
	v11 =	vand.u32 $0xFF, v59;
	[tilespmem:s7+$0xFFFFFF40] =	vst.add.f32.msk $0xffff, v5  }
0xd3: {  	v56 =	vshrl.u32 v3, $0x8;
	v4 =	vand.u32 $0xFF, v10;
	[tilespmem:s7+$0xFFFFFF80] =	vst.add.f32.msk $0xffff, v6  }
0xd4: {  	v6 =	vand.u32 $0xFF, v56;
	[tilespmem:s7+$0xFFFFFFC0] =	vst.add.f32.msk $0xffff, v7  }
0xd5: {  	v8 =	vld.idx.msk [tilespmem:v8+s3+$0x0], $0xffff  }
0xd6: {  	v5 =	vshrl.u32 v0, $0x10;
	v7 =	vld.idx.msk [tilespmem:v9+s3+$0x0], $0xffff  }
0xd7: {  	v11 =	vld.idx.msk [tilespmem:v11+s3+$0x0], $0xffff;
	v5 =	vand.u32 $0xFF, v5  }
0xd8: {  	s15 =	simm.s32 $0xC0;
	v57 =	vshrl.u32 v1, $0x10;
	v4 =	vld.idx.msk [tilespmem:v4+s3+$0x0], $0xffff  }
0xd9: {  	s16 =	sor.u32 $0x50, s15;
	v9 =	vand.u32 $0xFF, v57;
	v6 =	vld.idx.msk [tilespmem:v6+s3+$0x0], $0xffff  }
0xda: {  	[tilespmem:s16+$0x4080] =	vst.add.f32.msk $0xffff, v8  }
0xdb: {  	s17 =	simm.s32 $0x40;
	[tilespmem:s7+$0xFFFFFF50] =	vst.add.f32.msk $0xffff, v7  }
0xdc: {  	s12 =	sor.u32 $0x50, s17;
	v8 =	vshrl.u32 v2, $0x10;
	v5 =	vld.idx.msk [tilespmem:v5+s3+$0x0], $0xffff  }
0xdd: {  	v7 =	vshrl.u32 v3, $0x10;
	v8 =	vand.u32 $0xFF, v8;
	[tilespmem:s12+$0x4080] =	vst.add.f32.msk $0xffff, v4  }
0xde: {  	v4 =	vand.u32 $0xFF, v7;
	v7 =	vld.idx.msk [tilespmem:v9+s3+$0x0], $0xffff  }
0xdf: {  	v0 =	vshrl.u32 v0, $0x18;
	[tilespmem:s7+$0xFFFFFFD0] =	vst.add.f32.msk $0xffff, v6  }
0xe0: {  	s13 =	sor.u32 $0x60, s15;
	v6 =	vld [tilespmem:s14+$0xD080]  }
0xe1: {  	[tilespmem:s13+$0x4080] =	vst.add.f32.msk $0xffff, v5  }
0xe2: {  	v1 =	vshrl.u32 v1, $0x18;
	v5 =	vld.idx.msk [tilespmem:v8+s3+$0x0], $0xffff  }
0xe3: {  	v8 =	vld [tilespmem:s14+$0xD050]  }
0xe4: {  	v0 =	vld.idx.msk [tilespmem:v0+s3+$0x0], $0xffff  }
0xe5: {  	v2 =	vshrl.u32 v2, $0x18;
	v4 =	vld.idx.msk [tilespmem:v4+s3+$0x0], $0xffff  }
0xe6: {  	[tilespmem:s7+$0xFFFFFF60] =	vst.add.f32.msk $0xffff, v7  }
0xe7: {  	s8 =	sor.u32 $0x70, s15;
	s15 =	sor.u32 $0x60, s17;
	v3 =	vshrl.u32 v3, $0x18;
	v1 =	vld.idx.msk [tilespmem:v1+s3+$0x0], $0xffff  }
0xe8: {  	v7 =	vand.u32 $0xFF, v6;
	[tilespmem:s15+$0x4080] =	vst.add.f32.msk $0xffff, v5  }
0xe9: {  	[tilespmem:s8+$0x4080] =	vst.add.f32.msk $0xffff, v0  }
0xea: {  	v5 =	vand.u32 $0xFF, v58;
	v2 =	vld.idx.msk [tilespmem:v2+s3+$0x0], $0xffff  }
0xeb: {  	[tilespmem:s7+$0xFFFFFFE0] =	vst.add.f32.msk $0xffff, v4;
	v4 =	vand.u32 $0xFF, v8  }
0xec: {  	v0 =	vld.idx.msk [tilespmem:v3+s3+$0x0], $0xffff  }
0xed: {  	s8 =	simm.s32 $0x4240;
	v3 =	vld.idx.msk [tilespmem:v7+s3+$0x0], $0xffff;
	v7 =	vshrl.u32 v6, $0x8  }
0xee: {  	[tilespmem:s8+$0xFFFFFFC0] =	vst.add.f32.msk $0xffff, v11;
	v7 =	vand.u32 $0xFF, v7  }
0xef: {  	v5 =	vld.idx.msk [tilespmem:v5+s3+$0x0], $0xffff  }
0xf0: {  	v4 =	vld.idx.msk [tilespmem:v4+s3+$0x0], $0xffff  }
0xf1: {  	v12 =	vshrl.u32 v8, $0x8;
	[tilespmem:s7+$0xFFFFFF70] =	vst.add.f32.msk $0xffff, v1  }
0xf2: {  	v60 =	vshrl.u32 v58, $0x8;
	v1 =	vand.u32 $0xFF, v12;
	[tilespmem:s8+$0x0] =	vst.add.f32.msk $0xffff, v3  }
0xf3: {  	v3 =	vand.u32 $0xFF, v60;
	v7 =	vld.idx.msk [tilespmem:v7+s3+$0x0], $0xffff  }
0xf4: {  	v61 =	vshrl.u32 v59, $0x8;
	[tilespmem:s8+$0xFFFFFF80] =	vst.add.f32.msk $0xffff, v5  }
0xf5: {  	s10 =	sor.u32 $0x70, s17;
	v5 =	vand.u32 $0xFF, v61;
	[tilespmem:s8+$0xFFFFFF40] =	vst.add.f32.msk $0xffff, v4;
	v4 =	vshrl.u32 v6, $0x10  }
0xf6: {  	[tilespmem:s10+$0x4080] =	vst.add.f32.msk $0xffff, v2;
	v4 =	vand.u32 $0xFF, v4  }
0xf7: {  	s9 =	simm.s32 $0x1C0;
	v1 =	vld.idx.msk [tilespmem:v1+s3+$0x0], $0xffff  }
0xf8: {  	s11 =	sor.u32 $0x50, s9;
	v62 =	vshrl.u32 v8, $0x10;
	v3 =	vld.idx.msk [tilespmem:v3+s3+$0x0], $0xffff  }
0xf9: {  	[tilespmem:s11+$0x4080] =	vst.add.f32.msk $0xffff, v7;
	v7 =	vand.u32 $0xFF, v62  }
0xfa: {  	v5 =	vld.idx.msk [tilespmem:v5+s3+$0x0], $0xffff  }
0xfb: {  	s13 =	simm.s32 $0x140;
	v4 =	vld.idx.msk [tilespmem:v4+s3+$0x0], $0xffff  }
0xfc: {  	s16 =	sor.u32 $0x50, s13;
	v2 =	vshrl.u32 v58, $0x10;
	v6 =	vshrl.u32 v6, $0x18;
	[tilespmem:s8+$0xFFFFFF50] =	vst.add.f32.msk $0xffff, v1  }
0xfd: {  	v2 =	vand.u32 $0xFF, v2;
	v1 =	vshrl.u32 v59, $0x10;
	[tilespmem:s16+$0x4080] =	vst.add.f32.msk $0xffff, v3  }
0xfe: {  	v63 =	vand.u32 $0xFF, v1;
	v7 =	vld.idx.msk [tilespmem:v7+s3+$0x0], $0xffff  }
0xff: {  	s17 =	sor.u32 $0x60, s9;
	[tilespmem:s8+$0xFFFFFFD0] =	vst.add.f32.msk $0xffff, v5  }
0x100: {  	[tilespmem:s17+$0x4080] =	vst.add.f32.msk $0xffff, v4  }
0x101: {  	v4 =	vld.idx.msk [tilespmem:v6+s3+$0x0], $0xffff  }
0x102: {  	s12 =	sor.u32 $0x60, s13;
	v5 =	vld.idx.msk [tilespmem:v2+s3+$0x0], $0xffff  }
0x103: {  	s10 =	sor.u32 $0x70, s13;
	s13 =	simm.s32 $0x2C0;
	s11 =	simm.s32 $0x40;
	v3 =	vshrl.u32 v58, $0x18;
	v2 =	vshrl.u32 v8, $0x18;
	v1 =	vshrl.u32 v59, $0x18;
	v6 =	vld.idx.msk [tilespmem:v63+s3+$0x0], $0xffff  }
.LBB2_4:
0x104: {  	s16 =	sshra.s32 s13, $0x2;
	s15 =	sadd.s32 $0xFFFFFF80, s13;
	s11 =	sadd.s32 $0x40, s11;
	[tilespmem:s8+$0xFFFFFF60] =	vst.add.f32.msk $0xffff, v7  }
0x105: {  	s9 =	sor.u32 $0x70, s9;
	s14 =	sor.u32 $0x50, s15;
	v7 =	vld [tilespmem:s16+$0xD080];
	p0 =	slt.u32 s11, $0xFC0  }
0x106: {  	s17 =	sor.u32 $0x60, s15;
	s15 =	sor.u32 $0x70, s15;
	[tilespmem:s9+$0x4080] =	vst.add.f32.msk $0xffff, v4;
	s9 =	smov.u32 s13  }
0x107: {  	v4 =	vld [tilespmem:s16+$0xD050]  }
0x108: {  	v8 =	vld [tilespmem:s16+$0xD060]  }
0x109: {  	v9 =	vld [tilespmem:s16+$0xD070]  }
0x10a: {  	v10 =	vand.u32 $0xFF, v7;
	[tilespmem:s12+$0x4080] =	vst.add.f32.msk $0xffff, v5;
	s12 =	smov.u32 s17  }
0x10b: {  	[tilespmem:s8+$0xFFFFFFE0] =	vst.add.f32.msk $0xffff, v6  }
0x10c: {  	v5 =	vand.u32 $0xFF, v4;
	v6 =	vshrl.u32 v4, $0x8;
	v11 =	vshrl.u32 v4, $0x10;
	v12 =	vld.idx.msk [tilespmem:v2+s3+$0x0], $0xffff  }
0x10d: {  	v6 =	vand.u32 $0xFF, v6;
	v13 =	vand.u32 $0xFF, v8;
	v2 =	vshrl.u32 v8, $0x8;
	v14 =	vld.idx.msk [tilespmem:v3+s3+$0x0], $0xffff  }
0x10e: {  	v15 =	vand.u32 $0xFF, v2;
	v16 =	vand.u32 $0xFF, v9;
	v2 =	vshrl.u32 v9, $0x8;
	v17 =	vld.idx.msk [tilespmem:v1+s3+$0x0], $0xffff  }
0x10f: {  	v1 =	vshrl.u32 v8, $0x10;
	v3 =	vshrl.u32 v9, $0x10;
	v18 =	vand.u32 $0xFF, v2;
	v10 =	vld.idx.msk [tilespmem:v10+s3+$0x0], $0xffff  }
0x110: {  	v11 =	vand.u32 $0xFF, v11;
	v19 =	vand.u32 $0xFF, v1;
	v1 =	vshrl.u32 v7, $0x8;
	[tilespmem:s7+$0xFFFFFFF0] =	vst.add.f32.msk $0xffff, v0;
	s7 =	smov.u32 s8  }
0x111: {  	v2 =	vshrl.u32 v4, $0x18;
	v20 =	vand.u32 $0xFF, v3;
	v4 =	vand.u32 $0xFF, v1;
	v5 =	vld.idx.msk [tilespmem:v5+s3+$0x0], $0xffff  }
0x112: {  	v3 =	vshrl.u32 v8, $0x18;
	v1 =	vshrl.u32 v9, $0x18;
	v13 =	vld.idx.msk [tilespmem:v13+s3+$0x0], $0xffff  }
0x113: {  	v8 =	vld.idx.msk [tilespmem:v16+s3+$0x0], $0xffff  }
0x114: {  	s8 =	sadd.s32 $0x100, s8;
	v0 =	vmov v17;
	[tilespmem:s7+$0xFFFFFF70] =	vst.add.f32.msk $0xffff, v12  }
0x115: {  	[tilespmem:s8+$0x0] =	vst.add.f32.msk $0xffff, v10  }
0x116: {  	v4 =	vld.idx.msk [tilespmem:v4+s3+$0x0], $0xffff  }
0x117: {  	[tilespmem:s8+$0xFFFFFF40] =	vst.add.f32.msk $0xffff, v5;
	v5 =	vshrl.u32 v7, $0x10  }
0x118: {  	[tilespmem:s8+$0xFFFFFF80] =	vst.add.f32.msk $0xffff, v13;
	v5 =	vand.u32 $0xFF, v5  }
0x119: {  	[tilespmem:s8+$0xFFFFFFC0] =	vst.add.f32.msk $0xffff, v8  }
0x11a: {  	v6 =	vld.idx.msk [tilespmem:v6+s3+$0x0], $0xffff  }
0x11b: {  	s16 =	sor.u32 $0x50, s13;
	v8 =	vld.idx.msk [tilespmem:v15+s3+$0x0], $0xffff  }
0x11c: {  	[tilespmem:s16+$0x4080] =	vst.add.f32.msk $0xffff, v4  }
0x11d: {  	v4 =	vld.idx.msk [tilespmem:v5+s3+$0x0], $0xffff  }
0x11e: {  	v5 =	vld.idx.msk [tilespmem:v18+s3+$0x0], $0xffff  }
0x11f: {  	v9 =	vshrl.u32 v7, $0x18;
	[tilespmem:s10+$0x4080] =	vst.add.f32.msk $0xffff, v14;
	s10 =	smov.u32 s15  }
0x120: {  	[tilespmem:s8+$0xFFFFFF50] =	vst.add.f32.msk $0xffff, v6  }
0x121: {  	[tilespmem:s14+$0x4080] =	vst.add.f32.msk $0xffff, v8  }
0x122: {  	s14 =	sor.u32 $0x60, s13;
	v7 =	vld.idx.msk [tilespmem:v11+s3+$0x0], $0xffff  }
.Ltmp1:
0x123: {  	[tilespmem:s14+$0x4080] =	vst.add.f32.msk $0xffff, v4;
	(pc) =	sbr.rel @p0 .LBB2_4-.Ltmp1, $4  }
0x124: {  	v4 =	vld.idx.msk [tilespmem:v9+s3+$0x0], $0xffff  }
0x125: {  	[tilespmem:s8+$0xFFFFFFD0] =	vst.add.f32.msk $0xffff, v5  }
0x126: {  	v5 =	vld.idx.msk [tilespmem:v19+s3+$0x0], $0xffff  }
0x127: {  	s13 =	sadd.s32 $0x100, s13;
	v6 =	vld.idx.msk [tilespmem:v20+s3+$0x0], $0xffff  }
0x128: {  	_ =	sdelay $0x2  }
0x129: {  	[tilespmem:s8+$0xFFFFFF60] =	vst.add.f32.msk $0xffff, v7  }
0x12a: {  	v2 =	vld.idx.msk [tilespmem:v2+s3+$0x0], $0xffff  }
0x12b: {  	[tilespmem:s12+$0x4080] =	vst.add.f32.msk $0xffff, v5  }
0x12c: {  	[tilespmem:s8+$0xFFFFFFE0] =	vst.add.f32.msk $0xffff, v6  }
0x12d: {  	v3 =	vld.idx.msk [tilespmem:v3+s3+$0x0], $0xffff  }
0x12e: {  	v1 =	vld.idx.msk [tilespmem:v1+s3+$0x0], $0xffff  }
0x12f: {  	s9 =	sor.u32 $0x70, s9;
	[tilespmem:s7+$0xFFFFFFF0] =	vst.add.f32.msk $0xffff, v0  }
0x130: {  	[tilespmem:s9+$0x4080] =	vst.add.f32.msk $0xffff, v4  }
0x131: {  	[tilespmem:s8+$0xFFFFFF70] =	vst.add.f32.msk $0xffff, v2  }
0x132: {  	[tilespmem:s10+$0x4080] =	vst.add.f32.msk $0xffff, v3  }
0x133: {  	[tilespmem:s8+$0xFFFFFFF0] =	vst.add.f32.msk $0xffff, v1  }
0x134: {  	s7 =	rddreg [dreg:$0x7]  }
0x135: {  	[hbm4b:s7+s3] =	stream.linear.scatter [tilespmem:s26], [sflag:$0x7], $0x4000, $0x38;
	[tilespmem:$0xE080] =	vst v63  }
0x136: {  	_ =	swait.ge [sflag:s25], $0x4000  }
0x137: {  	[sflag:s25] =	ssyncset.done $0x0;
	s12 =	rddreg [dreg:$0x8]  }
0x138: {  	s13 =	sld [smem:$0x7EF];
	[sflag:s25] =	ssyncadd.s32 $0xFFFFC000  }
0x139: {  	[tilespmem:s23], [sflag:$0x1] =	stream.linear.gather [hbm4b:s12+s3], $0x4000, $0x38;
	[tilespmem:$0xE080] =	vst v63  }
0x13a: {  	_ = 	snop  }
0x13b: {  	[tilespmem:s28], [sflag:$0x5] =	stream.linear.gather [hbm4b:s13+s3], $0x1000, $0x38;
	[tilespmem:$0xE080] =	vst v63  }
0x13c: {  	_ =	swait.ge [sflag:s1], $0x4000  }
0x13d: {  	[sflag:s1] =	ssyncset.done $0x0  }
0x13e: {  	[sflag:s1] =	ssyncadd.s32 $0xFFFFC000  }
0x13f: {  	_ =	swait.ge [sflag:s30], $0x1000  }
0x140: {  	[sflag:s30] =	ssyncset.done $0x0  }
0x141: {  	s14 =	simm.s32 $0x30;
	[sflag:s30] =	ssyncadd.s32 $0xFFFFF000  }
0x142: {  	v0 =	vld [tilespmem:s14+$0xC080]  }
0x143: {  	v1 =	vld [tilespmem:s14+$0xC050]  }
0x144: {  	v2 =	vld [tilespmem:s14+$0xC060]  }
0x145: {  	v3 =	vld [tilespmem:s14+$0xC070];
	_ =	sdelay $0x1  }
0x146: {  	v4 =	vand.u32 $0xFF, v0  }
0x147: {  	v5 =	vand.u32 $0xFF, v1  }
0x148: {  	v6 =	vand.u32 $0xFF, v2  }
0x149: {  	s14 =	simm.s32 $0x70;
	v7 =	vand.u32 $0xFF, v3  }
0x14a: {  	v59 =	vld [tilespmem:s14+$0xC070]  }
0x14b: {  	v4 =	vld.idx.msk [tilespmem:v4+s3+$0x0], $0xffff  }
0x14c: {  	v5 =	vld.idx.msk [tilespmem:v5+s3+$0x0], $0xffff  }
0x14d: {  	v6 =	vld.idx.msk [tilespmem:v6+s3+$0x0], $0xffff  }
0x14e: {  	v8 =	vshrl.u32 v0, $0x8;
	v7 =	vld.idx.msk [tilespmem:v7+s3+$0x0], $0xffff  }
0x14f: {  	s7 =	simm.s32 $0x8140;
	v58 =	vld [tilespmem:s14+$0xC060];
	v9 =	vshrl.u32 v1, $0x8;
	v8 =	vand.u32 $0xFF, v8  }
0x150: {  	v9 =	vand.u32 $0xFF, v9;
	[tilespmem:s7+$0x0] =	vst.add.f32.msk $0xffff, v4  }
0x151: {  	v10 =	vshrl.u32 v2, $0x8;
	v11 =	vand.u32 $0xFF, v59;
	[tilespmem:s7+$0xFFFFFF40] =	vst.add.f32.msk $0xffff, v5  }
0x152: {  	v56 =	vshrl.u32 v3, $0x8;
	v4 =	vand.u32 $0xFF, v10;
	[tilespmem:s7+$0xFFFFFF80] =	vst.add.f32.msk $0xffff, v6  }
0x153: {  	v6 =	vand.u32 $0xFF, v56;
	[tilespmem:s7+$0xFFFFFFC0] =	vst.add.f32.msk $0xffff, v7  }
0x154: {  	v8 =	vld.idx.msk [tilespmem:v8+s3+$0x0], $0xffff  }
0x155: {  	v5 =	vshrl.u32 v0, $0x10;
	v7 =	vld.idx.msk [tilespmem:v9+s3+$0x0], $0xffff  }
0x156: {  	v11 =	vld.idx.msk [tilespmem:v11+s3+$0x0], $0xffff;
	v5 =	vand.u32 $0xFF, v5  }
0x157: {  	s15 =	simm.s32 $0xC0;
	v57 =	vshrl.u32 v1, $0x10;
	v4 =	vld.idx.msk [tilespmem:v4+s3+$0x0], $0xffff  }
0x158: {  	s16 =	sor.u32 $0x50, s15;
	v9 =	vand.u32 $0xFF, v57;
	v6 =	vld.idx.msk [tilespmem:v6+s3+$0x0], $0xffff  }
0x159: {  	[tilespmem:s16+$0x8080] =	vst.add.f32.msk $0xffff, v8  }
0x15a: {  	s17 =	simm.s32 $0x40;
	[tilespmem:s7+$0xFFFFFF50] =	vst.add.f32.msk $0xffff, v7  }
0x15b: {  	s12 =	sor.u32 $0x50, s17;
	v8 =	vshrl.u32 v2, $0x10;
	v5 =	vld.idx.msk [tilespmem:v5+s3+$0x0], $0xffff  }
0x15c: {  	v7 =	vshrl.u32 v3, $0x10;
	v8 =	vand.u32 $0xFF, v8;
	[tilespmem:s12+$0x8080] =	vst.add.f32.msk $0xffff, v4  }
0x15d: {  	v4 =	vand.u32 $0xFF, v7;
	v7 =	vld.idx.msk [tilespmem:v9+s3+$0x0], $0xffff  }
0x15e: {  	v0 =	vshrl.u32 v0, $0x18;
	[tilespmem:s7+$0xFFFFFFD0] =	vst.add.f32.msk $0xffff, v6  }
0x15f: {  	s13 =	sor.u32 $0x60, s15;
	v6 =	vld [tilespmem:s14+$0xC080]  }
0x160: {  	[tilespmem:s13+$0x8080] =	vst.add.f32.msk $0xffff, v5  }
0x161: {  	v1 =	vshrl.u32 v1, $0x18;
	v5 =	vld.idx.msk [tilespmem:v8+s3+$0x0], $0xffff  }
0x162: {  	v8 =	vld [tilespmem:s14+$0xC050]  }
0x163: {  	v0 =	vld.idx.msk [tilespmem:v0+s3+$0x0], $0xffff  }
0x164: {  	v2 =	vshrl.u32 v2, $0x18;
	v4 =	vld.idx.msk [tilespmem:v4+s3+$0x0], $0xffff  }
0x165: {  	[tilespmem:s7+$0xFFFFFF60] =	vst.add.f32.msk $0xffff, v7  }
0x166: {  	s8 =	sor.u32 $0x70, s15;
	s15 =	sor.u32 $0x60, s17;
	v3 =	vshrl.u32 v3, $0x18;
	v1 =	vld.idx.msk [tilespmem:v1+s3+$0x0], $0xffff  }
0x167: {  	v7 =	vand.u32 $0xFF, v6;
	[tilespmem:s15+$0x8080] =	vst.add.f32.msk $0xffff, v5  }
0x168: {  	[tilespmem:s8+$0x8080] =	vst.add.f32.msk $0xffff, v0  }
0x169: {  	v5 =	vand.u32 $0xFF, v58;
	v2 =	vld.idx.msk [tilespmem:v2+s3+$0x0], $0xffff  }
0x16a: {  	[tilespmem:s7+$0xFFFFFFE0] =	vst.add.f32.msk $0xffff, v4;
	v4 =	vand.u32 $0xFF, v8  }
0x16b: {  	v0 =	vld.idx.msk [tilespmem:v3+s3+$0x0], $0xffff  }
0x16c: {  	s8 =	simm.s32 $0x8240;
	v3 =	vld.idx.msk [tilespmem:v7+s3+$0x0], $0xffff;
	v7 =	vshrl.u32 v6, $0x8  }
0x16d: {  	[tilespmem:s8+$0xFFFFFFC0] =	vst.add.f32.msk $0xffff, v11;
	v7 =	vand.u32 $0xFF, v7  }
0x16e: {  	v5 =	vld.idx.msk [tilespmem:v5+s3+$0x0], $0xffff  }
0x16f: {  	v4 =	vld.idx.msk [tilespmem:v4+s3+$0x0], $0xffff  }
0x170: {  	v12 =	vshrl.u32 v8, $0x8;
	[tilespmem:s7+$0xFFFFFF70] =	vst.add.f32.msk $0xffff, v1  }
0x171: {  	v60 =	vshrl.u32 v58, $0x8;
	v1 =	vand.u32 $0xFF, v12;
	[tilespmem:s8+$0x0] =	vst.add.f32.msk $0xffff, v3  }
0x172: {  	v3 =	vand.u32 $0xFF, v60;
	v7 =	vld.idx.msk [tilespmem:v7+s3+$0x0], $0xffff  }
0x173: {  	v61 =	vshrl.u32 v59, $0x8;
	[tilespmem:s8+$0xFFFFFF80] =	vst.add.f32.msk $0xffff, v5  }
0x174: {  	s10 =	sor.u32 $0x70, s17;
	v5 =	vand.u32 $0xFF, v61;
	[tilespmem:s8+$0xFFFFFF40] =	vst.add.f32.msk $0xffff, v4;
	v4 =	vshrl.u32 v6, $0x10  }
0x175: {  	[tilespmem:s10+$0x8080] =	vst.add.f32.msk $0xffff, v2;
	v4 =	vand.u32 $0xFF, v4  }
0x176: {  	s9 =	simm.s32 $0x1C0;
	v1 =	vld.idx.msk [tilespmem:v1+s3+$0x0], $0xffff  }
0x177: {  	s11 =	sor.u32 $0x50, s9;
	v62 =	vshrl.u32 v8, $0x10;
	v3 =	vld.idx.msk [tilespmem:v3+s3+$0x0], $0xffff  }
0x178: {  	[tilespmem:s11+$0x8080] =	vst.add.f32.msk $0xffff, v7;
	v7 =	vand.u32 $0xFF, v62  }
0x179: {  	v5 =	vld.idx.msk [tilespmem:v5+s3+$0x0], $0xffff  }
0x17a: {  	s13 =	simm.s32 $0x140;
	v4 =	vld.idx.msk [tilespmem:v4+s3+$0x0], $0xffff  }
0x17b: {  	s16 =	sor.u32 $0x50, s13;
	v2 =	vshrl.u32 v58, $0x10;
	v6 =	vshrl.u32 v6, $0x18;
	[tilespmem:s8+$0xFFFFFF50] =	vst.add.f32.msk $0xffff, v1  }
0x17c: {  	v2 =	vand.u32 $0xFF, v2;
	v1 =	vshrl.u32 v59, $0x10;
	[tilespmem:s16+$0x8080] =	vst.add.f32.msk $0xffff, v3  }
0x17d: {  	v63 =	vand.u32 $0xFF, v1;
	v7 =	vld.idx.msk [tilespmem:v7+s3+$0x0], $0xffff  }
0x17e: {  	s17 =	sor.u32 $0x60, s9;
	[tilespmem:s8+$0xFFFFFFD0] =	vst.add.f32.msk $0xffff, v5  }
0x17f: {  	[tilespmem:s17+$0x8080] =	vst.add.f32.msk $0xffff, v4  }
0x180: {  	v4 =	vld.idx.msk [tilespmem:v6+s3+$0x0], $0xffff  }
0x181: {  	s12 =	sor.u32 $0x60, s13;
	v5 =	vld.idx.msk [tilespmem:v2+s3+$0x0], $0xffff  }
0x182: {  	s10 =	sor.u32 $0x70, s13;
	s13 =	simm.s32 $0x2C0;
	s11 =	simm.s32 $0x40;
	v3 =	vshrl.u32 v58, $0x18;
	v2 =	vshrl.u32 v8, $0x18;
	v1 =	vshrl.u32 v59, $0x18;
	v6 =	vld.idx.msk [tilespmem:v63+s3+$0x0], $0xffff  }
.LBB2_6:
0x183: {  	s16 =	sshra.s32 s13, $0x2;
	s15 =	sadd.s32 $0xFFFFFF80, s13;
	s11 =	sadd.s32 $0x40, s11;
	[tilespmem:s8+$0xFFFFFF60] =	vst.add.f32.msk $0xffff, v7  }
0x184: {  	s9 =	sor.u32 $0x70, s9;
	s14 =	sor.u32 $0x50, s15;
	v7 =	vld [tilespmem:s16+$0xC080];
	p0 =	slt.u32 s11, $0xFC0  }
0x185: {  	s17 =	sor.u32 $0x60, s15;
	s15 =	sor.u32 $0x70, s15;
	[tilespmem:s9+$0x8080] =	vst.add.f32.msk $0xffff, v4;
	s9 =	smov.u32 s13  }
0x186: {  	v4 =	vld [tilespmem:s16+$0xC050]  }
0x187: {  	v8 =	vld [tilespmem:s16+$0xC060]  }
0x188: {  	v9 =	vld [tilespmem:s16+$0xC070]  }
0x189: {  	v10 =	vand.u32 $0xFF, v7;
	[tilespmem:s12+$0x8080] =	vst.add.f32.msk $0xffff, v5;
	s12 =	smov.u32 s17  }
0x18a: {  	[tilespmem:s8+$0xFFFFFFE0] =	vst.add.f32.msk $0xffff, v6  }
0x18b: {  	v5 =	vand.u32 $0xFF, v4;
	v6 =	vshrl.u32 v4, $0x8;
	v11 =	vshrl.u32 v4, $0x10;
	v12 =	vld.idx.msk [tilespmem:v2+s3+$0x0], $0xffff  }
0x18c: {  	v6 =	vand.u32 $0xFF, v6;
	v13 =	vand.u32 $0xFF, v8;
	v2 =	vshrl.u32 v8, $0x8;
	v14 =	vld.idx.msk [tilespmem:v3+s3+$0x0], $0xffff  }
0x18d: {  	v15 =	vand.u32 $0xFF, v2;
	v16 =	vand.u32 $0xFF, v9;
	v2 =	vshrl.u32 v9, $0x8;
	v17 =	vld.idx.msk [tilespmem:v1+s3+$0x0], $0xffff  }
0x18e: {  	v1 =	vshrl.u32 v8, $0x10;
	v3 =	vshrl.u32 v9, $0x10;
	v18 =	vand.u32 $0xFF, v2;
	v10 =	vld.idx.msk [tilespmem:v10+s3+$0x0], $0xffff  }
0x18f: {  	v11 =	vand.u32 $0xFF, v11;
	v19 =	vand.u32 $0xFF, v1;
	v1 =	vshrl.u32 v7, $0x8;
	[tilespmem:s7+$0xFFFFFFF0] =	vst.add.f32.msk $0xffff, v0;
	s7 =	smov.u32 s8  }
0x190: {  	v2 =	vshrl.u32 v4, $0x18;
	v20 =	vand.u32 $0xFF, v3;
	v4 =	vand.u32 $0xFF, v1;
	v5 =	vld.idx.msk [tilespmem:v5+s3+$0x0], $0xffff  }
0x191: {  	v3 =	vshrl.u32 v8, $0x18;
	v1 =	vshrl.u32 v9, $0x18;
	v13 =	vld.idx.msk [tilespmem:v13+s3+$0x0], $0xffff  }
0x192: {  	v8 =	vld.idx.msk [tilespmem:v16+s3+$0x0], $0xffff  }
0x193: {  	s8 =	sadd.s32 $0x100, s8;
	v0 =	vmov v17;
	[tilespmem:s7+$0xFFFFFF70] =	vst.add.f32.msk $0xffff, v12  }
0x194: {  	[tilespmem:s8+$0x0] =	vst.add.f32.msk $0xffff, v10  }
0x195: {  	v4 =	vld.idx.msk [tilespmem:v4+s3+$0x0], $0xffff  }
0x196: {  	[tilespmem:s8+$0xFFFFFF40] =	vst.add.f32.msk $0xffff, v5;
	v5 =	vshrl.u32 v7, $0x10  }
0x197: {  	[tilespmem:s8+$0xFFFFFF80] =	vst.add.f32.msk $0xffff, v13;
	v5 =	vand.u32 $0xFF, v5  }
0x198: {  	[tilespmem:s8+$0xFFFFFFC0] =	vst.add.f32.msk $0xffff, v8  }
0x199: {  	v6 =	vld.idx.msk [tilespmem:v6+s3+$0x0], $0xffff  }
0x19a: {  	s16 =	sor.u32 $0x50, s13;
	v8 =	vld.idx.msk [tilespmem:v15+s3+$0x0], $0xffff  }
0x19b: {  	[tilespmem:s16+$0x8080] =	vst.add.f32.msk $0xffff, v4  }
0x19c: {  	v4 =	vld.idx.msk [tilespmem:v5+s3+$0x0], $0xffff  }
0x19d: {  	v5 =	vld.idx.msk [tilespmem:v18+s3+$0x0], $0xffff  }
0x19e: {  	v9 =	vshrl.u32 v7, $0x18;
	[tilespmem:s10+$0x8080] =	vst.add.f32.msk $0xffff, v14;
	s10 =	smov.u32 s15  }
0x19f: {  	[tilespmem:s8+$0xFFFFFF50] =	vst.add.f32.msk $0xffff, v6  }
0x1a0: {  	[tilespmem:s14+$0x8080] =	vst.add.f32.msk $0xffff, v8  }
0x1a1: {  	s14 =	sor.u32 $0x60, s13;
	v7 =	vld.idx.msk [tilespmem:v11+s3+$0x0], $0xffff  }
.Ltmp2:
0x1a2: {  	[tilespmem:s14+$0x8080] =	vst.add.f32.msk $0xffff, v4;
	(pc) =	sbr.rel @p0 .LBB2_6-.Ltmp2, $4  }
0x1a3: {  	v4 =	vld.idx.msk [tilespmem:v9+s3+$0x0], $0xffff  }
0x1a4: {  	[tilespmem:s8+$0xFFFFFFD0] =	vst.add.f32.msk $0xffff, v5  }
0x1a5: {  	v5 =	vld.idx.msk [tilespmem:v19+s3+$0x0], $0xffff  }
0x1a6: {  	s13 =	sadd.s32 $0x100, s13;
	v6 =	vld.idx.msk [tilespmem:v20+s3+$0x0], $0xffff  }
0x1a7: {  	_ =	sdelay $0x2  }
0x1a8: {  	[tilespmem:s8+$0xFFFFFF60] =	vst.add.f32.msk $0xffff, v7  }
0x1a9: {  	v2 =	vld.idx.msk [tilespmem:v2+s3+$0x0], $0xffff  }
0x1aa: {  	[tilespmem:s12+$0x8080] =	vst.add.f32.msk $0xffff, v5  }
0x1ab: {  	[tilespmem:s8+$0xFFFFFFE0] =	vst.add.f32.msk $0xffff, v6  }
0x1ac: {  	v3 =	vld.idx.msk [tilespmem:v3+s3+$0x0], $0xffff  }
0x1ad: {  	v1 =	vld.idx.msk [tilespmem:v1+s3+$0x0], $0xffff  }
0x1ae: {  	s9 =	sor.u32 $0x70, s9;
	[tilespmem:s7+$0xFFFFFFF0] =	vst.add.f32.msk $0xffff, v0  }
0x1af: {  	[tilespmem:s9+$0x8080] =	vst.add.f32.msk $0xffff, v4  }
0x1b0: {  	[tilespmem:s8+$0xFFFFFF70] =	vst.add.f32.msk $0xffff, v2  }
0x1b1: {  	[tilespmem:s10+$0x8080] =	vst.add.f32.msk $0xffff, v3  }
0x1b2: {  	[tilespmem:s8+$0xFFFFFFF0] =	vst.add.f32.msk $0xffff, v1  }
0x1b3: {  	s7 =	rddreg [dreg:$0x9]  }
0x1b4: {  	[hbm4b:s7+s3] =	stream.linear.scatter [tilespmem:s31], [sflag:$0x8], $0x4000, $0x38;
	[tilespmem:$0xE080] =	vst v63  }
0x1b5: {  	_ =	swait.ge [sflag:s4], $0x4000  }
0x1b6: {  	[sflag:s4] =	ssyncset.done $0x0;
	s12 =	rddreg [dreg:$0xa]  }
0x1b7: {  	s13 =	sld [smem:$0x7F0];
	[sflag:s4] =	ssyncadd.s32 $0xFFFFC000  }
0x1b8: {  	[tilespmem:s26], [sflag:$0x2] =	stream.linear.gather [hbm4b:s12+s3], $0x4000, $0x38;
	[tilespmem:$0xE080] =	vst v63  }
0x1b9: {  	_ = 	snop  }
0x1ba: {  	[tilespmem:s24], [sflag:$0x4] =	stream.linear.gather [hbm4b:s13+s3], $0x1000, $0x38;
	[tilespmem:$0xE080] =	vst v63  }
0x1bb: {  	_ =	swait.ge [sflag:s29], $0x4000  }
0x1bc: {  	[sflag:s29] =	ssyncset.done $0x0  }
0x1bd: {  	[sflag:s29] =	ssyncadd.s32 $0xFFFFC000  }
0x1be: {  	_ =	swait.ge [sflag:s2], $0x1000  }
0x1bf: {  	[sflag:s2] =	ssyncset.done $0x0  }
0x1c0: {  	s14 =	simm.s32 $0x30;
	[sflag:s2] =	ssyncadd.s32 $0xFFFFF000  }
0x1c1: {  	v0 =	vld [tilespmem:s14+$0xD080]  }
0x1c2: {  	v1 =	vld [tilespmem:s14+$0xD050]  }
0x1c3: {  	v2 =	vld [tilespmem:s14+$0xD060]  }
0x1c4: {  	v3 =	vld [tilespmem:s14+$0xD070];
	_ =	sdelay $0x1  }
0x1c5: {  	v4 =	vand.u32 $0xFF, v0  }
0x1c6: {  	v5 =	vand.u32 $0xFF, v1  }
0x1c7: {  	v6 =	vand.u32 $0xFF, v2  }
0x1c8: {  	s14 =	simm.s32 $0x70;
	v7 =	vand.u32 $0xFF, v3  }
0x1c9: {  	v59 =	vld [tilespmem:s14+$0xD070]  }
0x1ca: {  	v4 =	vld.idx.msk [tilespmem:v4+s3+$0x0], $0xffff  }
0x1cb: {  	v5 =	vld.idx.msk [tilespmem:v5+s3+$0x0], $0xffff  }
0x1cc: {  	v6 =	vld.idx.msk [tilespmem:v6+s3+$0x0], $0xffff  }
0x1cd: {  	v8 =	vshrl.u32 v0, $0x8;
	v7 =	vld.idx.msk [tilespmem:v7+s3+$0x0], $0xffff  }
0x1ce: {  	s7 =	simm.s32 $0x140;
	v58 =	vld [tilespmem:s14+$0xD060];
	v9 =	vshrl.u32 v1, $0x8;
	v8 =	vand.u32 $0xFF, v8  }
0x1cf: {  	v9 =	vand.u32 $0xFF, v9;
	[tilespmem:s7+$0x0] =	vst.add.f32.msk $0xffff, v4  }
0x1d0: {  	v10 =	vshrl.u32 v2, $0x8;
	v11 =	vand.u32 $0xFF, v59;
	[tilespmem:s7+$0xFFFFFF40] =	vst.add.f32.msk $0xffff, v5  }
0x1d1: {  	v56 =	vshrl.u32 v3, $0x8;
	v4 =	vand.u32 $0xFF, v10;
	[tilespmem:s7+$0xFFFFFF80] =	vst.add.f32.msk $0xffff, v6  }
0x1d2: {  	v6 =	vand.u32 $0xFF, v56;
	[tilespmem:s7+$0xFFFFFFC0] =	vst.add.f32.msk $0xffff, v7  }
0x1d3: {  	v8 =	vld.idx.msk [tilespmem:v8+s3+$0x0], $0xffff  }
0x1d4: {  	v5 =	vshrl.u32 v0, $0x10;
	v7 =	vld.idx.msk [tilespmem:v9+s3+$0x0], $0xffff  }
0x1d5: {  	v11 =	vld.idx.msk [tilespmem:v11+s3+$0x0], $0xffff;
	v5 =	vand.u32 $0xFF, v5  }
0x1d6: {  	s15 =	simm.s32 $0xC0;
	v57 =	vshrl.u32 v1, $0x10;
	v4 =	vld.idx.msk [tilespmem:v4+s3+$0x0], $0xffff  }
0x1d7: {  	s16 =	sor.u32 $0x50, s15;
	v9 =	vand.u32 $0xFF, v57;
	v6 =	vld.idx.msk [tilespmem:v6+s3+$0x0], $0xffff  }
0x1d8: {  	[tilespmem:s16+$0x80] =	vst.add.f32.msk $0xffff, v8  }
0x1d9: {  	s17 =	simm.s32 $0x40;
	[tilespmem:s7+$0xFFFFFF50] =	vst.add.f32.msk $0xffff, v7  }
0x1da: {  	s12 =	sor.u32 $0x50, s17;
	v8 =	vshrl.u32 v2, $0x10;
	v5 =	vld.idx.msk [tilespmem:v5+s3+$0x0], $0xffff  }
0x1db: {  	v7 =	vshrl.u32 v3, $0x10;
	v8 =	vand.u32 $0xFF, v8;
	[tilespmem:s12+$0x80] =	vst.add.f32.msk $0xffff, v4  }
0x1dc: {  	v4 =	vand.u32 $0xFF, v7;
	v7 =	vld.idx.msk [tilespmem:v9+s3+$0x0], $0xffff  }
0x1dd: {  	v0 =	vshrl.u32 v0, $0x18;
	[tilespmem:s7+$0xFFFFFFD0] =	vst.add.f32.msk $0xffff, v6  }
0x1de: {  	s13 =	sor.u32 $0x60, s15;
	v6 =	vld [tilespmem:s14+$0xD080]  }
0x1df: {  	[tilespmem:s13+$0x80] =	vst.add.f32.msk $0xffff, v5  }
0x1e0: {  	v1 =	vshrl.u32 v1, $0x18;
	v5 =	vld.idx.msk [tilespmem:v8+s3+$0x0], $0xffff  }
0x1e1: {  	v8 =	vld [tilespmem:s14+$0xD050]  }
0x1e2: {  	v0 =	vld.idx.msk [tilespmem:v0+s3+$0x0], $0xffff  }
0x1e3: {  	v2 =	vshrl.u32 v2, $0x18;
	v4 =	vld.idx.msk [tilespmem:v4+s3+$0x0], $0xffff  }
0x1e4: {  	[tilespmem:s7+$0xFFFFFF60] =	vst.add.f32.msk $0xffff, v7  }
0x1e5: {  	s8 =	sor.u32 $0x70, s15;
	s15 =	sor.u32 $0x60, s17;
	v3 =	vshrl.u32 v3, $0x18;
	v1 =	vld.idx.msk [tilespmem:v1+s3+$0x0], $0xffff  }
0x1e6: {  	v7 =	vand.u32 $0xFF, v6;
	[tilespmem:s15+$0x80] =	vst.add.f32.msk $0xffff, v5  }
0x1e7: {  	[tilespmem:s8+$0x80] =	vst.add.f32.msk $0xffff, v0  }
0x1e8: {  	v5 =	vand.u32 $0xFF, v58;
	v2 =	vld.idx.msk [tilespmem:v2+s3+$0x0], $0xffff  }
0x1e9: {  	[tilespmem:s7+$0xFFFFFFE0] =	vst.add.f32.msk $0xffff, v4;
	v4 =	vand.u32 $0xFF, v8  }
0x1ea: {  	v0 =	vld.idx.msk [tilespmem:v3+s3+$0x0], $0xffff  }
0x1eb: {  	s8 =	simm.s32 $0x240;
	v3 =	vld.idx.msk [tilespmem:v7+s3+$0x0], $0xffff;
	v7 =	vshrl.u32 v6, $0x8  }
0x1ec: {  	[tilespmem:s8+$0xFFFFFFC0] =	vst.add.f32.msk $0xffff, v11;
	v7 =	vand.u32 $0xFF, v7  }
0x1ed: {  	v5 =	vld.idx.msk [tilespmem:v5+s3+$0x0], $0xffff  }
0x1ee: {  	v4 =	vld.idx.msk [tilespmem:v4+s3+$0x0], $0xffff  }
0x1ef: {  	v12 =	vshrl.u32 v8, $0x8;
	[tilespmem:s7+$0xFFFFFF70] =	vst.add.f32.msk $0xffff, v1  }
0x1f0: {  	v60 =	vshrl.u32 v58, $0x8;
	v1 =	vand.u32 $0xFF, v12;
	[tilespmem:s8+$0x0] =	vst.add.f32.msk $0xffff, v3  }
0x1f1: {  	v3 =	vand.u32 $0xFF, v60;
	v7 =	vld.idx.msk [tilespmem:v7+s3+$0x0], $0xffff  }
0x1f2: {  	v61 =	vshrl.u32 v59, $0x8;
	[tilespmem:s8+$0xFFFFFF80] =	vst.add.f32.msk $0xffff, v5  }
0x1f3: {  	s10 =	sor.u32 $0x70, s17;
	v5 =	vand.u32 $0xFF, v61;
	[tilespmem:s8+$0xFFFFFF40] =	vst.add.f32.msk $0xffff, v4;
	v4 =	vshrl.u32 v6, $0x10  }
0x1f4: {  	[tilespmem:s10+$0x80] =	vst.add.f32.msk $0xffff, v2;
	v4 =	vand.u32 $0xFF, v4  }
0x1f5: {  	s9 =	simm.s32 $0x1C0;
	v1 =	vld.idx.msk [tilespmem:v1+s3+$0x0], $0xffff  }
0x1f6: {  	s11 =	sor.u32 $0x50, s9;
	v62 =	vshrl.u32 v8, $0x10;
	v3 =	vld.idx.msk [tilespmem:v3+s3+$0x0], $0xffff  }
0x1f7: {  	[tilespmem:s11+$0x80] =	vst.add.f32.msk $0xffff, v7;
	v7 =	vand.u32 $0xFF, v62  }
0x1f8: {  	v5 =	vld.idx.msk [tilespmem:v5+s3+$0x0], $0xffff  }
0x1f9: {  	s13 =	simm.s32 $0x140;
	v4 =	vld.idx.msk [tilespmem:v4+s3+$0x0], $0xffff  }
0x1fa: {  	s16 =	sor.u32 $0x50, s13;
	v2 =	vshrl.u32 v58, $0x10;
	v6 =	vshrl.u32 v6, $0x18;
	[tilespmem:s8+$0xFFFFFF50] =	vst.add.f32.msk $0xffff, v1  }
0x1fb: {  	v2 =	vand.u32 $0xFF, v2;
	v1 =	vshrl.u32 v59, $0x10;
	[tilespmem:s16+$0x80] =	vst.add.f32.msk $0xffff, v3  }
0x1fc: {  	v63 =	vand.u32 $0xFF, v1;
	v7 =	vld.idx.msk [tilespmem:v7+s3+$0x0], $0xffff  }
0x1fd: {  	s17 =	sor.u32 $0x60, s9;
	[tilespmem:s8+$0xFFFFFFD0] =	vst.add.f32.msk $0xffff, v5  }
0x1fe: {  	[tilespmem:s17+$0x80] =	vst.add.f32.msk $0xffff, v4  }
0x1ff: {  	v4 =	vld.idx.msk [tilespmem:v6+s3+$0x0], $0xffff  }
0x200: {  	s12 =	sor.u32 $0x60, s13;
	v5 =	vld.idx.msk [tilespmem:v2+s3+$0x0], $0xffff  }
0x201: {  	s10 =	sor.u32 $0x70, s13;
	s13 =	simm.s32 $0x2C0;
	s11 =	simm.s32 $0x40;
	v3 =	vshrl.u32 v58, $0x18;
	v2 =	vshrl.u32 v8, $0x18;
	v1 =	vshrl.u32 v59, $0x18;
	v6 =	vld.idx.msk [tilespmem:v63+s3+$0x0], $0xffff  }
.LBB2_8:
0x202: {  	s16 =	sshra.s32 s13, $0x2;
	s15 =	sadd.s32 $0xFFFFFF80, s13;
	s11 =	sadd.s32 $0x40, s11;
	[tilespmem:s8+$0xFFFFFF60] =	vst.add.f32.msk $0xffff, v7  }
0x203: {  	s9 =	sor.u32 $0x70, s9;
	s14 =	sor.u32 $0x50, s15;
	v7 =	vld [tilespmem:s16+$0xD080];
	p0 =	slt.u32 s11, $0xFC0  }
0x204: {  	s17 =	sor.u32 $0x60, s15;
	s15 =	sor.u32 $0x70, s15;
	[tilespmem:s9+$0x80] =	vst.add.f32.msk $0xffff, v4;
	s9 =	smov.u32 s13  }
0x205: {  	v4 =	vld [tilespmem:s16+$0xD050]  }
0x206: {  	v8 =	vld [tilespmem:s16+$0xD060]  }
0x207: {  	v9 =	vld [tilespmem:s16+$0xD070]  }
0x208: {  	v10 =	vand.u32 $0xFF, v7;
	[tilespmem:s12+$0x80] =	vst.add.f32.msk $0xffff, v5;
	s12 =	smov.u32 s17  }
0x209: {  	[tilespmem:s8+$0xFFFFFFE0] =	vst.add.f32.msk $0xffff, v6  }
0x20a: {  	v5 =	vand.u32 $0xFF, v4;
	v6 =	vshrl.u32 v4, $0x8;
	v11 =	vshrl.u32 v4, $0x10;
	v12 =	vld.idx.msk [tilespmem:v2+s3+$0x0], $0xffff  }
0x20b: {  	v6 =	vand.u32 $0xFF, v6;
	v13 =	vand.u32 $0xFF, v8;
	v2 =	vshrl.u32 v8, $0x8;
	v14 =	vld.idx.msk [tilespmem:v3+s3+$0x0], $0xffff  }
0x20c: {  	v15 =	vand.u32 $0xFF, v2;
	v16 =	vand.u32 $0xFF, v9;
	v2 =	vshrl.u32 v9, $0x8;
	v17 =	vld.idx.msk [tilespmem:v1+s3+$0x0], $0xffff  }
0x20d: {  	v1 =	vshrl.u32 v8, $0x10;
	v3 =	vshrl.u32 v9, $0x10;
	v18 =	vand.u32 $0xFF, v2;
	v10 =	vld.idx.msk [tilespmem:v10+s3+$0x0], $0xffff  }
0x20e: {  	v11 =	vand.u32 $0xFF, v11;
	v19 =	vand.u32 $0xFF, v1;
	v1 =	vshrl.u32 v7, $0x8;
	[tilespmem:s7+$0xFFFFFFF0] =	vst.add.f32.msk $0xffff, v0;
	s7 =	smov.u32 s8  }
0x20f: {  	v2 =	vshrl.u32 v4, $0x18;
	v20 =	vand.u32 $0xFF, v3;
	v4 =	vand.u32 $0xFF, v1;
	v5 =	vld.idx.msk [tilespmem:v5+s3+$0x0], $0xffff  }
0x210: {  	v3 =	vshrl.u32 v8, $0x18;
	v1 =	vshrl.u32 v9, $0x18;
	v13 =	vld.idx.msk [tilespmem:v13+s3+$0x0], $0xffff  }
0x211: {  	v8 =	vld.idx.msk [tilespmem:v16+s3+$0x0], $0xffff  }
0x212: {  	s8 =	sadd.s32 $0x100, s8;
	v0 =	vmov v17;
	[tilespmem:s7+$0xFFFFFF70] =	vst.add.f32.msk $0xffff, v12  }
0x213: {  	[tilespmem:s8+$0x0] =	vst.add.f32.msk $0xffff, v10  }
0x214: {  	v4 =	vld.idx.msk [tilespmem:v4+s3+$0x0], $0xffff  }
0x215: {  	[tilespmem:s8+$0xFFFFFF40] =	vst.add.f32.msk $0xffff, v5;
	v5 =	vshrl.u32 v7, $0x10  }
0x216: {  	[tilespmem:s8+$0xFFFFFF80] =	vst.add.f32.msk $0xffff, v13;
	v5 =	vand.u32 $0xFF, v5  }
0x217: {  	[tilespmem:s8+$0xFFFFFFC0] =	vst.add.f32.msk $0xffff, v8  }
0x218: {  	v6 =	vld.idx.msk [tilespmem:v6+s3+$0x0], $0xffff  }
0x219: {  	s16 =	sor.u32 $0x50, s13;
	v8 =	vld.idx.msk [tilespmem:v15+s3+$0x0], $0xffff  }
0x21a: {  	[tilespmem:s16+$0x80] =	vst.add.f32.msk $0xffff, v4  }
0x21b: {  	v4 =	vld.idx.msk [tilespmem:v5+s3+$0x0], $0xffff  }
0x21c: {  	v5 =	vld.idx.msk [tilespmem:v18+s3+$0x0], $0xffff  }
0x21d: {  	v9 =	vshrl.u32 v7, $0x18;
	[tilespmem:s10+$0x80] =	vst.add.f32.msk $0xffff, v14;
	s10 =	smov.u32 s15  }
0x21e: {  	[tilespmem:s8+$0xFFFFFF50] =	vst.add.f32.msk $0xffff, v6  }
0x21f: {  	[tilespmem:s14+$0x80] =	vst.add.f32.msk $0xffff, v8  }
0x220: {  	s14 =	sor.u32 $0x60, s13;
	v7 =	vld.idx.msk [tilespmem:v11+s3+$0x0], $0xffff  }
.Ltmp3:
0x221: {  	[tilespmem:s14+$0x80] =	vst.add.f32.msk $0xffff, v4;
	(pc) =	sbr.rel @p0 .LBB2_8-.Ltmp3, $4  }
0x222: {  	v4 =	vld.idx.msk [tilespmem:v9+s3+$0x0], $0xffff  }
0x223: {  	[tilespmem:s8+$0xFFFFFFD0] =	vst.add.f32.msk $0xffff, v5  }
0x224: {  	v5 =	vld.idx.msk [tilespmem:v19+s3+$0x0], $0xffff  }
0x225: {  	s13 =	sadd.s32 $0x100, s13;
	v6 =	vld.idx.msk [tilespmem:v20+s3+$0x0], $0xffff  }
0x226: {  	_ =	sdelay $0x2  }
0x227: {  	[tilespmem:s8+$0xFFFFFF60] =	vst.add.f32.msk $0xffff, v7  }
0x228: {  	v2 =	vld.idx.msk [tilespmem:v2+s3+$0x0], $0xffff  }
0x229: {  	[tilespmem:s12+$0x80] =	vst.add.f32.msk $0xffff, v5  }
0x22a: {  	[tilespmem:s8+$0xFFFFFFE0] =	vst.add.f32.msk $0xffff, v6  }
0x22b: {  	v3 =	vld.idx.msk [tilespmem:v3+s3+$0x0], $0xffff  }
0x22c: {  	v1 =	vld.idx.msk [tilespmem:v1+s3+$0x0], $0xffff  }
0x22d: {  	s9 =	sor.u32 $0x70, s9;
	[tilespmem:s7+$0xFFFFFFF0] =	vst.add.f32.msk $0xffff, v0  }
0x22e: {  	[tilespmem:s9+$0x80] =	vst.add.f32.msk $0xffff, v4  }
0x22f: {  	[tilespmem:s8+$0xFFFFFF70] =	vst.add.f32.msk $0xffff, v2  }
0x230: {  	[tilespmem:s10+$0x80] =	vst.add.f32.msk $0xffff, v3  }
0x231: {  	[tilespmem:s8+$0xFFFFFFF0] =	vst.add.f32.msk $0xffff, v1  }
0x232: {  	s7 =	rddreg [dreg:$0xb]  }
0x233: {  	[hbm4b:s7+s3] =	stream.linear.scatter [tilespmem:s23], [sflag:$0x6], $0x4000, $0x38;
	[tilespmem:$0xE080] =	vst v63  }
0x234: {  	_ =	swait.ge [sflag:s5], $0x4000  }
0x235: {  	[sflag:s5] =	ssyncset.done $0x0;
	s12 =	rddreg [dreg:$0xc]  }
0x236: {  	s13 =	sld [smem:$0x7F1];
	[sflag:s5] =	ssyncadd.s32 $0xFFFFC000  }
0x237: {  	[tilespmem:s31], [sflag:$0x3] =	stream.linear.gather [hbm4b:s12+s3], $0x4000, $0x38;
	[tilespmem:$0xE080] =	vst v63  }
0x238: {  	_ = 	snop  }
0x239: {  	[tilespmem:s28], [sflag:$0x5] =	stream.linear.gather [hbm4b:s13+s3], $0x1000, $0x38;
	[tilespmem:$0xE080] =	vst v63  }
0x23a: {  	_ =	swait.ge [sflag:s0], $0x4000  }
0x23b: {  	[sflag:s0] =	ssyncset.done $0x0  }
0x23c: {  	[sflag:s0] =	ssyncadd.s32 $0xFFFFC000  }
0x23d: {  	_ =	swait.ge [sflag:s30], $0x1000  }
0x23e: {  	[sflag:s30] =	ssyncset.done $0x0  }
0x23f: {  	s14 =	simm.s32 $0x30;
	[sflag:s30] =	ssyncadd.s32 $0xFFFFF000  }
0x240: {  	v0 =	vld [tilespmem:s14+$0xC080]  }
0x241: {  	v1 =	vld [tilespmem:s14+$0xC050]  }
0x242: {  	v2 =	vld [tilespmem:s14+$0xC060]  }
0x243: {  	v3 =	vld [tilespmem:s14+$0xC070];
	_ =	sdelay $0x1  }
0x244: {  	v4 =	vand.u32 $0xFF, v0  }
0x245: {  	v5 =	vand.u32 $0xFF, v1  }
0x246: {  	v6 =	vand.u32 $0xFF, v2  }
0x247: {  	s14 =	simm.s32 $0x70;
	v7 =	vand.u32 $0xFF, v3  }
0x248: {  	v59 =	vld [tilespmem:s14+$0xC070]  }
0x249: {  	v4 =	vld.idx.msk [tilespmem:v4+s3+$0x0], $0xffff  }
0x24a: {  	v5 =	vld.idx.msk [tilespmem:v5+s3+$0x0], $0xffff  }
0x24b: {  	v6 =	vld.idx.msk [tilespmem:v6+s3+$0x0], $0xffff  }
0x24c: {  	v8 =	vshrl.u32 v0, $0x8;
	v7 =	vld.idx.msk [tilespmem:v7+s3+$0x0], $0xffff  }
0x24d: {  	s7 =	simm.s32 $0x4140;
	v58 =	vld [tilespmem:s14+$0xC060];
	v9 =	vshrl.u32 v1, $0x8;
	v8 =	vand.u32 $0xFF, v8  }
0x24e: {  	v9 =	vand.u32 $0xFF, v9;
	[tilespmem:s7+$0x0] =	vst.add.f32.msk $0xffff, v4  }
0x24f: {  	v10 =	vshrl.u32 v2, $0x8;
	v11 =	vand.u32 $0xFF, v59;
	[tilespmem:s7+$0xFFFFFF40] =	vst.add.f32.msk $0xffff, v5  }
0x250: {  	v56 =	vshrl.u32 v3, $0x8;
	v4 =	vand.u32 $0xFF, v10;
	[tilespmem:s7+$0xFFFFFF80] =	vst.add.f32.msk $0xffff, v6  }
0x251: {  	v6 =	vand.u32 $0xFF, v56;
	[tilespmem:s7+$0xFFFFFFC0] =	vst.add.f32.msk $0xffff, v7  }
0x252: {  	v8 =	vld.idx.msk [tilespmem:v8+s3+$0x0], $0xffff  }
0x253: {  	v5 =	vshrl.u32 v0, $0x10;
	v7 =	vld.idx.msk [tilespmem:v9+s3+$0x0], $0xffff  }
0x254: {  	v11 =	vld.idx.msk [tilespmem:v11+s3+$0x0], $0xffff;
	v5 =	vand.u32 $0xFF, v5  }
0x255: {  	s15 =	simm.s32 $0xC0;
	v57 =	vshrl.u32 v1, $0x10;
	v4 =	vld.idx.msk [tilespmem:v4+s3+$0x0], $0xffff  }
0x256: {  	s16 =	sor.u32 $0x50, s15;
	v9 =	vand.u32 $0xFF, v57;
	v6 =	vld.idx.msk [tilespmem:v6+s3+$0x0], $0xffff  }
0x257: {  	[tilespmem:s16+$0x4080] =	vst.add.f32.msk $0xffff, v8  }
0x258: {  	s17 =	simm.s32 $0x40;
	[tilespmem:s7+$0xFFFFFF50] =	vst.add.f32.msk $0xffff, v7  }
0x259: {  	s12 =	sor.u32 $0x50, s17;
	v8 =	vshrl.u32 v2, $0x10;
	v5 =	vld.idx.msk [tilespmem:v5+s3+$0x0], $0xffff  }
0x25a: {  	v7 =	vshrl.u32 v3, $0x10;
	v8 =	vand.u32 $0xFF, v8;
	[tilespmem:s12+$0x4080] =	vst.add.f32.msk $0xffff, v4  }
0x25b: {  	v4 =	vand.u32 $0xFF, v7;
	v7 =	vld.idx.msk [tilespmem:v9+s3+$0x0], $0xffff  }
0x25c: {  	v0 =	vshrl.u32 v0, $0x18;
	[tilespmem:s7+$0xFFFFFFD0] =	vst.add.f32.msk $0xffff, v6  }
0x25d: {  	s13 =	sor.u32 $0x60, s15;
	v6 =	vld [tilespmem:s14+$0xC080]  }
0x25e: {  	[tilespmem:s13+$0x4080] =	vst.add.f32.msk $0xffff, v5  }
0x25f: {  	v1 =	vshrl.u32 v1, $0x18;
	v5 =	vld.idx.msk [tilespmem:v8+s3+$0x0], $0xffff  }
0x260: {  	v8 =	vld [tilespmem:s14+$0xC050]  }
0x261: {  	v0 =	vld.idx.msk [tilespmem:v0+s3+$0x0], $0xffff  }
0x262: {  	v2 =	vshrl.u32 v2, $0x18;
	v4 =	vld.idx.msk [tilespmem:v4+s3+$0x0], $0xffff  }
0x263: {  	[tilespmem:s7+$0xFFFFFF60] =	vst.add.f32.msk $0xffff, v7  }
0x264: {  	s8 =	sor.u32 $0x70, s15;
	s15 =	sor.u32 $0x60, s17;
	v3 =	vshrl.u32 v3, $0x18;
	v1 =	vld.idx.msk [tilespmem:v1+s3+$0x0], $0xffff  }
0x265: {  	v7 =	vand.u32 $0xFF, v6;
	[tilespmem:s15+$0x4080] =	vst.add.f32.msk $0xffff, v5  }
0x266: {  	[tilespmem:s8+$0x4080] =	vst.add.f32.msk $0xffff, v0  }
0x267: {  	v5 =	vand.u32 $0xFF, v58;
	v2 =	vld.idx.msk [tilespmem:v2+s3+$0x0], $0xffff  }
0x268: {  	[tilespmem:s7+$0xFFFFFFE0] =	vst.add.f32.msk $0xffff, v4;
	v4 =	vand.u32 $0xFF, v8  }
0x269: {  	v0 =	vld.idx.msk [tilespmem:v3+s3+$0x0], $0xffff  }
0x26a: {  	s8 =	simm.s32 $0x4240;
	v3 =	vld.idx.msk [tilespmem:v7+s3+$0x0], $0xffff;
	v7 =	vshrl.u32 v6, $0x8  }
0x26b: {  	[tilespmem:s8+$0xFFFFFFC0] =	vst.add.f32.msk $0xffff, v11;
	v7 =	vand.u32 $0xFF, v7  }
0x26c: {  	v5 =	vld.idx.msk [tilespmem:v5+s3+$0x0], $0xffff  }
0x26d: {  	v4 =	vld.idx.msk [tilespmem:v4+s3+$0x0], $0xffff  }
0x26e: {  	v12 =	vshrl.u32 v8, $0x8;
	[tilespmem:s7+$0xFFFFFF70] =	vst.add.f32.msk $0xffff, v1  }
0x26f: {  	v60 =	vshrl.u32 v58, $0x8;
	v1 =	vand.u32 $0xFF, v12;
	[tilespmem:s8+$0x0] =	vst.add.f32.msk $0xffff, v3  }
0x270: {  	v3 =	vand.u32 $0xFF, v60;
	v7 =	vld.idx.msk [tilespmem:v7+s3+$0x0], $0xffff  }
0x271: {  	v61 =	vshrl.u32 v59, $0x8;
	[tilespmem:s8+$0xFFFFFF80] =	vst.add.f32.msk $0xffff, v5  }
0x272: {  	s10 =	sor.u32 $0x70, s17;
	v5 =	vand.u32 $0xFF, v61;
	[tilespmem:s8+$0xFFFFFF40] =	vst.add.f32.msk $0xffff, v4;
	v4 =	vshrl.u32 v6, $0x10  }
0x273: {  	[tilespmem:s10+$0x4080] =	vst.add.f32.msk $0xffff, v2;
	v4 =	vand.u32 $0xFF, v4  }
0x274: {  	s9 =	simm.s32 $0x1C0;
	v1 =	vld.idx.msk [tilespmem:v1+s3+$0x0], $0xffff  }
0x275: {  	s11 =	sor.u32 $0x50, s9;
	v62 =	vshrl.u32 v8, $0x10;
	v3 =	vld.idx.msk [tilespmem:v3+s3+$0x0], $0xffff  }
0x276: {  	[tilespmem:s11+$0x4080] =	vst.add.f32.msk $0xffff, v7;
	v7 =	vand.u32 $0xFF, v62  }
0x277: {  	v5 =	vld.idx.msk [tilespmem:v5+s3+$0x0], $0xffff  }
0x278: {  	s13 =	simm.s32 $0x140;
	v4 =	vld.idx.msk [tilespmem:v4+s3+$0x0], $0xffff  }
0x279: {  	s16 =	sor.u32 $0x50, s13;
	v2 =	vshrl.u32 v58, $0x10;
	v6 =	vshrl.u32 v6, $0x18;
	[tilespmem:s8+$0xFFFFFF50] =	vst.add.f32.msk $0xffff, v1  }
0x27a: {  	v2 =	vand.u32 $0xFF, v2;
	v1 =	vshrl.u32 v59, $0x10;
	[tilespmem:s16+$0x4080] =	vst.add.f32.msk $0xffff, v3  }
0x27b: {  	v63 =	vand.u32 $0xFF, v1;
	v7 =	vld.idx.msk [tilespmem:v7+s3+$0x0], $0xffff  }
0x27c: {  	s17 =	sor.u32 $0x60, s9;
	[tilespmem:s8+$0xFFFFFFD0] =	vst.add.f32.msk $0xffff, v5  }
0x27d: {  	[tilespmem:s17+$0x4080] =	vst.add.f32.msk $0xffff, v4  }
0x27e: {  	v4 =	vld.idx.msk [tilespmem:v6+s3+$0x0], $0xffff  }
0x27f: {  	s12 =	sor.u32 $0x60, s13;
	v5 =	vld.idx.msk [tilespmem:v2+s3+$0x0], $0xffff  }
0x280: {  	s10 =	sor.u32 $0x70, s13;
	s13 =	simm.s32 $0x2C0;
	s11 =	simm.s32 $0x40;
	v3 =	vshrl.u32 v58, $0x18;
	v2 =	vshrl.u32 v8, $0x18;
	v1 =	vshrl.u32 v59, $0x18;
	v6 =	vld.idx.msk [tilespmem:v63+s3+$0x0], $0xffff  }
.LBB2_10:
0x281: {  	s16 =	sshra.s32 s13, $0x2;
	s15 =	sadd.s32 $0xFFFFFF80, s13;
	s11 =	sadd.s32 $0x40, s11;
	[tilespmem:s8+$0xFFFFFF60] =	vst.add.f32.msk $0xffff, v7  }
0x282: {  	s9 =	sor.u32 $0x70, s9;
	s14 =	sor.u32 $0x50, s15;
	v7 =	vld [tilespmem:s16+$0xC080];
	p0 =	slt.u32 s11, $0xFC0  }
0x283: {  	s17 =	sor.u32 $0x60, s15;
	s15 =	sor.u32 $0x70, s15;
	[tilespmem:s9+$0x4080] =	vst.add.f32.msk $0xffff, v4;
	s9 =	smov.u32 s13  }
0x284: {  	v4 =	vld [tilespmem:s16+$0xC050]  }
0x285: {  	v8 =	vld [tilespmem:s16+$0xC060]  }
0x286: {  	v9 =	vld [tilespmem:s16+$0xC070]  }
0x287: {  	v10 =	vand.u32 $0xFF, v7;
	[tilespmem:s12+$0x4080] =	vst.add.f32.msk $0xffff, v5;
	s12 =	smov.u32 s17  }
0x288: {  	[tilespmem:s8+$0xFFFFFFE0] =	vst.add.f32.msk $0xffff, v6  }
0x289: {  	v5 =	vand.u32 $0xFF, v4;
	v6 =	vshrl.u32 v4, $0x8;
	v11 =	vshrl.u32 v4, $0x10;
	v12 =	vld.idx.msk [tilespmem:v2+s3+$0x0], $0xffff  }
0x28a: {  	v6 =	vand.u32 $0xFF, v6;
	v13 =	vand.u32 $0xFF, v8;
	v2 =	vshrl.u32 v8, $0x8;
	v14 =	vld.idx.msk [tilespmem:v3+s3+$0x0], $0xffff  }
0x28b: {  	v15 =	vand.u32 $0xFF, v2;
	v16 =	vand.u32 $0xFF, v9;
	v2 =	vshrl.u32 v9, $0x8;
	v17 =	vld.idx.msk [tilespmem:v1+s3+$0x0], $0xffff  }
0x28c: {  	v1 =	vshrl.u32 v8, $0x10;
	v3 =	vshrl.u32 v9, $0x10;
	v18 =	vand.u32 $0xFF, v2;
	v10 =	vld.idx.msk [tilespmem:v10+s3+$0x0], $0xffff  }
0x28d: {  	v11 =	vand.u32 $0xFF, v11;
	v19 =	vand.u32 $0xFF, v1;
	v1 =	vshrl.u32 v7, $0x8;
	[tilespmem:s7+$0xFFFFFFF0] =	vst.add.f32.msk $0xffff, v0;
	s7 =	smov.u32 s8  }
0x28e: {  	v2 =	vshrl.u32 v4, $0x18;
	v20 =	vand.u32 $0xFF, v3;
	v4 =	vand.u32 $0xFF, v1;
	v5 =	vld.idx.msk [tilespmem:v5+s3+$0x0], $0xffff  }
0x28f: {  	v3 =	vshrl.u32 v8, $0x18;
	v1 =	vshrl.u32 v9, $0x18;
	v13 =	vld.idx.msk [tilespmem:v13+s3+$0x0], $0xffff  }
0x290: {  	v8 =	vld.idx.msk [tilespmem:v16+s3+$0x0], $0xffff  }
0x291: {  	s8 =	sadd.s32 $0x100, s8;
	v0 =	vmov v17;
	[tilespmem:s7+$0xFFFFFF70] =	vst.add.f32.msk $0xffff, v12  }
0x292: {  	[tilespmem:s8+$0x0] =	vst.add.f32.msk $0xffff, v10  }
0x293: {  	v4 =	vld.idx.msk [tilespmem:v4+s3+$0x0], $0xffff  }
0x294: {  	[tilespmem:s8+$0xFFFFFF40] =	vst.add.f32.msk $0xffff, v5;
	v5 =	vshrl.u32 v7, $0x10  }
0x295: {  	[tilespmem:s8+$0xFFFFFF80] =	vst.add.f32.msk $0xffff, v13;
	v5 =	vand.u32 $0xFF, v5  }
0x296: {  	[tilespmem:s8+$0xFFFFFFC0] =	vst.add.f32.msk $0xffff, v8  }
0x297: {  	v6 =	vld.idx.msk [tilespmem:v6+s3+$0x0], $0xffff  }
0x298: {  	s16 =	sor.u32 $0x50, s13;
	v8 =	vld.idx.msk [tilespmem:v15+s3+$0x0], $0xffff  }
0x299: {  	[tilespmem:s16+$0x4080] =	vst.add.f32.msk $0xffff, v4  }
0x29a: {  	v4 =	vld.idx.msk [tilespmem:v5+s3+$0x0], $0xffff  }
0x29b: {  	v5 =	vld.idx.msk [tilespmem:v18+s3+$0x0], $0xffff  }
0x29c: {  	v9 =	vshrl.u32 v7, $0x18;
	[tilespmem:s10+$0x4080] =	vst.add.f32.msk $0xffff, v14;
	s10 =	smov.u32 s15  }
0x29d: {  	[tilespmem:s8+$0xFFFFFF50] =	vst.add.f32.msk $0xffff, v6  }
0x29e: {  	[tilespmem:s14+$0x4080] =	vst.add.f32.msk $0xffff, v8  }
0x29f: {  	s14 =	sor.u32 $0x60, s13;
	v7 =	vld.idx.msk [tilespmem:v11+s3+$0x0], $0xffff  }
.Ltmp4:
0x2a0: {  	[tilespmem:s14+$0x4080] =	vst.add.f32.msk $0xffff, v4;
	(pc) =	sbr.rel @p0 .LBB2_10-.Ltmp4, $4  }
0x2a1: {  	v4 =	vld.idx.msk [tilespmem:v9+s3+$0x0], $0xffff  }
0x2a2: {  	[tilespmem:s8+$0xFFFFFFD0] =	vst.add.f32.msk $0xffff, v5  }
0x2a3: {  	v5 =	vld.idx.msk [tilespmem:v19+s3+$0x0], $0xffff  }
0x2a4: {  	s13 =	sadd.s32 $0x100, s13;
	v6 =	vld.idx.msk [tilespmem:v20+s3+$0x0], $0xffff  }
0x2a5: {  	_ =	sdelay $0x2  }
0x2a6: {  	[tilespmem:s8+$0xFFFFFF60] =	vst.add.f32.msk $0xffff, v7  }
0x2a7: {  	v2 =	vld.idx.msk [tilespmem:v2+s3+$0x0], $0xffff  }
0x2a8: {  	[tilespmem:s12+$0x4080] =	vst.add.f32.msk $0xffff, v5  }
0x2a9: {  	[tilespmem:s8+$0xFFFFFFE0] =	vst.add.f32.msk $0xffff, v6  }
0x2aa: {  	v3 =	vld.idx.msk [tilespmem:v3+s3+$0x0], $0xffff  }
0x2ab: {  	v1 =	vld.idx.msk [tilespmem:v1+s3+$0x0], $0xffff  }
0x2ac: {  	s9 =	sor.u32 $0x70, s9;
	[tilespmem:s7+$0xFFFFFFF0] =	vst.add.f32.msk $0xffff, v0  }
0x2ad: {  	[tilespmem:s9+$0x4080] =	vst.add.f32.msk $0xffff, v4  }
0x2ae: {  	[tilespmem:s8+$0xFFFFFF70] =	vst.add.f32.msk $0xffff, v2  }
0x2af: {  	[tilespmem:s10+$0x4080] =	vst.add.f32.msk $0xffff, v3  }
0x2b0: {  	[tilespmem:s8+$0xFFFFFFF0] =	vst.add.f32.msk $0xffff, v1  }
0x2b1: {  	s7 =	rddreg [dreg:$0xd]  }
0x2b2: {  	[hbm4b:s7+s3] =	stream.linear.scatter [tilespmem:s26], [sflag:$0x7], $0x4000, $0x38;
	[tilespmem:$0xE080] =	vst v63  }
0x2b3: {  	_ =	swait.ge [sflag:s25], $0x4000  }
0x2b4: {  	[sflag:s25] =	ssyncset.done $0x0;
	s12 =	rddreg [dreg:$0xe]  }
0x2b5: {  	s13 =	sld [smem:$0x7F4];
	[sflag:s25] =	ssyncadd.s32 $0xFFFFC000  }
0x2b6: {  	[tilespmem:s23], [sflag:$0x1] =	stream.linear.gather [hbm4b:s12+s3], $0x4000, $0x38;
	[tilespmem:$0xE080] =	vst v63  }
0x2b7: {  	_ = 	snop  }
0x2b8: {  	[tilespmem:s24], [sflag:$0x4] =	stream.linear.gather [hbm4b:s13+s3], $0x1000, $0x38;
	[tilespmem:$0xE080] =	vst v63  }
0x2b9: {  	_ =	swait.ge [sflag:s1], $0x4000  }
0x2ba: {  	[sflag:s1] =	ssyncset.done $0x0  }
0x2bb: {  	[sflag:s1] =	ssyncadd.s32 $0xFFFFC000  }
0x2bc: {  	_ =	swait.ge [sflag:s2], $0x1000  }
0x2bd: {  	[sflag:s2] =	ssyncset.done $0x0  }
0x2be: {  	s14 =	simm.s32 $0x30;
	[sflag:s2] =	ssyncadd.s32 $0xFFFFF000  }
0x2bf: {  	v0 =	vld [tilespmem:s14+$0xD080]  }
0x2c0: {  	v1 =	vld [tilespmem:s14+$0xD050]  }
0x2c1: {  	v2 =	vld [tilespmem:s14+$0xD060]  }
0x2c2: {  	v3 =	vld [tilespmem:s14+$0xD070];
	_ =	sdelay $0x1  }
0x2c3: {  	v4 =	vand.u32 $0xFF, v0  }
0x2c4: {  	v5 =	vand.u32 $0xFF, v1  }
0x2c5: {  	v6 =	vand.u32 $0xFF, v2  }
0x2c6: {  	s14 =	simm.s32 $0x70;
	v7 =	vand.u32 $0xFF, v3  }
0x2c7: {  	v59 =	vld [tilespmem:s14+$0xD070]  }
0x2c8: {  	v4 =	vld.idx.msk [tilespmem:v4+s3+$0x0], $0xffff  }
0x2c9: {  	v5 =	vld.idx.msk [tilespmem:v5+s3+$0x0], $0xffff  }
0x2ca: {  	v6 =	vld.idx.msk [tilespmem:v6+s3+$0x0], $0xffff  }
0x2cb: {  	v8 =	vshrl.u32 v0, $0x8;
	v7 =	vld.idx.msk [tilespmem:v7+s3+$0x0], $0xffff  }
0x2cc: {  	s7 =	simm.s32 $0x8140;
	v58 =	vld [tilespmem:s14+$0xD060];
	v9 =	vshrl.u32 v1, $0x8;
	v8 =	vand.u32 $0xFF, v8  }
0x2cd: {  	v9 =	vand.u32 $0xFF, v9;
	[tilespmem:s7+$0x0] =	vst.add.f32.msk $0xffff, v4  }
0x2ce: {  	v10 =	vshrl.u32 v2, $0x8;
	v11 =	vand.u32 $0xFF, v59;
	[tilespmem:s7+$0xFFFFFF40] =	vst.add.f32.msk $0xffff, v5  }
0x2cf: {  	v56 =	vshrl.u32 v3, $0x8;
	v4 =	vand.u32 $0xFF, v10;
	[tilespmem:s7+$0xFFFFFF80] =	vst.add.f32.msk $0xffff, v6  }
0x2d0: {  	v6 =	vand.u32 $0xFF, v56;
	[tilespmem:s7+$0xFFFFFFC0] =	vst.add.f32.msk $0xffff, v7  }
0x2d1: {  	v8 =	vld.idx.msk [tilespmem:v8+s3+$0x0], $0xffff  }
0x2d2: {  	v5 =	vshrl.u32 v0, $0x10;
	v7 =	vld.idx.msk [tilespmem:v9+s3+$0x0], $0xffff  }
0x2d3: {  	v11 =	vld.idx.msk [tilespmem:v11+s3+$0x0], $0xffff;
	v5 =	vand.u32 $0xFF, v5  }
0x2d4: {  	s15 =	simm.s32 $0xC0;
	v57 =	vshrl.u32 v1, $0x10;
	v4 =	vld.idx.msk [tilespmem:v4+s3+$0x0], $0xffff  }
0x2d5: {  	s16 =	sor.u32 $0x50, s15;
	v9 =	vand.u32 $0xFF, v57;
	v6 =	vld.idx.msk [tilespmem:v6+s3+$0x0], $0xffff  }
0x2d6: {  	[tilespmem:s16+$0x8080] =	vst.add.f32.msk $0xffff, v8  }
0x2d7: {  	s17 =	simm.s32 $0x40;
	[tilespmem:s7+$0xFFFFFF50] =	vst.add.f32.msk $0xffff, v7  }
0x2d8: {  	s12 =	sor.u32 $0x50, s17;
	v8 =	vshrl.u32 v2, $0x10;
	v5 =	vld.idx.msk [tilespmem:v5+s3+$0x0], $0xffff  }
0x2d9: {  	v7 =	vshrl.u32 v3, $0x10;
	v8 =	vand.u32 $0xFF, v8;
	[tilespmem:s12+$0x8080] =	vst.add.f32.msk $0xffff, v4  }
0x2da: {  	v4 =	vand.u32 $0xFF, v7;
	v7 =	vld.idx.msk [tilespmem:v9+s3+$0x0], $0xffff  }
0x2db: {  	v0 =	vshrl.u32 v0, $0x18;
	[tilespmem:s7+$0xFFFFFFD0] =	vst.add.f32.msk $0xffff, v6  }
0x2dc: {  	s13 =	sor.u32 $0x60, s15;
	v6 =	vld [tilespmem:s14+$0xD080]  }
0x2dd: {  	[tilespmem:s13+$0x8080] =	vst.add.f32.msk $0xffff, v5  }
0x2de: {  	v1 =	vshrl.u32 v1, $0x18;
	v5 =	vld.idx.msk [tilespmem:v8+s3+$0x0], $0xffff  }
0x2df: {  	v8 =	vld [tilespmem:s14+$0xD050]  }
0x2e0: {  	v0 =	vld.idx.msk [tilespmem:v0+s3+$0x0], $0xffff  }
0x2e1: {  	v2 =	vshrl.u32 v2, $0x18;
	v4 =	vld.idx.msk [tilespmem:v4+s3+$0x0], $0xffff  }
0x2e2: {  	[tilespmem:s7+$0xFFFFFF60] =	vst.add.f32.msk $0xffff, v7  }
0x2e3: {  	s8 =	sor.u32 $0x70, s15;
	s15 =	sor.u32 $0x60, s17;
	v3 =	vshrl.u32 v3, $0x18;
	v1 =	vld.idx.msk [tilespmem:v1+s3+$0x0], $0xffff  }
0x2e4: {  	v7 =	vand.u32 $0xFF, v6;
	[tilespmem:s15+$0x8080] =	vst.add.f32.msk $0xffff, v5  }
0x2e5: {  	[tilespmem:s8+$0x8080] =	vst.add.f32.msk $0xffff, v0  }
0x2e6: {  	v5 =	vand.u32 $0xFF, v58;
	v2 =	vld.idx.msk [tilespmem:v2+s3+$0x0], $0xffff  }
0x2e7: {  	[tilespmem:s7+$0xFFFFFFE0] =	vst.add.f32.msk $0xffff, v4;
	v4 =	vand.u32 $0xFF, v8  }
0x2e8: {  	v0 =	vld.idx.msk [tilespmem:v3+s3+$0x0], $0xffff  }
0x2e9: {  	s8 =	simm.s32 $0x8240;
	v3 =	vld.idx.msk [tilespmem:v7+s3+$0x0], $0xffff;
	v7 =	vshrl.u32 v6, $0x8  }
0x2ea: {  	[tilespmem:s8+$0xFFFFFFC0] =	vst.add.f32.msk $0xffff, v11;
	v7 =	vand.u32 $0xFF, v7  }
0x2eb: {  	v5 =	vld.idx.msk [tilespmem:v5+s3+$0x0], $0xffff  }
0x2ec: {  	v4 =	vld.idx.msk [tilespmem:v4+s3+$0x0], $0xffff  }
0x2ed: {  	v12 =	vshrl.u32 v8, $0x8;
	[tilespmem:s7+$0xFFFFFF70] =	vst.add.f32.msk $0xffff, v1  }
0x2ee: {  	v60 =	vshrl.u32 v58, $0x8;
	v1 =	vand.u32 $0xFF, v12;
	[tilespmem:s8+$0x0] =	vst.add.f32.msk $0xffff, v3  }
0x2ef: {  	v3 =	vand.u32 $0xFF, v60;
	v7 =	vld.idx.msk [tilespmem:v7+s3+$0x0], $0xffff  }
0x2f0: {  	v61 =	vshrl.u32 v59, $0x8;
	[tilespmem:s8+$0xFFFFFF80] =	vst.add.f32.msk $0xffff, v5  }
0x2f1: {  	s10 =	sor.u32 $0x70, s17;
	v5 =	vand.u32 $0xFF, v61;
	[tilespmem:s8+$0xFFFFFF40] =	vst.add.f32.msk $0xffff, v4;
	v4 =	vshrl.u32 v6, $0x10  }
0x2f2: {  	[tilespmem:s10+$0x8080] =	vst.add.f32.msk $0xffff, v2;
	v4 =	vand.u32 $0xFF, v4  }
0x2f3: {  	s9 =	simm.s32 $0x1C0;
	v1 =	vld.idx.msk [tilespmem:v1+s3+$0x0], $0xffff  }
0x2f4: {  	s11 =	sor.u32 $0x50, s9;
	v62 =	vshrl.u32 v8, $0x10;
	v3 =	vld.idx.msk [tilespmem:v3+s3+$0x0], $0xffff  }
0x2f5: {  	[tilespmem:s11+$0x8080] =	vst.add.f32.msk $0xffff, v7;
	v7 =	vand.u32 $0xFF, v62  }
0x2f6: {  	v5 =	vld.idx.msk [tilespmem:v5+s3+$0x0], $0xffff  }
0x2f7: {  	s13 =	simm.s32 $0x140;
	v4 =	vld.idx.msk [tilespmem:v4+s3+$0x0], $0xffff  }
0x2f8: {  	s16 =	sor.u32 $0x50, s13;
	v2 =	vshrl.u32 v58, $0x10;
	v6 =	vshrl.u32 v6, $0x18;
	[tilespmem:s8+$0xFFFFFF50] =	vst.add.f32.msk $0xffff, v1  }
0x2f9: {  	v2 =	vand.u32 $0xFF, v2;
	v1 =	vshrl.u32 v59, $0x10;
	[tilespmem:s16+$0x8080] =	vst.add.f32.msk $0xffff, v3  }
0x2fa: {  	v63 =	vand.u32 $0xFF, v1;
	v7 =	vld.idx.msk [tilespmem:v7+s3+$0x0], $0xffff  }
0x2fb: {  	s17 =	sor.u32 $0x60, s9;
	[tilespmem:s8+$0xFFFFFFD0] =	vst.add.f32.msk $0xffff, v5  }
0x2fc: {  	[tilespmem:s17+$0x8080] =	vst.add.f32.msk $0xffff, v4  }
0x2fd: {  	v4 =	vld.idx.msk [tilespmem:v6+s3+$0x0], $0xffff  }
0x2fe: {  	s12 =	sor.u32 $0x60, s13;
	v5 =	vld.idx.msk [tilespmem:v2+s3+$0x0], $0xffff  }
0x2ff: {  	s10 =	sor.u32 $0x70, s13;
	s13 =	simm.s32 $0x2C0;
	s11 =	simm.s32 $0x40;
	v3 =	vshrl.u32 v58, $0x18;
	v2 =	vshrl.u32 v8, $0x18;
	v1 =	vshrl.u32 v59, $0x18;
	v6 =	vld.idx.msk [tilespmem:v63+s3+$0x0], $0xffff  }
.LBB2_12:
0x300: {  	s16 =	sshra.s32 s13, $0x2;
	s15 =	sadd.s32 $0xFFFFFF80, s13;
	s11 =	sadd.s32 $0x40, s11;
	[tilespmem:s8+$0xFFFFFF60] =	vst.add.f32.msk $0xffff, v7  }
0x301: {  	s9 =	sor.u32 $0x70, s9;
	s14 =	sor.u32 $0x50, s15;
	v7 =	vld [tilespmem:s16+$0xD080];
	p0 =	slt.u32 s11, $0xFC0  }
0x302: {  	s17 =	sor.u32 $0x60, s15;
	s15 =	sor.u32 $0x70, s15;
	[tilespmem:s9+$0x8080] =	vst.add.f32.msk $0xffff, v4;
	s9 =	smov.u32 s13  }
0x303: {  	v4 =	vld [tilespmem:s16+$0xD050]  }
0x304: {  	v8 =	vld [tilespmem:s16+$0xD060]  }
0x305: {  	v9 =	vld [tilespmem:s16+$0xD070]  }
0x306: {  	v10 =	vand.u32 $0xFF, v7;
	[tilespmem:s12+$0x8080] =	vst.add.f32.msk $0xffff, v5;
	s12 =	smov.u32 s17  }
0x307: {  	[tilespmem:s8+$0xFFFFFFE0] =	vst.add.f32.msk $0xffff, v6  }
0x308: {  	v5 =	vand.u32 $0xFF, v4;
	v6 =	vshrl.u32 v4, $0x8;
	v11 =	vshrl.u32 v4, $0x10;
	v12 =	vld.idx.msk [tilespmem:v2+s3+$0x0], $0xffff  }
0x309: {  	v6 =	vand.u32 $0xFF, v6;
	v13 =	vand.u32 $0xFF, v8;
	v2 =	vshrl.u32 v8, $0x8;
	v14 =	vld.idx.msk [tilespmem:v3+s3+$0x0], $0xffff  }
0x30a: {  	v15 =	vand.u32 $0xFF, v2;
	v16 =	vand.u32 $0xFF, v9;
	v2 =	vshrl.u32 v9, $0x8;
	v17 =	vld.idx.msk [tilespmem:v1+s3+$0x0], $0xffff  }
0x30b: {  	v1 =	vshrl.u32 v8, $0x10;
	v3 =	vshrl.u32 v9, $0x10;
	v18 =	vand.u32 $0xFF, v2;
	v10 =	vld.idx.msk [tilespmem:v10+s3+$0x0], $0xffff  }
0x30c: {  	v11 =	vand.u32 $0xFF, v11;
	v19 =	vand.u32 $0xFF, v1;
	v1 =	vshrl.u32 v7, $0x8;
	[tilespmem:s7+$0xFFFFFFF0] =	vst.add.f32.msk $0xffff, v0;
	s7 =	smov.u32 s8  }
0x30d: {  	v2 =	vshrl.u32 v4, $0x18;
	v20 =	vand.u32 $0xFF, v3;
	v4 =	vand.u32 $0xFF, v1;
	v5 =	vld.idx.msk [tilespmem:v5+s3+$0x0], $0xffff  }
0x30e: {  	v3 =	vshrl.u32 v8, $0x18;
	v1 =	vshrl.u32 v9, $0x18;
	v13 =	vld.idx.msk [tilespmem:v13+s3+$0x0], $0xffff  }
0x30f: {  	v8 =	vld.idx.msk [tilespmem:v16+s3+$0x0], $0xffff  }
0x310: {  	s8 =	sadd.s32 $0x100, s8;
	v0 =	vmov v17;
	[tilespmem:s7+$0xFFFFFF70] =	vst.add.f32.msk $0xffff, v12  }
0x311: {  	[tilespmem:s8+$0x0] =	vst.add.f32.msk $0xffff, v10  }
0x312: {  	v4 =	vld.idx.msk [tilespmem:v4+s3+$0x0], $0xffff  }
0x313: {  	[tilespmem:s8+$0xFFFFFF40] =	vst.add.f32.msk $0xffff, v5;
	v5 =	vshrl.u32 v7, $0x10  }
0x314: {  	[tilespmem:s8+$0xFFFFFF80] =	vst.add.f32.msk $0xffff, v13;
	v5 =	vand.u32 $0xFF, v5  }
0x315: {  	[tilespmem:s8+$0xFFFFFFC0] =	vst.add.f32.msk $0xffff, v8  }
0x316: {  	v6 =	vld.idx.msk [tilespmem:v6+s3+$0x0], $0xffff  }
0x317: {  	s16 =	sor.u32 $0x50, s13;
	v8 =	vld.idx.msk [tilespmem:v15+s3+$0x0], $0xffff  }
0x318: {  	[tilespmem:s16+$0x8080] =	vst.add.f32.msk $0xffff, v4  }
0x319: {  	v4 =	vld.idx.msk [tilespmem:v5+s3+$0x0], $0xffff  }
0x31a: {  	v5 =	vld.idx.msk [tilespmem:v18+s3+$0x0], $0xffff  }
0x31b: {  	v9 =	vshrl.u32 v7, $0x18;
	[tilespmem:s10+$0x8080] =	vst.add.f32.msk $0xffff, v14;
	s10 =	smov.u32 s15  }
0x31c: {  	[tilespmem:s8+$0xFFFFFF50] =	vst.add.f32.msk $0xffff, v6  }
0x31d: {  	[tilespmem:s14+$0x8080] =	vst.add.f32.msk $0xffff, v8  }
0x31e: {  	s14 =	sor.u32 $0x60, s13;
	v7 =	vld.idx.msk [tilespmem:v11+s3+$0x0], $0xffff  }
.Ltmp5:
0x31f: {  	[tilespmem:s14+$0x8080] =	vst.add.f32.msk $0xffff, v4;
	(pc) =	sbr.rel @p0 .LBB2_12-.Ltmp5, $4  }
0x320: {  	v4 =	vld.idx.msk [tilespmem:v9+s3+$0x0], $0xffff  }
0x321: {  	[tilespmem:s8+$0xFFFFFFD0] =	vst.add.f32.msk $0xffff, v5  }
0x322: {  	v5 =	vld.idx.msk [tilespmem:v19+s3+$0x0], $0xffff  }
0x323: {  	s13 =	sadd.s32 $0x100, s13;
	v6 =	vld.idx.msk [tilespmem:v20+s3+$0x0], $0xffff  }
0x324: {  	_ =	sdelay $0x2  }
0x325: {  	[tilespmem:s8+$0xFFFFFF60] =	vst.add.f32.msk $0xffff, v7  }
0x326: {  	v2 =	vld.idx.msk [tilespmem:v2+s3+$0x0], $0xffff  }
0x327: {  	[tilespmem:s12+$0x8080] =	vst.add.f32.msk $0xffff, v5  }
0x328: {  	[tilespmem:s8+$0xFFFFFFE0] =	vst.add.f32.msk $0xffff, v6  }
0x329: {  	v3 =	vld.idx.msk [tilespmem:v3+s3+$0x0], $0xffff  }
0x32a: {  	v1 =	vld.idx.msk [tilespmem:v1+s3+$0x0], $0xffff  }
0x32b: {  	s9 =	sor.u32 $0x70, s9;
	[tilespmem:s7+$0xFFFFFFF0] =	vst.add.f32.msk $0xffff, v0  }
0x32c: {  	[tilespmem:s9+$0x8080] =	vst.add.f32.msk $0xffff, v4  }
0x32d: {  	[tilespmem:s8+$0xFFFFFF70] =	vst.add.f32.msk $0xffff, v2  }
0x32e: {  	[tilespmem:s10+$0x8080] =	vst.add.f32.msk $0xffff, v3  }
0x32f: {  	[tilespmem:s8+$0xFFFFFFF0] =	vst.add.f32.msk $0xffff, v1  }
0x330: {  	s7 =	rddreg [dreg:$0xf]  }
0x331: {  	[hbm4b:s7+s3] =	stream.linear.scatter [tilespmem:s31], [sflag:$0x8], $0x4000, $0x38;
	[tilespmem:$0xE080] =	vst v63  }
0x332: {  	_ =	swait.ge [sflag:s4], $0x4000  }
0x333: {  	[sflag:s4] =	ssyncset.done $0x0;
	s12 =	rddreg [dreg:$0x10]  }
0x334: {  	s13 =	sld [smem:$0x7F5];
	[sflag:s4] =	ssyncadd.s32 $0xFFFFC000  }
0x335: {  	[tilespmem:s26], [sflag:$0x2] =	stream.linear.gather [hbm4b:s12+s3], $0x4000, $0x38;
	[tilespmem:$0xE080] =	vst v63  }
0x336: {  	_ = 	snop  }
0x337: {  	[tilespmem:s28], [sflag:$0x5] =	stream.linear.gather [hbm4b:s13+s3], $0x1000, $0x38;
	[tilespmem:$0xE080] =	vst v63  }
0x338: {  	_ =	swait.ge [sflag:s29], $0x4000  }
0x339: {  	[sflag:s29] =	ssyncset.done $0x0  }
0x33a: {  	[sflag:s29] =	ssyncadd.s32 $0xFFFFC000  }
0x33b: {  	_ =	swait.ge [sflag:s30], $0x1000  }
0x33c: {  	[sflag:s30] =	ssyncset.done $0x0  }
0x33d: {  	s14 =	simm.s32 $0x30;
	[sflag:s30] =	ssyncadd.s32 $0xFFFFF000  }
0x33e: {  	v0 =	vld [tilespmem:s14+$0xC080]  }
0x33f: {  	v1 =	vld [tilespmem:s14+$0xC050]  }
0x340: {  	v2 =	vld [tilespmem:s14+$0xC060]  }
0x341: {  	v3 =	vld [tilespmem:s14+$0xC070];
	_ =	sdelay $0x1  }
0x342: {  	v4 =	vand.u32 $0xFF, v0  }
0x343: {  	v5 =	vand.u32 $0xFF, v1  }
0x344: {  	v6 =	vand.u32 $0xFF, v2  }
0x345: {  	s14 =	simm.s32 $0x70;
	v7 =	vand.u32 $0xFF, v3  }
0x346: {  	v59 =	vld [tilespmem:s14+$0xC070]  }
0x347: {  	v4 =	vld.idx.msk [tilespmem:v4+s3+$0x0], $0xffff  }
0x348: {  	v5 =	vld.idx.msk [tilespmem:v5+s3+$0x0], $0xffff  }
0x349: {  	v6 =	vld.idx.msk [tilespmem:v6+s3+$0x0], $0xffff  }
0x34a: {  	v8 =	vshrl.u32 v0, $0x8;
	v7 =	vld.idx.msk [tilespmem:v7+s3+$0x0], $0xffff  }
0x34b: {  	s7 =	simm.s32 $0x140;
	v58 =	vld [tilespmem:s14+$0xC060];
	v9 =	vshrl.u32 v1, $0x8;
	v8 =	vand.u32 $0xFF, v8  }
0x34c: {  	v9 =	vand.u32 $0xFF, v9;
	[tilespmem:s7+$0x0] =	vst.add.f32.msk $0xffff, v4  }
0x34d: {  	v10 =	vshrl.u32 v2, $0x8;
	v11 =	vand.u32 $0xFF, v59;
	[tilespmem:s7+$0xFFFFFF40] =	vst.add.f32.msk $0xffff, v5  }
0x34e: {  	v56 =	vshrl.u32 v3, $0x8;
	v4 =	vand.u32 $0xFF, v10;
	[tilespmem:s7+$0xFFFFFF80] =	vst.add.f32.msk $0xffff, v6  }
0x34f: {  	v6 =	vand.u32 $0xFF, v56;
	[tilespmem:s7+$0xFFFFFFC0] =	vst.add.f32.msk $0xffff, v7  }
0x350: {  	v8 =	vld.idx.msk [tilespmem:v8+s3+$0x0], $0xffff  }
0x351: {  	v5 =	vshrl.u32 v0, $0x10;
	v7 =	vld.idx.msk [tilespmem:v9+s3+$0x0], $0xffff  }
0x352: {  	v11 =	vld.idx.msk [tilespmem:v11+s3+$0x0], $0xffff;
	v5 =	vand.u32 $0xFF, v5  }
0x353: {  	s15 =	simm.s32 $0xC0;
	v57 =	vshrl.u32 v1, $0x10;
	v4 =	vld.idx.msk [tilespmem:v4+s3+$0x0], $0xffff  }
0x354: {  	s16 =	sor.u32 $0x50, s15;
	v9 =	vand.u32 $0xFF, v57;
	v6 =	vld.idx.msk [tilespmem:v6+s3+$0x0], $0xffff  }
0x355: {  	[tilespmem:s16+$0x80] =	vst.add.f32.msk $0xffff, v8  }
0x356: {  	s17 =	simm.s32 $0x40;
	[tilespmem:s7+$0xFFFFFF50] =	vst.add.f32.msk $0xffff, v7  }
0x357: {  	s12 =	sor.u32 $0x50, s17;
	v8 =	vshrl.u32 v2, $0x10;
	v5 =	vld.idx.msk [tilespmem:v5+s3+$0x0], $0xffff  }
0x358: {  	v7 =	vshrl.u32 v3, $0x10;
	v8 =	vand.u32 $0xFF, v8;
	[tilespmem:s12+$0x80] =	vst.add.f32.msk $0xffff, v4  }
0x359: {  	v4 =	vand.u32 $0xFF, v7;
	v7 =	vld.idx.msk [tilespmem:v9+s3+$0x0], $0xffff  }
0x35a: {  	v0 =	vshrl.u32 v0, $0x18;
	[tilespmem:s7+$0xFFFFFFD0] =	vst.add.f32.msk $0xffff, v6  }
0x35b: {  	s13 =	sor.u32 $0x60, s15;
	v6 =	vld [tilespmem:s14+$0xC080]  }
0x35c: {  	[tilespmem:s13+$0x80] =	vst.add.f32.msk $0xffff, v5  }
0x35d: {  	v1 =	vshrl.u32 v1, $0x18;
	v5 =	vld.idx.msk [tilespmem:v8+s3+$0x0], $0xffff  }
0x35e: {  	v8 =	vld [tilespmem:s14+$0xC050]  }
0x35f: {  	v0 =	vld.idx.msk [tilespmem:v0+s3+$0x0], $0xffff  }
0x360: {  	v2 =	vshrl.u32 v2, $0x18;
	v4 =	vld.idx.msk [tilespmem:v4+s3+$0x0], $0xffff  }
0x361: {  	[tilespmem:s7+$0xFFFFFF60] =	vst.add.f32.msk $0xffff, v7  }
0x362: {  	s8 =	sor.u32 $0x70, s15;
	s15 =	sor.u32 $0x60, s17;
	v3 =	vshrl.u32 v3, $0x18;
	v1 =	vld.idx.msk [tilespmem:v1+s3+$0x0], $0xffff  }
0x363: {  	v7 =	vand.u32 $0xFF, v6;
	[tilespmem:s15+$0x80] =	vst.add.f32.msk $0xffff, v5  }
0x364: {  	[tilespmem:s8+$0x80] =	vst.add.f32.msk $0xffff, v0  }
0x365: {  	v5 =	vand.u32 $0xFF, v58;
	v2 =	vld.idx.msk [tilespmem:v2+s3+$0x0], $0xffff  }
0x366: {  	[tilespmem:s7+$0xFFFFFFE0] =	vst.add.f32.msk $0xffff, v4;
	v4 =	vand.u32 $0xFF, v8  }
0x367: {  	v0 =	vld.idx.msk [tilespmem:v3+s3+$0x0], $0xffff  }
0x368: {  	s8 =	simm.s32 $0x240;
	v3 =	vld.idx.msk [tilespmem:v7+s3+$0x0], $0xffff;
	v7 =	vshrl.u32 v6, $0x8  }
0x369: {  	[tilespmem:s8+$0xFFFFFFC0] =	vst.add.f32.msk $0xffff, v11;
	v7 =	vand.u32 $0xFF, v7  }
0x36a: {  	v5 =	vld.idx.msk [tilespmem:v5+s3+$0x0], $0xffff  }
0x36b: {  	v4 =	vld.idx.msk [tilespmem:v4+s3+$0x0], $0xffff  }
0x36c: {  	v12 =	vshrl.u32 v8, $0x8;
	[tilespmem:s7+$0xFFFFFF70] =	vst.add.f32.msk $0xffff, v1  }
0x36d: {  	v60 =	vshrl.u32 v58, $0x8;
	v1 =	vand.u32 $0xFF, v12;
	[tilespmem:s8+$0x0] =	vst.add.f32.msk $0xffff, v3  }
0x36e: {  	v3 =	vand.u32 $0xFF, v60;
	v7 =	vld.idx.msk [tilespmem:v7+s3+$0x0], $0xffff  }
0x36f: {  	v61 =	vshrl.u32 v59, $0x8;
	[tilespmem:s8+$0xFFFFFF80] =	vst.add.f32.msk $0xffff, v5  }
0x370: {  	s10 =	sor.u32 $0x70, s17;
	v5 =	vand.u32 $0xFF, v61;
	[tilespmem:s8+$0xFFFFFF40] =	vst.add.f32.msk $0xffff, v4;
	v4 =	vshrl.u32 v6, $0x10  }
0x371: {  	[tilespmem:s10+$0x80] =	vst.add.f32.msk $0xffff, v2;
	v4 =	vand.u32 $0xFF, v4  }
0x372: {  	s9 =	simm.s32 $0x1C0;
	v1 =	vld.idx.msk [tilespmem:v1+s3+$0x0], $0xffff  }
0x373: {  	s11 =	sor.u32 $0x50, s9;
	v62 =	vshrl.u32 v8, $0x10;
	v3 =	vld.idx.msk [tilespmem:v3+s3+$0x0], $0xffff  }
0x374: {  	[tilespmem:s11+$0x80] =	vst.add.f32.msk $0xffff, v7;
	v7 =	vand.u32 $0xFF, v62  }
0x375: {  	v5 =	vld.idx.msk [tilespmem:v5+s3+$0x0], $0xffff  }
0x376: {  	s13 =	simm.s32 $0x140;
	v4 =	vld.idx.msk [tilespmem:v4+s3+$0x0], $0xffff  }
0x377: {  	s16 =	sor.u32 $0x50, s13;
	v2 =	vshrl.u32 v58, $0x10;
	v6 =	vshrl.u32 v6, $0x18;
	[tilespmem:s8+$0xFFFFFF50] =	vst.add.f32.msk $0xffff, v1  }
0x378: {  	v2 =	vand.u32 $0xFF, v2;
	v1 =	vshrl.u32 v59, $0x10;
	[tilespmem:s16+$0x80] =	vst.add.f32.msk $0xffff, v3  }
0x379: {  	v63 =	vand.u32 $0xFF, v1;
	v7 =	vld.idx.msk [tilespmem:v7+s3+$0x0], $0xffff  }
0x37a: {  	s17 =	sor.u32 $0x60, s9;
	[tilespmem:s8+$0xFFFFFFD0] =	vst.add.f32.msk $0xffff, v5  }
0x37b: {  	[tilespmem:s17+$0x80] =	vst.add.f32.msk $0xffff, v4  }
0x37c: {  	v4 =	vld.idx.msk [tilespmem:v6+s3+$0x0], $0xffff  }
0x37d: {  	s12 =	sor.u32 $0x60, s13;
	v5 =	vld.idx.msk [tilespmem:v2+s3+$0x0], $0xffff  }
0x37e: {  	s10 =	sor.u32 $0x70, s13;
	s13 =	simm.s32 $0x2C0;
	s11 =	simm.s32 $0x40;
	v3 =	vshrl.u32 v58, $0x18;
	v2 =	vshrl.u32 v8, $0x18;
	v1 =	vshrl.u32 v59, $0x18;
	v6 =	vld.idx.msk [tilespmem:v63+s3+$0x0], $0xffff  }
.LBB2_14:
0x37f: {  	s16 =	sshra.s32 s13, $0x2;
	s15 =	sadd.s32 $0xFFFFFF80, s13;
	s11 =	sadd.s32 $0x40, s11;
	[tilespmem:s8+$0xFFFFFF60] =	vst.add.f32.msk $0xffff, v7  }
0x380: {  	s9 =	sor.u32 $0x70, s9;
	s14 =	sor.u32 $0x50, s15;
	v7 =	vld [tilespmem:s16+$0xC080];
	p0 =	slt.u32 s11, $0xFC0  }
0x381: {  	s17 =	sor.u32 $0x60, s15;
	s15 =	sor.u32 $0x70, s15;
	[tilespmem:s9+$0x80] =	vst.add.f32.msk $0xffff, v4;
	s9 =	smov.u32 s13  }
0x382: {  	v4 =	vld [tilespmem:s16+$0xC050]  }
0x383: {  	v8 =	vld [tilespmem:s16+$0xC060]  }
0x384: {  	v9 =	vld [tilespmem:s16+$0xC070]  }
0x385: {  	v10 =	vand.u32 $0xFF, v7;
	[tilespmem:s12+$0x80] =	vst.add.f32.msk $0xffff, v5;
	s12 =	smov.u32 s17  }
0x386: {  	[tilespmem:s8+$0xFFFFFFE0] =	vst.add.f32.msk $0xffff, v6  }
0x387: {  	v5 =	vand.u32 $0xFF, v4;
	v6 =	vshrl.u32 v4, $0x8;
	v11 =	vshrl.u32 v4, $0x10;
	v12 =	vld.idx.msk [tilespmem:v2+s3+$0x0], $0xffff  }
0x388: {  	v6 =	vand.u32 $0xFF, v6;
	v13 =	vand.u32 $0xFF, v8;
	v2 =	vshrl.u32 v8, $0x8;
	v14 =	vld.idx.msk [tilespmem:v3+s3+$0x0], $0xffff  }
0x389: {  	v15 =	vand.u32 $0xFF, v2;
	v16 =	vand.u32 $0xFF, v9;
	v2 =	vshrl.u32 v9, $0x8;
	v17 =	vld.idx.msk [tilespmem:v1+s3+$0x0], $0xffff  }
0x38a: {  	v1 =	vshrl.u32 v8, $0x10;
	v3 =	vshrl.u32 v9, $0x10;
	v18 =	vand.u32 $0xFF, v2;
	v10 =	vld.idx.msk [tilespmem:v10+s3+$0x0], $0xffff  }
0x38b: {  	v11 =	vand.u32 $0xFF, v11;
	v19 =	vand.u32 $0xFF, v1;
	v1 =	vshrl.u32 v7, $0x8;
	[tilespmem:s7+$0xFFFFFFF0] =	vst.add.f32.msk $0xffff, v0;
	s7 =	smov.u32 s8  }
0x38c: {  	v2 =	vshrl.u32 v4, $0x18;
	v20 =	vand.u32 $0xFF, v3;
	v4 =	vand.u32 $0xFF, v1;
	v5 =	vld.idx.msk [tilespmem:v5+s3+$0x0], $0xffff  }
0x38d: {  	v3 =	vshrl.u32 v8, $0x18;
	v1 =	vshrl.u32 v9, $0x18;
	v13 =	vld.idx.msk [tilespmem:v13+s3+$0x0], $0xffff  }
0x38e: {  	v8 =	vld.idx.msk [tilespmem:v16+s3+$0x0], $0xffff  }
0x38f: {  	s8 =	sadd.s32 $0x100, s8;
	v0 =	vmov v17;
	[tilespmem:s7+$0xFFFFFF70] =	vst.add.f32.msk $0xffff, v12  }
0x390: {  	[tilespmem:s8+$0x0] =	vst.add.f32.msk $0xffff, v10  }
0x391: {  	v4 =	vld.idx.msk [tilespmem:v4+s3+$0x0], $0xffff  }
0x392: {  	[tilespmem:s8+$0xFFFFFF40] =	vst.add.f32.msk $0xffff, v5;
	v5 =	vshrl.u32 v7, $0x10  }
0x393: {  	[tilespmem:s8+$0xFFFFFF80] =	vst.add.f32.msk $0xffff, v13;
	v5 =	vand.u32 $0xFF, v5  }
0x394: {  	[tilespmem:s8+$0xFFFFFFC0] =	vst.add.f32.msk $0xffff, v8  }
0x395: {  	v6 =	vld.idx.msk [tilespmem:v6+s3+$0x0], $0xffff  }
0x396: {  	s16 =	sor.u32 $0x50, s13;
	v8 =	vld.idx.msk [tilespmem:v15+s3+$0x0], $0xffff  }
0x397: {  	[tilespmem:s16+$0x80] =	vst.add.f32.msk $0xffff, v4  }
0x398: {  	v4 =	vld.idx.msk [tilespmem:v5+s3+$0x0], $0xffff  }
0x399: {  	v5 =	vld.idx.msk [tilespmem:v18+s3+$0x0], $0xffff  }
0x39a: {  	v9 =	vshrl.u32 v7, $0x18;
	[tilespmem:s10+$0x80] =	vst.add.f32.msk $0xffff, v14;
	s10 =	smov.u32 s15  }
0x39b: {  	[tilespmem:s8+$0xFFFFFF50] =	vst.add.f32.msk $0xffff, v6  }
0x39c: {  	[tilespmem:s14+$0x80] =	vst.add.f32.msk $0xffff, v8  }
0x39d: {  	s14 =	sor.u32 $0x60, s13;
	v7 =	vld.idx.msk [tilespmem:v11+s3+$0x0], $0xffff  }
.Ltmp6:
0x39e: {  	[tilespmem:s14+$0x80] =	vst.add.f32.msk $0xffff, v4;
	(pc) =	sbr.rel @p0 .LBB2_14-.Ltmp6, $4  }
0x39f: {  	v4 =	vld.idx.msk [tilespmem:v9+s3+$0x0], $0xffff  }
0x3a0: {  	[tilespmem:s8+$0xFFFFFFD0] =	vst.add.f32.msk $0xffff, v5  }
0x3a1: {  	v5 =	vld.idx.msk [tilespmem:v19+s3+$0x0], $0xffff  }
0x3a2: {  	s13 =	sadd.s32 $0x100, s13;
	v6 =	vld.idx.msk [tilespmem:v20+s3+$0x0], $0xffff  }
0x3a3: {  	_ =	sdelay $0x2  }
0x3a4: {  	[tilespmem:s8+$0xFFFFFF60] =	vst.add.f32.msk $0xffff, v7  }
0x3a5: {  	v2 =	vld.idx.msk [tilespmem:v2+s3+$0x0], $0xffff  }
0x3a6: {  	[tilespmem:s12+$0x80] =	vst.add.f32.msk $0xffff, v5  }
0x3a7: {  	[tilespmem:s8+$0xFFFFFFE0] =	vst.add.f32.msk $0xffff, v6  }
0x3a8: {  	v3 =	vld.idx.msk [tilespmem:v3+s3+$0x0], $0xffff  }
0x3a9: {  	v1 =	vld.idx.msk [tilespmem:v1+s3+$0x0], $0xffff  }
0x3aa: {  	s9 =	sor.u32 $0x70, s9;
	[tilespmem:s7+$0xFFFFFFF0] =	vst.add.f32.msk $0xffff, v0  }
0x3ab: {  	[tilespmem:s9+$0x80] =	vst.add.f32.msk $0xffff, v4  }
0x3ac: {  	[tilespmem:s8+$0xFFFFFF70] =	vst.add.f32.msk $0xffff, v2  }
0x3ad: {  	[tilespmem:s10+$0x80] =	vst.add.f32.msk $0xffff, v3  }
0x3ae: {  	[tilespmem:s8+$0xFFFFFFF0] =	vst.add.f32.msk $0xffff, v1  }
0x3af: {  	s7 =	rddreg [dreg:$0x11]  }
0x3b0: {  	[hbm4b:s7+s3] =	stream.linear.scatter [tilespmem:s23], [sflag:$0x6], $0x4000, $0x38;
	[tilespmem:$0xE080] =	vst v63  }
0x3b1: {  	_ =	swait.ge [sflag:s5], $0x4000  }
0x3b2: {  	[sflag:s5] =	ssyncset.done $0x0;
	s12 =	rddreg [dreg:$0x12]  }
0x3b3: {  	s13 =	sld [smem:$0x7F6];
	[sflag:s5] =	ssyncadd.s32 $0xFFFFC000  }
0x3b4: {  	[tilespmem:s31], [sflag:$0x3] =	stream.linear.gather [hbm4b:s12+s3], $0x4000, $0x38;
	[tilespmem:$0xE080] =	vst v63  }
0x3b5: {  	_ = 	snop  }
0x3b6: {  	[tilespmem:s24], [sflag:$0x4] =	stream.linear.gather [hbm4b:s13+s3], $0x1000, $0x38;
	[tilespmem:$0xE080] =	vst v63  }
0x3b7: {  	_ =	swait.ge [sflag:s0], $0x4000  }
0x3b8: {  	[sflag:s0] =	ssyncset.done $0x0  }
0x3b9: {  	[sflag:s0] =	ssyncadd.s32 $0xFFFFC000  }
0x3ba: {  	_ =	swait.ge [sflag:s2], $0x1000  }
0x3bb: {  	[sflag:s2] =	ssyncset.done $0x0  }
0x3bc: {  	s14 =	simm.s32 $0x30;
	[sflag:s2] =	ssyncadd.s32 $0xFFFFF000  }
0x3bd: {  	v0 =	vld [tilespmem:s14+$0xD080]  }
0x3be: {  	v1 =	vld [tilespmem:s14+$0xD050]  }
0x3bf: {  	v2 =	vld [tilespmem:s14+$0xD060]  }
0x3c0: {  	v3 =	vld [tilespmem:s14+$0xD070];
	_ =	sdelay $0x1  }
0x3c1: {  	v4 =	vand.u32 $0xFF, v0  }
0x3c2: {  	v5 =	vand.u32 $0xFF, v1  }
0x3c3: {  	v6 =	vand.u32 $0xFF, v2  }
0x3c4: {  	s14 =	simm.s32 $0x70;
	v7 =	vand.u32 $0xFF, v3  }
0x3c5: {  	v59 =	vld [tilespmem:s14+$0xD070]  }
0x3c6: {  	v4 =	vld.idx.msk [tilespmem:v4+s3+$0x0], $0xffff  }
0x3c7: {  	v5 =	vld.idx.msk [tilespmem:v5+s3+$0x0], $0xffff  }
0x3c8: {  	v6 =	vld.idx.msk [tilespmem:v6+s3+$0x0], $0xffff  }
0x3c9: {  	v8 =	vshrl.u32 v0, $0x8;
	v7 =	vld.idx.msk [tilespmem:v7+s3+$0x0], $0xffff  }
0x3ca: {  	s7 =	simm.s32 $0x4140;
	v58 =	vld [tilespmem:s14+$0xD060];
	v9 =	vshrl.u32 v1, $0x8;
	v8 =	vand.u32 $0xFF, v8  }
0x3cb: {  	v9 =	vand.u32 $0xFF, v9;
	[tilespmem:s7+$0x0] =	vst.add.f32.msk $0xffff, v4  }
0x3cc: {  	v10 =	vshrl.u32 v2, $0x8;
	v11 =	vand.u32 $0xFF, v59;
	[tilespmem:s7+$0xFFFFFF40] =	vst.add.f32.msk $0xffff, v5  }
0x3cd: {  	v56 =	vshrl.u32 v3, $0x8;
	v4 =	vand.u32 $0xFF, v10;
	[tilespmem:s7+$0xFFFFFF80] =	vst.add.f32.msk $0xffff, v6  }
0x3ce: {  	v6 =	vand.u32 $0xFF, v56;
	[tilespmem:s7+$0xFFFFFFC0] =	vst.add.f32.msk $0xffff, v7  }
0x3cf: {  	v8 =	vld.idx.msk [tilespmem:v8+s3+$0x0], $0xffff  }
0x3d0: {  	v5 =	vshrl.u32 v0, $0x10;
	v7 =	vld.idx.msk [tilespmem:v9+s3+$0x0], $0xffff  }
0x3d1: {  	v11 =	vld.idx.msk [tilespmem:v11+s3+$0x0], $0xffff;
	v5 =	vand.u32 $0xFF, v5  }
0x3d2: {  	s15 =	simm.s32 $0xC0;
	v57 =	vshrl.u32 v1, $0x10;
	v4 =	vld.idx.msk [tilespmem:v4+s3+$0x0], $0xffff  }
0x3d3: {  	s16 =	sor.u32 $0x50, s15;
	v9 =	vand.u32 $0xFF, v57;
	v6 =	vld.idx.msk [tilespmem:v6+s3+$0x0], $0xffff  }
0x3d4: {  	[tilespmem:s16+$0x4080] =	vst.add.f32.msk $0xffff, v8  }
0x3d5: {  	s17 =	simm.s32 $0x40;
	[tilespmem:s7+$0xFFFFFF50] =	vst.add.f32.msk $0xffff, v7  }
0x3d6: {  	s12 =	sor.u32 $0x50, s17;
	v8 =	vshrl.u32 v2, $0x10;
	v5 =	vld.idx.msk [tilespmem:v5+s3+$0x0], $0xffff  }
0x3d7: {  	v7 =	vshrl.u32 v3, $0x10;
	v8 =	vand.u32 $0xFF, v8;
	[tilespmem:s12+$0x4080] =	vst.add.f32.msk $0xffff, v4  }
0x3d8: {  	v4 =	vand.u32 $0xFF, v7;
	v7 =	vld.idx.msk [tilespmem:v9+s3+$0x0], $0xffff  }
0x3d9: {  	v0 =	vshrl.u32 v0, $0x18;
	[tilespmem:s7+$0xFFFFFFD0] =	vst.add.f32.msk $0xffff, v6  }
0x3da: {  	s13 =	sor.u32 $0x60, s15;
	v6 =	vld [tilespmem:s14+$0xD080]  }
0x3db: {  	[tilespmem:s13+$0x4080] =	vst.add.f32.msk $0xffff, v5  }
0x3dc: {  	v1 =	vshrl.u32 v1, $0x18;
	v5 =	vld.idx.msk [tilespmem:v8+s3+$0x0], $0xffff  }
0x3dd: {  	v8 =	vld [tilespmem:s14+$0xD050]  }
0x3de: {  	v0 =	vld.idx.msk [tilespmem:v0+s3+$0x0], $0xffff  }
0x3df: {  	v2 =	vshrl.u32 v2, $0x18;
	v4 =	vld.idx.msk [tilespmem:v4+s3+$0x0], $0xffff  }
0x3e0: {  	[tilespmem:s7+$0xFFFFFF60] =	vst.add.f32.msk $0xffff, v7  }
0x3e1: {  	s8 =	sor.u32 $0x70, s15;
	s15 =	sor.u32 $0x60, s17;
	v3 =	vshrl.u32 v3, $0x18;
	v1 =	vld.idx.msk [tilespmem:v1+s3+$0x0], $0xffff  }
0x3e2: {  	v7 =	vand.u32 $0xFF, v6;
	[tilespmem:s15+$0x4080] =	vst.add.f32.msk $0xffff, v5  }
0x3e3: {  	[tilespmem:s8+$0x4080] =	vst.add.f32.msk $0xffff, v0  }
0x3e4: {  	v5 =	vand.u32 $0xFF, v58;
	v2 =	vld.idx.msk [tilespmem:v2+s3+$0x0], $0xffff  }
0x3e5: {  	[tilespmem:s7+$0xFFFFFFE0] =	vst.add.f32.msk $0xffff, v4;
	v4 =	vand.u32 $0xFF, v8  }
0x3e6: {  	v0 =	vld.idx.msk [tilespmem:v3+s3+$0x0], $0xffff  }
0x3e7: {  	s8 =	simm.s32 $0x4240;
	v3 =	vld.idx.msk [tilespmem:v7+s3+$0x0], $0xffff;
	v7 =	vshrl.u32 v6, $0x8  }
0x3e8: {  	[tilespmem:s8+$0xFFFFFFC0] =	vst.add.f32.msk $0xffff, v11;
	v7 =	vand.u32 $0xFF, v7  }
0x3e9: {  	v5 =	vld.idx.msk [tilespmem:v5+s3+$0x0], $0xffff  }
0x3ea: {  	v4 =	vld.idx.msk [tilespmem:v4+s3+$0x0], $0xffff  }
0x3eb: {  	v12 =	vshrl.u32 v8, $0x8;
	[tilespmem:s7+$0xFFFFFF70] =	vst.add.f32.msk $0xffff, v1  }
0x3ec: {  	v60 =	vshrl.u32 v58, $0x8;
	v1 =	vand.u32 $0xFF, v12;
	[tilespmem:s8+$0x0] =	vst.add.f32.msk $0xffff, v3  }
0x3ed: {  	v3 =	vand.u32 $0xFF, v60;
	v7 =	vld.idx.msk [tilespmem:v7+s3+$0x0], $0xffff  }
0x3ee: {  	v61 =	vshrl.u32 v59, $0x8;
	[tilespmem:s8+$0xFFFFFF80] =	vst.add.f32.msk $0xffff, v5  }
0x3ef: {  	s10 =	sor.u32 $0x70, s17;
	v5 =	vand.u32 $0xFF, v61;
	[tilespmem:s8+$0xFFFFFF40] =	vst.add.f32.msk $0xffff, v4;
	v4 =	vshrl.u32 v6, $0x10  }
0x3f0: {  	[tilespmem:s10+$0x4080] =	vst.add.f32.msk $0xffff, v2;
	v4 =	vand.u32 $0xFF, v4  }
0x3f1: {  	s9 =	simm.s32 $0x1C0;
	v1 =	vld.idx.msk [tilespmem:v1+s3+$0x0], $0xffff  }
0x3f2: {  	s11 =	sor.u32 $0x50, s9;
	v62 =	vshrl.u32 v8, $0x10;
	v3 =	vld.idx.msk [tilespmem:v3+s3+$0x0], $0xffff  }
0x3f3: {  	[tilespmem:s11+$0x4080] =	vst.add.f32.msk $0xffff, v7;
	v7 =	vand.u32 $0xFF, v62  }
0x3f4: {  	v5 =	vld.idx.msk [tilespmem:v5+s3+$0x0], $0xffff  }
0x3f5: {  	s13 =	simm.s32 $0x140;
	v4 =	vld.idx.msk [tilespmem:v4+s3+$0x0], $0xffff  }
0x3f6: {  	s16 =	sor.u32 $0x50, s13;
	v2 =	vshrl.u32 v58, $0x10;
	v6 =	vshrl.u32 v6, $0x18;
	[tilespmem:s8+$0xFFFFFF50] =	vst.add.f32.msk $0xffff, v1  }
0x3f7: {  	v2 =	vand.u32 $0xFF, v2;
	v1 =	vshrl.u32 v59, $0x10;
	[tilespmem:s16+$0x4080] =	vst.add.f32.msk $0xffff, v3  }
0x3f8: {  	v63 =	vand.u32 $0xFF, v1;
	v7 =	vld.idx.msk [tilespmem:v7+s3+$0x0], $0xffff  }
0x3f9: {  	s17 =	sor.u32 $0x60, s9;
	[tilespmem:s8+$0xFFFFFFD0] =	vst.add.f32.msk $0xffff, v5  }
0x3fa: {  	[tilespmem:s17+$0x4080] =	vst.add.f32.msk $0xffff, v4  }
0x3fb: {  	v4 =	vld.idx.msk [tilespmem:v6+s3+$0x0], $0xffff  }
0x3fc: {  	s12 =	sor.u32 $0x60, s13;
	v5 =	vld.idx.msk [tilespmem:v2+s3+$0x0], $0xffff  }
0x3fd: {  	s10 =	sor.u32 $0x70, s13;
	s13 =	simm.s32 $0x2C0;
	s11 =	simm.s32 $0x40;
	v3 =	vshrl.u32 v58, $0x18;
	v2 =	vshrl.u32 v8, $0x18;
	v1 =	vshrl.u32 v59, $0x18;
	v6 =	vld.idx.msk [tilespmem:v63+s3+$0x0], $0xffff  }
.LBB2_16:
0x3fe: {  	s16 =	sshra.s32 s13, $0x2;
	s15 =	sadd.s32 $0xFFFFFF80, s13;
	s11 =	sadd.s32 $0x40, s11;
	[tilespmem:s8+$0xFFFFFF60] =	vst.add.f32.msk $0xffff, v7  }
0x3ff: {  	s9 =	sor.u32 $0x70, s9;
	s14 =	sor.u32 $0x50, s15;
	v7 =	vld [tilespmem:s16+$0xD080];
	p0 =	slt.u32 s11, $0xFC0  }
0x400: {  	s17 =	sor.u32 $0x60, s15;
	s15 =	sor.u32 $0x70, s15;
	[tilespmem:s9+$0x4080] =	vst.add.f32.msk $0xffff, v4;
	s9 =	smov.u32 s13  }
0x401: {  	v4 =	vld [tilespmem:s16+$0xD050]  }
0x402: {  	v8 =	vld [tilespmem:s16+$0xD060]  }
0x403: {  	v9 =	vld [tilespmem:s16+$0xD070]  }
0x404: {  	v10 =	vand.u32 $0xFF, v7;
	[tilespmem:s12+$0x4080] =	vst.add.f32.msk $0xffff, v5;
	s12 =	smov.u32 s17  }
0x405: {  	[tilespmem:s8+$0xFFFFFFE0] =	vst.add.f32.msk $0xffff, v6  }
0x406: {  	v5 =	vand.u32 $0xFF, v4;
	v6 =	vshrl.u32 v4, $0x8;
	v11 =	vshrl.u32 v4, $0x10;
	v12 =	vld.idx.msk [tilespmem:v2+s3+$0x0], $0xffff  }
0x407: {  	v6 =	vand.u32 $0xFF, v6;
	v13 =	vand.u32 $0xFF, v8;
	v2 =	vshrl.u32 v8, $0x8;
	v14 =	vld.idx.msk [tilespmem:v3+s3+$0x0], $0xffff  }
0x408: {  	v15 =	vand.u32 $0xFF, v2;
	v16 =	vand.u32 $0xFF, v9;
	v2 =	vshrl.u32 v9, $0x8;
	v17 =	vld.idx.msk [tilespmem:v1+s3+$0x0], $0xffff  }
0x409: {  	v1 =	vshrl.u32 v8, $0x10;
	v3 =	vshrl.u32 v9, $0x10;
	v18 =	vand.u32 $0xFF, v2;
	v10 =	vld.idx.msk [tilespmem:v10+s3+$0x0], $0xffff  }
0x40a: {  	v11 =	vand.u32 $0xFF, v11;
	v19 =	vand.u32 $0xFF, v1;
	v1 =	vshrl.u32 v7, $0x8;
	[tilespmem:s7+$0xFFFFFFF0] =	vst.add.f32.msk $0xffff, v0;
	s7 =	smov.u32 s8  }
0x40b: {  	v2 =	vshrl.u32 v4, $0x18;
	v20 =	vand.u32 $0xFF, v3;
	v4 =	vand.u32 $0xFF, v1;
	v5 =	vld.idx.msk [tilespmem:v5+s3+$0x0], $0xffff  }
0x40c: {  	v3 =	vshrl.u32 v8, $0x18;
	v1 =	vshrl.u32 v9, $0x18;
	v13 =	vld.idx.msk [tilespmem:v13+s3+$0x0], $0xffff  }
0x40d: {  	v8 =	vld.idx.msk [tilespmem:v16+s3+$0x0], $0xffff  }
0x40e: {  	s8 =	sadd.s32 $0x100, s8;
	v0 =	vmov v17;
	[tilespmem:s7+$0xFFFFFF70] =	vst.add.f32.msk $0xffff, v12  }
0x40f: {  	[tilespmem:s8+$0x0] =	vst.add.f32.msk $0xffff, v10  }
0x410: {  	v4 =	vld.idx.msk [tilespmem:v4+s3+$0x0], $0xffff  }
0x411: {  	[tilespmem:s8+$0xFFFFFF40] =	vst.add.f32.msk $0xffff, v5;
	v5 =	vshrl.u32 v7, $0x10  }
0x412: {  	[tilespmem:s8+$0xFFFFFF80] =	vst.add.f32.msk $0xffff, v13;
	v5 =	vand.u32 $0xFF, v5  }
0x413: {  	[tilespmem:s8+$0xFFFFFFC0] =	vst.add.f32.msk $0xffff, v8  }
0x414: {  	v6 =	vld.idx.msk [tilespmem:v6+s3+$0x0], $0xffff  }
0x415: {  	s16 =	sor.u32 $0x50, s13;
	v8 =	vld.idx.msk [tilespmem:v15+s3+$0x0], $0xffff  }
0x416: {  	[tilespmem:s16+$0x4080] =	vst.add.f32.msk $0xffff, v4  }
0x417: {  	v4 =	vld.idx.msk [tilespmem:v5+s3+$0x0], $0xffff  }
0x418: {  	v5 =	vld.idx.msk [tilespmem:v18+s3+$0x0], $0xffff  }
0x419: {  	v9 =	vshrl.u32 v7, $0x18;
	[tilespmem:s10+$0x4080] =	vst.add.f32.msk $0xffff, v14;
	s10 =	smov.u32 s15  }
0x41a: {  	[tilespmem:s8+$0xFFFFFF50] =	vst.add.f32.msk $0xffff, v6  }
0x41b: {  	[tilespmem:s14+$0x4080] =	vst.add.f32.msk $0xffff, v8  }
0x41c: {  	s14 =	sor.u32 $0x60, s13;
	v7 =	vld.idx.msk [tilespmem:v11+s3+$0x0], $0xffff  }
.Ltmp7:
0x41d: {  	[tilespmem:s14+$0x4080] =	vst.add.f32.msk $0xffff, v4;
	(pc) =	sbr.rel @p0 .LBB2_16-.Ltmp7, $4  }
0x41e: {  	v4 =	vld.idx.msk [tilespmem:v9+s3+$0x0], $0xffff  }
0x41f: {  	[tilespmem:s8+$0xFFFFFFD0] =	vst.add.f32.msk $0xffff, v5  }
0x420: {  	v5 =	vld.idx.msk [tilespmem:v19+s3+$0x0], $0xffff  }
0x421: {  	s13 =	sadd.s32 $0x100, s13;
	v6 =	vld.idx.msk [tilespmem:v20+s3+$0x0], $0xffff  }
0x422: {  	_ =	sdelay $0x2  }
0x423: {  	[tilespmem:s8+$0xFFFFFF60] =	vst.add.f32.msk $0xffff, v7  }
0x424: {  	v2 =	vld.idx.msk [tilespmem:v2+s3+$0x0], $0xffff  }
0x425: {  	[tilespmem:s12+$0x4080] =	vst.add.f32.msk $0xffff, v5  }
0x426: {  	[tilespmem:s8+$0xFFFFFFE0] =	vst.add.f32.msk $0xffff, v6  }
0x427: {  	v3 =	vld.idx.msk [tilespmem:v3+s3+$0x0], $0xffff  }
0x428: {  	v1 =	vld.idx.msk [tilespmem:v1+s3+$0x0], $0xffff  }
0x429: {  	s9 =	sor.u32 $0x70, s9;
	[tilespmem:s7+$0xFFFFFFF0] =	vst.add.f32.msk $0xffff, v0  }
0x42a: {  	[tilespmem:s9+$0x4080] =	vst.add.f32.msk $0xffff, v4  }
0x42b: {  	[tilespmem:s8+$0xFFFFFF70] =	vst.add.f32.msk $0xffff, v2  }
0x42c: {  	[tilespmem:s10+$0x4080] =	vst.add.f32.msk $0xffff, v3  }
0x42d: {  	[tilespmem:s8+$0xFFFFFFF0] =	vst.add.f32.msk $0xffff, v1  }
0x42e: {  	s7 =	rddreg [dreg:$0x13]  }
0x42f: {  	[hbm4b:s7+s3] =	stream.linear.scatter [tilespmem:s26], [sflag:$0x7], $0x4000, $0x38;
	[tilespmem:$0xE080] =	vst v63  }
0x430: {  	_ =	swait.ge [sflag:s25], $0x4000  }
0x431: {  	[sflag:s25] =	ssyncset.done $0x0;
	s12 =	rddreg [dreg:$0x15]  }
0x432: {  	s13 =	sld [smem:$0x7F7];
	[sflag:s25] =	ssyncadd.s32 $0xFFFFC000  }
0x433: {  	[tilespmem:s23], [sflag:$0x1] =	stream.linear.gather [hbm4b:s12+s3], $0x4000, $0x38;
	[tilespmem:$0xE080] =	vst v63  }
0x434: {  	_ = 	snop  }
0x435: {  	[tilespmem:s28], [sflag:$0x5] =	stream.linear.gather [hbm4b:s13+s3], $0x1000, $0x38;
	[tilespmem:$0xE080] =	vst v63  }
0x436: {  	_ =	swait.ge [sflag:s1], $0x4000  }
0x437: {  	[sflag:s1] =	ssyncset.done $0x0  }
0x438: {  	[sflag:s1] =	ssyncadd.s32 $0xFFFFC000  }
0x439: {  	_ =	swait.ge [sflag:s30], $0x1000  }
0x43a: {  	[sflag:s30] =	ssyncset.done $0x0  }
0x43b: {  	s14 =	simm.s32 $0x30;
	[sflag:s30] =	ssyncadd.s32 $0xFFFFF000  }
0x43c: {  	v0 =	vld [tilespmem:s14+$0xC080]  }
0x43d: {  	v1 =	vld [tilespmem:s14+$0xC050]  }
0x43e: {  	v2 =	vld [tilespmem:s14+$0xC060]  }
0x43f: {  	v3 =	vld [tilespmem:s14+$0xC070];
	_ =	sdelay $0x1  }
0x440: {  	v4 =	vand.u32 $0xFF, v0  }
0x441: {  	v5 =	vand.u32 $0xFF, v1  }
0x442: {  	v6 =	vand.u32 $0xFF, v2  }
0x443: {  	s14 =	simm.s32 $0x70;
	v7 =	vand.u32 $0xFF, v3  }
0x444: {  	v59 =	vld [tilespmem:s14+$0xC070]  }
0x445: {  	v4 =	vld.idx.msk [tilespmem:v4+s3+$0x0], $0xffff  }
0x446: {  	v5 =	vld.idx.msk [tilespmem:v5+s3+$0x0], $0xffff  }
0x447: {  	v6 =	vld.idx.msk [tilespmem:v6+s3+$0x0], $0xffff  }
0x448: {  	v8 =	vshrl.u32 v0, $0x8;
	v7 =	vld.idx.msk [tilespmem:v7+s3+$0x0], $0xffff  }
0x449: {  	s7 =	simm.s32 $0x8140;
	v58 =	vld [tilespmem:s14+$0xC060];
	v9 =	vshrl.u32 v1, $0x8;
	v8 =	vand.u32 $0xFF, v8  }
0x44a: {  	v9 =	vand.u32 $0xFF, v9;
	[tilespmem:s7+$0x0] =	vst.add.f32.msk $0xffff, v4  }
0x44b: {  	v10 =	vshrl.u32 v2, $0x8;
	v11 =	vand.u32 $0xFF, v59;
	[tilespmem:s7+$0xFFFFFF40] =	vst.add.f32.msk $0xffff, v5  }
0x44c: {  	v56 =	vshrl.u32 v3, $0x8;
	v4 =	vand.u32 $0xFF, v10;
	[tilespmem:s7+$0xFFFFFF80] =	vst.add.f32.msk $0xffff, v6  }
0x44d: {  	v6 =	vand.u32 $0xFF, v56;
	[tilespmem:s7+$0xFFFFFFC0] =	vst.add.f32.msk $0xffff, v7  }
0x44e: {  	v8 =	vld.idx.msk [tilespmem:v8+s3+$0x0], $0xffff  }
0x44f: {  	v5 =	vshrl.u32 v0, $0x10;
	v7 =	vld.idx.msk [tilespmem:v9+s3+$0x0], $0xffff  }
0x450: {  	v11 =	vld.idx.msk [tilespmem:v11+s3+$0x0], $0xffff;
	v5 =	vand.u32 $0xFF, v5  }
0x451: {  	s15 =	simm.s32 $0xC0;
	v57 =	vshrl.u32 v1, $0x10;
	v4 =	vld.idx.msk [tilespmem:v4+s3+$0x0], $0xffff  }
0x452: {  	s16 =	sor.u32 $0x50, s15;
	v9 =	vand.u32 $0xFF, v57;
	v6 =	vld.idx.msk [tilespmem:v6+s3+$0x0], $0xffff  }
0x453: {  	[tilespmem:s16+$0x8080] =	vst.add.f32.msk $0xffff, v8  }
0x454: {  	s17 =	simm.s32 $0x40;
	[tilespmem:s7+$0xFFFFFF50] =	vst.add.f32.msk $0xffff, v7  }
0x455: {  	s12 =	sor.u32 $0x50, s17;
	v8 =	vshrl.u32 v2, $0x10;
	v5 =	vld.idx.msk [tilespmem:v5+s3+$0x0], $0xffff  }
0x456: {  	v7 =	vshrl.u32 v3, $0x10;
	v8 =	vand.u32 $0xFF, v8;
	[tilespmem:s12+$0x8080] =	vst.add.f32.msk $0xffff, v4  }
0x457: {  	v4 =	vand.u32 $0xFF, v7;
	v7 =	vld.idx.msk [tilespmem:v9+s3+$0x0], $0xffff  }
0x458: {  	v0 =	vshrl.u32 v0, $0x18;
	[tilespmem:s7+$0xFFFFFFD0] =	vst.add.f32.msk $0xffff, v6  }
0x459: {  	s13 =	sor.u32 $0x60, s15;
	v6 =	vld [tilespmem:s14+$0xC080]  }
0x45a: {  	[tilespmem:s13+$0x8080] =	vst.add.f32.msk $0xffff, v5  }
0x45b: {  	v1 =	vshrl.u32 v1, $0x18;
	v5 =	vld.idx.msk [tilespmem:v8+s3+$0x0], $0xffff  }
0x45c: {  	v8 =	vld [tilespmem:s14+$0xC050]  }
0x45d: {  	v0 =	vld.idx.msk [tilespmem:v0+s3+$0x0], $0xffff  }
0x45e: {  	v2 =	vshrl.u32 v2, $0x18;
	v4 =	vld.idx.msk [tilespmem:v4+s3+$0x0], $0xffff  }
0x45f: {  	[tilespmem:s7+$0xFFFFFF60] =	vst.add.f32.msk $0xffff, v7  }
0x460: {  	s8 =	sor.u32 $0x70, s15;
	s15 =	sor.u32 $0x60, s17;
	v3 =	vshrl.u32 v3, $0x18;
	v1 =	vld.idx.msk [tilespmem:v1+s3+$0x0], $0xffff  }
0x461: {  	v7 =	vand.u32 $0xFF, v6;
	[tilespmem:s15+$0x8080] =	vst.add.f32.msk $0xffff, v5  }
0x462: {  	[tilespmem:s8+$0x8080] =	vst.add.f32.msk $0xffff, v0  }
0x463: {  	v5 =	vand.u32 $0xFF, v58;
	v2 =	vld.idx.msk [tilespmem:v2+s3+$0x0], $0xffff  }
0x464: {  	[tilespmem:s7+$0xFFFFFFE0] =	vst.add.f32.msk $0xffff, v4;
	v4 =	vand.u32 $0xFF, v8  }
0x465: {  	v0 =	vld.idx.msk [tilespmem:v3+s3+$0x0], $0xffff  }
0x466: {  	s8 =	simm.s32 $0x8240;
	v3 =	vld.idx.msk [tilespmem:v7+s3+$0x0], $0xffff;
	v7 =	vshrl.u32 v6, $0x8  }
0x467: {  	[tilespmem:s8+$0xFFFFFFC0] =	vst.add.f32.msk $0xffff, v11;
	v7 =	vand.u32 $0xFF, v7  }
0x468: {  	v5 =	vld.idx.msk [tilespmem:v5+s3+$0x0], $0xffff  }
0x469: {  	v4 =	vld.idx.msk [tilespmem:v4+s3+$0x0], $0xffff  }
0x46a: {  	v12 =	vshrl.u32 v8, $0x8;
	[tilespmem:s7+$0xFFFFFF70] =	vst.add.f32.msk $0xffff, v1  }
0x46b: {  	v60 =	vshrl.u32 v58, $0x8;
	v1 =	vand.u32 $0xFF, v12;
	[tilespmem:s8+$0x0] =	vst.add.f32.msk $0xffff, v3  }
0x46c: {  	v3 =	vand.u32 $0xFF, v60;
	v7 =	vld.idx.msk [tilespmem:v7+s3+$0x0], $0xffff  }
0x46d: {  	v61 =	vshrl.u32 v59, $0x8;
	[tilespmem:s8+$0xFFFFFF80] =	vst.add.f32.msk $0xffff, v5  }
0x46e: {  	s10 =	sor.u32 $0x70, s17;
	v5 =	vand.u32 $0xFF, v61;
	[tilespmem:s8+$0xFFFFFF40] =	vst.add.f32.msk $0xffff, v4;
	v4 =	vshrl.u32 v6, $0x10  }
0x46f: {  	[tilespmem:s10+$0x8080] =	vst.add.f32.msk $0xffff, v2;
	v4 =	vand.u32 $0xFF, v4  }
0x470: {  	s9 =	simm.s32 $0x1C0;
	v1 =	vld.idx.msk [tilespmem:v1+s3+$0x0], $0xffff  }
0x471: {  	s11 =	sor.u32 $0x50, s9;
	v62 =	vshrl.u32 v8, $0x10;
	v3 =	vld.idx.msk [tilespmem:v3+s3+$0x0], $0xffff  }
0x472: {  	[tilespmem:s11+$0x8080] =	vst.add.f32.msk $0xffff, v7;
	v7 =	vand.u32 $0xFF, v62  }
0x473: {  	v5 =	vld.idx.msk [tilespmem:v5+s3+$0x0], $0xffff  }
0x474: {  	s13 =	simm.s32 $0x140;
	v4 =	vld.idx.msk [tilespmem:v4+s3+$0x0], $0xffff  }
0x475: {  	s16 =	sor.u32 $0x50, s13;
	v2 =	vshrl.u32 v58, $0x10;
	v6 =	vshrl.u32 v6, $0x18;
	[tilespmem:s8+$0xFFFFFF50] =	vst.add.f32.msk $0xffff, v1  }
0x476: {  	v2 =	vand.u32 $0xFF, v2;
	v1 =	vshrl.u32 v59, $0x10;
	[tilespmem:s16+$0x8080] =	vst.add.f32.msk $0xffff, v3  }
0x477: {  	v63 =	vand.u32 $0xFF, v1;
	v7 =	vld.idx.msk [tilespmem:v7+s3+$0x0], $0xffff  }
0x478: {  	s17 =	sor.u32 $0x60, s9;
	[tilespmem:s8+$0xFFFFFFD0] =	vst.add.f32.msk $0xffff, v5  }
0x479: {  	[tilespmem:s17+$0x8080] =	vst.add.f32.msk $0xffff, v4  }
0x47a: {  	v4 =	vld.idx.msk [tilespmem:v6+s3+$0x0], $0xffff  }
0x47b: {  	s12 =	sor.u32 $0x60, s13;
	v5 =	vld.idx.msk [tilespmem:v2+s3+$0x0], $0xffff  }
0x47c: {  	s10 =	sor.u32 $0x70, s13;
	s13 =	simm.s32 $0x2C0;
	s11 =	simm.s32 $0x40;
	v3 =	vshrl.u32 v58, $0x18;
	v2 =	vshrl.u32 v8, $0x18;
	v1 =	vshrl.u32 v59, $0x18;
	v6 =	vld.idx.msk [tilespmem:v63+s3+$0x0], $0xffff  }
.LBB2_18:
0x47d: {  	s16 =	sshra.s32 s13, $0x2;
	s15 =	sadd.s32 $0xFFFFFF80, s13;
	s11 =	sadd.s32 $0x40, s11;
	[tilespmem:s8+$0xFFFFFF60] =	vst.add.f32.msk $0xffff, v7  }
0x47e: {  	s9 =	sor.u32 $0x70, s9;
	s14 =	sor.u32 $0x50, s15;
	v7 =	vld [tilespmem:s16+$0xC080];
	p0 =	slt.u32 s11, $0xFC0  }
0x47f: {  	s17 =	sor.u32 $0x60, s15;
	s15 =	sor.u32 $0x70, s15;
	[tilespmem:s9+$0x8080] =	vst.add.f32.msk $0xffff, v4;
	s9 =	smov.u32 s13  }
0x480: {  	v4 =	vld [tilespmem:s16+$0xC050]  }
0x481: {  	v8 =	vld [tilespmem:s16+$0xC060]  }
0x482: {  	v9 =	vld [tilespmem:s16+$0xC070]  }
0x483: {  	v10 =	vand.u32 $0xFF, v7;
	[tilespmem:s12+$0x8080] =	vst.add.f32.msk $0xffff, v5;
	s12 =	smov.u32 s17  }
0x484: {  	[tilespmem:s8+$0xFFFFFFE0] =	vst.add.f32.msk $0xffff, v6  }
0x485: {  	v5 =	vand.u32 $0xFF, v4;
	v6 =	vshrl.u32 v4, $0x8;
	v11 =	vshrl.u32 v4, $0x10;
	v12 =	vld.idx.msk [tilespmem:v2+s3+$0x0], $0xffff  }
0x486: {  	v6 =	vand.u32 $0xFF, v6;
	v13 =	vand.u32 $0xFF, v8;
	v2 =	vshrl.u32 v8, $0x8;
	v14 =	vld.idx.msk [tilespmem:v3+s3+$0x0], $0xffff  }
0x487: {  	v15 =	vand.u32 $0xFF, v2;
	v16 =	vand.u32 $0xFF, v9;
	v2 =	vshrl.u32 v9, $0x8;
	v17 =	vld.idx.msk [tilespmem:v1+s3+$0x0], $0xffff  }
0x488: {  	v1 =	vshrl.u32 v8, $0x10;
	v3 =	vshrl.u32 v9, $0x10;
	v18 =	vand.u32 $0xFF, v2;
	v10 =	vld.idx.msk [tilespmem:v10+s3+$0x0], $0xffff  }
0x489: {  	v11 =	vand.u32 $0xFF, v11;
	v19 =	vand.u32 $0xFF, v1;
	v1 =	vshrl.u32 v7, $0x8;
	[tilespmem:s7+$0xFFFFFFF0] =	vst.add.f32.msk $0xffff, v0;
	s7 =	smov.u32 s8  }
0x48a: {  	v2 =	vshrl.u32 v4, $0x18;
	v20 =	vand.u32 $0xFF, v3;
	v4 =	vand.u32 $0xFF, v1;
	v5 =	vld.idx.msk [tilespmem:v5+s3+$0x0], $0xffff  }
0x48b: {  	v3 =	vshrl.u32 v8, $0x18;
	v1 =	vshrl.u32 v9, $0x18;
	v13 =	vld.idx.msk [tilespmem:v13+s3+$0x0], $0xffff  }
0x48c: {  	v8 =	vld.idx.msk [tilespmem:v16+s3+$0x0], $0xffff  }
0x48d: {  	s8 =	sadd.s32 $0x100, s8;
	v0 =	vmov v17;
	[tilespmem:s7+$0xFFFFFF70] =	vst.add.f32.msk $0xffff, v12  }
0x48e: {  	[tilespmem:s8+$0x0] =	vst.add.f32.msk $0xffff, v10  }
0x48f: {  	v4 =	vld.idx.msk [tilespmem:v4+s3+$0x0], $0xffff  }
0x490: {  	[tilespmem:s8+$0xFFFFFF40] =	vst.add.f32.msk $0xffff, v5;
	v5 =	vshrl.u32 v7, $0x10  }
0x491: {  	[tilespmem:s8+$0xFFFFFF80] =	vst.add.f32.msk $0xffff, v13;
	v5 =	vand.u32 $0xFF, v5  }
0x492: {  	[tilespmem:s8+$0xFFFFFFC0] =	vst.add.f32.msk $0xffff, v8  }
0x493: {  	v6 =	vld.idx.msk [tilespmem:v6+s3+$0x0], $0xffff  }
0x494: {  	s16 =	sor.u32 $0x50, s13;
	v8 =	vld.idx.msk [tilespmem:v15+s3+$0x0], $0xffff  }
0x495: {  	[tilespmem:s16+$0x8080] =	vst.add.f32.msk $0xffff, v4  }
0x496: {  	v4 =	vld.idx.msk [tilespmem:v5+s3+$0x0], $0xffff  }
0x497: {  	v5 =	vld.idx.msk [tilespmem:v18+s3+$0x0], $0xffff  }
0x498: {  	v9 =	vshrl.u32 v7, $0x18;
	[tilespmem:s10+$0x8080] =	vst.add.f32.msk $0xffff, v14;
	s10 =	smov.u32 s15  }
0x499: {  	[tilespmem:s8+$0xFFFFFF50] =	vst.add.f32.msk $0xffff, v6  }
0x49a: {  	[tilespmem:s14+$0x8080] =	vst.add.f32.msk $0xffff, v8  }
0x49b: {  	s14 =	sor.u32 $0x60, s13;
	v7 =	vld.idx.msk [tilespmem:v11+s3+$0x0], $0xffff  }
.Ltmp8:
0x49c: {  	[tilespmem:s14+$0x8080] =	vst.add.f32.msk $0xffff, v4;
	(pc) =	sbr.rel @p0 .LBB2_18-.Ltmp8, $4  }
0x49d: {  	v4 =	vld.idx.msk [tilespmem:v9+s3+$0x0], $0xffff  }
0x49e: {  	[tilespmem:s8+$0xFFFFFFD0] =	vst.add.f32.msk $0xffff, v5  }
0x49f: {  	v5 =	vld.idx.msk [tilespmem:v19+s3+$0x0], $0xffff  }
0x4a0: {  	s13 =	sadd.s32 $0x100, s13;
	v6 =	vld.idx.msk [tilespmem:v20+s3+$0x0], $0xffff  }
0x4a1: {  	_ =	sdelay $0x2  }
0x4a2: {  	[tilespmem:s8+$0xFFFFFF60] =	vst.add.f32.msk $0xffff, v7  }
0x4a3: {  	v2 =	vld.idx.msk [tilespmem:v2+s3+$0x0], $0xffff  }
0x4a4: {  	[tilespmem:s12+$0x8080] =	vst.add.f32.msk $0xffff, v5  }
0x4a5: {  	[tilespmem:s8+$0xFFFFFFE0] =	vst.add.f32.msk $0xffff, v6  }
0x4a6: {  	v3 =	vld.idx.msk [tilespmem:v3+s3+$0x0], $0xffff  }
0x4a7: {  	v1 =	vld.idx.msk [tilespmem:v1+s3+$0x0], $0xffff  }
0x4a8: {  	s9 =	sor.u32 $0x70, s9;
	[tilespmem:s7+$0xFFFFFFF0] =	vst.add.f32.msk $0xffff, v0  }
0x4a9: {  	[tilespmem:s9+$0x8080] =	vst.add.f32.msk $0xffff, v4  }
0x4aa: {  	[tilespmem:s8+$0xFFFFFF70] =	vst.add.f32.msk $0xffff, v2  }
0x4ab: {  	[tilespmem:s10+$0x8080] =	vst.add.f32.msk $0xffff, v3  }
0x4ac: {  	[tilespmem:s8+$0xFFFFFFF0] =	vst.add.f32.msk $0xffff, v1  }
0x4ad: {  	s7 =	rddreg [dreg:$0x14]  }
0x4ae: {  	[hbm4b:s7+s3] =	stream.linear.scatter [tilespmem:s31], [sflag:$0x8], $0x4000, $0x38;
	[tilespmem:$0xE080] =	vst v63  }
0x4af: {  	_ =	swait.ge [sflag:s4], $0x4000  }
0x4b0: {  	[sflag:s4] =	ssyncset.done $0x0;
	s12 =	rddreg [dreg:$0x17]  }
0x4b1: {  	s13 =	sld [smem:$0x7FA];
	[sflag:s4] =	ssyncadd.s32 $0xFFFFC000  }
0x4b2: {  	[tilespmem:s26], [sflag:$0x2] =	stream.linear.gather [hbm4b:s12+s3], $0x4000, $0x38;
	[tilespmem:$0xE080] =	vst v63  }
0x4b3: {  	_ = 	snop  }
0x4b4: {  	[tilespmem:s24], [sflag:$0x4] =	stream.linear.gather [hbm4b:s13+s3], $0x1000, $0x38;
	[tilespmem:$0xE080] =	vst v63  }
0x4b5: {  	_ =	swait.ge [sflag:s29], $0x4000  }
0x4b6: {  	[sflag:s29] =	ssyncset.done $0x0  }
0x4b7: {  	[sflag:s29] =	ssyncadd.s32 $0xFFFFC000  }
0x4b8: {  	_ =	swait.ge [sflag:s2], $0x1000  }
0x4b9: {  	[sflag:s2] =	ssyncset.done $0x0  }
0x4ba: {  	s14 =	simm.s32 $0x30;
	[sflag:s2] =	ssyncadd.s32 $0xFFFFF000  }
0x4bb: {  	v0 =	vld [tilespmem:s14+$0xD080]  }
0x4bc: {  	v1 =	vld [tilespmem:s14+$0xD050]  }
0x4bd: {  	v2 =	vld [tilespmem:s14+$0xD060]  }
0x4be: {  	v3 =	vld [tilespmem:s14+$0xD070];
	_ =	sdelay $0x1  }
0x4bf: {  	v4 =	vand.u32 $0xFF, v0  }
0x4c0: {  	v5 =	vand.u32 $0xFF, v1  }
0x4c1: {  	v6 =	vand.u32 $0xFF, v2  }
0x4c2: {  	s14 =	simm.s32 $0x70;
	v7 =	vand.u32 $0xFF, v3  }
0x4c3: {  	v59 =	vld [tilespmem:s14+$0xD070]  }
0x4c4: {  	v4 =	vld.idx.msk [tilespmem:v4+s3+$0x0], $0xffff  }
0x4c5: {  	v5 =	vld.idx.msk [tilespmem:v5+s3+$0x0], $0xffff  }
0x4c6: {  	v6 =	vld.idx.msk [tilespmem:v6+s3+$0x0], $0xffff  }
0x4c7: {  	v8 =	vshrl.u32 v0, $0x8;
	v7 =	vld.idx.msk [tilespmem:v7+s3+$0x0], $0xffff  }
0x4c8: {  	s7 =	simm.s32 $0x140;
	v58 =	vld [tilespmem:s14+$0xD060];
	v9 =	vshrl.u32 v1, $0x8;
	v8 =	vand.u32 $0xFF, v8  }
0x4c9: {  	v9 =	vand.u32 $0xFF, v9;
	[tilespmem:s7+$0x0] =	vst.add.f32.msk $0xffff, v4  }
0x4ca: {  	v10 =	vshrl.u32 v2, $0x8;
	v11 =	vand.u32 $0xFF, v59;
	[tilespmem:s7+$0xFFFFFF40] =	vst.add.f32.msk $0xffff, v5  }
0x4cb: {  	v56 =	vshrl.u32 v3, $0x8;
	v4 =	vand.u32 $0xFF, v10;
	[tilespmem:s7+$0xFFFFFF80] =	vst.add.f32.msk $0xffff, v6  }
0x4cc: {  	v6 =	vand.u32 $0xFF, v56;
	[tilespmem:s7+$0xFFFFFFC0] =	vst.add.f32.msk $0xffff, v7  }
0x4cd: {  	v8 =	vld.idx.msk [tilespmem:v8+s3+$0x0], $0xffff  }
0x4ce: {  	v5 =	vshrl.u32 v0, $0x10;
	v7 =	vld.idx.msk [tilespmem:v9+s3+$0x0], $0xffff  }
0x4cf: {  	v11 =	vld.idx.msk [tilespmem:v11+s3+$0x0], $0xffff;
	v5 =	vand.u32 $0xFF, v5  }
0x4d0: {  	s15 =	simm.s32 $0xC0;
	v57 =	vshrl.u32 v1, $0x10;
	v4 =	vld.idx.msk [tilespmem:v4+s3+$0x0], $0xffff  }
0x4d1: {  	s16 =	sor.u32 $0x50, s15;
	v9 =	vand.u32 $0xFF, v57;
	v6 =	vld.idx.msk [tilespmem:v6+s3+$0x0], $0xffff  }
0x4d2: {  	[tilespmem:s16+$0x80] =	vst.add.f32.msk $0xffff, v8  }
0x4d3: {  	s17 =	simm.s32 $0x40;
	[tilespmem:s7+$0xFFFFFF50] =	vst.add.f32.msk $0xffff, v7  }
0x4d4: {  	s12 =	sor.u32 $0x50, s17;
	v8 =	vshrl.u32 v2, $0x10;
	v5 =	vld.idx.msk [tilespmem:v5+s3+$0x0], $0xffff  }
0x4d5: {  	v7 =	vshrl.u32 v3, $0x10;
	v8 =	vand.u32 $0xFF, v8;
	[tilespmem:s12+$0x80] =	vst.add.f32.msk $0xffff, v4  }
0x4d6: {  	v4 =	vand.u32 $0xFF, v7;
	v7 =	vld.idx.msk [tilespmem:v9+s3+$0x0], $0xffff  }
0x4d7: {  	v0 =	vshrl.u32 v0, $0x18;
	[tilespmem:s7+$0xFFFFFFD0] =	vst.add.f32.msk $0xffff, v6  }
0x4d8: {  	s13 =	sor.u32 $0x60, s15;
	v6 =	vld [tilespmem:s14+$0xD080]  }
0x4d9: {  	[tilespmem:s13+$0x80] =	vst.add.f32.msk $0xffff, v5  }
0x4da: {  	v1 =	vshrl.u32 v1, $0x18;
	v5 =	vld.idx.msk [tilespmem:v8+s3+$0x0], $0xffff  }
0x4db: {  	v8 =	vld [tilespmem:s14+$0xD050]  }
0x4dc: {  	v0 =	vld.idx.msk [tilespmem:v0+s3+$0x0], $0xffff  }
0x4dd: {  	v2 =	vshrl.u32 v2, $0x18;
	v4 =	vld.idx.msk [tilespmem:v4+s3+$0x0], $0xffff  }
0x4de: {  	[tilespmem:s7+$0xFFFFFF60] =	vst.add.f32.msk $0xffff, v7  }
0x4df: {  	s8 =	sor.u32 $0x70, s15;
	s15 =	sor.u32 $0x60, s17;
	v3 =	vshrl.u32 v3, $0x18;
	v1 =	vld.idx.msk [tilespmem:v1+s3+$0x0], $0xffff  }
0x4e0: {  	v7 =	vand.u32 $0xFF, v6;
	[tilespmem:s15+$0x80] =	vst.add.f32.msk $0xffff, v5  }
0x4e1: {  	[tilespmem:s8+$0x80] =	vst.add.f32.msk $0xffff, v0  }
0x4e2: {  	v5 =	vand.u32 $0xFF, v58;
	v2 =	vld.idx.msk [tilespmem:v2+s3+$0x0], $0xffff  }
0x4e3: {  	[tilespmem:s7+$0xFFFFFFE0] =	vst.add.f32.msk $0xffff, v4;
	v4 =	vand.u32 $0xFF, v8  }
0x4e4: {  	v0 =	vld.idx.msk [tilespmem:v3+s3+$0x0], $0xffff  }
0x4e5: {  	s8 =	simm.s32 $0x240;
	v3 =	vld.idx.msk [tilespmem:v7+s3+$0x0], $0xffff;
	v7 =	vshrl.u32 v6, $0x8  }
0x4e6: {  	[tilespmem:s8+$0xFFFFFFC0] =	vst.add.f32.msk $0xffff, v11;
	v7 =	vand.u32 $0xFF, v7  }
0x4e7: {  	v5 =	vld.idx.msk [tilespmem:v5+s3+$0x0], $0xffff  }
0x4e8: {  	v4 =	vld.idx.msk [tilespmem:v4+s3+$0x0], $0xffff  }
0x4e9: {  	v12 =	vshrl.u32 v8, $0x8;
	[tilespmem:s7+$0xFFFFFF70] =	vst.add.f32.msk $0xffff, v1  }
0x4ea: {  	v60 =	vshrl.u32 v58, $0x8;
	v1 =	vand.u32 $0xFF, v12;
	[tilespmem:s8+$0x0] =	vst.add.f32.msk $0xffff, v3  }
0x4eb: {  	v3 =	vand.u32 $0xFF, v60;
	v7 =	vld.idx.msk [tilespmem:v7+s3+$0x0], $0xffff  }
0x4ec: {  	v61 =	vshrl.u32 v59, $0x8;
	[tilespmem:s8+$0xFFFFFF80] =	vst.add.f32.msk $0xffff, v5  }
0x4ed: {  	s10 =	sor.u32 $0x70, s17;
	v5 =	vand.u32 $0xFF, v61;
	[tilespmem:s8+$0xFFFFFF40] =	vst.add.f32.msk $0xffff, v4;
	v4 =	vshrl.u32 v6, $0x10  }
0x4ee: {  	[tilespmem:s10+$0x80] =	vst.add.f32.msk $0xffff, v2;
	v4 =	vand.u32 $0xFF, v4  }
0x4ef: {  	s9 =	simm.s32 $0x1C0;
	v1 =	vld.idx.msk [tilespmem:v1+s3+$0x0], $0xffff  }
0x4f0: {  	s11 =	sor.u32 $0x50, s9;
	v62 =	vshrl.u32 v8, $0x10;
	v3 =	vld.idx.msk [tilespmem:v3+s3+$0x0], $0xffff  }
0x4f1: {  	[tilespmem:s11+$0x80] =	vst.add.f32.msk $0xffff, v7;
	v7 =	vand.u32 $0xFF, v62  }
0x4f2: {  	v5 =	vld.idx.msk [tilespmem:v5+s3+$0x0], $0xffff  }
0x4f3: {  	s13 =	simm.s32 $0x140;
	v4 =	vld.idx.msk [tilespmem:v4+s3+$0x0], $0xffff  }
0x4f4: {  	s16 =	sor.u32 $0x50, s13;
	v2 =	vshrl.u32 v58, $0x10;
	v6 =	vshrl.u32 v6, $0x18;
	[tilespmem:s8+$0xFFFFFF50] =	vst.add.f32.msk $0xffff, v1  }
0x4f5: {  	v2 =	vand.u32 $0xFF, v2;
	v1 =	vshrl.u32 v59, $0x10;
	[tilespmem:s16+$0x80] =	vst.add.f32.msk $0xffff, v3  }
0x4f6: {  	v63 =	vand.u32 $0xFF, v1;
	v7 =	vld.idx.msk [tilespmem:v7+s3+$0x0], $0xffff  }
0x4f7: {  	s17 =	sor.u32 $0x60, s9;
	[tilespmem:s8+$0xFFFFFFD0] =	vst.add.f32.msk $0xffff, v5  }
0x4f8: {  	[tilespmem:s17+$0x80] =	vst.add.f32.msk $0xffff, v4  }
0x4f9: {  	v4 =	vld.idx.msk [tilespmem:v6+s3+$0x0], $0xffff  }
0x4fa: {  	s12 =	sor.u32 $0x60, s13;
	v5 =	vld.idx.msk [tilespmem:v2+s3+$0x0], $0xffff  }
0x4fb: {  	s10 =	sor.u32 $0x70, s13;
	s13 =	simm.s32 $0x2C0;
	s11 =	simm.s32 $0x40;
	v3 =	vshrl.u32 v58, $0x18;
	v2 =	vshrl.u32 v8, $0x18;
	v1 =	vshrl.u32 v59, $0x18;
	v6 =	vld.idx.msk [tilespmem:v63+s3+$0x0], $0xffff  }
.LBB2_20:
0x4fc: {  	s16 =	sshra.s32 s13, $0x2;
	s15 =	sadd.s32 $0xFFFFFF80, s13;
	s11 =	sadd.s32 $0x40, s11;
	[tilespmem:s8+$0xFFFFFF60] =	vst.add.f32.msk $0xffff, v7  }
0x4fd: {  	s9 =	sor.u32 $0x70, s9;
	s14 =	sor.u32 $0x50, s15;
	v7 =	vld [tilespmem:s16+$0xD080];
	p0 =	slt.u32 s11, $0xFC0  }
0x4fe: {  	s17 =	sor.u32 $0x60, s15;
	s15 =	sor.u32 $0x70, s15;
	[tilespmem:s9+$0x80] =	vst.add.f32.msk $0xffff, v4;
	s9 =	smov.u32 s13  }
0x4ff: {  	v4 =	vld [tilespmem:s16+$0xD050]  }
0x500: {  	v8 =	vld [tilespmem:s16+$0xD060]  }
0x501: {  	v9 =	vld [tilespmem:s16+$0xD070]  }
0x502: {  	v10 =	vand.u32 $0xFF, v7;
	[tilespmem:s12+$0x80] =	vst.add.f32.msk $0xffff, v5;
	s12 =	smov.u32 s17  }
0x503: {  	[tilespmem:s8+$0xFFFFFFE0] =	vst.add.f32.msk $0xffff, v6  }
0x504: {  	v5 =	vand.u32 $0xFF, v4;
	v6 =	vshrl.u32 v4, $0x8;
	v11 =	vshrl.u32 v4, $0x10;
	v12 =	vld.idx.msk [tilespmem:v2+s3+$0x0], $0xffff  }
0x505: {  	v6 =	vand.u32 $0xFF, v6;
	v13 =	vand.u32 $0xFF, v8;
	v2 =	vshrl.u32 v8, $0x8;
	v14 =	vld.idx.msk [tilespmem:v3+s3+$0x0], $0xffff  }
0x506: {  	v15 =	vand.u32 $0xFF, v2;
	v16 =	vand.u32 $0xFF, v9;
	v2 =	vshrl.u32 v9, $0x8;
	v17 =	vld.idx.msk [tilespmem:v1+s3+$0x0], $0xffff  }
0x507: {  	v1 =	vshrl.u32 v8, $0x10;
	v3 =	vshrl.u32 v9, $0x10;
	v18 =	vand.u32 $0xFF, v2;
	v10 =	vld.idx.msk [tilespmem:v10+s3+$0x0], $0xffff  }
0x508: {  	v11 =	vand.u32 $0xFF, v11;
	v19 =	vand.u32 $0xFF, v1;
	v1 =	vshrl.u32 v7, $0x8;
	[tilespmem:s7+$0xFFFFFFF0] =	vst.add.f32.msk $0xffff, v0;
	s7 =	smov.u32 s8  }
0x509: {  	v2 =	vshrl.u32 v4, $0x18;
	v20 =	vand.u32 $0xFF, v3;
	v4 =	vand.u32 $0xFF, v1;
	v5 =	vld.idx.msk [tilespmem:v5+s3+$0x0], $0xffff  }
0x50a: {  	v3 =	vshrl.u32 v8, $0x18;
	v1 =	vshrl.u32 v9, $0x18;
	v13 =	vld.idx.msk [tilespmem:v13+s3+$0x0], $0xffff  }
0x50b: {  	v8 =	vld.idx.msk [tilespmem:v16+s3+$0x0], $0xffff  }
0x50c: {  	s8 =	sadd.s32 $0x100, s8;
	v0 =	vmov v17;
	[tilespmem:s7+$0xFFFFFF70] =	vst.add.f32.msk $0xffff, v12  }
0x50d: {  	[tilespmem:s8+$0x0] =	vst.add.f32.msk $0xffff, v10  }
0x50e: {  	v4 =	vld.idx.msk [tilespmem:v4+s3+$0x0], $0xffff  }
0x50f: {  	[tilespmem:s8+$0xFFFFFF40] =	vst.add.f32.msk $0xffff, v5;
	v5 =	vshrl.u32 v7, $0x10  }
0x510: {  	[tilespmem:s8+$0xFFFFFF80] =	vst.add.f32.msk $0xffff, v13;
	v5 =	vand.u32 $0xFF, v5  }
0x511: {  	[tilespmem:s8+$0xFFFFFFC0] =	vst.add.f32.msk $0xffff, v8  }
0x512: {  	v6 =	vld.idx.msk [tilespmem:v6+s3+$0x0], $0xffff  }
0x513: {  	s16 =	sor.u32 $0x50, s13;
	v8 =	vld.idx.msk [tilespmem:v15+s3+$0x0], $0xffff  }
0x514: {  	[tilespmem:s16+$0x80] =	vst.add.f32.msk $0xffff, v4  }
0x515: {  	v4 =	vld.idx.msk [tilespmem:v5+s3+$0x0], $0xffff  }
0x516: {  	v5 =	vld.idx.msk [tilespmem:v18+s3+$0x0], $0xffff  }
0x517: {  	v9 =	vshrl.u32 v7, $0x18;
	[tilespmem:s10+$0x80] =	vst.add.f32.msk $0xffff, v14;
	s10 =	smov.u32 s15  }
0x518: {  	[tilespmem:s8+$0xFFFFFF50] =	vst.add.f32.msk $0xffff, v6  }
0x519: {  	[tilespmem:s14+$0x80] =	vst.add.f32.msk $0xffff, v8  }
0x51a: {  	s14 =	sor.u32 $0x60, s13;
	v7 =	vld.idx.msk [tilespmem:v11+s3+$0x0], $0xffff  }
.Ltmp9:
0x51b: {  	[tilespmem:s14+$0x80] =	vst.add.f32.msk $0xffff, v4;
	(pc) =	sbr.rel @p0 .LBB2_20-.Ltmp9, $4  }
0x51c: {  	v4 =	vld.idx.msk [tilespmem:v9+s3+$0x0], $0xffff  }
0x51d: {  	[tilespmem:s8+$0xFFFFFFD0] =	vst.add.f32.msk $0xffff, v5  }
0x51e: {  	v5 =	vld.idx.msk [tilespmem:v19+s3+$0x0], $0xffff  }
0x51f: {  	s13 =	sadd.s32 $0x100, s13;
	v6 =	vld.idx.msk [tilespmem:v20+s3+$0x0], $0xffff  }
0x520: {  	_ =	sdelay $0x2  }
0x521: {  	[tilespmem:s8+$0xFFFFFF60] =	vst.add.f32.msk $0xffff, v7  }
0x522: {  	v2 =	vld.idx.msk [tilespmem:v2+s3+$0x0], $0xffff  }
0x523: {  	[tilespmem:s12+$0x80] =	vst.add.f32.msk $0xffff, v5  }
0x524: {  	[tilespmem:s8+$0xFFFFFFE0] =	vst.add.f32.msk $0xffff, v6  }
0x525: {  	v3 =	vld.idx.msk [tilespmem:v3+s3+$0x0], $0xffff  }
0x526: {  	v1 =	vld.idx.msk [tilespmem:v1+s3+$0x0], $0xffff  }
0x527: {  	s9 =	sor.u32 $0x70, s9;
	[tilespmem:s7+$0xFFFFFFF0] =	vst.add.f32.msk $0xffff, v0  }
0x528: {  	[tilespmem:s9+$0x80] =	vst.add.f32.msk $0xffff, v4  }
0x529: {  	[tilespmem:s8+$0xFFFFFF70] =	vst.add.f32.msk $0xffff, v2  }
0x52a: {  	[tilespmem:s10+$0x80] =	vst.add.f32.msk $0xffff, v3  }
0x52b: {  	[tilespmem:s8+$0xFFFFFFF0] =	vst.add.f32.msk $0xffff, v1  }
0x52c: {  	s7 =	rddreg [dreg:$0x16]  }
0x52d: {  	[hbm4b:s7+s3] =	stream.linear.scatter [tilespmem:s23], [sflag:$0x6], $0x4000, $0x38;
	[tilespmem:$0xE080] =	vst v63  }
0x52e: {  	_ =	swait.ge [sflag:s5], $0x4000  }
0x52f: {  	[sflag:s5] =	ssyncset.done $0x0;
	s12 =	rddreg [dreg:$0x19]  }
0x530: {  	s13 =	sld [smem:$0x7FB];
	[sflag:s5] =	ssyncadd.s32 $0xFFFFC000  }
0x531: {  	[tilespmem:s31], [sflag:$0x3] =	stream.linear.gather [hbm4b:s12+s3], $0x4000, $0x38;
	[tilespmem:$0xE080] =	vst v63  }
0x532: {  	_ = 	snop  }
0x533: {  	[tilespmem:s28], [sflag:$0x5] =	stream.linear.gather [hbm4b:s13+s3], $0x1000, $0x38;
	[tilespmem:$0xE080] =	vst v63  }
0x534: {  	_ =	swait.ge [sflag:s0], $0x4000  }
0x535: {  	[sflag:s0] =	ssyncset.done $0x0  }
0x536: {  	[sflag:s0] =	ssyncadd.s32 $0xFFFFC000  }
0x537: {  	_ =	swait.ge [sflag:s30], $0x1000  }
0x538: {  	[sflag:s30] =	ssyncset.done $0x0  }
0x539: {  	s14 =	simm.s32 $0x30;
	[sflag:s30] =	ssyncadd.s32 $0xFFFFF000  }
0x53a: {  	v0 =	vld [tilespmem:s14+$0xC080]  }
0x53b: {  	v1 =	vld [tilespmem:s14+$0xC050]  }
0x53c: {  	v2 =	vld [tilespmem:s14+$0xC060]  }
0x53d: {  	v3 =	vld [tilespmem:s14+$0xC070];
	_ =	sdelay $0x1  }
0x53e: {  	v4 =	vand.u32 $0xFF, v0  }
0x53f: {  	v5 =	vand.u32 $0xFF, v1  }
0x540: {  	v6 =	vand.u32 $0xFF, v2  }
0x541: {  	s14 =	simm.s32 $0x70;
	v7 =	vand.u32 $0xFF, v3  }
0x542: {  	v59 =	vld [tilespmem:s14+$0xC070]  }
0x543: {  	v4 =	vld.idx.msk [tilespmem:v4+s3+$0x0], $0xffff  }
0x544: {  	v5 =	vld.idx.msk [tilespmem:v5+s3+$0x0], $0xffff  }
0x545: {  	v6 =	vld.idx.msk [tilespmem:v6+s3+$0x0], $0xffff  }
0x546: {  	v8 =	vshrl.u32 v0, $0x8;
	v7 =	vld.idx.msk [tilespmem:v7+s3+$0x0], $0xffff  }
0x547: {  	s7 =	simm.s32 $0x4140;
	v58 =	vld [tilespmem:s14+$0xC060];
	v9 =	vshrl.u32 v1, $0x8;
	v8 =	vand.u32 $0xFF, v8  }
0x548: {  	v9 =	vand.u32 $0xFF, v9;
	[tilespmem:s7+$0x0] =	vst.add.f32.msk $0xffff, v4  }
0x549: {  	v10 =	vshrl.u32 v2, $0x8;
	v11 =	vand.u32 $0xFF, v59;
	[tilespmem:s7+$0xFFFFFF40] =	vst.add.f32.msk $0xffff, v5  }
0x54a: {  	v56 =	vshrl.u32 v3, $0x8;
	v4 =	vand.u32 $0xFF, v10;
	[tilespmem:s7+$0xFFFFFF80] =	vst.add.f32.msk $0xffff, v6  }
0x54b: {  	v6 =	vand.u32 $0xFF, v56;
	[tilespmem:s7+$0xFFFFFFC0] =	vst.add.f32.msk $0xffff, v7  }
0x54c: {  	v8 =	vld.idx.msk [tilespmem:v8+s3+$0x0], $0xffff  }
0x54d: {  	v5 =	vshrl.u32 v0, $0x10;
	v7 =	vld.idx.msk [tilespmem:v9+s3+$0x0], $0xffff  }
0x54e: {  	v11 =	vld.idx.msk [tilespmem:v11+s3+$0x0], $0xffff;
	v5 =	vand.u32 $0xFF, v5  }
0x54f: {  	s15 =	simm.s32 $0xC0;
	v57 =	vshrl.u32 v1, $0x10;
	v4 =	vld.idx.msk [tilespmem:v4+s3+$0x0], $0xffff  }
0x550: {  	s16 =	sor.u32 $0x50, s15;
	v9 =	vand.u32 $0xFF, v57;
	v6 =	vld.idx.msk [tilespmem:v6+s3+$0x0], $0xffff  }
0x551: {  	[tilespmem:s16+$0x4080] =	vst.add.f32.msk $0xffff, v8  }
0x552: {  	s17 =	simm.s32 $0x40;
	[tilespmem:s7+$0xFFFFFF50] =	vst.add.f32.msk $0xffff, v7  }
0x553: {  	s12 =	sor.u32 $0x50, s17;
	v8 =	vshrl.u32 v2, $0x10;
	v5 =	vld.idx.msk [tilespmem:v5+s3+$0x0], $0xffff  }
0x554: {  	v7 =	vshrl.u32 v3, $0x10;
	v8 =	vand.u32 $0xFF, v8;
	[tilespmem:s12+$0x4080] =	vst.add.f32.msk $0xffff, v4  }
0x555: {  	v4 =	vand.u32 $0xFF, v7;
	v7 =	vld.idx.msk [tilespmem:v9+s3+$0x0], $0xffff  }
0x556: {  	v0 =	vshrl.u32 v0, $0x18;
	[tilespmem:s7+$0xFFFFFFD0] =	vst.add.f32.msk $0xffff, v6  }
0x557: {  	s13 =	sor.u32 $0x60, s15;
	v6 =	vld [tilespmem:s14+$0xC080]  }
0x558: {  	[tilespmem:s13+$0x4080] =	vst.add.f32.msk $0xffff, v5  }
0x559: {  	v1 =	vshrl.u32 v1, $0x18;
	v5 =	vld.idx.msk [tilespmem:v8+s3+$0x0], $0xffff  }
0x55a: {  	v8 =	vld [tilespmem:s14+$0xC050]  }
0x55b: {  	v0 =	vld.idx.msk [tilespmem:v0+s3+$0x0], $0xffff  }
0x55c: {  	v2 =	vshrl.u32 v2, $0x18;
	v4 =	vld.idx.msk [tilespmem:v4+s3+$0x0], $0xffff  }
0x55d: {  	[tilespmem:s7+$0xFFFFFF60] =	vst.add.f32.msk $0xffff, v7  }
0x55e: {  	s8 =	sor.u32 $0x70, s15;
	s15 =	sor.u32 $0x60, s17;
	v3 =	vshrl.u32 v3, $0x18;
	v1 =	vld.idx.msk [tilespmem:v1+s3+$0x0], $0xffff  }
0x55f: {  	v7 =	vand.u32 $0xFF, v6;
	[tilespmem:s15+$0x4080] =	vst.add.f32.msk $0xffff, v5  }
0x560: {  	[tilespmem:s8+$0x4080] =	vst.add.f32.msk $0xffff, v0  }
0x561: {  	v5 =	vand.u32 $0xFF, v58;
	v2 =	vld.idx.msk [tilespmem:v2+s3+$0x0], $0xffff  }
0x562: {  	[tilespmem:s7+$0xFFFFFFE0] =	vst.add.f32.msk $0xffff, v4;
	v4 =	vand.u32 $0xFF, v8  }
0x563: {  	v0 =	vld.idx.msk [tilespmem:v3+s3+$0x0], $0xffff  }
0x564: {  	s8 =	simm.s32 $0x4240;
	v3 =	vld.idx.msk [tilespmem:v7+s3+$0x0], $0xffff;
	v7 =	vshrl.u32 v6, $0x8  }
0x565: {  	[tilespmem:s8+$0xFFFFFFC0] =	vst.add.f32.msk $0xffff, v11;
	v7 =	vand.u32 $0xFF, v7  }
0x566: {  	v5 =	vld.idx.msk [tilespmem:v5+s3+$0x0], $0xffff  }
0x567: {  	v4 =	vld.idx.msk [tilespmem:v4+s3+$0x0], $0xffff  }
0x568: {  	v12 =	vshrl.u32 v8, $0x8;
	[tilespmem:s7+$0xFFFFFF70] =	vst.add.f32.msk $0xffff, v1  }
0x569: {  	v60 =	vshrl.u32 v58, $0x8;
	v1 =	vand.u32 $0xFF, v12;
	[tilespmem:s8+$0x0] =	vst.add.f32.msk $0xffff, v3  }
0x56a: {  	v3 =	vand.u32 $0xFF, v60;
	v7 =	vld.idx.msk [tilespmem:v7+s3+$0x0], $0xffff  }
0x56b: {  	v61 =	vshrl.u32 v59, $0x8;
	[tilespmem:s8+$0xFFFFFF80] =	vst.add.f32.msk $0xffff, v5  }
0x56c: {  	s10 =	sor.u32 $0x70, s17;
	v5 =	vand.u32 $0xFF, v61;
	[tilespmem:s8+$0xFFFFFF40] =	vst.add.f32.msk $0xffff, v4;
	v4 =	vshrl.u32 v6, $0x10  }
0x56d: {  	[tilespmem:s10+$0x4080] =	vst.add.f32.msk $0xffff, v2;
	v4 =	vand.u32 $0xFF, v4  }
0x56e: {  	s9 =	simm.s32 $0x1C0;
	v1 =	vld.idx.msk [tilespmem:v1+s3+$0x0], $0xffff  }
0x56f: {  	s11 =	sor.u32 $0x50, s9;
	v62 =	vshrl.u32 v8, $0x10;
	v3 =	vld.idx.msk [tilespmem:v3+s3+$0x0], $0xffff  }
0x570: {  	[tilespmem:s11+$0x4080] =	vst.add.f32.msk $0xffff, v7;
	v7 =	vand.u32 $0xFF, v62  }
0x571: {  	v5 =	vld.idx.msk [tilespmem:v5+s3+$0x0], $0xffff  }
0x572: {  	s13 =	simm.s32 $0x140;
	v4 =	vld.idx.msk [tilespmem:v4+s3+$0x0], $0xffff  }
0x573: {  	s16 =	sor.u32 $0x50, s13;
	v2 =	vshrl.u32 v58, $0x10;
	v6 =	vshrl.u32 v6, $0x18;
	[tilespmem:s8+$0xFFFFFF50] =	vst.add.f32.msk $0xffff, v1  }
0x574: {  	v2 =	vand.u32 $0xFF, v2;
	v1 =	vshrl.u32 v59, $0x10;
	[tilespmem:s16+$0x4080] =	vst.add.f32.msk $0xffff, v3  }
0x575: {  	v63 =	vand.u32 $0xFF, v1;
	v7 =	vld.idx.msk [tilespmem:v7+s3+$0x0], $0xffff  }
0x576: {  	s17 =	sor.u32 $0x60, s9;
	[tilespmem:s8+$0xFFFFFFD0] =	vst.add.f32.msk $0xffff, v5  }
0x577: {  	[tilespmem:s17+$0x4080] =	vst.add.f32.msk $0xffff, v4  }
0x578: {  	v4 =	vld.idx.msk [tilespmem:v6+s3+$0x0], $0xffff  }
0x579: {  	s12 =	sor.u32 $0x60, s13;
	v5 =	vld.idx.msk [tilespmem:v2+s3+$0x0], $0xffff  }
0x57a: {  	s10 =	sor.u32 $0x70, s13;
	s13 =	simm.s32 $0x2C0;
	s11 =	simm.s32 $0x40;
	v3 =	vshrl.u32 v58, $0x18;
	v2 =	vshrl.u32 v8, $0x18;
	v1 =	vshrl.u32 v59, $0x18;
	v6 =	vld.idx.msk [tilespmem:v63+s3+$0x0], $0xffff  }
.LBB2_22:
0x57b: {  	s16 =	sshra.s32 s13, $0x2;
	s15 =	sadd.s32 $0xFFFFFF80, s13;
	s11 =	sadd.s32 $0x40, s11;
	[tilespmem:s8+$0xFFFFFF60] =	vst.add.f32.msk $0xffff, v7  }
0x57c: {  	s9 =	sor.u32 $0x70, s9;
	s14 =	sor.u32 $0x50, s15;
	v7 =	vld [tilespmem:s16+$0xC080];
	p0 =	slt.u32 s11, $0xFC0  }
0x57d: {  	s17 =	sor.u32 $0x60, s15;
	s15 =	sor.u32 $0x70, s15;
	[tilespmem:s9+$0x4080] =	vst.add.f32.msk $0xffff, v4;
	s9 =	smov.u32 s13  }
0x57e: {  	v4 =	vld [tilespmem:s16+$0xC050]  }
0x57f: {  	v8 =	vld [tilespmem:s16+$0xC060]  }
0x580: {  	v9 =	vld [tilespmem:s16+$0xC070]  }
0x581: {  	v10 =	vand.u32 $0xFF, v7;
	[tilespmem:s12+$0x4080] =	vst.add.f32.msk $0xffff, v5;
	s12 =	smov.u32 s17  }
0x582: {  	[tilespmem:s8+$0xFFFFFFE0] =	vst.add.f32.msk $0xffff, v6  }
0x583: {  	v5 =	vand.u32 $0xFF, v4;
	v6 =	vshrl.u32 v4, $0x8;
	v11 =	vshrl.u32 v4, $0x10;
	v12 =	vld.idx.msk [tilespmem:v2+s3+$0x0], $0xffff  }
0x584: {  	v6 =	vand.u32 $0xFF, v6;
	v13 =	vand.u32 $0xFF, v8;
	v2 =	vshrl.u32 v8, $0x8;
	v14 =	vld.idx.msk [tilespmem:v3+s3+$0x0], $0xffff  }
0x585: {  	v15 =	vand.u32 $0xFF, v2;
	v16 =	vand.u32 $0xFF, v9;
	v2 =	vshrl.u32 v9, $0x8;
	v17 =	vld.idx.msk [tilespmem:v1+s3+$0x0], $0xffff  }
0x586: {  	v1 =	vshrl.u32 v8, $0x10;
	v3 =	vshrl.u32 v9, $0x10;
	v18 =	vand.u32 $0xFF, v2;
	v10 =	vld.idx.msk [tilespmem:v10+s3+$0x0], $0xffff  }
0x587: {  	v11 =	vand.u32 $0xFF, v11;
	v19 =	vand.u32 $0xFF, v1;
	v1 =	vshrl.u32 v7, $0x8;
	[tilespmem:s7+$0xFFFFFFF0] =	vst.add.f32.msk $0xffff, v0;
	s7 =	smov.u32 s8  }
0x588: {  	v2 =	vshrl.u32 v4, $0x18;
	v20 =	vand.u32 $0xFF, v3;
	v4 =	vand.u32 $0xFF, v1;
	v5 =	vld.idx.msk [tilespmem:v5+s3+$0x0], $0xffff  }
0x589: {  	v3 =	vshrl.u32 v8, $0x18;
	v1 =	vshrl.u32 v9, $0x18;
	v13 =	vld.idx.msk [tilespmem:v13+s3+$0x0], $0xffff  }
0x58a: {  	v8 =	vld.idx.msk [tilespmem:v16+s3+$0x0], $0xffff  }
0x58b: {  	s8 =	sadd.s32 $0x100, s8;
	v0 =	vmov v17;
	[tilespmem:s7+$0xFFFFFF70] =	vst.add.f32.msk $0xffff, v12  }
0x58c: {  	[tilespmem:s8+$0x0] =	vst.add.f32.msk $0xffff, v10  }
0x58d: {  	v4 =	vld.idx.msk [tilespmem:v4+s3+$0x0], $0xffff  }
0x58e: {  	[tilespmem:s8+$0xFFFFFF40] =	vst.add.f32.msk $0xffff, v5;
	v5 =	vshrl.u32 v7, $0x10  }
0x58f: {  	[tilespmem:s8+$0xFFFFFF80] =	vst.add.f32.msk $0xffff, v13;
	v5 =	vand.u32 $0xFF, v5  }
0x590: {  	[tilespmem:s8+$0xFFFFFFC0] =	vst.add.f32.msk $0xffff, v8  }
0x591: {  	v6 =	vld.idx.msk [tilespmem:v6+s3+$0x0], $0xffff  }
0x592: {  	s16 =	sor.u32 $0x50, s13;
	v8 =	vld.idx.msk [tilespmem:v15+s3+$0x0], $0xffff  }
0x593: {  	[tilespmem:s16+$0x4080] =	vst.add.f32.msk $0xffff, v4  }
0x594: {  	v4 =	vld.idx.msk [tilespmem:v5+s3+$0x0], $0xffff  }
0x595: {  	v5 =	vld.idx.msk [tilespmem:v18+s3+$0x0], $0xffff  }
0x596: {  	v9 =	vshrl.u32 v7, $0x18;
	[tilespmem:s10+$0x4080] =	vst.add.f32.msk $0xffff, v14;
	s10 =	smov.u32 s15  }
0x597: {  	[tilespmem:s8+$0xFFFFFF50] =	vst.add.f32.msk $0xffff, v6  }
0x598: {  	[tilespmem:s14+$0x4080] =	vst.add.f32.msk $0xffff, v8  }
0x599: {  	s14 =	sor.u32 $0x60, s13;
	v7 =	vld.idx.msk [tilespmem:v11+s3+$0x0], $0xffff  }
.Ltmp10:
0x59a: {  	[tilespmem:s14+$0x4080] =	vst.add.f32.msk $0xffff, v4;
	(pc) =	sbr.rel @p0 .LBB2_22-.Ltmp10, $4  }
0x59b: {  	v4 =	vld.idx.msk [tilespmem:v9+s3+$0x0], $0xffff  }
0x59c: {  	[tilespmem:s8+$0xFFFFFFD0] =	vst.add.f32.msk $0xffff, v5  }
0x59d: {  	v5 =	vld.idx.msk [tilespmem:v19+s3+$0x0], $0xffff  }
0x59e: {  	s13 =	sadd.s32 $0x100, s13;
	v6 =	vld.idx.msk [tilespmem:v20+s3+$0x0], $0xffff  }
0x59f: {  	_ =	sdelay $0x2  }
0x5a0: {  	[tilespmem:s8+$0xFFFFFF60] =	vst.add.f32.msk $0xffff, v7  }
0x5a1: {  	v2 =	vld.idx.msk [tilespmem:v2+s3+$0x0], $0xffff  }
0x5a2: {  	[tilespmem:s12+$0x4080] =	vst.add.f32.msk $0xffff, v5  }
0x5a3: {  	[tilespmem:s8+$0xFFFFFFE0] =	vst.add.f32.msk $0xffff, v6  }
0x5a4: {  	v3 =	vld.idx.msk [tilespmem:v3+s3+$0x0], $0xffff  }
0x5a5: {  	v1 =	vld.idx.msk [tilespmem:v1+s3+$0x0], $0xffff  }
0x5a6: {  	s9 =	sor.u32 $0x70, s9;
	[tilespmem:s7+$0xFFFFFFF0] =	vst.add.f32.msk $0xffff, v0  }
0x5a7: {  	[tilespmem:s9+$0x4080] =	vst.add.f32.msk $0xffff, v4  }
0x5a8: {  	[tilespmem:s8+$0xFFFFFF70] =	vst.add.f32.msk $0xffff, v2  }
0x5a9: {  	[tilespmem:s10+$0x4080] =	vst.add.f32.msk $0xffff, v3  }
0x5aa: {  	[tilespmem:s8+$0xFFFFFFF0] =	vst.add.f32.msk $0xffff, v1  }
0x5ab: {  	s7 =	rddreg [dreg:$0x18]  }
0x5ac: {  	[hbm4b:s7+s3] =	stream.linear.scatter [tilespmem:s26], [sflag:$0x7], $0x4000, $0x38;
	[tilespmem:$0xE080] =	vst v63  }
0x5ad: {  	_ =	swait.ge [sflag:s25], $0x4000  }
0x5ae: {  	[sflag:s25] =	ssyncset.done $0x0;
	s12 =	rddreg [dreg:$0x1f]  }
0x5af: {  	s13 =	sld [smem:$0x7FD];
	[sflag:s25] =	ssyncadd.s32 $0xFFFFC000  }
0x5b0: {  	[tilespmem:s23], [sflag:$0x1] =	stream.linear.gather [hbm4b:s12+s3], $0x4000, $0x38;
	[tilespmem:$0xE080] =	vst v63  }
0x5b1: {  	_ = 	snop  }
0x5b2: {  	[tilespmem:s24], [sflag:$0x4] =	stream.linear.gather [hbm4b:s13+s3], $0x1000, $0x38;
	[tilespmem:$0xE080] =	vst v63  }
0x5b3: {  	_ =	swait.ge [sflag:s1], $0x4000  }
0x5b4: {  	[sflag:s1] =	ssyncset.done $0x0  }
0x5b5: {  	[sflag:s1] =	ssyncadd.s32 $0xFFFFC000  }
0x5b6: {  	_ =	swait.ge [sflag:s2], $0x1000  }
0x5b7: {  	[sflag:s2] =	ssyncset.done $0x0  }
0x5b8: {  	s14 =	simm.s32 $0x30;
	[sflag:s2] =	ssyncadd.s32 $0xFFFFF000  }
0x5b9: {  	v0 =	vld [tilespmem:s14+$0xD080]  }
0x5ba: {  	v1 =	vld [tilespmem:s14+$0xD050]  }
0x5bb: {  	v2 =	vld [tilespmem:s14+$0xD060]  }
0x5bc: {  	v3 =	vld [tilespmem:s14+$0xD070];
	_ =	sdelay $0x1  }
0x5bd: {  	v4 =	vand.u32 $0xFF, v0  }
0x5be: {  	v5 =	vand.u32 $0xFF, v1  }
0x5bf: {  	v6 =	vand.u32 $0xFF, v2  }
0x5c0: {  	s14 =	simm.s32 $0x70;
	v7 =	vand.u32 $0xFF, v3  }
0x5c1: {  	v59 =	vld [tilespmem:s14+$0xD070]  }
0x5c2: {  	v4 =	vld.idx.msk [tilespmem:v4+s3+$0x0], $0xffff  }
0x5c3: {  	v5 =	vld.idx.msk [tilespmem:v5+s3+$0x0], $0xffff  }
0x5c4: {  	v6 =	vld.idx.msk [tilespmem:v6+s3+$0x0], $0xffff  }
0x5c5: {  	v8 =	vshrl.u32 v0, $0x8;
	v7 =	vld.idx.msk [tilespmem:v7+s3+$0x0], $0xffff  }
0x5c6: {  	s7 =	simm.s32 $0x8140;
	v58 =	vld [tilespmem:s14+$0xD060];
	v9 =	vshrl.u32 v1, $0x8;
	v8 =	vand.u32 $0xFF, v8  }
0x5c7: {  	v9 =	vand.u32 $0xFF, v9;
	[tilespmem:s7+$0x0] =	vst.add.f32.msk $0xffff, v4  }
0x5c8: {  	v10 =	vshrl.u32 v2, $0x8;
	v11 =	vand.u32 $0xFF, v59;
	[tilespmem:s7+$0xFFFFFF40] =	vst.add.f32.msk $0xffff, v5  }
0x5c9: {  	v56 =	vshrl.u32 v3, $0x8;
	v4 =	vand.u32 $0xFF, v10;
	[tilespmem:s7+$0xFFFFFF80] =	vst.add.f32.msk $0xffff, v6  }
0x5ca: {  	v6 =	vand.u32 $0xFF, v56;
	[tilespmem:s7+$0xFFFFFFC0] =	vst.add.f32.msk $0xffff, v7  }
0x5cb: {  	v8 =	vld.idx.msk [tilespmem:v8+s3+$0x0], $0xffff  }
0x5cc: {  	v5 =	vshrl.u32 v0, $0x10;
	v7 =	vld.idx.msk [tilespmem:v9+s3+$0x0], $0xffff  }
0x5cd: {  	v11 =	vld.idx.msk [tilespmem:v11+s3+$0x0], $0xffff;
	v5 =	vand.u32 $0xFF, v5  }
0x5ce: {  	s15 =	simm.s32 $0xC0;
	v57 =	vshrl.u32 v1, $0x10;
	v4 =	vld.idx.msk [tilespmem:v4+s3+$0x0], $0xffff  }
0x5cf: {  	s16 =	sor.u32 $0x50, s15;
	v9 =	vand.u32 $0xFF, v57;
	v6 =	vld.idx.msk [tilespmem:v6+s3+$0x0], $0xffff  }
0x5d0: {  	[tilespmem:s16+$0x8080] =	vst.add.f32.msk $0xffff, v8  }
0x5d1: {  	s17 =	simm.s32 $0x40;
	[tilespmem:s7+$0xFFFFFF50] =	vst.add.f32.msk $0xffff, v7  }
0x5d2: {  	s12 =	sor.u32 $0x50, s17;
	v8 =	vshrl.u32 v2, $0x10;
	v5 =	vld.idx.msk [tilespmem:v5+s3+$0x0], $0xffff  }
0x5d3: {  	v7 =	vshrl.u32 v3, $0x10;
	v8 =	vand.u32 $0xFF, v8;
	[tilespmem:s12+$0x8080] =	vst.add.f32.msk $0xffff, v4  }
0x5d4: {  	v4 =	vand.u32 $0xFF, v7;
	v7 =	vld.idx.msk [tilespmem:v9+s3+$0x0], $0xffff  }
0x5d5: {  	v0 =	vshrl.u32 v0, $0x18;
	[tilespmem:s7+$0xFFFFFFD0] =	vst.add.f32.msk $0xffff, v6  }
0x5d6: {  	s13 =	sor.u32 $0x60, s15;
	v6 =	vld [tilespmem:s14+$0xD080]  }
0x5d7: {  	[tilespmem:s13+$0x8080] =	vst.add.f32.msk $0xffff, v5  }
0x5d8: {  	v1 =	vshrl.u32 v1, $0x18;
	v5 =	vld.idx.msk [tilespmem:v8+s3+$0x0], $0xffff  }
0x5d9: {  	v8 =	vld [tilespmem:s14+$0xD050]  }
0x5da: {  	v0 =	vld.idx.msk [tilespmem:v0+s3+$0x0], $0xffff  }
0x5db: {  	v2 =	vshrl.u32 v2, $0x18;
	v4 =	vld.idx.msk [tilespmem:v4+s3+$0x0], $0xffff  }
0x5dc: {  	[tilespmem:s7+$0xFFFFFF60] =	vst.add.f32.msk $0xffff, v7  }
0x5dd: {  	s8 =	sor.u32 $0x70, s15;
	s15 =	sor.u32 $0x60, s17;
	v3 =	vshrl.u32 v3, $0x18;
	v1 =	vld.idx.msk [tilespmem:v1+s3+$0x0], $0xffff  }
0x5de: {  	v7 =	vand.u32 $0xFF, v6;
	[tilespmem:s15+$0x8080] =	vst.add.f32.msk $0xffff, v5  }
0x5df: {  	[tilespmem:s8+$0x8080] =	vst.add.f32.msk $0xffff, v0  }
0x5e0: {  	v5 =	vand.u32 $0xFF, v58;
	v2 =	vld.idx.msk [tilespmem:v2+s3+$0x0], $0xffff  }
0x5e1: {  	[tilespmem:s7+$0xFFFFFFE0] =	vst.add.f32.msk $0xffff, v4;
	v4 =	vand.u32 $0xFF, v8  }
0x5e2: {  	v0 =	vld.idx.msk [tilespmem:v3+s3+$0x0], $0xffff  }
0x5e3: {  	s8 =	simm.s32 $0x8240;
	v3 =	vld.idx.msk [tilespmem:v7+s3+$0x0], $0xffff;
	v7 =	vshrl.u32 v6, $0x8  }
0x5e4: {  	[tilespmem:s8+$0xFFFFFFC0] =	vst.add.f32.msk $0xffff, v11;
	v7 =	vand.u32 $0xFF, v7  }
0x5e5: {  	v5 =	vld.idx.msk [tilespmem:v5+s3+$0x0], $0xffff  }
0x5e6: {  	v4 =	vld.idx.msk [tilespmem:v4+s3+$0x0], $0xffff  }
0x5e7: {  	v12 =	vshrl.u32 v8, $0x8;
	[tilespmem:s7+$0xFFFFFF70] =	vst.add.f32.msk $0xffff, v1  }
0x5e8: {  	v60 =	vshrl.u32 v58, $0x8;
	v1 =	vand.u32 $0xFF, v12;
	[tilespmem:s8+$0x0] =	vst.add.f32.msk $0xffff, v3  }
0x5e9: {  	v3 =	vand.u32 $0xFF, v60;
	v7 =	vld.idx.msk [tilespmem:v7+s3+$0x0], $0xffff  }
0x5ea: {  	v61 =	vshrl.u32 v59, $0x8;
	[tilespmem:s8+$0xFFFFFF80] =	vst.add.f32.msk $0xffff, v5  }
0x5eb: {  	s10 =	sor.u32 $0x70, s17;
	v5 =	vand.u32 $0xFF, v61;
	[tilespmem:s8+$0xFFFFFF40] =	vst.add.f32.msk $0xffff, v4;
	v4 =	vshrl.u32 v6, $0x10  }
0x5ec: {  	[tilespmem:s10+$0x8080] =	vst.add.f32.msk $0xffff, v2;
	v4 =	vand.u32 $0xFF, v4  }
0x5ed: {  	s9 =	simm.s32 $0x1C0;
	v1 =	vld.idx.msk [tilespmem:v1+s3+$0x0], $0xffff  }
0x5ee: {  	s11 =	sor.u32 $0x50, s9;
	v62 =	vshrl.u32 v8, $0x10;
	v3 =	vld.idx.msk [tilespmem:v3+s3+$0x0], $0xffff  }
0x5ef: {  	[tilespmem:s11+$0x8080] =	vst.add.f32.msk $0xffff, v7;
	v7 =	vand.u32 $0xFF, v62  }
0x5f0: {  	v5 =	vld.idx.msk [tilespmem:v5+s3+$0x0], $0xffff  }
0x5f1: {  	s13 =	simm.s32 $0x140;
	v4 =	vld.idx.msk [tilespmem:v4+s3+$0x0], $0xffff  }
0x5f2: {  	s16 =	sor.u32 $0x50, s13;
	v2 =	vshrl.u32 v58, $0x10;
	v6 =	vshrl.u32 v6, $0x18;
	[tilespmem:s8+$0xFFFFFF50] =	vst.add.f32.msk $0xffff, v1  }
0x5f3: {  	v2 =	vand.u32 $0xFF, v2;
	v1 =	vshrl.u32 v59, $0x10;
	[tilespmem:s16+$0x8080] =	vst.add.f32.msk $0xffff, v3  }
0x5f4: {  	v63 =	vand.u32 $0xFF, v1;
	v7 =	vld.idx.msk [tilespmem:v7+s3+$0x0], $0xffff  }
0x5f5: {  	s17 =	sor.u32 $0x60, s9;
	[tilespmem:s8+$0xFFFFFFD0] =	vst.add.f32.msk $0xffff, v5  }
0x5f6: {  	[tilespmem:s17+$0x8080] =	vst.add.f32.msk $0xffff, v4  }
0x5f7: {  	v4 =	vld.idx.msk [tilespmem:v6+s3+$0x0], $0xffff  }
0x5f8: {  	s12 =	sor.u32 $0x60, s13;
	v5 =	vld.idx.msk [tilespmem:v2+s3+$0x0], $0xffff  }
0x5f9: {  	s10 =	sor.u32 $0x70, s13;
	s13 =	simm.s32 $0x2C0;
	s11 =	simm.s32 $0x40;
	v3 =	vshrl.u32 v58, $0x18;
	v2 =	vshrl.u32 v8, $0x18;
	v1 =	vshrl.u32 v59, $0x18;
	v6 =	vld.idx.msk [tilespmem:v63+s3+$0x0], $0xffff  }
.LBB2_24:
0x5fa: {  	s16 =	sshra.s32 s13, $0x2;
	s15 =	sadd.s32 $0xFFFFFF80, s13;
	s11 =	sadd.s32 $0x40, s11;
	[tilespmem:s8+$0xFFFFFF60] =	vst.add.f32.msk $0xffff, v7  }
0x5fb: {  	s9 =	sor.u32 $0x70, s9;
	s14 =	sor.u32 $0x50, s15;
	v7 =	vld [tilespmem:s16+$0xD080];
	p0 =	slt.u32 s11, $0xFC0  }
0x5fc: {  	s17 =	sor.u32 $0x60, s15;
	s15 =	sor.u32 $0x70, s15;
	[tilespmem:s9+$0x8080] =	vst.add.f32.msk $0xffff, v4;
	s9 =	smov.u32 s13  }
0x5fd: {  	v4 =	vld [tilespmem:s16+$0xD050]  }
0x5fe: {  	v8 =	vld [tilespmem:s16+$0xD060]  }
0x5ff: {  	v9 =	vld [tilespmem:s16+$0xD070]  }
0x600: {  	v10 =	vand.u32 $0xFF, v7;
	[tilespmem:s12+$0x8080] =	vst.add.f32.msk $0xffff, v5;
	s12 =	smov.u32 s17  }
0x601: {  	[tilespmem:s8+$0xFFFFFFE0] =	vst.add.f32.msk $0xffff, v6  }
0x602: {  	v5 =	vand.u32 $0xFF, v4;
	v6 =	vshrl.u32 v4, $0x8;
	v11 =	vshrl.u32 v4, $0x10;
	v12 =	vld.idx.msk [tilespmem:v2+s3+$0x0], $0xffff  }
0x603: {  	v6 =	vand.u32 $0xFF, v6;
	v13 =	vand.u32 $0xFF, v8;
	v2 =	vshrl.u32 v8, $0x8;
	v14 =	vld.idx.msk [tilespmem:v3+s3+$0x0], $0xffff  }
0x604: {  	v15 =	vand.u32 $0xFF, v2;
	v16 =	vand.u32 $0xFF, v9;
	v2 =	vshrl.u32 v9, $0x8;
	v17 =	vld.idx.msk [tilespmem:v1+s3+$0x0], $0xffff  }
0x605: {  	v1 =	vshrl.u32 v8, $0x10;
	v3 =	vshrl.u32 v9, $0x10;
	v18 =	vand.u32 $0xFF, v2;
	v10 =	vld.idx.msk [tilespmem:v10+s3+$0x0], $0xffff  }
0x606: {  	v11 =	vand.u32 $0xFF, v11;
	v19 =	vand.u32 $0xFF, v1;
	v1 =	vshrl.u32 v7, $0x8;
	[tilespmem:s7+$0xFFFFFFF0] =	vst.add.f32.msk $0xffff, v0;
	s7 =	smov.u32 s8  }
0x607: {  	v2 =	vshrl.u32 v4, $0x18;
	v20 =	vand.u32 $0xFF, v3;
	v4 =	vand.u32 $0xFF, v1;
	v5 =	vld.idx.msk [tilespmem:v5+s3+$0x0], $0xffff  }
0x608: {  	v3 =	vshrl.u32 v8, $0x18;
	v1 =	vshrl.u32 v9, $0x18;
	v13 =	vld.idx.msk [tilespmem:v13+s3+$0x0], $0xffff  }
0x609: {  	v8 =	vld.idx.msk [tilespmem:v16+s3+$0x0], $0xffff  }
0x60a: {  	s8 =	sadd.s32 $0x100, s8;
	v0 =	vmov v17;
	[tilespmem:s7+$0xFFFFFF70] =	vst.add.f32.msk $0xffff, v12  }
0x60b: {  	[tilespmem:s8+$0x0] =	vst.add.f32.msk $0xffff, v10  }
0x60c: {  	v4 =	vld.idx.msk [tilespmem:v4+s3+$0x0], $0xffff  }
0x60d: {  	[tilespmem:s8+$0xFFFFFF40] =	vst.add.f32.msk $0xffff, v5;
	v5 =	vshrl.u32 v7, $0x10  }
0x60e: {  	[tilespmem:s8+$0xFFFFFF80] =	vst.add.f32.msk $0xffff, v13;
	v5 =	vand.u32 $0xFF, v5  }
0x60f: {  	[tilespmem:s8+$0xFFFFFFC0] =	vst.add.f32.msk $0xffff, v8  }
0x610: {  	v6 =	vld.idx.msk [tilespmem:v6+s3+$0x0], $0xffff  }
0x611: {  	s16 =	sor.u32 $0x50, s13;
	v8 =	vld.idx.msk [tilespmem:v15+s3+$0x0], $0xffff  }
0x612: {  	[tilespmem:s16+$0x8080] =	vst.add.f32.msk $0xffff, v4  }
0x613: {  	v4 =	vld.idx.msk [tilespmem:v5+s3+$0x0], $0xffff  }
0x614: {  	v5 =	vld.idx.msk [tilespmem:v18+s3+$0x0], $0xffff  }
0x615: {  	v9 =	vshrl.u32 v7, $0x18;
	[tilespmem:s10+$0x8080] =	vst.add.f32.msk $0xffff, v14;
	s10 =	smov.u32 s15  }
0x616: {  	[tilespmem:s8+$0xFFFFFF50] =	vst.add.f32.msk $0xffff, v6  }
0x617: {  	[tilespmem:s14+$0x8080] =	vst.add.f32.msk $0xffff, v8  }
0x618: {  	s14 =	sor.u32 $0x60, s13;
	v7 =	vld.idx.msk [tilespmem:v11+s3+$0x0], $0xffff  }
.Ltmp11:
0x619: {  	[tilespmem:s14+$0x8080] =	vst.add.f32.msk $0xffff, v4;
	(pc) =	sbr.rel @p0 .LBB2_24-.Ltmp11, $4  }
0x61a: {  	v4 =	vld.idx.msk [tilespmem:v9+s3+$0x0], $0xffff  }
0x61b: {  	[tilespmem:s8+$0xFFFFFFD0] =	vst.add.f32.msk $0xffff, v5  }
0x61c: {  	v5 =	vld.idx.msk [tilespmem:v19+s3+$0x0], $0xffff  }
0x61d: {  	s13 =	sadd.s32 $0x100, s13;
	v6 =	vld.idx.msk [tilespmem:v20+s3+$0x0], $0xffff  }
0x61e: {  	_ =	sdelay $0x2  }
0x61f: {  	[tilespmem:s8+$0xFFFFFF60] =	vst.add.f32.msk $0xffff, v7  }
0x620: {  	v2 =	vld.idx.msk [tilespmem:v2+s3+$0x0], $0xffff  }
0x621: {  	[tilespmem:s12+$0x8080] =	vst.add.f32.msk $0xffff, v5  }
0x622: {  	[tilespmem:s8+$0xFFFFFFE0] =	vst.add.f32.msk $0xffff, v6  }
0x623: {  	v3 =	vld.idx.msk [tilespmem:v3+s3+$0x0], $0xffff  }
0x624: {  	v1 =	vld.idx.msk [tilespmem:v1+s3+$0x0], $0xffff  }
0x625: {  	s9 =	sor.u32 $0x70, s9;
	[tilespmem:s7+$0xFFFFFFF0] =	vst.add.f32.msk $0xffff, v0  }
0x626: {  	[tilespmem:s9+$0x8080] =	vst.add.f32.msk $0xffff, v4  }
0x627: {  	[tilespmem:s8+$0xFFFFFF70] =	vst.add.f32.msk $0xffff, v2  }
0x628: {  	[tilespmem:s10+$0x8080] =	vst.add.f32.msk $0xffff, v3  }
0x629: {  	[tilespmem:s8+$0xFFFFFFF0] =	vst.add.f32.msk $0xffff, v1  }
0x62a: {  	s7 =	rddreg [dreg:$0x1a]  }
0x62b: {  	[hbm4b:s7+s3] =	stream.linear.scatter [tilespmem:s31], [sflag:$0x8], $0x4000, $0x38;
	[tilespmem:$0xE080] =	vst v63  }
0x62c: {  	_ =	swait.ge [sflag:s4], $0x4000  }
0x62d: {  	s13 =	sld [smem:$0x7F2]  }
0x62e: {  	[sflag:s4] =	ssyncset.done $0x0  }
0x62f: {  	[sflag:s4] =	ssyncadd.s32 $0xFFFFC000  }
0x630: {  	[tilespmem:s26], [sflag:$0x2] =	stream.linear.gather [hbm4b:s13+s3], $0x4000, $0x38;
	[tilespmem:$0xE080] =	vst v63  }
0x631: {  	_ = 	snop  }
0x632: {  	[tilespmem:s28], [sflag:$0x5] =	stream.linear.gather [hbm4b:s18+s3], $0x1000, $0x38;
	[tilespmem:$0xE080] =	vst v63  }
0x633: {  	_ =	swait.ge [sflag:s29], $0x4000  }
0x634: {  	[sflag:s29] =	ssyncset.done $0x0  }
0x635: {  	[sflag:s29] =	ssyncadd.s32 $0xFFFFC000  }
0x636: {  	_ =	swait.ge [sflag:s30], $0x1000  }
0x637: {  	[sflag:s30] =	ssyncset.done $0x0  }
0x638: {  	s14 =	simm.s32 $0x30;
	[sflag:s30] =	ssyncadd.s32 $0xFFFFF000  }
0x639: {  	v0 =	vld [tilespmem:s14+$0xC080]  }
0x63a: {  	v1 =	vld [tilespmem:s14+$0xC050]  }
0x63b: {  	v2 =	vld [tilespmem:s14+$0xC060]  }
0x63c: {  	v3 =	vld [tilespmem:s14+$0xC070];
	_ =	sdelay $0x1  }
0x63d: {  	v4 =	vand.u32 $0xFF, v0  }
0x63e: {  	v5 =	vand.u32 $0xFF, v1  }
0x63f: {  	v6 =	vand.u32 $0xFF, v2  }
0x640: {  	s14 =	simm.s32 $0x70;
	v7 =	vand.u32 $0xFF, v3  }
0x641: {  	v59 =	vld [tilespmem:s14+$0xC070]  }
0x642: {  	v4 =	vld.idx.msk [tilespmem:v4+s3+$0x0], $0xffff  }
0x643: {  	v5 =	vld.idx.msk [tilespmem:v5+s3+$0x0], $0xffff  }
0x644: {  	v6 =	vld.idx.msk [tilespmem:v6+s3+$0x0], $0xffff  }
0x645: {  	v8 =	vshrl.u32 v0, $0x8;
	v7 =	vld.idx.msk [tilespmem:v7+s3+$0x0], $0xffff  }
0x646: {  	s7 =	simm.s32 $0x140;
	v58 =	vld [tilespmem:s14+$0xC060];
	v9 =	vshrl.u32 v1, $0x8;
	v8 =	vand.u32 $0xFF, v8  }
0x647: {  	v9 =	vand.u32 $0xFF, v9;
	[tilespmem:s7+$0x0] =	vst.add.f32.msk $0xffff, v4  }
0x648: {  	v10 =	vshrl.u32 v2, $0x8;
	v11 =	vand.u32 $0xFF, v59;
	[tilespmem:s7+$0xFFFFFF40] =	vst.add.f32.msk $0xffff, v5  }
0x649: {  	v56 =	vshrl.u32 v3, $0x8;
	v4 =	vand.u32 $0xFF, v10;
	[tilespmem:s7+$0xFFFFFF80] =	vst.add.f32.msk $0xffff, v6  }
0x64a: {  	v6 =	vand.u32 $0xFF, v56;
	[tilespmem:s7+$0xFFFFFFC0] =	vst.add.f32.msk $0xffff, v7  }
0x64b: {  	v8 =	vld.idx.msk [tilespmem:v8+s3+$0x0], $0xffff  }
0x64c: {  	v5 =	vshrl.u32 v0, $0x10;
	v7 =	vld.idx.msk [tilespmem:v9+s3+$0x0], $0xffff  }
0x64d: {  	v11 =	vld.idx.msk [tilespmem:v11+s3+$0x0], $0xffff;
	v5 =	vand.u32 $0xFF, v5  }
0x64e: {  	s15 =	simm.s32 $0xC0;
	v57 =	vshrl.u32 v1, $0x10;
	v4 =	vld.idx.msk [tilespmem:v4+s3+$0x0], $0xffff  }
0x64f: {  	s16 =	sor.u32 $0x50, s15;
	v9 =	vand.u32 $0xFF, v57;
	v6 =	vld.idx.msk [tilespmem:v6+s3+$0x0], $0xffff  }
0x650: {  	[tilespmem:s16+$0x80] =	vst.add.f32.msk $0xffff, v8  }
0x651: {  	s17 =	simm.s32 $0x40;
	[tilespmem:s7+$0xFFFFFF50] =	vst.add.f32.msk $0xffff, v7  }
0x652: {  	s12 =	sor.u32 $0x50, s17;
	v8 =	vshrl.u32 v2, $0x10;
	v5 =	vld.idx.msk [tilespmem:v5+s3+$0x0], $0xffff  }
0x653: {  	v7 =	vshrl.u32 v3, $0x10;
	v8 =	vand.u32 $0xFF, v8;
	[tilespmem:s12+$0x80] =	vst.add.f32.msk $0xffff, v4  }
0x654: {  	v4 =	vand.u32 $0xFF, v7;
	v7 =	vld.idx.msk [tilespmem:v9+s3+$0x0], $0xffff  }
0x655: {  	v0 =	vshrl.u32 v0, $0x18;
	[tilespmem:s7+$0xFFFFFFD0] =	vst.add.f32.msk $0xffff, v6  }
0x656: {  	s13 =	sor.u32 $0x60, s15;
	v6 =	vld [tilespmem:s14+$0xC080]  }
0x657: {  	[tilespmem:s13+$0x80] =	vst.add.f32.msk $0xffff, v5  }
0x658: {  	v1 =	vshrl.u32 v1, $0x18;
	v5 =	vld.idx.msk [tilespmem:v8+s3+$0x0], $0xffff  }
0x659: {  	v8 =	vld [tilespmem:s14+$0xC050]  }
0x65a: {  	v0 =	vld.idx.msk [tilespmem:v0+s3+$0x0], $0xffff  }
0x65b: {  	v2 =	vshrl.u32 v2, $0x18;
	v4 =	vld.idx.msk [tilespmem:v4+s3+$0x0], $0xffff  }
0x65c: {  	[tilespmem:s7+$0xFFFFFF60] =	vst.add.f32.msk $0xffff, v7  }
0x65d: {  	s8 =	sor.u32 $0x70, s15;
	s15 =	sor.u32 $0x60, s17;
	v3 =	vshrl.u32 v3, $0x18;
	v1 =	vld.idx.msk [tilespmem:v1+s3+$0x0], $0xffff  }
0x65e: {  	v7 =	vand.u32 $0xFF, v6;
	[tilespmem:s15+$0x80] =	vst.add.f32.msk $0xffff, v5  }
0x65f: {  	[tilespmem:s8+$0x80] =	vst.add.f32.msk $0xffff, v0  }
0x660: {  	v5 =	vand.u32 $0xFF, v58;
	v2 =	vld.idx.msk [tilespmem:v2+s3+$0x0], $0xffff  }
0x661: {  	[tilespmem:s7+$0xFFFFFFE0] =	vst.add.f32.msk $0xffff, v4;
	v4 =	vand.u32 $0xFF, v8  }
0x662: {  	v0 =	vld.idx.msk [tilespmem:v3+s3+$0x0], $0xffff  }
0x663: {  	s8 =	simm.s32 $0x240;
	v3 =	vld.idx.msk [tilespmem:v7+s3+$0x0], $0xffff;
	v7 =	vshrl.u32 v6, $0x8  }
0x664: {  	[tilespmem:s8+$0xFFFFFFC0] =	vst.add.f32.msk $0xffff, v11;
	v7 =	vand.u32 $0xFF, v7  }
0x665: {  	v5 =	vld.idx.msk [tilespmem:v5+s3+$0x0], $0xffff  }
0x666: {  	v4 =	vld.idx.msk [tilespmem:v4+s3+$0x0], $0xffff  }
0x667: {  	v12 =	vshrl.u32 v8, $0x8;
	[tilespmem:s7+$0xFFFFFF70] =	vst.add.f32.msk $0xffff, v1  }
0x668: {  	v60 =	vshrl.u32 v58, $0x8;
	v1 =	vand.u32 $0xFF, v12;
	[tilespmem:s8+$0x0] =	vst.add.f32.msk $0xffff, v3  }
0x669: {  	v3 =	vand.u32 $0xFF, v60;
	v7 =	vld.idx.msk [tilespmem:v7+s3+$0x0], $0xffff  }
0x66a: {  	v61 =	vshrl.u32 v59, $0x8;
	[tilespmem:s8+$0xFFFFFF80] =	vst.add.f32.msk $0xffff, v5  }
0x66b: {  	s10 =	sor.u32 $0x70, s17;
	v5 =	vand.u32 $0xFF, v61;
	[tilespmem:s8+$0xFFFFFF40] =	vst.add.f32.msk $0xffff, v4;
	v4 =	vshrl.u32 v6, $0x10  }
0x66c: {  	[tilespmem:s10+$0x80] =	vst.add.f32.msk $0xffff, v2;
	v4 =	vand.u32 $0xFF, v4  }
0x66d: {  	s9 =	simm.s32 $0x1C0;
	v1 =	vld.idx.msk [tilespmem:v1+s3+$0x0], $0xffff  }
0x66e: {  	s11 =	sor.u32 $0x50, s9;
	v62 =	vshrl.u32 v8, $0x10;
	v3 =	vld.idx.msk [tilespmem:v3+s3+$0x0], $0xffff  }
0x66f: {  	[tilespmem:s11+$0x80] =	vst.add.f32.msk $0xffff, v7;
	v7 =	vand.u32 $0xFF, v62  }
0x670: {  	v5 =	vld.idx.msk [tilespmem:v5+s3+$0x0], $0xffff  }
0x671: {  	s13 =	simm.s32 $0x140;
	v4 =	vld.idx.msk [tilespmem:v4+s3+$0x0], $0xffff  }
0x672: {  	s16 =	sor.u32 $0x50, s13;
	v2 =	vshrl.u32 v58, $0x10;
	v6 =	vshrl.u32 v6, $0x18;
	[tilespmem:s8+$0xFFFFFF50] =	vst.add.f32.msk $0xffff, v1  }
0x673: {  	v2 =	vand.u32 $0xFF, v2;
	v1 =	vshrl.u32 v59, $0x10;
	[tilespmem:s16+$0x80] =	vst.add.f32.msk $0xffff, v3  }
0x674: {  	v63 =	vand.u32 $0xFF, v1;
	v7 =	vld.idx.msk [tilespmem:v7+s3+$0x0], $0xffff  }
0x675: {  	s17 =	sor.u32 $0x60, s9;
	[tilespmem:s8+$0xFFFFFFD0] =	vst.add.f32.msk $0xffff, v5  }
0x676: {  	[tilespmem:s17+$0x80] =	vst.add.f32.msk $0xffff, v4  }
0x677: {  	v4 =	vld.idx.msk [tilespmem:v6+s3+$0x0], $0xffff  }
0x678: {  	s12 =	sor.u32 $0x60, s13;
	v5 =	vld.idx.msk [tilespmem:v2+s3+$0x0], $0xffff  }
0x679: {  	s10 =	sor.u32 $0x70, s13;
	s13 =	simm.s32 $0x2C0;
	s11 =	simm.s32 $0x40;
	v3 =	vshrl.u32 v58, $0x18;
	v2 =	vshrl.u32 v8, $0x18;
	v1 =	vshrl.u32 v59, $0x18;
	v6 =	vld.idx.msk [tilespmem:v63+s3+$0x0], $0xffff  }
.LBB2_26:
0x67a: {  	s16 =	sshra.s32 s13, $0x2;
	s15 =	sadd.s32 $0xFFFFFF80, s13;
	s11 =	sadd.s32 $0x40, s11;
	[tilespmem:s8+$0xFFFFFF60] =	vst.add.f32.msk $0xffff, v7  }
0x67b: {  	s9 =	sor.u32 $0x70, s9;
	s14 =	sor.u32 $0x50, s15;
	v7 =	vld [tilespmem:s16+$0xC080];
	p0 =	slt.u32 s11, $0xFC0  }
0x67c: {  	s17 =	sor.u32 $0x60, s15;
	s15 =	sor.u32 $0x70, s15;
	[tilespmem:s9+$0x80] =	vst.add.f32.msk $0xffff, v4;
	s9 =	smov.u32 s13  }
0x67d: {  	v4 =	vld [tilespmem:s16+$0xC050]  }
0x67e: {  	v8 =	vld [tilespmem:s16+$0xC060]  }
0x67f: {  	v9 =	vld [tilespmem:s16+$0xC070]  }
0x680: {  	v10 =	vand.u32 $0xFF, v7;
	[tilespmem:s12+$0x80] =	vst.add.f32.msk $0xffff, v5;
	s12 =	smov.u32 s17  }
0x681: {  	[tilespmem:s8+$0xFFFFFFE0] =	vst.add.f32.msk $0xffff, v6  }
0x682: {  	v5 =	vand.u32 $0xFF, v4;
	v6 =	vshrl.u32 v4, $0x8;
	v11 =	vshrl.u32 v4, $0x10;
	v12 =	vld.idx.msk [tilespmem:v2+s3+$0x0], $0xffff  }
0x683: {  	v6 =	vand.u32 $0xFF, v6;
	v13 =	vand.u32 $0xFF, v8;
	v2 =	vshrl.u32 v8, $0x8;
	v14 =	vld.idx.msk [tilespmem:v3+s3+$0x0], $0xffff  }
0x684: {  	v15 =	vand.u32 $0xFF, v2;
	v16 =	vand.u32 $0xFF, v9;
	v2 =	vshrl.u32 v9, $0x8;
	v17 =	vld.idx.msk [tilespmem:v1+s3+$0x0], $0xffff  }
0x685: {  	v1 =	vshrl.u32 v8, $0x10;
	v3 =	vshrl.u32 v9, $0x10;
	v18 =	vand.u32 $0xFF, v2;
	v10 =	vld.idx.msk [tilespmem:v10+s3+$0x0], $0xffff  }
0x686: {  	v11 =	vand.u32 $0xFF, v11;
	v19 =	vand.u32 $0xFF, v1;
	v1 =	vshrl.u32 v7, $0x8;
	[tilespmem:s7+$0xFFFFFFF0] =	vst.add.f32.msk $0xffff, v0;
	s7 =	smov.u32 s8  }
0x687: {  	v2 =	vshrl.u32 v4, $0x18;
	v20 =	vand.u32 $0xFF, v3;
	v4 =	vand.u32 $0xFF, v1;
	v5 =	vld.idx.msk [tilespmem:v5+s3+$0x0], $0xffff  }
0x688: {  	v3 =	vshrl.u32 v8, $0x18;
	v1 =	vshrl.u32 v9, $0x18;
	v13 =	vld.idx.msk [tilespmem:v13+s3+$0x0], $0xffff  }
0x689: {  	v8 =	vld.idx.msk [tilespmem:v16+s3+$0x0], $0xffff  }
0x68a: {  	s8 =	sadd.s32 $0x100, s8;
	v0 =	vmov v17;
	[tilespmem:s7+$0xFFFFFF70] =	vst.add.f32.msk $0xffff, v12  }
0x68b: {  	[tilespmem:s8+$0x0] =	vst.add.f32.msk $0xffff, v10  }
0x68c: {  	v4 =	vld.idx.msk [tilespmem:v4+s3+$0x0], $0xffff  }
0x68d: {  	[tilespmem:s8+$0xFFFFFF40] =	vst.add.f32.msk $0xffff, v5;
	v5 =	vshrl.u32 v7, $0x10  }
0x68e: {  	[tilespmem:s8+$0xFFFFFF80] =	vst.add.f32.msk $0xffff, v13;
	v5 =	vand.u32 $0xFF, v5  }
0x68f: {  	[tilespmem:s8+$0xFFFFFFC0] =	vst.add.f32.msk $0xffff, v8  }
0x690: {  	v6 =	vld.idx.msk [tilespmem:v6+s3+$0x0], $0xffff  }
0x691: {  	s16 =	sor.u32 $0x50, s13;
	v8 =	vld.idx.msk [tilespmem:v15+s3+$0x0], $0xffff  }
0x692: {  	[tilespmem:s16+$0x80] =	vst.add.f32.msk $0xffff, v4  }
0x693: {  	v4 =	vld.idx.msk [tilespmem:v5+s3+$0x0], $0xffff  }
0x694: {  	v5 =	vld.idx.msk [tilespmem:v18+s3+$0x0], $0xffff  }
0x695: {  	v9 =	vshrl.u32 v7, $0x18;
	[tilespmem:s10+$0x80] =	vst.add.f32.msk $0xffff, v14;
	s10 =	smov.u32 s15  }
0x696: {  	[tilespmem:s8+$0xFFFFFF50] =	vst.add.f32.msk $0xffff, v6  }
0x697: {  	[tilespmem:s14+$0x80] =	vst.add.f32.msk $0xffff, v8  }
0x698: {  	s14 =	sor.u32 $0x60, s13;
	v7 =	vld.idx.msk [tilespmem:v11+s3+$0x0], $0xffff  }
.Ltmp12:
0x699: {  	[tilespmem:s14+$0x80] =	vst.add.f32.msk $0xffff, v4;
	(pc) =	sbr.rel @p0 .LBB2_26-.Ltmp12, $4  }
0x69a: {  	v4 =	vld.idx.msk [tilespmem:v9+s3+$0x0], $0xffff  }
0x69b: {  	[tilespmem:s8+$0xFFFFFFD0] =	vst.add.f32.msk $0xffff, v5  }
0x69c: {  	v5 =	vld.idx.msk [tilespmem:v19+s3+$0x0], $0xffff  }
0x69d: {  	s13 =	sadd.s32 $0x100, s13;
	v6 =	vld.idx.msk [tilespmem:v20+s3+$0x0], $0xffff  }
0x69e: {  	_ =	sdelay $0x2  }
0x69f: {  	[tilespmem:s8+$0xFFFFFF60] =	vst.add.f32.msk $0xffff, v7  }
0x6a0: {  	v2 =	vld.idx.msk [tilespmem:v2+s3+$0x0], $0xffff  }
0x6a1: {  	[tilespmem:s12+$0x80] =	vst.add.f32.msk $0xffff, v5  }
0x6a2: {  	[tilespmem:s8+$0xFFFFFFE0] =	vst.add.f32.msk $0xffff, v6  }
0x6a3: {  	v3 =	vld.idx.msk [tilespmem:v3+s3+$0x0], $0xffff  }
0x6a4: {  	v1 =	vld.idx.msk [tilespmem:v1+s3+$0x0], $0xffff  }
0x6a5: {  	s9 =	sor.u32 $0x70, s9;
	[tilespmem:s7+$0xFFFFFFF0] =	vst.add.f32.msk $0xffff, v0  }
0x6a6: {  	[tilespmem:s9+$0x80] =	vst.add.f32.msk $0xffff, v4  }
0x6a7: {  	[tilespmem:s8+$0xFFFFFF70] =	vst.add.f32.msk $0xffff, v2  }
0x6a8: {  	[tilespmem:s10+$0x80] =	vst.add.f32.msk $0xffff, v3  }
0x6a9: {  	[tilespmem:s8+$0xFFFFFFF0] =	vst.add.f32.msk $0xffff, v1  }
0x6aa: {  	s7 =	sld [smem:$0x7ED];
	_ =	sdelay $0x2  }
0x6ab: {  	[hbm4b:s7+s3] =	stream.linear.scatter [tilespmem:s23], [sflag:$0x6], $0x4000, $0x38;
	[tilespmem:$0xE080] =	vst v63  }
0x6ac: {  	_ =	swait.ge [sflag:s5], $0x4000  }
0x6ad: {  	s13 =	sld [smem:$0x7F8]  }
0x6ae: {  	[sflag:s5] =	ssyncset.done $0x0  }
0x6af: {  	[sflag:s5] =	ssyncadd.s32 $0xFFFFC000  }
0x6b0: {  	[tilespmem:s31], [sflag:$0x3] =	stream.linear.gather [hbm4b:s13+s3], $0x4000, $0x38;
	[tilespmem:$0xE080] =	vst v63  }
0x6b1: {  	_ = 	snop  }
0x6b2: {  	[tilespmem:s24], [sflag:$0x4] =	stream.linear.gather [hbm4b:s20+s3], $0x1000, $0x38;
	[tilespmem:$0xE080] =	vst v63  }
0x6b3: {  	_ =	swait.ge [sflag:s0], $0x4000  }
0x6b4: {  	[sflag:s0] =	ssyncset.done $0x0  }
0x6b5: {  	[sflag:s0] =	ssyncadd.s32 $0xFFFFC000  }
0x6b6: {  	_ =	swait.ge [sflag:s2], $0x1000  }
0x6b7: {  	[sflag:s2] =	ssyncset.done $0x0  }
0x6b8: {  	s14 =	simm.s32 $0x30;
	[sflag:s2] =	ssyncadd.s32 $0xFFFFF000  }
0x6b9: {  	v0 =	vld [tilespmem:s14+$0xD080]  }
0x6ba: {  	v1 =	vld [tilespmem:s14+$0xD050]  }
0x6bb: {  	v2 =	vld [tilespmem:s14+$0xD060]  }
0x6bc: {  	v3 =	vld [tilespmem:s14+$0xD070];
	_ =	sdelay $0x1  }
0x6bd: {  	v4 =	vand.u32 $0xFF, v0  }
0x6be: {  	v5 =	vand.u32 $0xFF, v1  }
0x6bf: {  	v6 =	vand.u32 $0xFF, v2  }
0x6c0: {  	s14 =	simm.s32 $0x70;
	v7 =	vand.u32 $0xFF, v3  }
0x6c1: {  	v59 =	vld [tilespmem:s14+$0xD070]  }
0x6c2: {  	v4 =	vld.idx.msk [tilespmem:v4+s3+$0x0], $0xffff  }
0x6c3: {  	v5 =	vld.idx.msk [tilespmem:v5+s3+$0x0], $0xffff  }
0x6c4: {  	v6 =	vld.idx.msk [tilespmem:v6+s3+$0x0], $0xffff  }
0x6c5: {  	v8 =	vshrl.u32 v0, $0x8;
	v7 =	vld.idx.msk [tilespmem:v7+s3+$0x0], $0xffff  }
0x6c6: {  	s7 =	simm.s32 $0x4140;
	v58 =	vld [tilespmem:s14+$0xD060];
	v9 =	vshrl.u32 v1, $0x8;
	v8 =	vand.u32 $0xFF, v8  }
0x6c7: {  	v9 =	vand.u32 $0xFF, v9;
	[tilespmem:s7+$0x0] =	vst.add.f32.msk $0xffff, v4  }
0x6c8: {  	v10 =	vshrl.u32 v2, $0x8;
	v11 =	vand.u32 $0xFF, v59;
	[tilespmem:s7+$0xFFFFFF40] =	vst.add.f32.msk $0xffff, v5  }
0x6c9: {  	v56 =	vshrl.u32 v3, $0x8;
	v4 =	vand.u32 $0xFF, v10;
	[tilespmem:s7+$0xFFFFFF80] =	vst.add.f32.msk $0xffff, v6  }
0x6ca: {  	v6 =	vand.u32 $0xFF, v56;
	[tilespmem:s7+$0xFFFFFFC0] =	vst.add.f32.msk $0xffff, v7  }
0x6cb: {  	v8 =	vld.idx.msk [tilespmem:v8+s3+$0x0], $0xffff  }
0x6cc: {  	v5 =	vshrl.u32 v0, $0x10;
	v7 =	vld.idx.msk [tilespmem:v9+s3+$0x0], $0xffff  }
0x6cd: {  	v11 =	vld.idx.msk [tilespmem:v11+s3+$0x0], $0xffff;
	v5 =	vand.u32 $0xFF, v5  }
0x6ce: {  	s15 =	simm.s32 $0xC0;
	v57 =	vshrl.u32 v1, $0x10;
	v4 =	vld.idx.msk [tilespmem:v4+s3+$0x0], $0xffff  }
0x6cf: {  	s16 =	sor.u32 $0x50, s15;
	v9 =	vand.u32 $0xFF, v57;
	v6 =	vld.idx.msk [tilespmem:v6+s3+$0x0], $0xffff  }
0x6d0: {  	[tilespmem:s16+$0x4080] =	vst.add.f32.msk $0xffff, v8  }
0x6d1: {  	s17 =	simm.s32 $0x40;
	[tilespmem:s7+$0xFFFFFF50] =	vst.add.f32.msk $0xffff, v7  }
0x6d2: {  	s12 =	sor.u32 $0x50, s17;
	v8 =	vshrl.u32 v2, $0x10;
	v5 =	vld.idx.msk [tilespmem:v5+s3+$0x0], $0xffff  }
0x6d3: {  	v7 =	vshrl.u32 v3, $0x10;
	v8 =	vand.u32 $0xFF, v8;
	[tilespmem:s12+$0x4080] =	vst.add.f32.msk $0xffff, v4  }
0x6d4: {  	v4 =	vand.u32 $0xFF, v7;
	v7 =	vld.idx.msk [tilespmem:v9+s3+$0x0], $0xffff  }
0x6d5: {  	v0 =	vshrl.u32 v0, $0x18;
	[tilespmem:s7+$0xFFFFFFD0] =	vst.add.f32.msk $0xffff, v6  }
0x6d6: {  	s13 =	sor.u32 $0x60, s15;
	v6 =	vld [tilespmem:s14+$0xD080]  }
0x6d7: {  	[tilespmem:s13+$0x4080] =	vst.add.f32.msk $0xffff, v5  }
0x6d8: {  	v1 =	vshrl.u32 v1, $0x18;
	v5 =	vld.idx.msk [tilespmem:v8+s3+$0x0], $0xffff  }
0x6d9: {  	v8 =	vld [tilespmem:s14+$0xD050]  }
0x6da: {  	v0 =	vld.idx.msk [tilespmem:v0+s3+$0x0], $0xffff  }
0x6db: {  	v2 =	vshrl.u32 v2, $0x18;
	v4 =	vld.idx.msk [tilespmem:v4+s3+$0x0], $0xffff  }
0x6dc: {  	[tilespmem:s7+$0xFFFFFF60] =	vst.add.f32.msk $0xffff, v7  }
0x6dd: {  	s8 =	sor.u32 $0x70, s15;
	s15 =	sor.u32 $0x60, s17;
	v3 =	vshrl.u32 v3, $0x18;
	v1 =	vld.idx.msk [tilespmem:v1+s3+$0x0], $0xffff  }
0x6de: {  	v7 =	vand.u32 $0xFF, v6;
	[tilespmem:s15+$0x4080] =	vst.add.f32.msk $0xffff, v5  }
0x6df: {  	[tilespmem:s8+$0x4080] =	vst.add.f32.msk $0xffff, v0  }
0x6e0: {  	v5 =	vand.u32 $0xFF, v58;
	v2 =	vld.idx.msk [tilespmem:v2+s3+$0x0], $0xffff  }
0x6e1: {  	[tilespmem:s7+$0xFFFFFFE0] =	vst.add.f32.msk $0xffff, v4;
	v4 =	vand.u32 $0xFF, v8  }
0x6e2: {  	v0 =	vld.idx.msk [tilespmem:v3+s3+$0x0], $0xffff  }
0x6e3: {  	s8 =	simm.s32 $0x4240;
	v3 =	vld.idx.msk [tilespmem:v7+s3+$0x0], $0xffff;
	v7 =	vshrl.u32 v6, $0x8  }
0x6e4: {  	[tilespmem:s8+$0xFFFFFFC0] =	vst.add.f32.msk $0xffff, v11;
	v7 =	vand.u32 $0xFF, v7  }
0x6e5: {  	v5 =	vld.idx.msk [tilespmem:v5+s3+$0x0], $0xffff  }
0x6e6: {  	v4 =	vld.idx.msk [tilespmem:v4+s3+$0x0], $0xffff  }
0x6e7: {  	v12 =	vshrl.u32 v8, $0x8;
	[tilespmem:s7+$0xFFFFFF70] =	vst.add.f32.msk $0xffff, v1  }
0x6e8: {  	v60 =	vshrl.u32 v58, $0x8;
	v1 =	vand.u32 $0xFF, v12;
	[tilespmem:s8+$0x0] =	vst.add.f32.msk $0xffff, v3  }
0x6e9: {  	v3 =	vand.u32 $0xFF, v60;
	v7 =	vld.idx.msk [tilespmem:v7+s3+$0x0], $0xffff  }
0x6ea: {  	v61 =	vshrl.u32 v59, $0x8;
	[tilespmem:s8+$0xFFFFFF80] =	vst.add.f32.msk $0xffff, v5  }
0x6eb: {  	s10 =	sor.u32 $0x70, s17;
	v5 =	vand.u32 $0xFF, v61;
	[tilespmem:s8+$0xFFFFFF40] =	vst.add.f32.msk $0xffff, v4;
	v4 =	vshrl.u32 v6, $0x10  }
0x6ec: {  	[tilespmem:s10+$0x4080] =	vst.add.f32.msk $0xffff, v2;
	v4 =	vand.u32 $0xFF, v4  }
0x6ed: {  	s9 =	simm.s32 $0x1C0;
	v1 =	vld.idx.msk [tilespmem:v1+s3+$0x0], $0xffff  }
0x6ee: {  	s11 =	sor.u32 $0x50, s9;
	v62 =	vshrl.u32 v8, $0x10;
	v3 =	vld.idx.msk [tilespmem:v3+s3+$0x0], $0xffff  }
0x6ef: {  	[tilespmem:s11+$0x4080] =	vst.add.f32.msk $0xffff, v7;
	v7 =	vand.u32 $0xFF, v62  }
0x6f0: {  	v5 =	vld.idx.msk [tilespmem:v5+s3+$0x0], $0xffff  }
0x6f1: {  	s13 =	simm.s32 $0x140;
	v4 =	vld.idx.msk [tilespmem:v4+s3+$0x0], $0xffff  }
0x6f2: {  	s16 =	sor.u32 $0x50, s13;
	v2 =	vshrl.u32 v58, $0x10;
	v6 =	vshrl.u32 v6, $0x18;
	[tilespmem:s8+$0xFFFFFF50] =	vst.add.f32.msk $0xffff, v1  }
0x6f3: {  	v2 =	vand.u32 $0xFF, v2;
	v1 =	vshrl.u32 v59, $0x10;
	[tilespmem:s16+$0x4080] =	vst.add.f32.msk $0xffff, v3  }
0x6f4: {  	v63 =	vand.u32 $0xFF, v1;
	v7 =	vld.idx.msk [tilespmem:v7+s3+$0x0], $0xffff  }
0x6f5: {  	s17 =	sor.u32 $0x60, s9;
	[tilespmem:s8+$0xFFFFFFD0] =	vst.add.f32.msk $0xffff, v5  }
0x6f6: {  	[tilespmem:s17+$0x4080] =	vst.add.f32.msk $0xffff, v4  }
0x6f7: {  	v4 =	vld.idx.msk [tilespmem:v6+s3+$0x0], $0xffff  }
0x6f8: {  	s12 =	sor.u32 $0x60, s13;
	v5 =	vld.idx.msk [tilespmem:v2+s3+$0x0], $0xffff  }
0x6f9: {  	s10 =	sor.u32 $0x70, s13;
	s13 =	simm.s32 $0x2C0;
	s11 =	simm.s32 $0x40;
	v3 =	vshrl.u32 v58, $0x18;
	v2 =	vshrl.u32 v8, $0x18;
	v1 =	vshrl.u32 v59, $0x18;
	v6 =	vld.idx.msk [tilespmem:v63+s3+$0x0], $0xffff  }
.LBB2_28:
0x6fa: {  	s16 =	sshra.s32 s13, $0x2;
	s15 =	sadd.s32 $0xFFFFFF80, s13;
	s11 =	sadd.s32 $0x40, s11;
	[tilespmem:s8+$0xFFFFFF60] =	vst.add.f32.msk $0xffff, v7  }
0x6fb: {  	s9 =	sor.u32 $0x70, s9;
	s14 =	sor.u32 $0x50, s15;
	v7 =	vld [tilespmem:s16+$0xD080];
	p0 =	slt.u32 s11, $0xFC0  }
0x6fc: {  	s17 =	sor.u32 $0x60, s15;
	s15 =	sor.u32 $0x70, s15;
	[tilespmem:s9+$0x4080] =	vst.add.f32.msk $0xffff, v4;
	s9 =	smov.u32 s13  }
0x6fd: {  	v4 =	vld [tilespmem:s16+$0xD050]  }
0x6fe: {  	v8 =	vld [tilespmem:s16+$0xD060]  }
0x6ff: {  	v9 =	vld [tilespmem:s16+$0xD070]  }
0x700: {  	v10 =	vand.u32 $0xFF, v7;
	[tilespmem:s12+$0x4080] =	vst.add.f32.msk $0xffff, v5;
	s12 =	smov.u32 s17  }
0x701: {  	[tilespmem:s8+$0xFFFFFFE0] =	vst.add.f32.msk $0xffff, v6  }
0x702: {  	v5 =	vand.u32 $0xFF, v4;
	v6 =	vshrl.u32 v4, $0x8;
	v11 =	vshrl.u32 v4, $0x10;
	v12 =	vld.idx.msk [tilespmem:v2+s3+$0x0], $0xffff  }
0x703: {  	v6 =	vand.u32 $0xFF, v6;
	v13 =	vand.u32 $0xFF, v8;
	v2 =	vshrl.u32 v8, $0x8;
	v14 =	vld.idx.msk [tilespmem:v3+s3+$0x0], $0xffff  }
0x704: {  	v15 =	vand.u32 $0xFF, v2;
	v16 =	vand.u32 $0xFF, v9;
	v2 =	vshrl.u32 v9, $0x8;
	v17 =	vld.idx.msk [tilespmem:v1+s3+$0x0], $0xffff  }
0x705: {  	v1 =	vshrl.u32 v8, $0x10;
	v3 =	vshrl.u32 v9, $0x10;
	v18 =	vand.u32 $0xFF, v2;
	v10 =	vld.idx.msk [tilespmem:v10+s3+$0x0], $0xffff  }
0x706: {  	v11 =	vand.u32 $0xFF, v11;
	v19 =	vand.u32 $0xFF, v1;
	v1 =	vshrl.u32 v7, $0x8;
	[tilespmem:s7+$0xFFFFFFF0] =	vst.add.f32.msk $0xffff, v0;
	s7 =	smov.u32 s8  }
0x707: {  	v2 =	vshrl.u32 v4, $0x18;
	v20 =	vand.u32 $0xFF, v3;
	v4 =	vand.u32 $0xFF, v1;
	v5 =	vld.idx.msk [tilespmem:v5+s3+$0x0], $0xffff  }
0x708: {  	v3 =	vshrl.u32 v8, $0x18;
	v1 =	vshrl.u32 v9, $0x18;
	v13 =	vld.idx.msk [tilespmem:v13+s3+$0x0], $0xffff  }
0x709: {  	v8 =	vld.idx.msk [tilespmem:v16+s3+$0x0], $0xffff  }
0x70a: {  	s8 =	sadd.s32 $0x100, s8;
	v0 =	vmov v17;
	[tilespmem:s7+$0xFFFFFF70] =	vst.add.f32.msk $0xffff, v12  }
0x70b: {  	[tilespmem:s8+$0x0] =	vst.add.f32.msk $0xffff, v10  }
0x70c: {  	v4 =	vld.idx.msk [tilespmem:v4+s3+$0x0], $0xffff  }
0x70d: {  	[tilespmem:s8+$0xFFFFFF40] =	vst.add.f32.msk $0xffff, v5;
	v5 =	vshrl.u32 v7, $0x10  }
0x70e: {  	[tilespmem:s8+$0xFFFFFF80] =	vst.add.f32.msk $0xffff, v13;
	v5 =	vand.u32 $0xFF, v5  }
0x70f: {  	[tilespmem:s8+$0xFFFFFFC0] =	vst.add.f32.msk $0xffff, v8  }
0x710: {  	v6 =	vld.idx.msk [tilespmem:v6+s3+$0x0], $0xffff  }
0x711: {  	s16 =	sor.u32 $0x50, s13;
	v8 =	vld.idx.msk [tilespmem:v15+s3+$0x0], $0xffff  }
0x712: {  	[tilespmem:s16+$0x4080] =	vst.add.f32.msk $0xffff, v4  }
0x713: {  	v4 =	vld.idx.msk [tilespmem:v5+s3+$0x0], $0xffff  }
0x714: {  	v5 =	vld.idx.msk [tilespmem:v18+s3+$0x0], $0xffff  }
0x715: {  	v9 =	vshrl.u32 v7, $0x18;
	[tilespmem:s10+$0x4080] =	vst.add.f32.msk $0xffff, v14;
	s10 =	smov.u32 s15  }
0x716: {  	[tilespmem:s8+$0xFFFFFF50] =	vst.add.f32.msk $0xffff, v6  }
0x717: {  	[tilespmem:s14+$0x4080] =	vst.add.f32.msk $0xffff, v8  }
0x718: {  	s14 =	sor.u32 $0x60, s13;
	v7 =	vld.idx.msk [tilespmem:v11+s3+$0x0], $0xffff  }
.Ltmp13:
0x719: {  	[tilespmem:s14+$0x4080] =	vst.add.f32.msk $0xffff, v4;
	(pc) =	sbr.rel @p0 .LBB2_28-.Ltmp13, $4  }
0x71a: {  	v4 =	vld.idx.msk [tilespmem:v9+s3+$0x0], $0xffff  }
0x71b: {  	[tilespmem:s8+$0xFFFFFFD0] =	vst.add.f32.msk $0xffff, v5  }
0x71c: {  	v5 =	vld.idx.msk [tilespmem:v19+s3+$0x0], $0xffff  }
0x71d: {  	s13 =	sadd.s32 $0x100, s13;
	v6 =	vld.idx.msk [tilespmem:v20+s3+$0x0], $0xffff  }
0x71e: {  	_ =	sdelay $0x2  }
0x71f: {  	[tilespmem:s8+$0xFFFFFF60] =	vst.add.f32.msk $0xffff, v7  }
0x720: {  	v2 =	vld.idx.msk [tilespmem:v2+s3+$0x0], $0xffff  }
0x721: {  	[tilespmem:s12+$0x4080] =	vst.add.f32.msk $0xffff, v5  }
0x722: {  	[tilespmem:s8+$0xFFFFFFE0] =	vst.add.f32.msk $0xffff, v6  }
0x723: {  	v3 =	vld.idx.msk [tilespmem:v3+s3+$0x0], $0xffff  }
0x724: {  	v1 =	vld.idx.msk [tilespmem:v1+s3+$0x0], $0xffff  }
0x725: {  	s9 =	sor.u32 $0x70, s9;
	[tilespmem:s7+$0xFFFFFFF0] =	vst.add.f32.msk $0xffff, v0  }
0x726: {  	[tilespmem:s9+$0x4080] =	vst.add.f32.msk $0xffff, v4  }
0x727: {  	[tilespmem:s8+$0xFFFFFF70] =	vst.add.f32.msk $0xffff, v2  }
0x728: {  	[tilespmem:s10+$0x4080] =	vst.add.f32.msk $0xffff, v3  }
0x729: {  	[tilespmem:s8+$0xFFFFFFF0] =	vst.add.f32.msk $0xffff, v1  }
0x72a: {  	s7 =	sld [smem:$0x7F3];
	_ =	sdelay $0x2  }
0x72b: {  	[hbm4b:s7+s3] =	stream.linear.scatter [tilespmem:s26], [sflag:$0x7], $0x4000, $0x38;
	[tilespmem:$0xE080] =	vst v63  }
0x72c: {  	_ =	swait.ge [sflag:s25], $0x4000  }
0x72d: {  	s13 =	sld [smem:$0x7F9]  }
0x72e: {  	[sflag:s25] =	ssyncset.done $0x0  }
0x72f: {  	[sflag:s25] =	ssyncadd.s32 $0xFFFFC000  }
0x730: {  	[tilespmem:s23], [sflag:$0x1] =	stream.linear.gather [hbm4b:s13+s3], $0x4000, $0x38;
	[tilespmem:$0xE080] =	vst v63  }
0x731: {  	_ = 	snop  }
0x732: {  	[tilespmem:s28], [sflag:$0x5] =	stream.linear.gather [hbm4b:s21+s3], $0x1000, $0x38;
	[tilespmem:$0xE080] =	vst v63  }
0x733: {  	_ =	swait.ge [sflag:s1], $0x4000  }
0x734: {  	[sflag:s1] =	ssyncset.done $0x0  }
0x735: {  	[sflag:s1] =	ssyncadd.s32 $0xFFFFC000  }
0x736: {  	_ =	swait.ge [sflag:s30], $0x1000  }
0x737: {  	[sflag:s30] =	ssyncset.done $0x0  }
0x738: {  	s14 =	simm.s32 $0x30;
	[sflag:s30] =	ssyncadd.s32 $0xFFFFF000  }
0x739: {  	v0 =	vld [tilespmem:s14+$0xC080]  }
0x73a: {  	v1 =	vld [tilespmem:s14+$0xC050]  }
0x73b: {  	v2 =	vld [tilespmem:s14+$0xC060]  }
0x73c: {  	v3 =	vld [tilespmem:s14+$0xC070];
	_ =	sdelay $0x1  }
0x73d: {  	v4 =	vand.u32 $0xFF, v0  }
0x73e: {  	v5 =	vand.u32 $0xFF, v1  }
0x73f: {  	v6 =	vand.u32 $0xFF, v2  }
0x740: {  	s14 =	simm.s32 $0x70;
	v7 =	vand.u32 $0xFF, v3  }
0x741: {  	v59 =	vld [tilespmem:s14+$0xC070]  }
0x742: {  	v4 =	vld.idx.msk [tilespmem:v4+s3+$0x0], $0xffff  }
0x743: {  	v5 =	vld.idx.msk [tilespmem:v5+s3+$0x0], $0xffff  }
0x744: {  	v6 =	vld.idx.msk [tilespmem:v6+s3+$0x0], $0xffff  }
0x745: {  	v8 =	vshrl.u32 v0, $0x8;
	v7 =	vld.idx.msk [tilespmem:v7+s3+$0x0], $0xffff  }
0x746: {  	s7 =	simm.s32 $0x8140;
	v58 =	vld [tilespmem:s14+$0xC060];
	v9 =	vshrl.u32 v1, $0x8;
	v8 =	vand.u32 $0xFF, v8  }
0x747: {  	v9 =	vand.u32 $0xFF, v9;
	[tilespmem:s7+$0x0] =	vst.add.f32.msk $0xffff, v4  }
0x748: {  	v10 =	vshrl.u32 v2, $0x8;
	v11 =	vand.u32 $0xFF, v59;
	[tilespmem:s7+$0xFFFFFF40] =	vst.add.f32.msk $0xffff, v5  }
0x749: {  	v56 =	vshrl.u32 v3, $0x8;
	v4 =	vand.u32 $0xFF, v10;
	[tilespmem:s7+$0xFFFFFF80] =	vst.add.f32.msk $0xffff, v6  }
0x74a: {  	v6 =	vand.u32 $0xFF, v56;
	[tilespmem:s7+$0xFFFFFFC0] =	vst.add.f32.msk $0xffff, v7  }
0x74b: {  	v8 =	vld.idx.msk [tilespmem:v8+s3+$0x0], $0xffff  }
0x74c: {  	v5 =	vshrl.u32 v0, $0x10;
	v7 =	vld.idx.msk [tilespmem:v9+s3+$0x0], $0xffff  }
0x74d: {  	v11 =	vld.idx.msk [tilespmem:v11+s3+$0x0], $0xffff;
	v5 =	vand.u32 $0xFF, v5  }
0x74e: {  	s15 =	simm.s32 $0xC0;
	v57 =	vshrl.u32 v1, $0x10;
	v4 =	vld.idx.msk [tilespmem:v4+s3+$0x0], $0xffff  }
0x74f: {  	s16 =	sor.u32 $0x50, s15;
	v9 =	vand.u32 $0xFF, v57;
	v6 =	vld.idx.msk [tilespmem:v6+s3+$0x0], $0xffff  }
0x750: {  	[tilespmem:s16+$0x8080] =	vst.add.f32.msk $0xffff, v8  }
0x751: {  	s17 =	simm.s32 $0x40;
	[tilespmem:s7+$0xFFFFFF50] =	vst.add.f32.msk $0xffff, v7  }
0x752: {  	s12 =	sor.u32 $0x50, s17;
	v8 =	vshrl.u32 v2, $0x10;
	v5 =	vld.idx.msk [tilespmem:v5+s3+$0x0], $0xffff  }
0x753: {  	v7 =	vshrl.u32 v3, $0x10;
	v8 =	vand.u32 $0xFF, v8;
	[tilespmem:s12+$0x8080] =	vst.add.f32.msk $0xffff, v4  }
0x754: {  	v4 =	vand.u32 $0xFF, v7;
	v7 =	vld.idx.msk [tilespmem:v9+s3+$0x0], $0xffff  }
0x755: {  	v0 =	vshrl.u32 v0, $0x18;
	[tilespmem:s7+$0xFFFFFFD0] =	vst.add.f32.msk $0xffff, v6  }
0x756: {  	s13 =	sor.u32 $0x60, s15;
	v6 =	vld [tilespmem:s14+$0xC080]  }
0x757: {  	[tilespmem:s13+$0x8080] =	vst.add.f32.msk $0xffff, v5  }
0x758: {  	v1 =	vshrl.u32 v1, $0x18;
	v5 =	vld.idx.msk [tilespmem:v8+s3+$0x0], $0xffff  }
0x759: {  	v8 =	vld [tilespmem:s14+$0xC050]  }
0x75a: {  	v0 =	vld.idx.msk [tilespmem:v0+s3+$0x0], $0xffff  }
0x75b: {  	v2 =	vshrl.u32 v2, $0x18;
	v4 =	vld.idx.msk [tilespmem:v4+s3+$0x0], $0xffff  }
0x75c: {  	[tilespmem:s7+$0xFFFFFF60] =	vst.add.f32.msk $0xffff, v7  }
0x75d: {  	s8 =	sor.u32 $0x70, s15;
	s15 =	sor.u32 $0x60, s17;
	v3 =	vshrl.u32 v3, $0x18;
	v1 =	vld.idx.msk [tilespmem:v1+s3+$0x0], $0xffff  }
0x75e: {  	v7 =	vand.u32 $0xFF, v6;
	[tilespmem:s15+$0x8080] =	vst.add.f32.msk $0xffff, v5  }
0x75f: {  	[tilespmem:s8+$0x8080] =	vst.add.f32.msk $0xffff, v0  }
0x760: {  	v5 =	vand.u32 $0xFF, v58;
	v2 =	vld.idx.msk [tilespmem:v2+s3+$0x0], $0xffff  }
0x761: {  	[tilespmem:s7+$0xFFFFFFE0] =	vst.add.f32.msk $0xffff, v4;
	v4 =	vand.u32 $0xFF, v8  }
0x762: {  	v0 =	vld.idx.msk [tilespmem:v3+s3+$0x0], $0xffff  }
0x763: {  	s8 =	simm.s32 $0x8240;
	v3 =	vld.idx.msk [tilespmem:v7+s3+$0x0], $0xffff;
	v7 =	vshrl.u32 v6, $0x8  }
0x764: {  	[tilespmem:s8+$0xFFFFFFC0] =	vst.add.f32.msk $0xffff, v11;
	v7 =	vand.u32 $0xFF, v7  }
0x765: {  	v5 =	vld.idx.msk [tilespmem:v5+s3+$0x0], $0xffff  }
0x766: {  	v4 =	vld.idx.msk [tilespmem:v4+s3+$0x0], $0xffff  }
0x767: {  	v12 =	vshrl.u32 v8, $0x8;
	[tilespmem:s7+$0xFFFFFF70] =	vst.add.f32.msk $0xffff, v1  }
0x768: {  	v60 =	vshrl.u32 v58, $0x8;
	v1 =	vand.u32 $0xFF, v12;
	[tilespmem:s8+$0x0] =	vst.add.f32.msk $0xffff, v3  }
0x769: {  	v3 =	vand.u32 $0xFF, v60;
	v7 =	vld.idx.msk [tilespmem:v7+s3+$0x0], $0xffff  }
0x76a: {  	v61 =	vshrl.u32 v59, $0x8;
	[tilespmem:s8+$0xFFFFFF80] =	vst.add.f32.msk $0xffff, v5  }
0x76b: {  	s10 =	sor.u32 $0x70, s17;
	v5 =	vand.u32 $0xFF, v61;
	[tilespmem:s8+$0xFFFFFF40] =	vst.add.f32.msk $0xffff, v4;
	v4 =	vshrl.u32 v6, $0x10  }
0x76c: {  	[tilespmem:s10+$0x8080] =	vst.add.f32.msk $0xffff, v2;
	v4 =	vand.u32 $0xFF, v4  }
0x76d: {  	s9 =	simm.s32 $0x1C0;
	v1 =	vld.idx.msk [tilespmem:v1+s3+$0x0], $0xffff  }
0x76e: {  	s11 =	sor.u32 $0x50, s9;
	v62 =	vshrl.u32 v8, $0x10;
	v3 =	vld.idx.msk [tilespmem:v3+s3+$0x0], $0xffff  }
0x76f: {  	[tilespmem:s11+$0x8080] =	vst.add.f32.msk $0xffff, v7;
	v7 =	vand.u32 $0xFF, v62  }
0x770: {  	v5 =	vld.idx.msk [tilespmem:v5+s3+$0x0], $0xffff  }
0x771: {  	s13 =	simm.s32 $0x140;
	v4 =	vld.idx.msk [tilespmem:v4+s3+$0x0], $0xffff  }
0x772: {  	s16 =	sor.u32 $0x50, s13;
	v2 =	vshrl.u32 v58, $0x10;
	v6 =	vshrl.u32 v6, $0x18;
	[tilespmem:s8+$0xFFFFFF50] =	vst.add.f32.msk $0xffff, v1  }
0x773: {  	v2 =	vand.u32 $0xFF, v2;
	v1 =	vshrl.u32 v59, $0x10;
	[tilespmem:s16+$0x8080] =	vst.add.f32.msk $0xffff, v3  }
0x774: {  	v63 =	vand.u32 $0xFF, v1;
	v7 =	vld.idx.msk [tilespmem:v7+s3+$0x0], $0xffff  }
0x775: {  	s17 =	sor.u32 $0x60, s9;
	[tilespmem:s8+$0xFFFFFFD0] =	vst.add.f32.msk $0xffff, v5  }
0x776: {  	[tilespmem:s17+$0x8080] =	vst.add.f32.msk $0xffff, v4  }
0x777: {  	v4 =	vld.idx.msk [tilespmem:v6+s3+$0x0], $0xffff  }
0x778: {  	s12 =	sor.u32 $0x60, s13;
	v5 =	vld.idx.msk [tilespmem:v2+s3+$0x0], $0xffff  }
0x779: {  	s10 =	sor.u32 $0x70, s13;
	s13 =	simm.s32 $0x2C0;
	s11 =	simm.s32 $0x40;
	v3 =	vshrl.u32 v58, $0x18;
	v2 =	vshrl.u32 v8, $0x18;
	v1 =	vshrl.u32 v59, $0x18;
	v6 =	vld.idx.msk [tilespmem:v63+s3+$0x0], $0xffff  }
.LBB2_30:
0x77a: {  	s16 =	sshra.s32 s13, $0x2;
	s15 =	sadd.s32 $0xFFFFFF80, s13;
	s11 =	sadd.s32 $0x40, s11;
	[tilespmem:s8+$0xFFFFFF60] =	vst.add.f32.msk $0xffff, v7  }
0x77b: {  	s9 =	sor.u32 $0x70, s9;
	s14 =	sor.u32 $0x50, s15;
	v7 =	vld [tilespmem:s16+$0xC080];
	p0 =	slt.u32 s11, $0xFC0  }
0x77c: {  	s17 =	sor.u32 $0x60, s15;
	s15 =	sor.u32 $0x70, s15;
	[tilespmem:s9+$0x8080] =	vst.add.f32.msk $0xffff, v4;
	s9 =	smov.u32 s13  }
0x77d: {  	v4 =	vld [tilespmem:s16+$0xC050]  }
0x77e: {  	v8 =	vld [tilespmem:s16+$0xC060]  }
0x77f: {  	v9 =	vld [tilespmem:s16+$0xC070]  }
0x780: {  	v10 =	vand.u32 $0xFF, v7;
	[tilespmem:s12+$0x8080] =	vst.add.f32.msk $0xffff, v5;
	s12 =	smov.u32 s17  }
0x781: {  	[tilespmem:s8+$0xFFFFFFE0] =	vst.add.f32.msk $0xffff, v6  }
0x782: {  	v5 =	vand.u32 $0xFF, v4;
	v6 =	vshrl.u32 v4, $0x8;
	v11 =	vshrl.u32 v4, $0x10;
	v12 =	vld.idx.msk [tilespmem:v2+s3+$0x0], $0xffff  }
0x783: {  	v6 =	vand.u32 $0xFF, v6;
	v13 =	vand.u32 $0xFF, v8;
	v2 =	vshrl.u32 v8, $0x8;
	v14 =	vld.idx.msk [tilespmem:v3+s3+$0x0], $0xffff  }
0x784: {  	v15 =	vand.u32 $0xFF, v2;
	v16 =	vand.u32 $0xFF, v9;
	v2 =	vshrl.u32 v9, $0x8;
	v17 =	vld.idx.msk [tilespmem:v1+s3+$0x0], $0xffff  }
0x785: {  	v1 =	vshrl.u32 v8, $0x10;
	v3 =	vshrl.u32 v9, $0x10;
	v18 =	vand.u32 $0xFF, v2;
	v10 =	vld.idx.msk [tilespmem:v10+s3+$0x0], $0xffff  }
0x786: {  	v11 =	vand.u32 $0xFF, v11;
	v19 =	vand.u32 $0xFF, v1;
	v1 =	vshrl.u32 v7, $0x8;
	[tilespmem:s7+$0xFFFFFFF0] =	vst.add.f32.msk $0xffff, v0;
	s7 =	smov.u32 s8  }
0x787: {  	v2 =	vshrl.u32 v4, $0x18;
	v20 =	vand.u32 $0xFF, v3;
	v4 =	vand.u32 $0xFF, v1;
	v5 =	vld.idx.msk [tilespmem:v5+s3+$0x0], $0xffff  }
0x788: {  	v3 =	vshrl.u32 v8, $0x18;
	v1 =	vshrl.u32 v9, $0x18;
	v13 =	vld.idx.msk [tilespmem:v13+s3+$0x0], $0xffff  }
0x789: {  	v8 =	vld.idx.msk [tilespmem:v16+s3+$0x0], $0xffff  }
0x78a: {  	s8 =	sadd.s32 $0x100, s8;
	v0 =	vmov v17;
	[tilespmem:s7+$0xFFFFFF70] =	vst.add.f32.msk $0xffff, v12  }
0x78b: {  	[tilespmem:s8+$0x0] =	vst.add.f32.msk $0xffff, v10  }
0x78c: {  	v4 =	vld.idx.msk [tilespmem:v4+s3+$0x0], $0xffff  }
0x78d: {  	[tilespmem:s8+$0xFFFFFF40] =	vst.add.f32.msk $0xffff, v5;
	v5 =	vshrl.u32 v7, $0x10  }
0x78e: {  	[tilespmem:s8+$0xFFFFFF80] =	vst.add.f32.msk $0xffff, v13;
	v5 =	vand.u32 $0xFF, v5  }
0x78f: {  	[tilespmem:s8+$0xFFFFFFC0] =	vst.add.f32.msk $0xffff, v8  }
0x790: {  	v6 =	vld.idx.msk [tilespmem:v6+s3+$0x0], $0xffff  }
0x791: {  	s16 =	sor.u32 $0x50, s13;
	v8 =	vld.idx.msk [tilespmem:v15+s3+$0x0], $0xffff  }
0x792: {  	[tilespmem:s16+$0x8080] =	vst.add.f32.msk $0xffff, v4  }
0x793: {  	v4 =	vld.idx.msk [tilespmem:v5+s3+$0x0], $0xffff  }
0x794: {  	v5 =	vld.idx.msk [tilespmem:v18+s3+$0x0], $0xffff  }
0x795: {  	v9 =	vshrl.u32 v7, $0x18;
	[tilespmem:s10+$0x8080] =	vst.add.f32.msk $0xffff, v14;
	s10 =	smov.u32 s15  }
0x796: {  	[tilespmem:s8+$0xFFFFFF50] =	vst.add.f32.msk $0xffff, v6  }
0x797: {  	[tilespmem:s14+$0x8080] =	vst.add.f32.msk $0xffff, v8  }
0x798: {  	s14 =	sor.u32 $0x60, s13;
	v7 =	vld.idx.msk [tilespmem:v11+s3+$0x0], $0xffff  }
.Ltmp14:
0x799: {  	[tilespmem:s14+$0x8080] =	vst.add.f32.msk $0xffff, v4;
	(pc) =	sbr.rel @p0 .LBB2_30-.Ltmp14, $4  }
0x79a: {  	v4 =	vld.idx.msk [tilespmem:v9+s3+$0x0], $0xffff  }
0x79b: {  	[tilespmem:s8+$0xFFFFFFD0] =	vst.add.f32.msk $0xffff, v5  }
0x79c: {  	v5 =	vld.idx.msk [tilespmem:v19+s3+$0x0], $0xffff  }
0x79d: {  	s13 =	sadd.s32 $0x100, s13;
	v6 =	vld.idx.msk [tilespmem:v20+s3+$0x0], $0xffff  }
0x79e: {  	_ =	sdelay $0x2  }
0x79f: {  	[tilespmem:s8+$0xFFFFFF60] =	vst.add.f32.msk $0xffff, v7  }
0x7a0: {  	v2 =	vld.idx.msk [tilespmem:v2+s3+$0x0], $0xffff  }
0x7a1: {  	[tilespmem:s12+$0x8080] =	vst.add.f32.msk $0xffff, v5  }
0x7a2: {  	[tilespmem:s8+$0xFFFFFFE0] =	vst.add.f32.msk $0xffff, v6  }
0x7a3: {  	v3 =	vld.idx.msk [tilespmem:v3+s3+$0x0], $0xffff  }
0x7a4: {  	v1 =	vld.idx.msk [tilespmem:v1+s3+$0x0], $0xffff  }
0x7a5: {  	s9 =	sor.u32 $0x70, s9;
	[tilespmem:s7+$0xFFFFFFF0] =	vst.add.f32.msk $0xffff, v0  }
0x7a6: {  	[tilespmem:s9+$0x8080] =	vst.add.f32.msk $0xffff, v4  }
0x7a7: {  	[tilespmem:s8+$0xFFFFFF70] =	vst.add.f32.msk $0xffff, v2  }
0x7a8: {  	[tilespmem:s10+$0x8080] =	vst.add.f32.msk $0xffff, v3  }
0x7a9: {  	[tilespmem:s8+$0xFFFFFFF0] =	vst.add.f32.msk $0xffff, v1  }
0x7aa: {  	s7 =	sld [smem:$0x7FC];
	_ =	sdelay $0x2  }
0x7ab: {  	[hbm4b:s7+s3] =	stream.linear.scatter [tilespmem:s31], [sflag:$0x8], $0x4000, $0x38;
	[tilespmem:$0xE080] =	vst v63  }
0x7ac: {  	_ =	swait.ge [sflag:s29], $0x4000  }
0x7ad: {  	[sflag:s29] =	ssyncset.done $0x0  }
0x7ae: {  	[sflag:s29] =	ssyncadd.s32 $0xFFFFC000  }
0x7af: {  	_ =	swait.ge [sflag:s2], $0x1000  }
0x7b0: {  	[sflag:s2] =	ssyncset.done $0x0  }
0x7b1: {  	s14 =	simm.s32 $0x30;
	[sflag:s2] =	ssyncadd.s32 $0xFFFFF000  }
0x7b2: {  	v0 =	vld [tilespmem:s14+$0xD080]  }
0x7b3: {  	v1 =	vld [tilespmem:s14+$0xD050]  }
0x7b4: {  	v2 =	vld [tilespmem:s14+$0xD060]  }
0x7b5: {  	v3 =	vld [tilespmem:s14+$0xD070];
	_ =	sdelay $0x1  }
0x7b6: {  	v4 =	vand.u32 $0xFF, v0  }
0x7b7: {  	v5 =	vand.u32 $0xFF, v1  }
0x7b8: {  	v6 =	vand.u32 $0xFF, v2  }
0x7b9: {  	s14 =	simm.s32 $0x70;
	v7 =	vand.u32 $0xFF, v3  }
0x7ba: {  	v59 =	vld [tilespmem:s14+$0xD070]  }
0x7bb: {  	v4 =	vld.idx.msk [tilespmem:v4+s3+$0x0], $0xffff  }
0x7bc: {  	v5 =	vld.idx.msk [tilespmem:v5+s3+$0x0], $0xffff  }
0x7bd: {  	v6 =	vld.idx.msk [tilespmem:v6+s3+$0x0], $0xffff  }
0x7be: {  	v8 =	vshrl.u32 v0, $0x8;
	v7 =	vld.idx.msk [tilespmem:v7+s3+$0x0], $0xffff  }
0x7bf: {  	s7 =	simm.s32 $0x140;
	v58 =	vld [tilespmem:s14+$0xD060];
	v9 =	vshrl.u32 v1, $0x8;
	v8 =	vand.u32 $0xFF, v8  }
0x7c0: {  	v9 =	vand.u32 $0xFF, v9;
	[tilespmem:s7+$0x0] =	vst.add.f32.msk $0xffff, v4  }
0x7c1: {  	v10 =	vshrl.u32 v2, $0x8;
	v11 =	vand.u32 $0xFF, v59;
	[tilespmem:s7+$0xFFFFFF40] =	vst.add.f32.msk $0xffff, v5  }
0x7c2: {  	v56 =	vshrl.u32 v3, $0x8;
	v4 =	vand.u32 $0xFF, v10;
	[tilespmem:s7+$0xFFFFFF80] =	vst.add.f32.msk $0xffff, v6  }
0x7c3: {  	v6 =	vand.u32 $0xFF, v56;
	[tilespmem:s7+$0xFFFFFFC0] =	vst.add.f32.msk $0xffff, v7  }
0x7c4: {  	v8 =	vld.idx.msk [tilespmem:v8+s3+$0x0], $0xffff  }
0x7c5: {  	v5 =	vshrl.u32 v0, $0x10;
	v7 =	vld.idx.msk [tilespmem:v9+s3+$0x0], $0xffff  }
0x7c6: {  	v11 =	vld.idx.msk [tilespmem:v11+s3+$0x0], $0xffff;
	v5 =	vand.u32 $0xFF, v5  }
0x7c7: {  	s15 =	simm.s32 $0xC0;
	v57 =	vshrl.u32 v1, $0x10;
	v4 =	vld.idx.msk [tilespmem:v4+s3+$0x0], $0xffff  }
0x7c8: {  	s16 =	sor.u32 $0x50, s15;
	v9 =	vand.u32 $0xFF, v57;
	v6 =	vld.idx.msk [tilespmem:v6+s3+$0x0], $0xffff  }
0x7c9: {  	[tilespmem:s16+$0x80] =	vst.add.f32.msk $0xffff, v8  }
0x7ca: {  	s17 =	simm.s32 $0x40;
	[tilespmem:s7+$0xFFFFFF50] =	vst.add.f32.msk $0xffff, v7  }
0x7cb: {  	s12 =	sor.u32 $0x50, s17;
	v8 =	vshrl.u32 v2, $0x10;
	v5 =	vld.idx.msk [tilespmem:v5+s3+$0x0], $0xffff  }
0x7cc: {  	v7 =	vshrl.u32 v3, $0x10;
	v8 =	vand.u32 $0xFF, v8;
	[tilespmem:s12+$0x80] =	vst.add.f32.msk $0xffff, v4  }
0x7cd: {  	v4 =	vand.u32 $0xFF, v7;
	v7 =	vld.idx.msk [tilespmem:v9+s3+$0x0], $0xffff  }
0x7ce: {  	v0 =	vshrl.u32 v0, $0x18;
	[tilespmem:s7+$0xFFFFFFD0] =	vst.add.f32.msk $0xffff, v6  }
0x7cf: {  	s13 =	sor.u32 $0x60, s15;
	v6 =	vld [tilespmem:s14+$0xD080]  }
0x7d0: {  	[tilespmem:s13+$0x80] =	vst.add.f32.msk $0xffff, v5  }
0x7d1: {  	v1 =	vshrl.u32 v1, $0x18;
	v5 =	vld.idx.msk [tilespmem:v8+s3+$0x0], $0xffff  }
0x7d2: {  	v8 =	vld [tilespmem:s14+$0xD050]  }
0x7d3: {  	v0 =	vld.idx.msk [tilespmem:v0+s3+$0x0], $0xffff  }
0x7d4: {  	v2 =	vshrl.u32 v2, $0x18;
	v4 =	vld.idx.msk [tilespmem:v4+s3+$0x0], $0xffff  }
0x7d5: {  	[tilespmem:s7+$0xFFFFFF60] =	vst.add.f32.msk $0xffff, v7  }
0x7d6: {  	s8 =	sor.u32 $0x70, s15;
	s15 =	sor.u32 $0x60, s17;
	v3 =	vshrl.u32 v3, $0x18;
	v1 =	vld.idx.msk [tilespmem:v1+s3+$0x0], $0xffff  }
0x7d7: {  	v7 =	vand.u32 $0xFF, v6;
	[tilespmem:s15+$0x80] =	vst.add.f32.msk $0xffff, v5  }
0x7d8: {  	[tilespmem:s8+$0x80] =	vst.add.f32.msk $0xffff, v0  }
0x7d9: {  	v5 =	vand.u32 $0xFF, v58;
	v2 =	vld.idx.msk [tilespmem:v2+s3+$0x0], $0xffff  }
0x7da: {  	[tilespmem:s7+$0xFFFFFFE0] =	vst.add.f32.msk $0xffff, v4;
	v4 =	vand.u32 $0xFF, v8  }
0x7db: {  	v0 =	vld.idx.msk [tilespmem:v3+s3+$0x0], $0xffff  }
0x7dc: {  	s8 =	simm.s32 $0x240;
	v3 =	vld.idx.msk [tilespmem:v7+s3+$0x0], $0xffff;
	v7 =	vshrl.u32 v6, $0x8  }
0x7dd: {  	[tilespmem:s8+$0xFFFFFFC0] =	vst.add.f32.msk $0xffff, v11;
	v7 =	vand.u32 $0xFF, v7  }
0x7de: {  	v5 =	vld.idx.msk [tilespmem:v5+s3+$0x0], $0xffff  }
0x7df: {  	v4 =	vld.idx.msk [tilespmem:v4+s3+$0x0], $0xffff  }
0x7e0: {  	v12 =	vshrl.u32 v8, $0x8;
	[tilespmem:s7+$0xFFFFFF70] =	vst.add.f32.msk $0xffff, v1  }
0x7e1: {  	v60 =	vshrl.u32 v58, $0x8;
	v1 =	vand.u32 $0xFF, v12;
	[tilespmem:s8+$0x0] =	vst.add.f32.msk $0xffff, v3  }
0x7e2: {  	v3 =	vand.u32 $0xFF, v60;
	v7 =	vld.idx.msk [tilespmem:v7+s3+$0x0], $0xffff  }
0x7e3: {  	v61 =	vshrl.u32 v59, $0x8;
	[tilespmem:s8+$0xFFFFFF80] =	vst.add.f32.msk $0xffff, v5  }
0x7e4: {  	s10 =	sor.u32 $0x70, s17;
	v5 =	vand.u32 $0xFF, v61;
	[tilespmem:s8+$0xFFFFFF40] =	vst.add.f32.msk $0xffff, v4;
	v4 =	vshrl.u32 v6, $0x10  }
0x7e5: {  	[tilespmem:s10+$0x80] =	vst.add.f32.msk $0xffff, v2;
	v4 =	vand.u32 $0xFF, v4  }
0x7e6: {  	s9 =	simm.s32 $0x1C0;
	v1 =	vld.idx.msk [tilespmem:v1+s3+$0x0], $0xffff  }
0x7e7: {  	s11 =	sor.u32 $0x50, s9;
	v62 =	vshrl.u32 v8, $0x10;
	v3 =	vld.idx.msk [tilespmem:v3+s3+$0x0], $0xffff  }
0x7e8: {  	[tilespmem:s11+$0x80] =	vst.add.f32.msk $0xffff, v7;
	v7 =	vand.u32 $0xFF, v62  }
0x7e9: {  	v5 =	vld.idx.msk [tilespmem:v5+s3+$0x0], $0xffff  }
0x7ea: {  	s13 =	simm.s32 $0x140;
	v4 =	vld.idx.msk [tilespmem:v4+s3+$0x0], $0xffff  }
0x7eb: {  	s16 =	sor.u32 $0x50, s13;
	v2 =	vshrl.u32 v58, $0x10;
	v6 =	vshrl.u32 v6, $0x18;
	[tilespmem:s8+$0xFFFFFF50] =	vst.add.f32.msk $0xffff, v1  }
0x7ec: {  	v2 =	vand.u32 $0xFF, v2;
	v1 =	vshrl.u32 v59, $0x10;
	[tilespmem:s16+$0x80] =	vst.add.f32.msk $0xffff, v3  }
0x7ed: {  	v63 =	vand.u32 $0xFF, v1;
	v7 =	vld.idx.msk [tilespmem:v7+s3+$0x0], $0xffff  }
0x7ee: {  	s17 =	sor.u32 $0x60, s9;
	[tilespmem:s8+$0xFFFFFFD0] =	vst.add.f32.msk $0xffff, v5  }
0x7ef: {  	[tilespmem:s17+$0x80] =	vst.add.f32.msk $0xffff, v4  }
0x7f0: {  	v4 =	vld.idx.msk [tilespmem:v6+s3+$0x0], $0xffff  }
0x7f1: {  	s12 =	sor.u32 $0x60, s13;
	v5 =	vld.idx.msk [tilespmem:v2+s3+$0x0], $0xffff  }
0x7f2: {  	s10 =	sor.u32 $0x70, s13;
	s13 =	simm.s32 $0x2C0;
	s11 =	simm.s32 $0x40;
	v3 =	vshrl.u32 v58, $0x18;
	v2 =	vshrl.u32 v8, $0x18;
	v1 =	vshrl.u32 v59, $0x18;
	v6 =	vld.idx.msk [tilespmem:v63+s3+$0x0], $0xffff  }
.LBB2_32:
0x7f3: {  	s16 =	sshra.s32 s13, $0x2;
	s15 =	sadd.s32 $0xFFFFFF80, s13;
	s11 =	sadd.s32 $0x40, s11;
	[tilespmem:s8+$0xFFFFFF60] =	vst.add.f32.msk $0xffff, v7  }
0x7f4: {  	s9 =	sor.u32 $0x70, s9;
	s14 =	sor.u32 $0x50, s15;
	v7 =	vld [tilespmem:s16+$0xD080];
	p0 =	slt.u32 s11, $0xFC0  }
0x7f5: {  	s17 =	sor.u32 $0x60, s15;
	s15 =	sor.u32 $0x70, s15;
	[tilespmem:s9+$0x80] =	vst.add.f32.msk $0xffff, v4;
	s9 =	smov.u32 s13  }
0x7f6: {  	v4 =	vld [tilespmem:s16+$0xD050]  }
0x7f7: {  	v8 =	vld [tilespmem:s16+$0xD060]  }
0x7f8: {  	v9 =	vld [tilespmem:s16+$0xD070]  }
0x7f9: {  	v10 =	vand.u32 $0xFF, v7;
	[tilespmem:s12+$0x80] =	vst.add.f32.msk $0xffff, v5;
	s12 =	smov.u32 s17  }
0x7fa: {  	[tilespmem:s8+$0xFFFFFFE0] =	vst.add.f32.msk $0xffff, v6  }
0x7fb: {  	v5 =	vand.u32 $0xFF, v4;
	v6 =	vshrl.u32 v4, $0x8;
	v11 =	vshrl.u32 v4, $0x10;
	v12 =	vld.idx.msk [tilespmem:v2+s3+$0x0], $0xffff  }
0x7fc: {  	v6 =	vand.u32 $0xFF, v6;
	v13 =	vand.u32 $0xFF, v8;
	v2 =	vshrl.u32 v8, $0x8;
	v14 =	vld.idx.msk [tilespmem:v3+s3+$0x0], $0xffff  }
0x7fd: {  	v15 =	vand.u32 $0xFF, v2;
	v16 =	vand.u32 $0xFF, v9;
	v2 =	vshrl.u32 v9, $0x8;
	v17 =	vld.idx.msk [tilespmem:v1+s3+$0x0], $0xffff  }
0x7fe: {  	v1 =	vshrl.u32 v8, $0x10;
	v3 =	vshrl.u32 v9, $0x10;
	v18 =	vand.u32 $0xFF, v2;
	v10 =	vld.idx.msk [tilespmem:v10+s3+$0x0], $0xffff  }
0x7ff: {  	v11 =	vand.u32 $0xFF, v11;
	v19 =	vand.u32 $0xFF, v1;
	v1 =	vshrl.u32 v7, $0x8;
	[tilespmem:s7+$0xFFFFFFF0] =	vst.add.f32.msk $0xffff, v0;
	s7 =	smov.u32 s8  }
0x800: {  	v2 =	vshrl.u32 v4, $0x18;
	v20 =	vand.u32 $0xFF, v3;
	v4 =	vand.u32 $0xFF, v1;
	v5 =	vld.idx.msk [tilespmem:v5+s3+$0x0], $0xffff  }
0x801: {  	v3 =	vshrl.u32 v8, $0x18;
	v1 =	vshrl.u32 v9, $0x18;
	v13 =	vld.idx.msk [tilespmem:v13+s3+$0x0], $0xffff  }
0x802: {  	v8 =	vld.idx.msk [tilespmem:v16+s3+$0x0], $0xffff  }
0x803: {  	s8 =	sadd.s32 $0x100, s8;
	v0 =	vmov v17;
	[tilespmem:s7+$0xFFFFFF70] =	vst.add.f32.msk $0xffff, v12  }
0x804: {  	[tilespmem:s8+$0x0] =	vst.add.f32.msk $0xffff, v10  }
0x805: {  	v4 =	vld.idx.msk [tilespmem:v4+s3+$0x0], $0xffff  }
0x806: {  	[tilespmem:s8+$0xFFFFFF40] =	vst.add.f32.msk $0xffff, v5;
	v5 =	vshrl.u32 v7, $0x10  }
0x807: {  	[tilespmem:s8+$0xFFFFFF80] =	vst.add.f32.msk $0xffff, v13;
	v5 =	vand.u32 $0xFF, v5  }
0x808: {  	[tilespmem:s8+$0xFFFFFFC0] =	vst.add.f32.msk $0xffff, v8  }
0x809: {  	v6 =	vld.idx.msk [tilespmem:v6+s3+$0x0], $0xffff  }
0x80a: {  	s16 =	sor.u32 $0x50, s13;
	v8 =	vld.idx.msk [tilespmem:v15+s3+$0x0], $0xffff  }
0x80b: {  	[tilespmem:s16+$0x80] =	vst.add.f32.msk $0xffff, v4  }
0x80c: {  	v4 =	vld.idx.msk [tilespmem:v5+s3+$0x0], $0xffff  }
0x80d: {  	v5 =	vld.idx.msk [tilespmem:v18+s3+$0x0], $0xffff  }
0x80e: {  	v9 =	vshrl.u32 v7, $0x18;
	[tilespmem:s10+$0x80] =	vst.add.f32.msk $0xffff, v14;
	s10 =	smov.u32 s15  }
0x80f: {  	[tilespmem:s8+$0xFFFFFF50] =	vst.add.f32.msk $0xffff, v6  }
0x810: {  	[tilespmem:s14+$0x80] =	vst.add.f32.msk $0xffff, v8  }
0x811: {  	s14 =	sor.u32 $0x60, s13;
	v7 =	vld.idx.msk [tilespmem:v11+s3+$0x0], $0xffff  }
.Ltmp15:
0x812: {  	[tilespmem:s14+$0x80] =	vst.add.f32.msk $0xffff, v4;
	(pc) =	sbr.rel @p0 .LBB2_32-.Ltmp15, $4  }
0x813: {  	v4 =	vld.idx.msk [tilespmem:v9+s3+$0x0], $0xffff  }
0x814: {  	[tilespmem:s8+$0xFFFFFFD0] =	vst.add.f32.msk $0xffff, v5  }
0x815: {  	v5 =	vld.idx.msk [tilespmem:v19+s3+$0x0], $0xffff  }
0x816: {  	s13 =	sadd.s32 $0x100, s13;
	v6 =	vld.idx.msk [tilespmem:v20+s3+$0x0], $0xffff  }
0x817: {  	_ =	sdelay $0x2  }
0x818: {  	[tilespmem:s8+$0xFFFFFF60] =	vst.add.f32.msk $0xffff, v7  }
0x819: {  	v2 =	vld.idx.msk [tilespmem:v2+s3+$0x0], $0xffff  }
0x81a: {  	[tilespmem:s12+$0x80] =	vst.add.f32.msk $0xffff, v5  }
0x81b: {  	[tilespmem:s8+$0xFFFFFFE0] =	vst.add.f32.msk $0xffff, v6  }
0x81c: {  	v3 =	vld.idx.msk [tilespmem:v3+s3+$0x0], $0xffff  }
0x81d: {  	v1 =	vld.idx.msk [tilespmem:v1+s3+$0x0], $0xffff  }
0x81e: {  	s9 =	sor.u32 $0x70, s9;
	[tilespmem:s7+$0xFFFFFFF0] =	vst.add.f32.msk $0xffff, v0  }
0x81f: {  	[tilespmem:s9+$0x80] =	vst.add.f32.msk $0xffff, v4  }
0x820: {  	[tilespmem:s8+$0xFFFFFF70] =	vst.add.f32.msk $0xffff, v2  }
0x821: {  	[tilespmem:s10+$0x80] =	vst.add.f32.msk $0xffff, v3  }
0x822: {  	[tilespmem:s8+$0xFFFFFFF0] =	vst.add.f32.msk $0xffff, v1  }
0x823: {  	[hbm4b:s19+s3] =	stream.linear.scatter [tilespmem:s23], [sflag:$0x6], $0x4000, $0x38;
	[tilespmem:$0xE080] =	vst v63  }
0x824: {  	_ =	swait.ge [sflag:s25], $0x4000  }
0x825: {  	[sflag:s25] =	ssyncset.done $0x0  }
0x826: {  	s6 =	sadd.s32 $0x1, s6;
	[sflag:s25] =	ssyncadd.s32 $0xFFFFC000  }
0x827: {  	p0 =	sne.s32 s6, s22;
	_ =	swait.ge [sflag:s4], $0x4000  }
.Ltmp16:
0x828: {  	[sflag:s4] =	ssyncset.done $0x0;
	(pc) =	sbr.rel @p0 .LBB2_1-.Ltmp16, $4  }
0x829: {  	[sflag:s4] =	ssyncadd.s32 $0xFFFFC000  }
0x82a: {  	_ =	swait.ge [sflag:s5], $0x4000  }
0x82b: {  	[sflag:s5] =	ssyncset.done $0x0  }
0x82c: {  	[sflag:s5] =	ssyncadd.s32 $0xFFFFC000  }
0x82d: {  	_ =	sfence.sel $0x180000  }
0x82e: {  	[bflag:$0x0] =	sbarrier.arrive $0xFFFF  }
0x82f: {  	_ =	strace $0x90000047  }
0x830: {  	s0 =	stileid.u32;
	[bflag:$0x2] =	sbarrier.arrive $0xFFFF  }
0x831: {  	p0 =	sne.s32 s0, $0x0;
	s0 =	rddreg [dreg:$0x4]  }
0x832: {  	s0 =	sadd.s32 @!p0 $0x100000, s0  }
0x833: {  	[sflag:s0] =	ssyncadd.tile.s32 @!p0 $0x1;
	_ =	shalt  }
.Lfunc_end2:
_tile_overlayer_lowered:
.L_overlay_start_2:
0x834: {  	(tag) =	ssettag $0x2  }
0x835: {  	s0 =	rddreg [dreg:$0x0];
	s2 =	stileid.u32  }
0x836: {  	s1 =	rddreg [dreg:$0x1];
	p0 =	sne.s32 s2, $0x0  }
0x837: {  	s3 =	rddreg [dreg:$0x2];
	[bflag:$0x3] =	sbarrier.arrive $0xFFFF;
	s2 =	simm.s32 @!p0 $0x1C09  }
0x838: {  	[timem:s3], [sflag:s2] =	dma.local @!p0 [hbm:s0], s1  }
0x839: {  	s0 =	simm.s32 @!p0 $0x9  }
0x83a: {  	_ =	swait.ge @!p0 [sflag:s0], s1  }
0x83b: {  	s1 =	ssub.s32 @!p0 $0x0, s1;
	[sflag:s0] =	ssyncset.done @!p0 $0x0  }
0x83c: {  	[sflag:s0] =	ssyncadd.s32 @!p0 s1  }
0x83d: {  	[bflag:$0x3] =	sbarrier.arrive $0xFFFF  }
0x83e: {  	_ =	shalt  }

</sc_bundles>
